<compile_context>
chip_gen: v7x
topology: tpu7x:2x2x1
jax: 0.10.2.dev20260603
libtpu: 0.0.44.dev20260713+nightly
codegen_flags: <defaults>
</compile_context>

<pallas_src>
import jax
import jax.numpy as jnp
from jax import lax
from jax.experimental import pallas as pl
from jax.experimental.pallas import tpu as pltpu
from jax.experimental.pallas import tpu_sc as plsc

_DEPTH = 1000
_RC = 40
_NCH = _DEPTH // _RC


def _onehot_sc_body(x_hbm, out_hbm, idx_v, buf0, buf1, sem0, sem1):
    nc = lax.axis_size("c")
    wid = lax.axis_index("s") * nc + lax.axis_index("c")
    cols_per_w = idx_v.shape[0]
    col0 = wid * cols_per_w

    pltpu.sync_copy(x_hbm.at[pl.ds(col0, cols_per_w)], idx_v)

    iota16 = lax.broadcasted_iota(jnp.int32, (16,), 0)
    ones_v = jnp.ones((16,), jnp.float32)
    zeros_v = jnp.zeros((16,), jnp.float32)

    def _zero_row(r, _):
        for buf in (buf0, buf1):
            for j in range(cols_per_w // 16):
                buf[r, pl.ds(j * 16, 16)] = zeros_v
        return 0
    lax.fori_loop(0, _RC, _zero_row, 0)

    bufs = (buf0, buf1)
    sems = (sem0, sem1)

    def _scatter(buf, c, vals):
        row0 = c * _RC
        for k in range(cols_per_w // 16):
            x = idx_v[pl.ds(k * 16, 16)]
            rloc = x - row0
            mask = (rloc >= 0) & (rloc < _RC)
            rsafe = jnp.clip(rloc, 0, _RC - 1)
            plsc.store_scatter(buf, [rsafe, k * 16 + iota16], vals, mask=mask)

    def _dma(b, c):
        dst = out_hbm.at[pl.ds(c * _RC, _RC), pl.ds(col0, cols_per_w)]
        return pltpu.async_copy(bufs[b], dst, sems[b])

    def _wait(b, c):
        dst = out_hbm.at[pl.ds(c * _RC, _RC), pl.ds(col0, cols_per_w)]
        pltpu.make_async_copy(bufs[b], dst, sems[b]).wait()

    _scatter(buf0, 0, ones_v)
    _dma(0, 0)
    _scatter(buf1, 1, ones_v)
    _dma(1, 1)

    def _pair(t, _):
        for b in (0, 1):
            c = 2 * t + 2 + b
            _wait(b, c - 2)
            _scatter(bufs[b], c - 2, zeros_v)

            @pl.when(c < _NCH)
            def _():
                _scatter(bufs[b], c, ones_v)
                _dma(b, c)
        return 0
    lax.fori_loop(0, (_NCH - 1) // 2, _pair, 0)

    _wait(0, _NCH - 1)


def kernel(X_in, ones):
    del ones
    batch = X_in.shape[0]
    info = plsc.get_sparse_core_info()
    nw = info.num_cores * info.num_subcores
    cols_per_w = batch // nw
    mesh = plsc.VectorSubcoreMesh(core_axis_name="c", subcore_axis_name="s")
    sc_call = pl.kernel(
        _onehot_sc_body,
        out_type=jax.ShapeDtypeStruct((_DEPTH, batch), jnp.float32),
        mesh=mesh,
        scratch_types=[
            pltpu.VMEM((cols_per_w,), jnp.int32),
            pltpu.VMEM((_RC, cols_per_w), jnp.float32),
            pltpu.VMEM((_RC, cols_per_w), jnp.float32),
            pltpu.SemaphoreType.DMA,
            pltpu.SemaphoreType.DMA,
        ],
        compiler_params=pltpu.CompilerParams(
            needs_layout_passes=False, use_tc_tiling_on_sc=True),
    )
    outT = sc_call(X_in.astype(jnp.int32))
    return outT.T

# --- scband reference (transcript-rebuilt; emitter-appended) ---
"""Pipeline reference for scband-one-hot-4355096838513 (READ-ONLY COPY).

The authoritative reference and input builder live on the scoring server;
editing this copy changes nothing except your own understanding.
"""

import jax, jax.numpy as jnp
import numpy as np

DEPTH = 1000
BATCH = 16384

def setup_inputs(seed: int = 0) -> dict:
    key = jax.random.key(seed)
    k1, _ = jax.random.split(key)
    X_in = jax.random.randint(k1, (BATCH,), 0, DEPTH, dtype=jnp.int64)
    ones = jnp.eye(DEPTH, dtype=jnp.float32)
    return {"X_in": X_in, "ones": ones}

def reference(X_in, ones):
    # Faithful translation of One_Hot.forward: eye(depth).index_select(0, X_in)
    X_in = X_in.astype(jnp.int64)
    return jnp.take(ones, X_in, axis=0)

if __name__ == "__main__":
    import jax
    _d = setup_inputs()
    print(jax.jit(kernel)(*tuple(_d.values())))

</pallas_src>

<mosaic_0001>
#map = affine_map<(d0, d1) -> (0)>
#map1 = affine_map<(d0, d1) -> (0, 0)>
module attributes {stable_mosaic.version = 14 : i64} {
  func.func @_onehot_sc_body(%arg0: i32, %arg1: i32, %arg2: memref<16384xi32, #tpu.memory_space<hbm>>, %arg3: memref<1000x16384xf32, #tpu.memory_space<hbm>>, %arg4: memref<512xi32, #tpu.memory_space<vmem>>, %arg5: memref<40x512xf32, #tpu.memory_space<vmem>>, %arg6: memref<40x512xf32, #tpu.memory_space<vmem>>, %arg7: memref<!tpu.dma_semaphore, #tpu.memory_space<semaphore_mem>>, %arg8: memref<!tpu.dma_semaphore, #tpu.memory_space<semaphore_mem>>) attributes {dimension_semantics = [#tpu.dimension_semantics<core_parallel>, #tpu.dimension_semantics<subcore_parallel>], iteration_bounds = array<i64: 2, 16>, scalar_prefetch = 0 : i64, scratch_operands = 5 : i64, tpu.core_type = #tpu.core_type<sc_vector_subcore>, window_params = [{transform_indices = #map}, {transform_indices = #map1}]} {
    %mul3A = arith.constant 2 : i32
    %mul3A_0 = arith.muli %arg1, %mul3A : i32
    %add3A = arith.addi %mul3A_0, %arg0 : i32
    %mul3A_1 = arith.constant 512 : i32
    %mul3A_2 = arith.muli %add3A, %mul3A_1 : i32
    "tpu.region"() ({
      %run_scoped3A = tpu.sem_alloc : memref<!tpu.dma_semaphore, #tpu.memory_space<semaphore_mem>>
      %dma_start3A_1365 = tpu.memref_slice %arg2[%mul3A_2] : memref<16384xi32, #tpu.memory_space<hbm>> -> memref<512xi32, #tpu.memory_space<hbm>>
      %dma_start3A_1366 = tpu.memref_slice %arg2[%mul3A_2] : memref<16384xi32, #tpu.memory_space<hbm>> -> memref<512xi32, #tpu.memory_space<hbm>>
      tpu.enqueue_dma source(%dma_start3A_1366 : memref<512xi32, #tpu.memory_space<hbm>>) target(%arg4 : memref<512xi32, #tpu.memory_space<vmem>>) target_semaphore(%run_scoped3A : memref<!tpu.dma_semaphore, #tpu.memory_space<semaphore_mem>>)
      %dma_wait3A_1367 = tpu.memref_slice %arg2[%mul3A_2] : memref<16384xi32, #tpu.memory_space<hbm>> -> memref<512xi32, #tpu.memory_space<hbm>>
      %dma_wait3A_1368 = tpu.memref_slice %arg2[%mul3A_2] : memref<16384xi32, #tpu.memory_space<hbm>> -> memref<512xi32, #tpu.memory_space<hbm>>
      tpu.wait_dma2 semaphore(%run_scoped3A : memref<!tpu.dma_semaphore, #tpu.memory_space<semaphore_mem>>) src(%dma_wait3A_1368 : memref<512xi32, #tpu.memory_space<hbm>>) dst(%arg4 : memref<512xi32, #tpu.memory_space<vmem>>)
      tpu.yield
    }) : () -> ()
    %iota3A = tpu.iota {dimensions = array<i32: 0>} : vector<16xi32>
    %broadcast_in_dim3A = arith.constant 1.000000e+00 : f32
    %broadcast_in_dim3A_3 = vector.broadcast %broadcast_in_dim3A : f32 to vector<16xf32>
    %broadcast_in_dim3A_4 = arith.constant 0.000000e+00 : f32
    %broadcast_in_dim3A_5 = vector.broadcast %broadcast_in_dim3A_4 : f32 to vector<16xf32>
    %scan3A = arith.constant 0 : i32
    %scan3A_6 = arith.constant 0 : i32
    %scan3A_7 = arith.constant 40 : i32
    %scan3A_8 = arith.addi %scan3A_6, %scan3A_7 : i32
    %scan3A_9 = arith.constant 1 : i32
    %scan3A_10 = scf.for %scan3A_1365 = %scan3A_6 to %scan3A_8 step %scan3A_9 iter_args(%scan3A_1366 = %scan3A) -> (i32)  : i32 {
      %swap3A = arith.index_cast %scan3A_1365 : i32 to index
      %swap3A_1367 = arith.constant 0 : index
      %swap3A_1368 = tpu.vector_load %arg5[%swap3A, %swap3A_1367] {strides = array<i32>} : memref<40x512xf32, #tpu.memory_space<vmem>>, vector<16xf32>,
      tpu.vector_store %arg5[%swap3A, %swap3A_1367], %broadcast_in_dim3A_5 {strides = array<i32>} : memref<40x512xf32, #tpu.memory_space<vmem>>, vector<16xf32>,
      %swap3A_1369 = arith.index_cast %scan3A_1365 : i32 to index
      %swap3A_1370 = arith.constant 16 : index
      %swap3A_1371 = tpu.vector_load %arg5[%swap3A_1369, %swap3A_1370] {strides = array<i32>} : memref<40x512xf32, #tpu.memory_space<vmem>>, vector<16xf32>,
      tpu.vector_store %arg5[%swap3A_1369, %swap3A_1370], %broadcast_in_dim3A_5 {strides = array<i32>} : memref<40x512xf32, #tpu.memory_space<vmem>>, vector<16xf32>,
      %swap3A_1372 = arith.index_cast %scan3A_1365 : i32 to index
      %swap3A_1373 = arith.constant 32 : index
      %swap3A_1374 = tpu.vector_load %arg5[%swap3A_1372, %swap3A_1373] {strides = array<i32>} : memref<40x512xf32, #tpu.memory_space<vmem>>, vector<16xf32>,
      tpu.vector_store %arg5[%swap3A_1372, %swap3A_1373], %broadcast_in_dim3A_5 {strides = array<i32>} : memref<40x512xf32, #tpu.memory_space<vmem>>, vector<16xf32>,
      %swap3A_1375 = arith.index_cast %scan3A_1365 : i32 to index
      %swap3A_1376 = arith.constant 48 : index
      %swap3A_1377 = tpu.vector_load %arg5[%swap3A_1375, %swap3A_1376] {strides = array<i32>} : memref<40x512xf32, #tpu.memory_space<vmem>>, vector<16xf32>,
      tpu.vector_store %arg5[%swap3A_1375, %swap3A_1376], %broadcast_in_dim3A_5 {strides = array<i32>} : memref<40x512xf32, #tpu.memory_space<vmem>>, vector<16xf32>,
      %swap3A_1378 = arith.index_cast %scan3A_1365 : i32 to index
      %swap3A_1379 = arith.constant 64 : index
      %swap3A_1380 = tpu.vector_load %arg5[%swap3A_1378, %swap3A_1379] {strides = array<i32>} : memref<40x512xf32, #tpu.memory_space<vmem>>, vector<16xf32>,
      tpu.vector_store %arg5[%swap3A_1378, %swap3A_1379], %broadcast_in_dim3A_5 {strides = array<i32>} : memref<40x512xf32, #tpu.memory_space<vmem>>, vector<16xf32>,
      %swap3A_1381 = arith.index_cast %scan3A_1365 : i32 to index
      %swap3A_1382 = arith.constant 80 : index
      %swap3A_1383 = tpu.vector_load %arg5[%swap3A_1381, %swap3A_1382] {strides = array<i32>} : memref<40x512xf32, #tpu.memory_space<vmem>>, vector<16xf32>,
      tpu.vector_store %arg5[%swap3A_1381, %swap3A_1382], %broadcast_in_dim3A_5 {strides = array<i32>} : memref<40x512xf32, #tpu.memory_space<vmem>>, vector<16xf32>,
      %swap3A_1384 = arith.index_cast %scan3A_1365 : i32 to index
      %swap3A_1385 = arith.constant 96 : index
      %swap3A_1386 = tpu.vector_load %arg5[%swap3A_1384, %swap3A_1385] {strides = array<i32>} : memref<40x512xf32, #tpu.memory_space<vmem>>, vector<16xf32>,
      tpu.vector_store %arg5[%swap3A_1384, %swap3A_1385], %broadcast_in_dim3A_5 {strides = array<i32>} : memref<40x512xf32, #tpu.memory_space<vmem>>, vector<16xf32>,
      %swap3A_1387 = arith.index_cast %scan3A_1365 : i32 to index
      %swap3A_1388 = arith.constant 112 : index
      %swap3A_1389 = tpu.vector_load %arg5[%swap3A_1387, %swap3A_1388] {strides = array<i32>} : memref<40x512xf32, #tpu.memory_space<vmem>>, vector<16xf32>,
      tpu.vector_store %arg5[%swap3A_1387, %swap3A_1388], %broadcast_in_dim3A_5 {strides = array<i32>} : memref<40x512xf32, #tpu.memory_space<vmem>>, vector<16xf32>,
      %swap3A_1390 = arith.index_cast %scan3A_1365 : i32 to index
      %swap3A_1391 = arith.constant 128 : index
      %swap3A_1392 = tpu.vector_load %arg5[%swap3A_1390, %swap3A_1391] {strides = array<i32>} : memref<40x512xf32, #tpu.memory_space<vmem>>, vector<16xf32>,
      tpu.vector_store %arg5[%swap3A_1390, %swap3A_1391], %broadcast_in_dim3A_5 {strides = array<i32>} : memref<40x512xf32, #tpu.memory_space<vmem>>, vector<16xf32>,
      %swap3A_1393 = arith.index_cast %scan3A_1365 : i32 to index
      %swap3A_1394 = arith.constant 144 : index
      %swap3A_1395 = tpu.vector_load %arg5[%swap3A_1393, %swap3A_1394] {strides = array<i32>} : memref<40x512xf32, #tpu.memory_space<vmem>>, vector<16xf32>,
      tpu.vector_store %arg5[%swap3A_1393, %swap3A_1394], %broadcast_in_dim3A_5 {strides = array<i32>} : memref<40x512xf32, #tpu.memory_space<vmem>>, vector<16xf32>,
      %swap3A_1396 = arith.index_cast %scan3A_1365 : i32 to index
      %swap3A_1397 = arith.constant 160 : index
      %swap3A_1398 = tpu.vector_load %arg5[%swap3A_1396, %swap3A_1397] {strides = array<i32>} : memref<40x512xf32, #tpu.memory_space<vmem>>, vector<16xf32>,
      tpu.vector_store %arg5[%swap3A_1396, %swap3A_1397], %broadcast_in_dim3A_5 {strides = array<i32>} : memref<40x512xf32, #tpu.memory_space<vmem>>, vector<16xf32>,
      %swap3A_1399 = arith.index_cast %scan3A_1365 : i32 to index
      %swap3A_1400 = arith.constant 176 : index
      %swap3A_1401 = tpu.vector_load %arg5[%swap3A_1399, %swap3A_1400] {strides = array<i32>} : memref<40x512xf32, #tpu.memory_space<vmem>>, vector<16xf32>,
      tpu.vector_store %arg5[%swap3A_1399, %swap3A_1400], %broadcast_in_dim3A_5 {strides = array<i32>} : memref<40x512xf32, #tpu.memory_space<vmem>>, vector<16xf32>,
      %swap3A_1402 = arith.index_cast %scan3A_1365 : i32 to index
      %swap3A_1403 = arith.constant 192 : index
      %swap3A_1404 = tpu.vector_load %arg5[%swap3A_1402, %swap3A_1403] {strides = array<i32>} : memref<40x512xf32, #tpu.memory_space<vmem>>, vector<16xf32>,
      tpu.vector_store %arg5[%swap3A_1402, %swap3A_1403], %broadcast_in_dim3A_5 {strides = array<i32>} : memref<40x512xf32, #tpu.memory_space<vmem>>, vector<16xf32>,
      %swap3A_1405 = arith.index_cast %scan3A_1365 : i32 to index
      %swap3A_1406 = arith.constant 208 : index
      %swap3A_1407 = tpu.vector_load %arg5[%swap3A_1405, %swap3A_1406] {strides = array<i32>} : memref<40x512xf32, #tpu.memory_space<vmem>>, vector<16xf32>,
      tpu.vector_store %arg5[%swap3A_1405, %swap3A_1406], %broadcast_in_dim3A_5 {strides = array<i32>} : memref<40x512xf32, #tpu.memory_space<vmem>>, vector<16xf32>,
      %swap3A_1408 = arith.index_cast %scan3A_1365 : i32 to index
      %swap3A_1409 = arith.constant 224 : index
      %swap3A_1410 = tpu.vector_load %arg5[%swap3A_1408, %swap3A_1409] {strides = array<i32>} : memref<40x512xf32, #tpu.memory_space<vmem>>, vector<16xf32>,
      tpu.vector_store %arg5[%swap3A_1408, %swap3A_1409], %broadcast_in_dim3A_5 {strides = array<i32>} : memref<40x512xf32, #tpu.memory_space<vmem>>, vector<16xf32>,
      %swap3A_1411 = arith.index_cast %scan3A_1365 : i32 to index
      %swap3A_1412 = arith.constant 240 : index
      %swap3A_1413 = tpu.vector_load %arg5[%swap3A_1411, %swap3A_1412] {strides = array<i32>} : memref<40x512xf32, #tpu.memory_space<vmem>>, vector<16xf32>,
      tpu.vector_store %arg5[%swap3A_1411, %swap3A_1412], %broadcast_in_dim3A_5 {strides = array<i32>} : memref<40x512xf32, #tpu.memory_space<vmem>>, vector<16xf32>,
      %swap3A_1414 = arith.index_cast %scan3A_1365 : i32 to index
      %swap3A_1415 = arith.constant 256 : index
      %swap3A_1416 = tpu.vector_load %arg5[%swap3A_1414, %swap3A_1415] {strides = array<i32>} : memref<40x512xf32, #tpu.memory_space<vmem>>, vector<16xf32>,
      tpu.vector_store %arg5[%swap3A_1414, %swap3A_1415], %broadcast_in_dim3A_5 {strides = array<i32>} : memref<40x512xf32, #tpu.memory_space<vmem>>, vector<16xf32>,
      %swap3A_1417 = arith.index_cast %scan3A_1365 : i32 to index
      %swap3A_1418 = arith.constant 272 : index
      %swap3A_1419 = tpu.vector_load %arg5[%swap3A_1417, %swap3A_1418] {strides = array<i32>} : memref<40x512xf32, #tpu.memory_space<vmem>>, vector<16xf32>,
      tpu.vector_store %arg5[%swap3A_1417, %swap3A_1418], %broadcast_in_dim3A_5 {strides = array<i32>} : memref<40x512xf32, #tpu.memory_space<vmem>>, vector<16xf32>,
      %swap3A_1420 = arith.index_cast %scan3A_1365 : i32 to index
      %swap3A_1421 = arith.constant 288 : index
      %swap3A_1422 = tpu.vector_load %arg5[%swap3A_1420, %swap3A_1421] {strides = array<i32>} : memref<40x512xf32, #tpu.memory_space<vmem>>, vector<16xf32>,
      tpu.vector_store %arg5[%swap3A_1420, %swap3A_1421], %broadcast_in_dim3A_5 {strides = array<i32>} : memref<40x512xf32, #tpu.memory_space<vmem>>, vector<16xf32>,
      %swap3A_1423 = arith.index_cast %scan3A_1365 : i32 to index
      %swap3A_1424 = arith.constant 304 : index
      %swap3A_1425 = tpu.vector_load %arg5[%swap3A_1423, %swap3A_1424] {strides = array<i32>} : memref<40x512xf32, #tpu.memory_space<vmem>>, vector<16xf32>,
      tpu.vector_store %arg5[%swap3A_1423, %swap3A_1424], %broadcast_in_dim3A_5 {strides = array<i32>} : memref<40x512xf32, #tpu.memory_space<vmem>>, vector<16xf32>,
      %swap3A_1426 = arith.index_cast %scan3A_1365 : i32 to index
      %swap3A_1427 = arith.constant 320 : index
      %swap3A_1428 = tpu.vector_load %arg5[%swap3A_1426, %swap3A_1427] {strides = array<i32>} : memref<40x512xf32, #tpu.memory_space<vmem>>, vector<16xf32>,
      tpu.vector_store %arg5[%swap3A_1426, %swap3A_1427], %broadcast_in_dim3A_5 {strides = array<i32>} : memref<40x512xf32, #tpu.memory_space<vmem>>, vector<16xf32>,
      %swap3A_1429 = arith.index_cast %scan3A_1365 : i32 to index
      %swap3A_1430 = arith.constant 336 : index
      %swap3A_1431 = tpu.vector_load %arg5[%swap3A_1429, %swap3A_1430] {strides = array<i32>} : memref<40x512xf32, #tpu.memory_space<vmem>>, vector<16xf32>,
      tpu.vector_store %arg5[%swap3A_1429, %swap3A_1430], %broadcast_in_dim3A_5 {strides = array<i32>} : memref<40x512xf32, #tpu.memory_space<vmem>>, vector<16xf32>,
      %swap3A_1432 = arith.index_cast %scan3A_1365 : i32 to index
      %swap3A_1433 = arith.constant 352 : index
      %swap3A_1434 = tpu.vector_load %arg5[%swap3A_1432, %swap3A_1433] {strides = array<i32>} : memref<40x512xf32, #tpu.memory_space<vmem>>, vector<16xf32>,
      tpu.vector_store %arg5[%swap3A_1432, %swap3A_1433], %broadcast_in_dim3A_5 {strides = array<i32>} : memref<40x512xf32, #tpu.memory_space<vmem>>, vector<16xf32>,
      %swap3A_1435 = arith.index_cast %scan3A_1365 : i32 to index
      %swap3A_1436 = arith.constant 368 : index
      %swap3A_1437 = tpu.vector_load %arg5[%swap3A_1435, %swap3A_1436] {strides = array<i32>} : memref<40x512xf32, #tpu.memory_space<vmem>>, vector<16xf32>,
      tpu.vector_store %arg5[%swap3A_1435, %swap3A_1436], %broadcast_in_dim3A_5 {strides = array<i32>} : memref<40x512xf32, #tpu.memory_space<vmem>>, vector<16xf32>,
      %swap3A_1438 = arith.index_cast %scan3A_1365 : i32 to index
      %swap3A_1439 = arith.constant 384 : index
      %swap3A_1440 = tpu.vector_load %arg5[%swap3A_1438, %swap3A_1439] {strides = array<i32>} : memref<40x512xf32, #tpu.memory_space<vmem>>, vector<16xf32>,
      tpu.vector_store %arg5[%swap3A_1438, %swap3A_1439], %broadcast_in_dim3A_5 {strides = array<i32>} : memref<40x512xf32, #tpu.memory_space<vmem>>, vector<16xf32>,
      %swap3A_1441 = arith.index_cast %scan3A_1365 : i32 to index
      %swap3A_1442 = arith.constant 400 : index
      %swap3A_1443 = tpu.vector_load %arg5[%swap3A_1441, %swap3A_1442] {strides = array<i32>} : memref<40x512xf32, #tpu.memory_space<vmem>>, vector<16xf32>,
      tpu.vector_store %arg5[%swap3A_1441, %swap3A_1442], %broadcast_in_dim3A_5 {strides = array<i32>} : memref<40x512xf32, #tpu.memory_space<vmem>>, vector<16xf32>,
      %swap3A_1444 = arith.index_cast %scan3A_1365 : i32 to index
      %swap3A_1445 = arith.constant 416 : index
      %swap3A_1446 = tpu.vector_load %arg5[%swap3A_1444, %swap3A_1445] {strides = array<i32>} : memref<40x512xf32, #tpu.memory_space<vmem>>, vector<16xf32>,
      tpu.vector_store %arg5[%swap3A_1444, %swap3A_1445], %broadcast_in_dim3A_5 {strides = array<i32>} : memref<40x512xf32, #tpu.memory_space<vmem>>, vector<16xf32>,
      %swap3A_1447 = arith.index_cast %scan3A_1365 : i32 to index
      %swap3A_1448 = arith.constant 432 : index
      %swap3A_1449 = tpu.vector_load %arg5[%swap3A_1447, %swap3A_1448] {strides = array<i32>} : memref<40x512xf32, #tpu.memory_space<vmem>>, vector<16xf32>,
      tpu.vector_store %arg5[%swap3A_1447, %swap3A_1448], %broadcast_in_dim3A_5 {strides = array<i32>} : memref<40x512xf32, #tpu.memory_space<vmem>>, vector<16xf32>,
      %swap3A_1450 = arith.index_cast %scan3A_1365 : i32 to index
      %swap3A_1451 = arith.constant 448 : index
      %swap3A_1452 = tpu.vector_load %arg5[%swap3A_1450, %swap3A_1451] {strides = array<i32>} : memref<40x512xf32, #tpu.memory_space<vmem>>, vector<16xf32>,
      tpu.vector_store %arg5[%swap3A_1450, %swap3A_1451], %broadcast_in_dim3A_5 {strides = array<i32>} : memref<40x512xf32, #tpu.memory_space<vmem>>, vector<16xf32>,
      %swap3A_1453 = arith.index_cast %scan3A_1365 : i32 to index
      %swap3A_1454 = arith.constant 464 : index
      %swap3A_1455 = tpu.vector_load %arg5[%swap3A_1453, %swap3A_1454] {strides = array<i32>} : memref<40x512xf32, #tpu.memory_space<vmem>>, vector<16xf32>,
      tpu.vector_store %arg5[%swap3A_1453, %swap3A_1454], %broadcast_in_dim3A_5 {strides = array<i32>} : memref<40x512xf32, #tpu.memory_space<vmem>>, vector<16xf32>,
      %swap3A_1456 = arith.index_cast %scan3A_1365 : i32 to index
      %swap3A_1457 = arith.constant 480 : index
      %swap3A_1458 = tpu.vector_load %arg5[%swap3A_1456, %swap3A_1457] {strides = array<i32>} : memref<40x512xf32, #tpu.memory_space<vmem>>, vector<16xf32>,
      tpu.vector_store %arg5[%swap3A_1456, %swap3A_1457], %broadcast_in_dim3A_5 {strides = array<i32>} : memref<40x512xf32, #tpu.memory_space<vmem>>, vector<16xf32>,
      %swap3A_1459 = arith.index_cast %scan3A_1365 : i32 to index
      %swap3A_1460 = arith.constant 496 : index
      %swap3A_1461 = tpu.vector_load %arg5[%swap3A_1459, %swap3A_1460] {strides = array<i32>} : memref<40x512xf32, #tpu.memory_space<vmem>>, vector<16xf32>,
      tpu.vector_store %arg5[%swap3A_1459, %swap3A_1460], %broadcast_in_dim3A_5 {strides = array<i32>} : memref<40x512xf32, #tpu.memory_space<vmem>>, vector<16xf32>,
      %swap3A_1462 = arith.index_cast %scan3A_1365 : i32 to index
      %swap3A_1463 = arith.constant 0 : index
      %swap3A_1464 = tpu.vector_load %arg6[%swap3A_1462, %swap3A_1463] {strides = array<i32>} : memref<40x512xf32, #tpu.memory_space<vmem>>, vector<16xf32>,
      tpu.vector_store %arg6[%swap3A_1462, %swap3A_1463], %broadcast_in_dim3A_5 {strides = array<i32>} : memref<40x512xf32, #tpu.memory_space<vmem>>, vector<16xf32>,
      %swap3A_1465 = arith.index_cast %scan3A_1365 : i32 to index
      %swap3A_1466 = arith.constant 16 : index
      %swap3A_1467 = tpu.vector_load %arg6[%swap3A_1465, %swap3A_1466] {strides = array<i32>} : memref<40x512xf32, #tpu.memory_space<vmem>>, vector<16xf32>,
      tpu.vector_store %arg6[%swap3A_1465, %swap3A_1466], %broadcast_in_dim3A_5 {strides = array<i32>} : memref<40x512xf32, #tpu.memory_space<vmem>>, vector<16xf32>,
      %swap3A_1468 = arith.index_cast %scan3A_1365 : i32 to index
      %swap3A_1469 = arith.constant 32 : index
      %swap3A_1470 = tpu.vector_load %arg6[%swap3A_1468, %swap3A_1469] {strides = array<i32>} : memref<40x512xf32, #tpu.memory_space<vmem>>, vector<16xf32>,
      tpu.vector_store %arg6[%swap3A_1468, %swap3A_1469], %broadcast_in_dim3A_5 {strides = array<i32>} : memref<40x512xf32, #tpu.memory_space<vmem>>, vector<16xf32>,
      %swap3A_1471 = arith.index_cast %scan3A_1365 : i32 to index
      %swap3A_1472 = arith.constant 48 : index
      %swap3A_1473 = tpu.vector_load %arg6[%swap3A_1471, %swap3A_1472] {strides = array<i32>} : memref<40x512xf32, #tpu.memory_space<vmem>>, vector<16xf32>,
      tpu.vector_store %arg6[%swap3A_1471, %swap3A_1472], %broadcast_in_dim3A_5 {strides = array<i32>} : memref<40x512xf32, #tpu.memory_space<vmem>>, vector<16xf32>,
      %swap3A_1474 = arith.index_cast %scan3A_1365 : i32 to index
      %swap3A_1475 = arith.constant 64 : index
      %swap3A_1476 = tpu.vector_load %arg6[%swap3A_1474, %swap3A_1475] {strides = array<i32>} : memref<40x512xf32, #tpu.memory_space<vmem>>, vector<16xf32>,
      tpu.vector_store %arg6[%swap3A_1474, %swap3A_1475], %broadcast_in_dim3A_5 {strides = array<i32>} : memref<40x512xf32, #tpu.memory_space<vmem>>, vector<16xf32>,
      %swap3A_1477 = arith.index_cast %scan3A_1365 : i32 to index
      %swap3A_1478 = arith.constant 80 : index
      %swap3A_1479 = tpu.vector_load %arg6[%swap3A_1477, %swap3A_1478] {strides = array<i32>} : memref<40x512xf32, #tpu.memory_space<vmem>>, vector<16xf32>,
      tpu.vector_store %arg6[%swap3A_1477, %swap3A_1478], %broadcast_in_dim3A_5 {strides = array<i32>} : memref<40x512xf32, #tpu.memory_space<vmem>>, vector<16xf32>,
      %swap3A_1480 = arith.index_cast %scan3A_1365 : i32 to index
      %swap3A_1481 = arith.constant 96 : index
      %swap3A_1482 = tpu.vector_load %arg6[%swap3A_1480, %swap3A_1481] {strides = array<i32>} : memref<40x512xf32, #tpu.memory_space<vmem>>, vector<16xf32>,
      tpu.vector_store %arg6[%swap3A_1480, %swap3A_1481], %broadcast_in_dim3A_5 {strides = array<i32>} : memref<40x512xf32, #tpu.memory_space<vmem>>, vector<16xf32>,
      %swap3A_1483 = arith.index_cast %scan3A_1365 : i32 to index
      %swap3A_1484 = arith.constant 112 : index
      %swap3A_1485 = tpu.vector_load %arg6[%swap3A_1483, %swap3A_1484] {strides = array<i32>} : memref<40x512xf32, #tpu.memory_space<vmem>>, vector<16xf32>,
      tpu.vector_store %arg6[%swap3A_1483, %swap3A_1484], %broadcast_in_dim3A_5 {strides = array<i32>} : memref<40x512xf32, #tpu.memory_space<vmem>>, vector<16xf32>,
      %swap3A_1486 = arith.index_cast %scan3A_1365 : i32 to index
      %swap3A_1487 = arith.constant 128 : index
      %swap3A_1488 = tpu.vector_load %arg6[%swap3A_1486, %swap3A_1487] {strides = array<i32>} : memref<40x512xf32, #tpu.memory_space<vmem>>, vector<16xf32>,
      tpu.vector_store %arg6[%swap3A_1486, %swap3A_1487], %broadcast_in_dim3A_5 {strides = array<i32>} : memref<40x512xf32, #tpu.memory_space<vmem>>, vector<16xf32>,
      %swap3A_1489 = arith.index_cast %scan3A_1365 : i32 to index
      %swap3A_1490 = arith.constant 144 : index
      %swap3A_1491 = tpu.vector_load %arg6[%swap3A_1489, %swap3A_1490] {strides = array<i32>} : memref<40x512xf32, #tpu.memory_space<vmem>>, vector<16xf32>,
      tpu.vector_store %arg6[%swap3A_1489, %swap3A_1490], %broadcast_in_dim3A_5 {strides = array<i32>} : memref<40x512xf32, #tpu.memory_space<vmem>>, vector<16xf32>,
      %swap3A_1492 = arith.index_cast %scan3A_1365 : i32 to index
      %swap3A_1493 = arith.constant 160 : index
      %swap3A_1494 = tpu.vector_load %arg6[%swap3A_1492, %swap3A_1493] {strides = array<i32>} : memref<40x512xf32, #tpu.memory_space<vmem>>, vector<16xf32>,
      tpu.vector_store %arg6[%swap3A_1492, %swap3A_1493], %broadcast_in_dim3A_5 {strides = array<i32>} : memref<40x512xf32, #tpu.memory_space<vmem>>, vector<16xf32>,
      %swap3A_1495 = arith.index_cast %scan3A_1365 : i32 to index
      %swap3A_1496 = arith.constant 176 : index
      %swap3A_1497 = tpu.vector_load %arg6[%swap3A_1495, %swap3A_1496] {strides = array<i32>} : memref<40x512xf32, #tpu.memory_space<vmem>>, vector<16xf32>,
      tpu.vector_store %arg6[%swap3A_1495, %swap3A_1496], %broadcast_in_dim3A_5 {strides = array<i32>} : memref<40x512xf32, #tpu.memory_space<vmem>>, vector<16xf32>,
      %swap3A_1498 = arith.index_cast %scan3A_1365 : i32 to index
      %swap3A_1499 = arith.constant 192 : index
      %swap3A_1500 = tpu.vector_load %arg6[%swap3A_1498, %swap3A_1499] {strides = array<i32>} : memref<40x512xf32, #tpu.memory_space<vmem>>, vector<16xf32>,
      tpu.vector_store %arg6[%swap3A_1498, %swap3A_1499], %broadcast_in_dim3A_5 {strides = array<i32>} : memref<40x512xf32, #tpu.memory_space<vmem>>, vector<16xf32>,
      %swap3A_1501 = arith.index_cast %scan3A_1365 : i32 to index
      %swap3A_1502 = arith.constant 208 : index
      %swap3A_1503 = tpu.vector_load %arg6[%swap3A_1501, %swap3A_1502] {strides = array<i32>} : memref<40x512xf32, #tpu.memory_space<vmem>>, vector<16xf32>,
      tpu.vector_store %arg6[%swap3A_1501, %swap3A_1502], %broadcast_in_dim3A_5 {strides = array<i32>} : memref<40x512xf32, #tpu.memory_space<vmem>>, vector<16xf32>,
      %swap3A_1504 = arith.index_cast %scan3A_1365 : i32 to index
      %swap3A_1505 = arith.constant 224 : index
      %swap3A_1506 = tpu.vector_load %arg6[%swap3A_1504, %swap3A_1505] {strides = array<i32>} : memref<40x512xf32, #tpu.memory_space<vmem>>, vector<16xf32>,
      tpu.vector_store %arg6[%swap3A_1504, %swap3A_1505], %broadcast_in_dim3A_5 {strides = array<i32>} : memref<40x512xf32, #tpu.memory_space<vmem>>, vector<16xf32>,
      %swap3A_1507 = arith.index_cast %scan3A_1365 : i32 to index
      %swap3A_1508 = arith.constant 240 : index
      %swap3A_1509 = tpu.vector_load %arg6[%swap3A_1507, %swap3A_1508] {strides = array<i32>} : memref<40x512xf32, #tpu.memory_space<vmem>>, vector<16xf32>,
      tpu.vector_store %arg6[%swap3A_1507, %swap3A_1508], %broadcast_in_dim3A_5 {strides = array<i32>} : memref<40x512xf32, #tpu.memory_space<vmem>>, vector<16xf32>,
      %swap3A_1510 = arith.index_cast %scan3A_1365 : i32 to index
      %swap3A_1511 = arith.constant 256 : index
      %swap3A_1512 = tpu.vector_load %arg6[%swap3A_1510, %swap3A_1511] {strides = array<i32>} : memref<40x512xf32, #tpu.memory_space<vmem>>, vector<16xf32>,
      tpu.vector_store %arg6[%swap3A_1510, %swap3A_1511], %broadcast_in_dim3A_5 {strides = array<i32>} : memref<40x512xf32, #tpu.memory_space<vmem>>, vector<16xf32>,
      %swap3A_1513 = arith.index_cast %scan3A_1365 : i32 to index
      %swap3A_1514 = arith.constant 272 : index
      %swap3A_1515 = tpu.vector_load %arg6[%swap3A_1513, %swap3A_1514] {strides = array<i32>} : memref<40x512xf32, #tpu.memory_space<vmem>>, vector<16xf32>,
      tpu.vector_store %arg6[%swap3A_1513, %swap3A_1514], %broadcast_in_dim3A_5 {strides = array<i32>} : memref<40x512xf32, #tpu.memory_space<vmem>>, vector<16xf32>,
      %swap3A_1516 = arith.index_cast %scan3A_1365 : i32 to index
      %swap3A_1517 = arith.constant 288 : index
      %swap3A_1518 = tpu.vector_load %arg6[%swap3A_1516, %swap3A_1517] {strides = array<i32>} : memref<40x512xf32, #tpu.memory_space<vmem>>, vector<16xf32>,
      tpu.vector_store %arg6[%swap3A_1516, %swap3A_1517], %broadcast_in_dim3A_5 {strides = array<i32>} : memref<40x512xf32, #tpu.memory_space<vmem>>, vector<16xf32>,
      %swap3A_1519 = arith.index_cast %scan3A_1365 : i32 to index
      %swap3A_1520 = arith.constant 304 : index
      %swap3A_1521 = tpu.vector_load %arg6[%swap3A_1519, %swap3A_1520] {strides = array<i32>} : memref<40x512xf32, #tpu.memory_space<vmem>>, vector<16xf32>,
      tpu.vector_store %arg6[%swap3A_1519, %swap3A_1520], %broadcast_in_dim3A_5 {strides = array<i32>} : memref<40x512xf32, #tpu.memory_space<vmem>>, vector<16xf32>,
      %swap3A_1522 = arith.index_cast %scan3A_1365 : i32 to index
      %swap3A_1523 = arith.constant 320 : index
      %swap3A_1524 = tpu.vector_load %arg6[%swap3A_1522, %swap3A_1523] {strides = array<i32>} : memref<40x512xf32, #tpu.memory_space<vmem>>, vector<16xf32>,
      tpu.vector_store %arg6[%swap3A_1522, %swap3A_1523], %broadcast_in_dim3A_5 {strides = array<i32>} : memref<40x512xf32, #tpu.memory_space<vmem>>, vector<16xf32>,
      %swap3A_1525 = arith.index_cast %scan3A_1365 : i32 to index
      %swap3A_1526 = arith.constant 336 : index
      %swap3A_1527 = tpu.vector_load %arg6[%swap3A_1525, %swap3A_1526] {strides = array<i32>} : memref<40x512xf32, #tpu.memory_space<vmem>>, vector<16xf32>,
      tpu.vector_store %arg6[%swap3A_1525, %swap3A_1526], %broadcast_in_dim3A_5 {strides = array<i32>} : memref<40x512xf32, #tpu.memory_space<vmem>>, vector<16xf32>,
      %swap3A_1528 = arith.index_cast %scan3A_1365 : i32 to index
      %swap3A_1529 = arith.constant 352 : index
      %swap3A_1530 = tpu.vector_load %arg6[%swap3A_1528, %swap3A_1529] {strides = array<i32>} : memref<40x512xf32, #tpu.memory_space<vmem>>, vector<16xf32>,
      tpu.vector_store %arg6[%swap3A_1528, %swap3A_1529], %broadcast_in_dim3A_5 {strides = array<i32>} : memref<40x512xf32, #tpu.memory_space<vmem>>, vector<16xf32>,
      %swap3A_1531 = arith.index_cast %scan3A_1365 : i32 to index
      %swap3A_1532 = arith.constant 368 : index
      %swap3A_1533 = tpu.vector_load %arg6[%swap3A_1531, %swap3A_1532] {strides = array<i32>} : memref<40x512xf32, #tpu.memory_space<vmem>>, vector<16xf32>,
      tpu.vector_store %arg6[%swap3A_1531, %swap3A_1532], %broadcast_in_dim3A_5 {strides = array<i32>} : memref<40x512xf32, #tpu.memory_space<vmem>>, vector<16xf32>,
      %swap3A_1534 = arith.index_cast %scan3A_1365 : i32 to index
      %swap3A_1535 = arith.constant 384 : index
      %swap3A_1536 = tpu.vector_load %arg6[%swap3A_1534, %swap3A_1535] {strides = array<i32>} : memref<40x512xf32, #tpu.memory_space<vmem>>, vector<16xf32>,
      tpu.vector_store %arg6[%swap3A_1534, %swap3A_1535], %broadcast_in_dim3A_5 {strides = array<i32>} : memref<40x512xf32, #tpu.memory_space<vmem>>, vector<16xf32>,
      %swap3A_1537 = arith.index_cast %scan3A_1365 : i32 to index
      %swap3A_1538 = arith.constant 400 : index
      %swap3A_1539 = tpu.vector_load %arg6[%swap3A_1537, %swap3A_1538] {strides = array<i32>} : memref<40x512xf32, #tpu.memory_space<vmem>>, vector<16xf32>,
      tpu.vector_store %arg6[%swap3A_1537, %swap3A_1538], %broadcast_in_dim3A_5 {strides = array<i32>} : memref<40x512xf32, #tpu.memory_space<vmem>>, vector<16xf32>,
      %swap3A_1540 = arith.index_cast %scan3A_1365 : i32 to index
      %swap3A_1541 = arith.constant 416 : index
      %swap3A_1542 = tpu.vector_load %arg6[%swap3A_1540, %swap3A_1541] {strides = array<i32>} : memref<40x512xf32, #tpu.memory_space<vmem>>, vector<16xf32>,
      tpu.vector_store %arg6[%swap3A_1540, %swap3A_1541], %broadcast_in_dim3A_5 {strides = array<i32>} : memref<40x512xf32, #tpu.memory_space<vmem>>, vector<16xf32>,
      %swap3A_1543 = arith.index_cast %scan3A_1365 : i32 to index
      %swap3A_1544 = arith.constant 432 : index
      %swap3A_1545 = tpu.vector_load %arg6[%swap3A_1543, %swap3A_1544] {strides = array<i32>} : memref<40x512xf32, #tpu.memory_space<vmem>>, vector<16xf32>,
      tpu.vector_store %arg6[%swap3A_1543, %swap3A_1544], %broadcast_in_dim3A_5 {strides = array<i32>} : memref<40x512xf32, #tpu.memory_space<vmem>>, vector<16xf32>,
      %swap3A_1546 = arith.index_cast %scan3A_1365 : i32 to index
      %swap3A_1547 = arith.constant 448 : index
      %swap3A_1548 = tpu.vector_load %arg6[%swap3A_1546, %swap3A_1547] {strides = array<i32>} : memref<40x512xf32, #tpu.memory_space<vmem>>, vector<16xf32>,
      tpu.vector_store %arg6[%swap3A_1546, %swap3A_1547], %broadcast_in_dim3A_5 {strides = array<i32>} : memref<40x512xf32, #tpu.memory_space<vmem>>, vector<16xf32>,
      %swap3A_1549 = arith.index_cast %scan3A_1365 : i32 to index
      %swap3A_1550 = arith.constant 464 : index
      %swap3A_1551 = tpu.vector_load %arg6[%swap3A_1549, %swap3A_1550] {strides = array<i32>} : memref<40x512xf32, #tpu.memory_space<vmem>>, vector<16xf32>,
      tpu.vector_store %arg6[%swap3A_1549, %swap3A_1550], %broadcast_in_dim3A_5 {strides = array<i32>} : memref<40x512xf32, #tpu.memory_space<vmem>>, vector<16xf32>,
      %swap3A_1552 = arith.index_cast %scan3A_1365 : i32 to index
      %swap3A_1553 = arith.constant 480 : index
      %swap3A_1554 = tpu.vector_load %arg6[%swap3A_1552, %swap3A_1553] {strides = array<i32>} : memref<40x512xf32, #tpu.memory_space<vmem>>, vector<16xf32>,
      tpu.vector_store %arg6[%swap3A_1552, %swap3A_1553], %broadcast_in_dim3A_5 {strides = array<i32>} : memref<40x512xf32, #tpu.memory_space<vmem>>, vector<16xf32>,
      %swap3A_1555 = arith.index_cast %scan3A_1365 : i32 to index
      %swap3A_1556 = arith.constant 496 : index
      %swap3A_1557 = tpu.vector_load %arg6[%swap3A_1555, %swap3A_1556] {strides = array<i32>} : memref<40x512xf32, #tpu.memory_space<vmem>>, vector<16xf32>,
      tpu.vector_store %arg6[%swap3A_1555, %swap3A_1556], %broadcast_in_dim3A_5 {strides = array<i32>} : memref<40x512xf32, #tpu.memory_space<vmem>>, vector<16xf32>,
      %scan3A_1558 = arith.constant 0 : i32
      scf.yield %scan3A_1558 : i32
    }
    %scan3A_11 = arith.constant 40 : i32
    %get3A = arith.constant 0 : index
    %get3A_12 = tpu.vector_load %arg4[%get3A] {strides = array<i32>} : memref<512xi32, #tpu.memory_space<vmem>>, vector<16xi32>,
    %sub3A = arith.constant 0 : i32
    %sub3A_13 = vector.broadcast %sub3A : i32 to vector<16xi32>
    %sub3A_14 = arith.subi %get3A_12, %sub3A_13 : vector<16xi32>
    %ge3A = arith.constant 0 : i32
    %ge3A_15 = vector.broadcast %ge3A : i32 to vector<16xi32>
    %ge3A_16 = arith.cmpi sge, %sub3A_14, %ge3A_15 : vector<16xi32>
    %lt3A = arith.constant 40 : i32
    %lt3A_17 = vector.broadcast %lt3A : i32 to vector<16xi32>
    %lt3A_18 = arith.cmpi slt, %sub3A_14, %lt3A_17 : vector<16xi32>
    %and3A = arith.andi %ge3A_16, %lt3A_18 : vector<16xi1>
    %jit3A = arith.constant 0 : i32
    %jit3A_19 = arith.constant 39 : i32
    %max3A = vector.broadcast %jit3A : i32 to vector<16xi32>
    %max3A_20 = arith.maxsi %max3A, %sub3A_14 : vector<16xi32>
    %min3A = vector.broadcast %jit3A_19 : i32 to vector<16xi32>
    %min3A_21 = arith.minsi %min3A, %max3A_20 : vector<16xi32>
    %add3A_22 = arith.constant 0 : i32
    %add3A_23 = vector.broadcast %add3A_22 : i32 to vector<16xi32>
    %add3A_24 = arith.addi %add3A_23, %iota3A : vector<16xi32>
    tpu.vector_store_idx %arg5[%min3A_21, %add3A_24], %broadcast_in_dim3A_3 masked %and3A : memref<40x512xf32, #tpu.memory_space<vmem>>[vector<16xi32>, vector<16xi32>], vector<16xf32>, vector<16xi1>
    %get3A_25 = arith.constant 16 : index
    %get3A_26 = tpu.vector_load %arg4[%get3A_25] {strides = array<i32>} : memref<512xi32, #tpu.memory_space<vmem>>, vector<16xi32>,
    %sub3A_27 = arith.constant 0 : i32
    %sub3A_28 = vector.broadcast %sub3A_27 : i32 to vector<16xi32>
    %sub3A_29 = arith.subi %get3A_26, %sub3A_28 : vector<16xi32>
    %ge3A_30 = arith.constant 0 : i32
    %ge3A_31 = vector.broadcast %ge3A_30 : i32 to vector<16xi32>
    %ge3A_32 = arith.cmpi sge, %sub3A_29, %ge3A_31 : vector<16xi32>
    %lt3A_33 = arith.constant 40 : i32
    %lt3A_34 = vector.broadcast %lt3A_33 : i32 to vector<16xi32>
    %lt3A_35 = arith.cmpi slt, %sub3A_29, %lt3A_34 : vector<16xi32>
    %and3A_36 = arith.andi %ge3A_32, %lt3A_35 : vector<16xi1>
    %jit3A_37 = arith.constant 0 : i32
    %jit3A_38 = arith.constant 39 : i32
    %max3A_39 = vector.broadcast %jit3A_37 : i32 to vector<16xi32>
    %max3A_40 = arith.maxsi %max3A_39, %sub3A_29 : vector<16xi32>
    %min3A_41 = vector.broadcast %jit3A_38 : i32 to vector<16xi32>
    %min3A_42 = arith.minsi %min3A_41, %max3A_40 : vector<16xi32>
    %add3A_43 = arith.constant 16 : i32
    %add3A_44 = vector.broadcast %add3A_43 : i32 to vector<16xi32>
    %add3A_45 = arith.addi %add3A_44, %iota3A : vector<16xi32>
    tpu.vector_store_idx %arg5[%min3A_42, %add3A_45], %broadcast_in_dim3A_3 masked %and3A_36 : memref<40x512xf32, #tpu.memory_space<vmem>>[vector<16xi32>, vector<16xi32>], vector<16xf32>, vector<16xi1>
    %get3A_46 = arith.constant 32 : index
    %get3A_47 = tpu.vector_load %arg4[%get3A_46] {strides = array<i32>} : memref<512xi32, #tpu.memory_space<vmem>>, vector<16xi32>,
    %sub3A_48 = arith.constant 0 : i32
    %sub3A_49 = vector.broadcast %sub3A_48 : i32 to vector<16xi32>
    %sub3A_50 = arith.subi %get3A_47, %sub3A_49 : vector<16xi32>
    %ge3A_51 = arith.constant 0 : i32
    %ge3A_52 = vector.broadcast %ge3A_51 : i32 to vector<16xi32>
    %ge3A_53 = arith.cmpi sge, %sub3A_50, %ge3A_52 : vector<16xi32>
    %lt3A_54 = arith.constant 40 : i32
    %lt3A_55 = vector.broadcast %lt3A_54 : i32 to vector<16xi32>
    %lt3A_56 = arith.cmpi slt, %sub3A_50, %lt3A_55 : vector<16xi32>
    %and3A_57 = arith.andi %ge3A_53, %lt3A_56 : vector<16xi1>
    %jit3A_58 = arith.constant 0 : i32
    %jit3A_59 = arith.constant 39 : i32
    %max3A_60 = vector.broadcast %jit3A_58 : i32 to vector<16xi32>
    %max3A_61 = arith.maxsi %max3A_60, %sub3A_50 : vector<16xi32>
    %min3A_62 = vector.broadcast %jit3A_59 : i32 to vector<16xi32>
    %min3A_63 = arith.minsi %min3A_62, %max3A_61 : vector<16xi32>
    %add3A_64 = arith.constant 32 : i32
    %add3A_65 = vector.broadcast %add3A_64 : i32 to vector<16xi32>
    %add3A_66 = arith.addi %add3A_65, %iota3A : vector<16xi32>
    tpu.vector_store_idx %arg5[%min3A_63, %add3A_66], %broadcast_in_dim3A_3 masked %and3A_57 : memref<40x512xf32, #tpu.memory_space<vmem>>[vector<16xi32>, vector<16xi32>], vector<16xf32>, vector<16xi1>
    %get3A_67 = arith.constant 48 : index
    %get3A_68 = tpu.vector_load %arg4[%get3A_67] {strides = array<i32>} : memref<512xi32, #tpu.memory_space<vmem>>, vector<16xi32>,
    %sub3A_69 = arith.constant 0 : i32
    %sub3A_70 = vector.broadcast %sub3A_69 : i32 to vector<16xi32>
    %sub3A_71 = arith.subi %get3A_68, %sub3A_70 : vector<16xi32>
    %ge3A_72 = arith.constant 0 : i32
    %ge3A_73 = vector.broadcast %ge3A_72 : i32 to vector<16xi32>
    %ge3A_74 = arith.cmpi sge, %sub3A_71, %ge3A_73 : vector<16xi32>
    %lt3A_75 = arith.constant 40 : i32
    %lt3A_76 = vector.broadcast %lt3A_75 : i32 to vector<16xi32>
    %lt3A_77 = arith.cmpi slt, %sub3A_71, %lt3A_76 : vector<16xi32>
    %and3A_78 = arith.andi %ge3A_74, %lt3A_77 : vector<16xi1>
    %jit3A_79 = arith.constant 0 : i32
    %jit3A_80 = arith.constant 39 : i32
    %max3A_81 = vector.broadcast %jit3A_79 : i32 to vector<16xi32>
    %max3A_82 = arith.maxsi %max3A_81, %sub3A_71 : vector<16xi32>
    %min3A_83 = vector.broadcast %jit3A_80 : i32 to vector<16xi32>
    %min3A_84 = arith.minsi %min3A_83, %max3A_82 : vector<16xi32>
    %add3A_85 = arith.constant 48 : i32
    %add3A_86 = vector.broadcast %add3A_85 : i32 to vector<16xi32>
    %add3A_87 = arith.addi %add3A_86, %iota3A : vector<16xi32>
    tpu.vector_store_idx %arg5[%min3A_84, %add3A_87], %broadcast_in_dim3A_3 masked %and3A_78 : memref<40x512xf32, #tpu.memory_space<vmem>>[vector<16xi32>, vector<16xi32>], vector<16xf32>, vector<16xi1>
    %get3A_88 = arith.constant 64 : index
    %get3A_89 = tpu.vector_load %arg4[%get3A_88] {strides = array<i32>} : memref<512xi32, #tpu.memory_space<vmem>>, vector<16xi32>,
    %sub3A_90 = arith.constant 0 : i32
    %sub3A_91 = vector.broadcast %sub3A_90 : i32 to vector<16xi32>
    %sub3A_92 = arith.subi %get3A_89, %sub3A_91 : vector<16xi32>
    %ge3A_93 = arith.constant 0 : i32
    %ge3A_94 = vector.broadcast %ge3A_93 : i32 to vector<16xi32>
    %ge3A_95 = arith.cmpi sge, %sub3A_92, %ge3A_94 : vector<16xi32>
    %lt3A_96 = arith.constant 40 : i32
    %lt3A_97 = vector.broadcast %lt3A_96 : i32 to vector<16xi32>
    %lt3A_98 = arith.cmpi slt, %sub3A_92, %lt3A_97 : vector<16xi32>
    %and3A_99 = arith.andi %ge3A_95, %lt3A_98 : vector<16xi1>
    %jit3A_100 = arith.constant 0 : i32
    %jit3A_101 = arith.constant 39 : i32
    %max3A_102 = vector.broadcast %jit3A_100 : i32 to vector<16xi32>
    %max3A_103 = arith.maxsi %max3A_102, %sub3A_92 : vector<16xi32>
    %min3A_104 = vector.broadcast %jit3A_101 : i32 to vector<16xi32>
    %min3A_105 = arith.minsi %min3A_104, %max3A_103 : vector<16xi32>
    %add3A_106 = arith.constant 64 : i32
    %add3A_107 = vector.broadcast %add3A_106 : i32 to vector<16xi32>
    %add3A_108 = arith.addi %add3A_107, %iota3A : vector<16xi32>
    tpu.vector_store_idx %arg5[%min3A_105, %add3A_108], %broadcast_in_dim3A_3 masked %and3A_99 : memref<40x512xf32, #tpu.memory_space<vmem>>[vector<16xi32>, vector<16xi32>], vector<16xf32>, vector<16xi1>
    %get3A_109 = arith.constant 80 : index
    %get3A_110 = tpu.vector_load %arg4[%get3A_109] {strides = array<i32>} : memref<512xi32, #tpu.memory_space<vmem>>, vector<16xi32>,
    %sub3A_111 = arith.constant 0 : i32
    %sub3A_112 = vector.broadcast %sub3A_111 : i32 to vector<16xi32>
    %sub3A_113 = arith.subi %get3A_110, %sub3A_112 : vector<16xi32>
    %ge3A_114 = arith.constant 0 : i32
    %ge3A_115 = vector.broadcast %ge3A_114 : i32 to vector<16xi32>
    %ge3A_116 = arith.cmpi sge, %sub3A_113, %ge3A_115 : vector<16xi32>
    %lt3A_117 = arith.constant 40 : i32
    %lt3A_118 = vector.broadcast %lt3A_117 : i32 to vector<16xi32>
    %lt3A_119 = arith.cmpi slt, %sub3A_113, %lt3A_118 : vector<16xi32>
    %and3A_120 = arith.andi %ge3A_116, %lt3A_119 : vector<16xi1>
    %jit3A_121 = arith.constant 0 : i32
    %jit3A_122 = arith.constant 39 : i32
    %max3A_123 = vector.broadcast %jit3A_121 : i32 to vector<16xi32>
    %max3A_124 = arith.maxsi %max3A_123, %sub3A_113 : vector<16xi32>
    %min3A_125 = vector.broadcast %jit3A_122 : i32 to vector<16xi32>
    %min3A_126 = arith.minsi %min3A_125, %max3A_124 : vector<16xi32>
    %add3A_127 = arith.constant 80 : i32
    %add3A_128 = vector.broadcast %add3A_127 : i32 to vector<16xi32>
    %add3A_129 = arith.addi %add3A_128, %iota3A : vector<16xi32>
    tpu.vector_store_idx %arg5[%min3A_126, %add3A_129], %broadcast_in_dim3A_3 masked %and3A_120 : memref<40x512xf32, #tpu.memory_space<vmem>>[vector<16xi32>, vector<16xi32>], vector<16xf32>, vector<16xi1>
    %get3A_130 = arith.constant 96 : index
    %get3A_131 = tpu.vector_load %arg4[%get3A_130] {strides = array<i32>} : memref<512xi32, #tpu.memory_space<vmem>>, vector<16xi32>,
    %sub3A_132 = arith.constant 0 : i32
    %sub3A_133 = vector.broadcast %sub3A_132 : i32 to vector<16xi32>
    %sub3A_134 = arith.subi %get3A_131, %sub3A_133 : vector<16xi32>
    %ge3A_135 = arith.constant 0 : i32
    %ge3A_136 = vector.broadcast %ge3A_135 : i32 to vector<16xi32>
    %ge3A_137 = arith.cmpi sge, %sub3A_134, %ge3A_136 : vector<16xi32>
    %lt3A_138 = arith.constant 40 : i32
    %lt3A_139 = vector.broadcast %lt3A_138 : i32 to vector<16xi32>
    %lt3A_140 = arith.cmpi slt, %sub3A_134, %lt3A_139 : vector<16xi32>
    %and3A_141 = arith.andi %ge3A_137, %lt3A_140 : vector<16xi1>
    %jit3A_142 = arith.constant 0 : i32
    %jit3A_143 = arith.constant 39 : i32
    %max3A_144 = vector.broadcast %jit3A_142 : i32 to vector<16xi32>
    %max3A_145 = arith.maxsi %max3A_144, %sub3A_134 : vector<16xi32>
    %min3A_146 = vector.broadcast %jit3A_143 : i32 to vector<16xi32>
    %min3A_147 = arith.minsi %min3A_146, %max3A_145 : vector<16xi32>
    %add3A_148 = arith.constant 96 : i32
    %add3A_149 = vector.broadcast %add3A_148 : i32 to vector<16xi32>
    %add3A_150 = arith.addi %add3A_149, %iota3A : vector<16xi32>
    tpu.vector_store_idx %arg5[%min3A_147, %add3A_150], %broadcast_in_dim3A_3 masked %and3A_141 : memref<40x512xf32, #tpu.memory_space<vmem>>[vector<16xi32>, vector<16xi32>], vector<16xf32>, vector<16xi1>
    %get3A_151 = arith.constant 112 : index
    %get3A_152 = tpu.vector_load %arg4[%get3A_151] {strides = array<i32>} : memref<512xi32, #tpu.memory_space<vmem>>, vector<16xi32>,
    %sub3A_153 = arith.constant 0 : i32
    %sub3A_154 = vector.broadcast %sub3A_153 : i32 to vector<16xi32>
    %sub3A_155 = arith.subi %get3A_152, %sub3A_154 : vector<16xi32>
    %ge3A_156 = arith.constant 0 : i32
    %ge3A_157 = vector.broadcast %ge3A_156 : i32 to vector<16xi32>
    %ge3A_158 = arith.cmpi sge, %sub3A_155, %ge3A_157 : vector<16xi32>
    %lt3A_159 = arith.constant 40 : i32
    %lt3A_160 = vector.broadcast %lt3A_159 : i32 to vector<16xi32>
    %lt3A_161 = arith.cmpi slt, %sub3A_155, %lt3A_160 : vector<16xi32>
    %and3A_162 = arith.andi %ge3A_158, %lt3A_161 : vector<16xi1>
    %jit3A_163 = arith.constant 0 : i32
    %jit3A_164 = arith.constant 39 : i32
    %max3A_165 = vector.broadcast %jit3A_163 : i32 to vector<16xi32>
    %max3A_166 = arith.maxsi %max3A_165, %sub3A_155 : vector<16xi32>
    %min3A_167 = vector.broadcast %jit3A_164 : i32 to vector<16xi32>
    %min3A_168 = arith.minsi %min3A_167, %max3A_166 : vector<16xi32>
    %add3A_169 = arith.constant 112 : i32
    %add3A_170 = vector.broadcast %add3A_169 : i32 to vector<16xi32>
    %add3A_171 = arith.addi %add3A_170, %iota3A : vector<16xi32>
    tpu.vector_store_idx %arg5[%min3A_168, %add3A_171], %broadcast_in_dim3A_3 masked %and3A_162 : memref<40x512xf32, #tpu.memory_space<vmem>>[vector<16xi32>, vector<16xi32>], vector<16xf32>, vector<16xi1>
    %get3A_172 = arith.constant 128 : index
    %get3A_173 = tpu.vector_load %arg4[%get3A_172] {strides = array<i32>} : memref<512xi32, #tpu.memory_space<vmem>>, vector<16xi32>,
    %sub3A_174 = arith.constant 0 : i32
    %sub3A_175 = vector.broadcast %sub3A_174 : i32 to vector<16xi32>
    %sub3A_176 = arith.subi %get3A_173, %sub3A_175 : vector<16xi32>
    %ge3A_177 = arith.constant 0 : i32
    %ge3A_178 = vector.broadcast %ge3A_177 : i32 to vector<16xi32>
    %ge3A_179 = arith.cmpi sge, %sub3A_176, %ge3A_178 : vector<16xi32>
    %lt3A_180 = arith.constant 40 : i32
    %lt3A_181 = vector.broadcast %lt3A_180 : i32 to vector<16xi32>
    %lt3A_182 = arith.cmpi slt, %sub3A_176, %lt3A_181 : vector<16xi32>
    %and3A_183 = arith.andi %ge3A_179, %lt3A_182 : vector<16xi1>
    %jit3A_184 = arith.constant 0 : i32
    %jit3A_185 = arith.constant 39 : i32
    %max3A_186 = vector.broadcast %jit3A_184 : i32 to vector<16xi32>
    %max3A_187 = arith.maxsi %max3A_186, %sub3A_176 : vector<16xi32>
    %min3A_188 = vector.broadcast %jit3A_185 : i32 to vector<16xi32>
    %min3A_189 = arith.minsi %min3A_188, %max3A_187 : vector<16xi32>
    %add3A_190 = arith.constant 128 : i32
    %add3A_191 = vector.broadcast %add3A_190 : i32 to vector<16xi32>
    %add3A_192 = arith.addi %add3A_191, %iota3A : vector<16xi32>
    tpu.vector_store_idx %arg5[%min3A_189, %add3A_192], %broadcast_in_dim3A_3 masked %and3A_183 : memref<40x512xf32, #tpu.memory_space<vmem>>[vector<16xi32>, vector<16xi32>], vector<16xf32>, vector<16xi1>
    %get3A_193 = arith.constant 144 : index
    %get3A_194 = tpu.vector_load %arg4[%get3A_193] {strides = array<i32>} : memref<512xi32, #tpu.memory_space<vmem>>, vector<16xi32>,
    %sub3A_195 = arith.constant 0 : i32
    %sub3A_196 = vector.broadcast %sub3A_195 : i32 to vector<16xi32>
    %sub3A_197 = arith.subi %get3A_194, %sub3A_196 : vector<16xi32>
    %ge3A_198 = arith.constant 0 : i32
    %ge3A_199 = vector.broadcast %ge3A_198 : i32 to vector<16xi32>
    %ge3A_200 = arith.cmpi sge, %sub3A_197, %ge3A_199 : vector<16xi32>
    %lt3A_201 = arith.constant 40 : i32
    %lt3A_202 = vector.broadcast %lt3A_201 : i32 to vector<16xi32>
    %lt3A_203 = arith.cmpi slt, %sub3A_197, %lt3A_202 : vector<16xi32>
    %and3A_204 = arith.andi %ge3A_200, %lt3A_203 : vector<16xi1>
    %jit3A_205 = arith.constant 0 : i32
    %jit3A_206 = arith.constant 39 : i32
    %max3A_207 = vector.broadcast %jit3A_205 : i32 to vector<16xi32>
    %max3A_208 = arith.maxsi %max3A_207, %sub3A_197 : vector<16xi32>
    %min3A_209 = vector.broadcast %jit3A_206 : i32 to vector<16xi32>
    %min3A_210 = arith.minsi %min3A_209, %max3A_208 : vector<16xi32>
    %add3A_211 = arith.constant 144 : i32
    %add3A_212 = vector.broadcast %add3A_211 : i32 to vector<16xi32>
    %add3A_213 = arith.addi %add3A_212, %iota3A : vector<16xi32>
    tpu.vector_store_idx %arg5[%min3A_210, %add3A_213], %broadcast_in_dim3A_3 masked %and3A_204 : memref<40x512xf32, #tpu.memory_space<vmem>>[vector<16xi32>, vector<16xi32>], vector<16xf32>, vector<16xi1>
    %get3A_214 = arith.constant 160 : index
    %get3A_215 = tpu.vector_load %arg4[%get3A_214] {strides = array<i32>} : memref<512xi32, #tpu.memory_space<vmem>>, vector<16xi32>,
    %sub3A_216 = arith.constant 0 : i32
    %sub3A_217 = vector.broadcast %sub3A_216 : i32 to vector<16xi32>
    %sub3A_218 = arith.subi %get3A_215, %sub3A_217 : vector<16xi32>
    %ge3A_219 = arith.constant 0 : i32
    %ge3A_220 = vector.broadcast %ge3A_219 : i32 to vector<16xi32>
    %ge3A_221 = arith.cmpi sge, %sub3A_218, %ge3A_220 : vector<16xi32>
    %lt3A_222 = arith.constant 40 : i32
    %lt3A_223 = vector.broadcast %lt3A_222 : i32 to vector<16xi32>
    %lt3A_224 = arith.cmpi slt, %sub3A_218, %lt3A_223 : vector<16xi32>
    %and3A_225 = arith.andi %ge3A_221, %lt3A_224 : vector<16xi1>
    %jit3A_226 = arith.constant 0 : i32
    %jit3A_227 = arith.constant 39 : i32
    %max3A_228 = vector.broadcast %jit3A_226 : i32 to vector<16xi32>
    %max3A_229 = arith.maxsi %max3A_228, %sub3A_218 : vector<16xi32>
    %min3A_230 = vector.broadcast %jit3A_227 : i32 to vector<16xi32>
    %min3A_231 = arith.minsi %min3A_230, %max3A_229 : vector<16xi32>
    %add3A_232 = arith.constant 160 : i32
    %add3A_233 = vector.broadcast %add3A_232 : i32 to vector<16xi32>
    %add3A_234 = arith.addi %add3A_233, %iota3A : vector<16xi32>
    tpu.vector_store_idx %arg5[%min3A_231, %add3A_234], %broadcast_in_dim3A_3 masked %and3A_225 : memref<40x512xf32, #tpu.memory_space<vmem>>[vector<16xi32>, vector<16xi32>], vector<16xf32>, vector<16xi1>
    %get3A_235 = arith.constant 176 : index
    %get3A_236 = tpu.vector_load %arg4[%get3A_235] {strides = array<i32>} : memref<512xi32, #tpu.memory_space<vmem>>, vector<16xi32>,
    %sub3A_237 = arith.constant 0 : i32
    %sub3A_238 = vector.broadcast %sub3A_237 : i32 to vector<16xi32>
    %sub3A_239 = arith.subi %get3A_236, %sub3A_238 : vector<16xi32>
    %ge3A_240 = arith.constant 0 : i32
    %ge3A_241 = vector.broadcast %ge3A_240 : i32 to vector<16xi32>
    %ge3A_242 = arith.cmpi sge, %sub3A_239, %ge3A_241 : vector<16xi32>
    %lt3A_243 = arith.constant 40 : i32
    %lt3A_244 = vector.broadcast %lt3A_243 : i32 to vector<16xi32>
    %lt3A_245 = arith.cmpi slt, %sub3A_239, %lt3A_244 : vector<16xi32>
    %and3A_246 = arith.andi %ge3A_242, %lt3A_245 : vector<16xi1>
    %jit3A_247 = arith.constant 0 : i32
    %jit3A_248 = arith.constant 39 : i32
    %max3A_249 = vector.broadcast %jit3A_247 : i32 to vector<16xi32>
    %max3A_250 = arith.maxsi %max3A_249, %sub3A_239 : vector<16xi32>
    %min3A_251 = vector.broadcast %jit3A_248 : i32 to vector<16xi32>
    %min3A_252 = arith.minsi %min3A_251, %max3A_250 : vector<16xi32>
    %add3A_253 = arith.constant 176 : i32
    %add3A_254 = vector.broadcast %add3A_253 : i32 to vector<16xi32>
    %add3A_255 = arith.addi %add3A_254, %iota3A : vector<16xi32>
    tpu.vector_store_idx %arg5[%min3A_252, %add3A_255], %broadcast_in_dim3A_3 masked %and3A_246 : memref<40x512xf32, #tpu.memory_space<vmem>>[vector<16xi32>, vector<16xi32>], vector<16xf32>, vector<16xi1>
    %get3A_256 = arith.constant 192 : index
    %get3A_257 = tpu.vector_load %arg4[%get3A_256] {strides = array<i32>} : memref<512xi32, #tpu.memory_space<vmem>>, vector<16xi32>,
    %sub3A_258 = arith.constant 0 : i32
    %sub3A_259 = vector.broadcast %sub3A_258 : i32 to vector<16xi32>
    %sub3A_260 = arith.subi %get3A_257, %sub3A_259 : vector<16xi32>
    %ge3A_261 = arith.constant 0 : i32
    %ge3A_262 = vector.broadcast %ge3A_261 : i32 to vector<16xi32>
    %ge3A_263 = arith.cmpi sge, %sub3A_260, %ge3A_262 : vector<16xi32>
    %lt3A_264 = arith.constant 40 : i32
    %lt3A_265 = vector.broadcast %lt3A_264 : i32 to vector<16xi32>
    %lt3A_266 = arith.cmpi slt, %sub3A_260, %lt3A_265 : vector<16xi32>
    %and3A_267 = arith.andi %ge3A_263, %lt3A_266 : vector<16xi1>
    %jit3A_268 = arith.constant 0 : i32
    %jit3A_269 = arith.constant 39 : i32
    %max3A_270 = vector.broadcast %jit3A_268 : i32 to vector<16xi32>
    %max3A_271 = arith.maxsi %max3A_270, %sub3A_260 : vector<16xi32>
    %min3A_272 = vector.broadcast %jit3A_269 : i32 to vector<16xi32>
    %min3A_273 = arith.minsi %min3A_272, %max3A_271 : vector<16xi32>
    %add3A_274 = arith.constant 192 : i32
    %add3A_275 = vector.broadcast %add3A_274 : i32 to vector<16xi32>
    %add3A_276 = arith.addi %add3A_275, %iota3A : vector<16xi32>
    tpu.vector_store_idx %arg5[%min3A_273, %add3A_276], %broadcast_in_dim3A_3 masked %and3A_267 : memref<40x512xf32, #tpu.memory_space<vmem>>[vector<16xi32>, vector<16xi32>], vector<16xf32>, vector<16xi1>
    %get3A_277 = arith.constant 208 : index
    %get3A_278 = tpu.vector_load %arg4[%get3A_277] {strides = array<i32>} : memref<512xi32, #tpu.memory_space<vmem>>, vector<16xi32>,
    %sub3A_279 = arith.constant 0 : i32
    %sub3A_280 = vector.broadcast %sub3A_279 : i32 to vector<16xi32>
    %sub3A_281 = arith.subi %get3A_278, %sub3A_280 : vector<16xi32>
    %ge3A_282 = arith.constant 0 : i32
    %ge3A_283 = vector.broadcast %ge3A_282 : i32 to vector<16xi32>
    %ge3A_284 = arith.cmpi sge, %sub3A_281, %ge3A_283 : vector<16xi32>
    %lt3A_285 = arith.constant 40 : i32
    %lt3A_286 = vector.broadcast %lt3A_285 : i32 to vector<16xi32>
    %lt3A_287 = arith.cmpi slt, %sub3A_281, %lt3A_286 : vector<16xi32>
    %and3A_288 = arith.andi %ge3A_284, %lt3A_287 : vector<16xi1>
    %jit3A_289 = arith.constant 0 : i32
    %jit3A_290 = arith.constant 39 : i32
    %max3A_291 = vector.broadcast %jit3A_289 : i32 to vector<16xi32>
    %max3A_292 = arith.maxsi %max3A_291, %sub3A_281 : vector<16xi32>
    %min3A_293 = vector.broadcast %jit3A_290 : i32 to vector<16xi32>
    %min3A_294 = arith.minsi %min3A_293, %max3A_292 : vector<16xi32>
    %add3A_295 = arith.constant 208 : i32
    %add3A_296 = vector.broadcast %add3A_295 : i32 to vector<16xi32>
    %add3A_297 = arith.addi %add3A_296, %iota3A : vector<16xi32>
    tpu.vector_store_idx %arg5[%min3A_294, %add3A_297], %broadcast_in_dim3A_3 masked %and3A_288 : memref<40x512xf32, #tpu.memory_space<vmem>>[vector<16xi32>, vector<16xi32>], vector<16xf32>, vector<16xi1>
    %get3A_298 = arith.constant 224 : index
    %get3A_299 = tpu.vector_load %arg4[%get3A_298] {strides = array<i32>} : memref<512xi32, #tpu.memory_space<vmem>>, vector<16xi32>,
    %sub3A_300 = arith.constant 0 : i32
    %sub3A_301 = vector.broadcast %sub3A_300 : i32 to vector<16xi32>
    %sub3A_302 = arith.subi %get3A_299, %sub3A_301 : vector<16xi32>
    %ge3A_303 = arith.constant 0 : i32
    %ge3A_304 = vector.broadcast %ge3A_303 : i32 to vector<16xi32>
    %ge3A_305 = arith.cmpi sge, %sub3A_302, %ge3A_304 : vector<16xi32>
    %lt3A_306 = arith.constant 40 : i32
    %lt3A_307 = vector.broadcast %lt3A_306 : i32 to vector<16xi32>
    %lt3A_308 = arith.cmpi slt, %sub3A_302, %lt3A_307 : vector<16xi32>
    %and3A_309 = arith.andi %ge3A_305, %lt3A_308 : vector<16xi1>
    %jit3A_310 = arith.constant 0 : i32
    %jit3A_311 = arith.constant 39 : i32
    %max3A_312 = vector.broadcast %jit3A_310 : i32 to vector<16xi32>
    %max3A_313 = arith.maxsi %max3A_312, %sub3A_302 : vector<16xi32>
    %min3A_314 = vector.broadcast %jit3A_311 : i32 to vector<16xi32>
    %min3A_315 = arith.minsi %min3A_314, %max3A_313 : vector<16xi32>
    %add3A_316 = arith.constant 224 : i32
    %add3A_317 = vector.broadcast %add3A_316 : i32 to vector<16xi32>
    %add3A_318 = arith.addi %add3A_317, %iota3A : vector<16xi32>
    tpu.vector_store_idx %arg5[%min3A_315, %add3A_318], %broadcast_in_dim3A_3 masked %and3A_309 : memref<40x512xf32, #tpu.memory_space<vmem>>[vector<16xi32>, vector<16xi32>], vector<16xf32>, vector<16xi1>
    %get3A_319 = arith.constant 240 : index
    %get3A_320 = tpu.vector_load %arg4[%get3A_319] {strides = array<i32>} : memref<512xi32, #tpu.memory_space<vmem>>, vector<16xi32>,
    %sub3A_321 = arith.constant 0 : i32
    %sub3A_322 = vector.broadcast %sub3A_321 : i32 to vector<16xi32>
    %sub3A_323 = arith.subi %get3A_320, %sub3A_322 : vector<16xi32>
    %ge3A_324 = arith.constant 0 : i32
    %ge3A_325 = vector.broadcast %ge3A_324 : i32 to vector<16xi32>
    %ge3A_326 = arith.cmpi sge, %sub3A_323, %ge3A_325 : vector<16xi32>
    %lt3A_327 = arith.constant 40 : i32
    %lt3A_328 = vector.broadcast %lt3A_327 : i32 to vector<16xi32>
    %lt3A_329 = arith.cmpi slt, %sub3A_323, %lt3A_328 : vector<16xi32>
    %and3A_330 = arith.andi %ge3A_326, %lt3A_329 : vector<16xi1>
    %jit3A_331 = arith.constant 0 : i32
    %jit3A_332 = arith.constant 39 : i32
    %max3A_333 = vector.broadcast %jit3A_331 : i32 to vector<16xi32>
    %max3A_334 = arith.maxsi %max3A_333, %sub3A_323 : vector<16xi32>
    %min3A_335 = vector.broadcast %jit3A_332 : i32 to vector<16xi32>
    %min3A_336 = arith.minsi %min3A_335, %max3A_334 : vector<16xi32>
    %add3A_337 = arith.constant 240 : i32
    %add3A_338 = vector.broadcast %add3A_337 : i32 to vector<16xi32>
    %add3A_339 = arith.addi %add3A_338, %iota3A : vector<16xi32>
    tpu.vector_store_idx %arg5[%min3A_336, %add3A_339], %broadcast_in_dim3A_3 masked %and3A_330 : memref<40x512xf32, #tpu.memory_space<vmem>>[vector<16xi32>, vector<16xi32>], vector<16xf32>, vector<16xi1>
    %get3A_340 = arith.constant 256 : index
    %get3A_341 = tpu.vector_load %arg4[%get3A_340] {strides = array<i32>} : memref<512xi32, #tpu.memory_space<vmem>>, vector<16xi32>,
    %sub3A_342 = arith.constant 0 : i32
    %sub3A_343 = vector.broadcast %sub3A_342 : i32 to vector<16xi32>
    %sub3A_344 = arith.subi %get3A_341, %sub3A_343 : vector<16xi32>
    %ge3A_345 = arith.constant 0 : i32
    %ge3A_346 = vector.broadcast %ge3A_345 : i32 to vector<16xi32>
    %ge3A_347 = arith.cmpi sge, %sub3A_344, %ge3A_346 : vector<16xi32>
    %lt3A_348 = arith.constant 40 : i32
    %lt3A_349 = vector.broadcast %lt3A_348 : i32 to vector<16xi32>
    %lt3A_350 = arith.cmpi slt, %sub3A_344, %lt3A_349 : vector<16xi32>
    %and3A_351 = arith.andi %ge3A_347, %lt3A_350 : vector<16xi1>
    %jit3A_352 = arith.constant 0 : i32
    %jit3A_353 = arith.constant 39 : i32
    %max3A_354 = vector.broadcast %jit3A_352 : i32 to vector<16xi32>
    %max3A_355 = arith.maxsi %max3A_354, %sub3A_344 : vector<16xi32>
    %min3A_356 = vector.broadcast %jit3A_353 : i32 to vector<16xi32>
    %min3A_357 = arith.minsi %min3A_356, %max3A_355 : vector<16xi32>
    %add3A_358 = arith.constant 256 : i32
    %add3A_359 = vector.broadcast %add3A_358 : i32 to vector<16xi32>
    %add3A_360 = arith.addi %add3A_359, %iota3A : vector<16xi32>
    tpu.vector_store_idx %arg5[%min3A_357, %add3A_360], %broadcast_in_dim3A_3 masked %and3A_351 : memref<40x512xf32, #tpu.memory_space<vmem>>[vector<16xi32>, vector<16xi32>], vector<16xf32>, vector<16xi1>
    %get3A_361 = arith.constant 272 : index
    %get3A_362 = tpu.vector_load %arg4[%get3A_361] {strides = array<i32>} : memref<512xi32, #tpu.memory_space<vmem>>, vector<16xi32>,
    %sub3A_363 = arith.constant 0 : i32
    %sub3A_364 = vector.broadcast %sub3A_363 : i32 to vector<16xi32>
    %sub3A_365 = arith.subi %get3A_362, %sub3A_364 : vector<16xi32>
    %ge3A_366 = arith.constant 0 : i32
    %ge3A_367 = vector.broadcast %ge3A_366 : i32 to vector<16xi32>
    %ge3A_368 = arith.cmpi sge, %sub3A_365, %ge3A_367 : vector<16xi32>
    %lt3A_369 = arith.constant 40 : i32
    %lt3A_370 = vector.broadcast %lt3A_369 : i32 to vector<16xi32>
    %lt3A_371 = arith.cmpi slt, %sub3A_365, %lt3A_370 : vector<16xi32>
    %and3A_372 = arith.andi %ge3A_368, %lt3A_371 : vector<16xi1>
    %jit3A_373 = arith.constant 0 : i32
    %jit3A_374 = arith.constant 39 : i32
    %max3A_375 = vector.broadcast %jit3A_373 : i32 to vector<16xi32>
    %max3A_376 = arith.maxsi %max3A_375, %sub3A_365 : vector<16xi32>
    %min3A_377 = vector.broadcast %jit3A_374 : i32 to vector<16xi32>
    %min3A_378 = arith.minsi %min3A_377, %max3A_376 : vector<16xi32>
    %add3A_379 = arith.constant 272 : i32
    %add3A_380 = vector.broadcast %add3A_379 : i32 to vector<16xi32>
    %add3A_381 = arith.addi %add3A_380, %iota3A : vector<16xi32>
    tpu.vector_store_idx %arg5[%min3A_378, %add3A_381], %broadcast_in_dim3A_3 masked %and3A_372 : memref<40x512xf32, #tpu.memory_space<vmem>>[vector<16xi32>, vector<16xi32>], vector<16xf32>, vector<16xi1>
    %get3A_382 = arith.constant 288 : index
    %get3A_383 = tpu.vector_load %arg4[%get3A_382] {strides = array<i32>} : memref<512xi32, #tpu.memory_space<vmem>>, vector<16xi32>,
    %sub3A_384 = arith.constant 0 : i32
    %sub3A_385 = vector.broadcast %sub3A_384 : i32 to vector<16xi32>
    %sub3A_386 = arith.subi %get3A_383, %sub3A_385 : vector<16xi32>
    %ge3A_387 = arith.constant 0 : i32
    %ge3A_388 = vector.broadcast %ge3A_387 : i32 to vector<16xi32>
    %ge3A_389 = arith.cmpi sge, %sub3A_386, %ge3A_388 : vector<16xi32>
    %lt3A_390 = arith.constant 40 : i32
    %lt3A_391 = vector.broadcast %lt3A_390 : i32 to vector<16xi32>
    %lt3A_392 = arith.cmpi slt, %sub3A_386, %lt3A_391 : vector<16xi32>
    %and3A_393 = arith.andi %ge3A_389, %lt3A_392 : vector<16xi1>
    %jit3A_394 = arith.constant 0 : i32
    %jit3A_395 = arith.constant 39 : i32
    %max3A_396 = vector.broadcast %jit3A_394 : i32 to vector<16xi32>
    %max3A_397 = arith.maxsi %max3A_396, %sub3A_386 : vector<16xi32>
    %min3A_398 = vector.broadcast %jit3A_395 : i32 to vector<16xi32>
    %min3A_399 = arith.minsi %min3A_398, %max3A_397 : vector<16xi32>
    %add3A_400 = arith.constant 288 : i32
    %add3A_401 = vector.broadcast %add3A_400 : i32 to vector<16xi32>
    %add3A_402 = arith.addi %add3A_401, %iota3A : vector<16xi32>
    tpu.vector_store_idx %arg5[%min3A_399, %add3A_402], %broadcast_in_dim3A_3 masked %and3A_393 : memref<40x512xf32, #tpu.memory_space<vmem>>[vector<16xi32>, vector<16xi32>], vector<16xf32>, vector<16xi1>
    %get3A_403 = arith.constant 304 : index
    %get3A_404 = tpu.vector_load %arg4[%get3A_403] {strides = array<i32>} : memref<512xi32, #tpu.memory_space<vmem>>, vector<16xi32>,
    %sub3A_405 = arith.constant 0 : i32
    %sub3A_406 = vector.broadcast %sub3A_405 : i32 to vector<16xi32>
    %sub3A_407 = arith.subi %get3A_404, %sub3A_406 : vector<16xi32>
    %ge3A_408 = arith.constant 0 : i32
    %ge3A_409 = vector.broadcast %ge3A_408 : i32 to vector<16xi32>
    %ge3A_410 = arith.cmpi sge, %sub3A_407, %ge3A_409 : vector<16xi32>
    %lt3A_411 = arith.constant 40 : i32
    %lt3A_412 = vector.broadcast %lt3A_411 : i32 to vector<16xi32>
    %lt3A_413 = arith.cmpi slt, %sub3A_407, %lt3A_412 : vector<16xi32>
    %and3A_414 = arith.andi %ge3A_410, %lt3A_413 : vector<16xi1>
    %jit3A_415 = arith.constant 0 : i32
    %jit3A_416 = arith.constant 39 : i32
    %max3A_417 = vector.broadcast %jit3A_415 : i32 to vector<16xi32>
    %max3A_418 = arith.maxsi %max3A_417, %sub3A_407 : vector<16xi32>
    %min3A_419 = vector.broadcast %jit3A_416 : i32 to vector<16xi32>
    %min3A_420 = arith.minsi %min3A_419, %max3A_418 : vector<16xi32>
    %add3A_421 = arith.constant 304 : i32
    %add3A_422 = vector.broadcast %add3A_421 : i32 to vector<16xi32>
    %add3A_423 = arith.addi %add3A_422, %iota3A : vector<16xi32>
    tpu.vector_store_idx %arg5[%min3A_420, %add3A_423], %broadcast_in_dim3A_3 masked %and3A_414 : memref<40x512xf32, #tpu.memory_space<vmem>>[vector<16xi32>, vector<16xi32>], vector<16xf32>, vector<16xi1>
    %get3A_424 = arith.constant 320 : index
    %get3A_425 = tpu.vector_load %arg4[%get3A_424] {strides = array<i32>} : memref<512xi32, #tpu.memory_space<vmem>>, vector<16xi32>,
    %sub3A_426 = arith.constant 0 : i32
    %sub3A_427 = vector.broadcast %sub3A_426 : i32 to vector<16xi32>
    %sub3A_428 = arith.subi %get3A_425, %sub3A_427 : vector<16xi32>
    %ge3A_429 = arith.constant 0 : i32
    %ge3A_430 = vector.broadcast %ge3A_429 : i32 to vector<16xi32>
    %ge3A_431 = arith.cmpi sge, %sub3A_428, %ge3A_430 : vector<16xi32>
    %lt3A_432 = arith.constant 40 : i32
    %lt3A_433 = vector.broadcast %lt3A_432 : i32 to vector<16xi32>
    %lt3A_434 = arith.cmpi slt, %sub3A_428, %lt3A_433 : vector<16xi32>
    %and3A_435 = arith.andi %ge3A_431, %lt3A_434 : vector<16xi1>
    %jit3A_436 = arith.constant 0 : i32
    %jit3A_437 = arith.constant 39 : i32
    %max3A_438 = vector.broadcast %jit3A_436 : i32 to vector<16xi32>
    %max3A_439 = arith.maxsi %max3A_438, %sub3A_428 : vector<16xi32>
    %min3A_440 = vector.broadcast %jit3A_437 : i32 to vector<16xi32>
    %min3A_441 = arith.minsi %min3A_440, %max3A_439 : vector<16xi32>
    %add3A_442 = arith.constant 320 : i32
    %add3A_443 = vector.broadcast %add3A_442 : i32 to vector<16xi32>
    %add3A_444 = arith.addi %add3A_443, %iota3A : vector<16xi32>
    tpu.vector_store_idx %arg5[%min3A_441, %add3A_444], %broadcast_in_dim3A_3 masked %and3A_435 : memref<40x512xf32, #tpu.memory_space<vmem>>[vector<16xi32>, vector<16xi32>], vector<16xf32>, vector<16xi1>
    %get3A_445 = arith.constant 336 : index
    %get3A_446 = tpu.vector_load %arg4[%get3A_445] {strides = array<i32>} : memref<512xi32, #tpu.memory_space<vmem>>, vector<16xi32>,
    %sub3A_447 = arith.constant 0 : i32
    %sub3A_448 = vector.broadcast %sub3A_447 : i32 to vector<16xi32>
    %sub3A_449 = arith.subi %get3A_446, %sub3A_448 : vector<16xi32>
    %ge3A_450 = arith.constant 0 : i32
    %ge3A_451 = vector.broadcast %ge3A_450 : i32 to vector<16xi32>
    %ge3A_452 = arith.cmpi sge, %sub3A_449, %ge3A_451 : vector<16xi32>
    %lt3A_453 = arith.constant 40 : i32
    %lt3A_454 = vector.broadcast %lt3A_453 : i32 to vector<16xi32>
    %lt3A_455 = arith.cmpi slt, %sub3A_449, %lt3A_454 : vector<16xi32>
    %and3A_456 = arith.andi %ge3A_452, %lt3A_455 : vector<16xi1>
    %jit3A_457 = arith.constant 0 : i32
    %jit3A_458 = arith.constant 39 : i32
    %max3A_459 = vector.broadcast %jit3A_457 : i32 to vector<16xi32>
    %max3A_460 = arith.maxsi %max3A_459, %sub3A_449 : vector<16xi32>
    %min3A_461 = vector.broadcast %jit3A_458 : i32 to vector<16xi32>
    %min3A_462 = arith.minsi %min3A_461, %max3A_460 : vector<16xi32>
    %add3A_463 = arith.constant 336 : i32
    %add3A_464 = vector.broadcast %add3A_463 : i32 to vector<16xi32>
    %add3A_465 = arith.addi %add3A_464, %iota3A : vector<16xi32>
    tpu.vector_store_idx %arg5[%min3A_462, %add3A_465], %broadcast_in_dim3A_3 masked %and3A_456 : memref<40x512xf32, #tpu.memory_space<vmem>>[vector<16xi32>, vector<16xi32>], vector<16xf32>, vector<16xi1>
    %get3A_466 = arith.constant 352 : index
    %get3A_467 = tpu.vector_load %arg4[%get3A_466] {strides = array<i32>} : memref<512xi32, #tpu.memory_space<vmem>>, vector<16xi32>,
    %sub3A_468 = arith.constant 0 : i32
    %sub3A_469 = vector.broadcast %sub3A_468 : i32 to vector<16xi32>
    %sub3A_470 = arith.subi %get3A_467, %sub3A_469 : vector<16xi32>
    %ge3A_471 = arith.constant 0 : i32
    %ge3A_472 = vector.broadcast %ge3A_471 : i32 to vector<16xi32>
    %ge3A_473 = arith.cmpi sge, %sub3A_470, %ge3A_472 : vector<16xi32>
    %lt3A_474 = arith.constant 40 : i32
    %lt3A_475 = vector.broadcast %lt3A_474 : i32 to vector<16xi32>
    %lt3A_476 = arith.cmpi slt, %sub3A_470, %lt3A_475 : vector<16xi32>
    %and3A_477 = arith.andi %ge3A_473, %lt3A_476 : vector<16xi1>
    %jit3A_478 = arith.constant 0 : i32
    %jit3A_479 = arith.constant 39 : i32
    %max3A_480 = vector.broadcast %jit3A_478 : i32 to vector<16xi32>
    %max3A_481 = arith.maxsi %max3A_480, %sub3A_470 : vector<16xi32>
    %min3A_482 = vector.broadcast %jit3A_479 : i32 to vector<16xi32>
    %min3A_483 = arith.minsi %min3A_482, %max3A_481 : vector<16xi32>
    %add3A_484 = arith.constant 352 : i32
    %add3A_485 = vector.broadcast %add3A_484 : i32 to vector<16xi32>
    %add3A_486 = arith.addi %add3A_485, %iota3A : vector<16xi32>
    tpu.vector_store_idx %arg5[%min3A_483, %add3A_486], %broadcast_in_dim3A_3 masked %and3A_477 : memref<40x512xf32, #tpu.memory_space<vmem>>[vector<16xi32>, vector<16xi32>], vector<16xf32>, vector<16xi1>
    %get3A_487 = arith.constant 368 : index
    %get3A_488 = tpu.vector_load %arg4[%get3A_487] {strides = array<i32>} : memref<512xi32, #tpu.memory_space<vmem>>, vector<16xi32>,
    %sub3A_489 = arith.constant 0 : i32
    %sub3A_490 = vector.broadcast %sub3A_489 : i32 to vector<16xi32>
    %sub3A_491 = arith.subi %get3A_488, %sub3A_490 : vector<16xi32>
    %ge3A_492 = arith.constant 0 : i32
    %ge3A_493 = vector.broadcast %ge3A_492 : i32 to vector<16xi32>
    %ge3A_494 = arith.cmpi sge, %sub3A_491, %ge3A_493 : vector<16xi32>
    %lt3A_495 = arith.constant 40 : i32
    %lt3A_496 = vector.broadcast %lt3A_495 : i32 to vector<16xi32>
    %lt3A_497 = arith.cmpi slt, %sub3A_491, %lt3A_496 : vector<16xi32>
    %and3A_498 = arith.andi %ge3A_494, %lt3A_497 : vector<16xi1>
    %jit3A_499 = arith.constant 0 : i32
    %jit3A_500 = arith.constant 39 : i32
    %max3A_501 = vector.broadcast %jit3A_499 : i32 to vector<16xi32>
    %max3A_502 = arith.maxsi %max3A_501, %sub3A_491 : vector<16xi32>
    %min3A_503 = vector.broadcast %jit3A_500 : i32 to vector<16xi32>
    %min3A_504 = arith.minsi %min3A_503, %max3A_502 : vector<16xi32>
    %add3A_505 = arith.constant 368 : i32
    %add3A_506 = vector.broadcast %add3A_505 : i32 to vector<16xi32>
    %add3A_507 = arith.addi %add3A_506, %iota3A : vector<16xi32>
    tpu.vector_store_idx %arg5[%min3A_504, %add3A_507], %broadcast_in_dim3A_3 masked %and3A_498 : memref<40x512xf32, #tpu.memory_space<vmem>>[vector<16xi32>, vector<16xi32>], vector<16xf32>, vector<16xi1>
    %get3A_508 = arith.constant 384 : index
    %get3A_509 = tpu.vector_load %arg4[%get3A_508] {strides = array<i32>} : memref<512xi32, #tpu.memory_space<vmem>>, vector<16xi32>,
    %sub3A_510 = arith.constant 0 : i32
    %sub3A_511 = vector.broadcast %sub3A_510 : i32 to vector<16xi32>
    %sub3A_512 = arith.subi %get3A_509, %sub3A_511 : vector<16xi32>
    %ge3A_513 = arith.constant 0 : i32
    %ge3A_514 = vector.broadcast %ge3A_513 : i32 to vector<16xi32>
    %ge3A_515 = arith.cmpi sge, %sub3A_512, %ge3A_514 : vector<16xi32>
    %lt3A_516 = arith.constant 40 : i32
    %lt3A_517 = vector.broadcast %lt3A_516 : i32 to vector<16xi32>
    %lt3A_518 = arith.cmpi slt, %sub3A_512, %lt3A_517 : vector<16xi32>
    %and3A_519 = arith.andi %ge3A_515, %lt3A_518 : vector<16xi1>
    %jit3A_520 = arith.constant 0 : i32
    %jit3A_521 = arith.constant 39 : i32
    %max3A_522 = vector.broadcast %jit3A_520 : i32 to vector<16xi32>
    %max3A_523 = arith.maxsi %max3A_522, %sub3A_512 : vector<16xi32>
    %min3A_524 = vector.broadcast %jit3A_521 : i32 to vector<16xi32>
    %min3A_525 = arith.minsi %min3A_524, %max3A_523 : vector<16xi32>
    %add3A_526 = arith.constant 384 : i32
    %add3A_527 = vector.broadcast %add3A_526 : i32 to vector<16xi32>
    %add3A_528 = arith.addi %add3A_527, %iota3A : vector<16xi32>
    tpu.vector_store_idx %arg5[%min3A_525, %add3A_528], %broadcast_in_dim3A_3 masked %and3A_519 : memref<40x512xf32, #tpu.memory_space<vmem>>[vector<16xi32>, vector<16xi32>], vector<16xf32>, vector<16xi1>
    %get3A_529 = arith.constant 400 : index
    %get3A_530 = tpu.vector_load %arg4[%get3A_529] {strides = array<i32>} : memref<512xi32, #tpu.memory_space<vmem>>, vector<16xi32>,
    %sub3A_531 = arith.constant 0 : i32
    %sub3A_532 = vector.broadcast %sub3A_531 : i32 to vector<16xi32>
    %sub3A_533 = arith.subi %get3A_530, %sub3A_532 : vector<16xi32>
    %ge3A_534 = arith.constant 0 : i32
    %ge3A_535 = vector.broadcast %ge3A_534 : i32 to vector<16xi32>
    %ge3A_536 = arith.cmpi sge, %sub3A_533, %ge3A_535 : vector<16xi32>
    %lt3A_537 = arith.constant 40 : i32
    %lt3A_538 = vector.broadcast %lt3A_537 : i32 to vector<16xi32>
    %lt3A_539 = arith.cmpi slt, %sub3A_533, %lt3A_538 : vector<16xi32>
    %and3A_540 = arith.andi %ge3A_536, %lt3A_539 : vector<16xi1>
    %jit3A_541 = arith.constant 0 : i32
    %jit3A_542 = arith.constant 39 : i32
    %max3A_543 = vector.broadcast %jit3A_541 : i32 to vector<16xi32>
    %max3A_544 = arith.maxsi %max3A_543, %sub3A_533 : vector<16xi32>
    %min3A_545 = vector.broadcast %jit3A_542 : i32 to vector<16xi32>
    %min3A_546 = arith.minsi %min3A_545, %max3A_544 : vector<16xi32>
    %add3A_547 = arith.constant 400 : i32
    %add3A_548 = vector.broadcast %add3A_547 : i32 to vector<16xi32>
    %add3A_549 = arith.addi %add3A_548, %iota3A : vector<16xi32>
    tpu.vector_store_idx %arg5[%min3A_546, %add3A_549], %broadcast_in_dim3A_3 masked %and3A_540 : memref<40x512xf32, #tpu.memory_space<vmem>>[vector<16xi32>, vector<16xi32>], vector<16xf32>, vector<16xi1>
    %get3A_550 = arith.constant 416 : index
    %get3A_551 = tpu.vector_load %arg4[%get3A_550] {strides = array<i32>} : memref<512xi32, #tpu.memory_space<vmem>>, vector<16xi32>,
    %sub3A_552 = arith.constant 0 : i32
    %sub3A_553 = vector.broadcast %sub3A_552 : i32 to vector<16xi32>
    %sub3A_554 = arith.subi %get3A_551, %sub3A_553 : vector<16xi32>
    %ge3A_555 = arith.constant 0 : i32
    %ge3A_556 = vector.broadcast %ge3A_555 : i32 to vector<16xi32>
    %ge3A_557 = arith.cmpi sge, %sub3A_554, %ge3A_556 : vector<16xi32>
    %lt3A_558 = arith.constant 40 : i32
    %lt3A_559 = vector.broadcast %lt3A_558 : i32 to vector<16xi32>
    %lt3A_560 = arith.cmpi slt, %sub3A_554, %lt3A_559 : vector<16xi32>
    %and3A_561 = arith.andi %ge3A_557, %lt3A_560 : vector<16xi1>
    %jit3A_562 = arith.constant 0 : i32
    %jit3A_563 = arith.constant 39 : i32
    %max3A_564 = vector.broadcast %jit3A_562 : i32 to vector<16xi32>
    %max3A_565 = arith.maxsi %max3A_564, %sub3A_554 : vector<16xi32>
    %min3A_566 = vector.broadcast %jit3A_563 : i32 to vector<16xi32>
    %min3A_567 = arith.minsi %min3A_566, %max3A_565 : vector<16xi32>
    %add3A_568 = arith.constant 416 : i32
    %add3A_569 = vector.broadcast %add3A_568 : i32 to vector<16xi32>
    %add3A_570 = arith.addi %add3A_569, %iota3A : vector<16xi32>
    tpu.vector_store_idx %arg5[%min3A_567, %add3A_570], %broadcast_in_dim3A_3 masked %and3A_561 : memref<40x512xf32, #tpu.memory_space<vmem>>[vector<16xi32>, vector<16xi32>], vector<16xf32>, vector<16xi1>
    %get3A_571 = arith.constant 432 : index
    %get3A_572 = tpu.vector_load %arg4[%get3A_571] {strides = array<i32>} : memref<512xi32, #tpu.memory_space<vmem>>, vector<16xi32>,
    %sub3A_573 = arith.constant 0 : i32
    %sub3A_574 = vector.broadcast %sub3A_573 : i32 to vector<16xi32>
    %sub3A_575 = arith.subi %get3A_572, %sub3A_574 : vector<16xi32>
    %ge3A_576 = arith.constant 0 : i32
    %ge3A_577 = vector.broadcast %ge3A_576 : i32 to vector<16xi32>
    %ge3A_578 = arith.cmpi sge, %sub3A_575, %ge3A_577 : vector<16xi32>
    %lt3A_579 = arith.constant 40 : i32
    %lt3A_580 = vector.broadcast %lt3A_579 : i32 to vector<16xi32>
    %lt3A_581 = arith.cmpi slt, %sub3A_575, %lt3A_580 : vector<16xi32>
    %and3A_582 = arith.andi %ge3A_578, %lt3A_581 : vector<16xi1>
    %jit3A_583 = arith.constant 0 : i32
    %jit3A_584 = arith.constant 39 : i32
    %max3A_585 = vector.broadcast %jit3A_583 : i32 to vector<16xi32>
    %max3A_586 = arith.maxsi %max3A_585, %sub3A_575 : vector<16xi32>
    %min3A_587 = vector.broadcast %jit3A_584 : i32 to vector<16xi32>
    %min3A_588 = arith.minsi %min3A_587, %max3A_586 : vector<16xi32>
    %add3A_589 = arith.constant 432 : i32
    %add3A_590 = vector.broadcast %add3A_589 : i32 to vector<16xi32>
    %add3A_591 = arith.addi %add3A_590, %iota3A : vector<16xi32>
    tpu.vector_store_idx %arg5[%min3A_588, %add3A_591], %broadcast_in_dim3A_3 masked %and3A_582 : memref<40x512xf32, #tpu.memory_space<vmem>>[vector<16xi32>, vector<16xi32>], vector<16xf32>, vector<16xi1>
    %get3A_592 = arith.constant 448 : index
    %get3A_593 = tpu.vector_load %arg4[%get3A_592] {strides = array<i32>} : memref<512xi32, #tpu.memory_space<vmem>>, vector<16xi32>,
    %sub3A_594 = arith.constant 0 : i32
    %sub3A_595 = vector.broadcast %sub3A_594 : i32 to vector<16xi32>
    %sub3A_596 = arith.subi %get3A_593, %sub3A_595 : vector<16xi32>
    %ge3A_597 = arith.constant 0 : i32
    %ge3A_598 = vector.broadcast %ge3A_597 : i32 to vector<16xi32>
    %ge3A_599 = arith.cmpi sge, %sub3A_596, %ge3A_598 : vector<16xi32>
    %lt3A_600 = arith.constant 40 : i32
    %lt3A_601 = vector.broadcast %lt3A_600 : i32 to vector<16xi32>
    %lt3A_602 = arith.cmpi slt, %sub3A_596, %lt3A_601 : vector<16xi32>
    %and3A_603 = arith.andi %ge3A_599, %lt3A_602 : vector<16xi1>
    %jit3A_604 = arith.constant 0 : i32
    %jit3A_605 = arith.constant 39 : i32
    %max3A_606 = vector.broadcast %jit3A_604 : i32 to vector<16xi32>
    %max3A_607 = arith.maxsi %max3A_606, %sub3A_596 : vector<16xi32>
    %min3A_608 = vector.broadcast %jit3A_605 : i32 to vector<16xi32>
    %min3A_609 = arith.minsi %min3A_608, %max3A_607 : vector<16xi32>
    %add3A_610 = arith.constant 448 : i32
    %add3A_611 = vector.broadcast %add3A_610 : i32 to vector<16xi32>
    %add3A_612 = arith.addi %add3A_611, %iota3A : vector<16xi32>
    tpu.vector_store_idx %arg5[%min3A_609, %add3A_612], %broadcast_in_dim3A_3 masked %and3A_603 : memref<40x512xf32, #tpu.memory_space<vmem>>[vector<16xi32>, vector<16xi32>], vector<16xf32>, vector<16xi1>
    %get3A_613 = arith.constant 464 : index
    %get3A_614 = tpu.vector_load %arg4[%get3A_613] {strides = array<i32>} : memref<512xi32, #tpu.memory_space<vmem>>, vector<16xi32>,
    %sub3A_615 = arith.constant 0 : i32
    %sub3A_616 = vector.broadcast %sub3A_615 : i32 to vector<16xi32>
    %sub3A_617 = arith.subi %get3A_614, %sub3A_616 : vector<16xi32>
    %ge3A_618 = arith.constant 0 : i32
    %ge3A_619 = vector.broadcast %ge3A_618 : i32 to vector<16xi32>
    %ge3A_620 = arith.cmpi sge, %sub3A_617, %ge3A_619 : vector<16xi32>
    %lt3A_621 = arith.constant 40 : i32
    %lt3A_622 = vector.broadcast %lt3A_621 : i32 to vector<16xi32>
    %lt3A_623 = arith.cmpi slt, %sub3A_617, %lt3A_622 : vector<16xi32>
    %and3A_624 = arith.andi %ge3A_620, %lt3A_623 : vector<16xi1>
    %jit3A_625 = arith.constant 0 : i32
    %jit3A_626 = arith.constant 39 : i32
    %max3A_627 = vector.broadcast %jit3A_625 : i32 to vector<16xi32>
    %max3A_628 = arith.maxsi %max3A_627, %sub3A_617 : vector<16xi32>
    %min3A_629 = vector.broadcast %jit3A_626 : i32 to vector<16xi32>
    %min3A_630 = arith.minsi %min3A_629, %max3A_628 : vector<16xi32>
    %add3A_631 = arith.constant 464 : i32
    %add3A_632 = vector.broadcast %add3A_631 : i32 to vector<16xi32>
    %add3A_633 = arith.addi %add3A_632, %iota3A : vector<16xi32>
    tpu.vector_store_idx %arg5[%min3A_630, %add3A_633], %broadcast_in_dim3A_3 masked %and3A_624 : memref<40x512xf32, #tpu.memory_space<vmem>>[vector<16xi32>, vector<16xi32>], vector<16xf32>, vector<16xi1>
    %get3A_634 = arith.constant 480 : index
    %get3A_635 = tpu.vector_load %arg4[%get3A_634] {strides = array<i32>} : memref<512xi32, #tpu.memory_space<vmem>>, vector<16xi32>,
    %sub3A_636 = arith.constant 0 : i32
    %sub3A_637 = vector.broadcast %sub3A_636 : i32 to vector<16xi32>
    %sub3A_638 = arith.subi %get3A_635, %sub3A_637 : vector<16xi32>
    %ge3A_639 = arith.constant 0 : i32
    %ge3A_640 = vector.broadcast %ge3A_639 : i32 to vector<16xi32>
    %ge3A_641 = arith.cmpi sge, %sub3A_638, %ge3A_640 : vector<16xi32>
    %lt3A_642 = arith.constant 40 : i32
    %lt3A_643 = vector.broadcast %lt3A_642 : i32 to vector<16xi32>
    %lt3A_644 = arith.cmpi slt, %sub3A_638, %lt3A_643 : vector<16xi32>
    %and3A_645 = arith.andi %ge3A_641, %lt3A_644 : vector<16xi1>
    %jit3A_646 = arith.constant 0 : i32
    %jit3A_647 = arith.constant 39 : i32
    %max3A_648 = vector.broadcast %jit3A_646 : i32 to vector<16xi32>
    %max3A_649 = arith.maxsi %max3A_648, %sub3A_638 : vector<16xi32>
    %min3A_650 = vector.broadcast %jit3A_647 : i32 to vector<16xi32>
    %min3A_651 = arith.minsi %min3A_650, %max3A_649 : vector<16xi32>
    %add3A_652 = arith.constant 480 : i32
    %add3A_653 = vector.broadcast %add3A_652 : i32 to vector<16xi32>
    %add3A_654 = arith.addi %add3A_653, %iota3A : vector<16xi32>
    tpu.vector_store_idx %arg5[%min3A_651, %add3A_654], %broadcast_in_dim3A_3 masked %and3A_645 : memref<40x512xf32, #tpu.memory_space<vmem>>[vector<16xi32>, vector<16xi32>], vector<16xf32>, vector<16xi1>
    %get3A_655 = arith.constant 496 : index
    %get3A_656 = tpu.vector_load %arg4[%get3A_655] {strides = array<i32>} : memref<512xi32, #tpu.memory_space<vmem>>, vector<16xi32>,
    %sub3A_657 = arith.constant 0 : i32
    %sub3A_658 = vector.broadcast %sub3A_657 : i32 to vector<16xi32>
    %sub3A_659 = arith.subi %get3A_656, %sub3A_658 : vector<16xi32>
    %ge3A_660 = arith.constant 0 : i32
    %ge3A_661 = vector.broadcast %ge3A_660 : i32 to vector<16xi32>
    %ge3A_662 = arith.cmpi sge, %sub3A_659, %ge3A_661 : vector<16xi32>
    %lt3A_663 = arith.constant 40 : i32
    %lt3A_664 = vector.broadcast %lt3A_663 : i32 to vector<16xi32>
    %lt3A_665 = arith.cmpi slt, %sub3A_659, %lt3A_664 : vector<16xi32>
    %and3A_666 = arith.andi %ge3A_662, %lt3A_665 : vector<16xi1>
    %jit3A_667 = arith.constant 0 : i32
    %jit3A_668 = arith.constant 39 : i32
    %max3A_669 = vector.broadcast %jit3A_667 : i32 to vector<16xi32>
    %max3A_670 = arith.maxsi %max3A_669, %sub3A_659 : vector<16xi32>
    %min3A_671 = vector.broadcast %jit3A_668 : i32 to vector<16xi32>
    %min3A_672 = arith.minsi %min3A_671, %max3A_670 : vector<16xi32>
    %add3A_673 = arith.constant 496 : i32
    %add3A_674 = vector.broadcast %add3A_673 : i32 to vector<16xi32>
    %add3A_675 = arith.addi %add3A_674, %iota3A : vector<16xi32>
    tpu.vector_store_idx %arg5[%min3A_672, %add3A_675], %broadcast_in_dim3A_3 masked %and3A_666 : memref<40x512xf32, #tpu.memory_space<vmem>>[vector<16xi32>, vector<16xi32>], vector<16xf32>, vector<16xi1>
    %dma_start3A = arith.constant 0 : i32
    %dma_start3A_676 = tpu.memref_slice %arg3[%dma_start3A, %mul3A_2] : memref<1000x16384xf32, #tpu.memory_space<hbm>> -> memref<40x512xf32, #tpu.memory_space<hbm>>
    %dma_start3A_677 = arith.constant 0 : i32
    %dma_start3A_678 = tpu.memref_slice %arg3[%dma_start3A_677, %mul3A_2] : memref<1000x16384xf32, #tpu.memory_space<hbm>> -> memref<40x512xf32, #tpu.memory_space<hbm>>
    tpu.enqueue_dma source(%arg5 : memref<40x512xf32, #tpu.memory_space<vmem>>) target(%dma_start3A_678 : memref<40x512xf32, #tpu.memory_space<hbm>>) target_semaphore(%arg7 : memref<!tpu.dma_semaphore, #tpu.memory_space<semaphore_mem>>)
    %get3A_679 = arith.constant 0 : index
    %get3A_680 = tpu.vector_load %arg4[%get3A_679] {strides = array<i32>} : memref<512xi32, #tpu.memory_space<vmem>>, vector<16xi32>,
    %sub3A_681 = arith.constant 40 : i32
    %sub3A_682 = vector.broadcast %sub3A_681 : i32 to vector<16xi32>
    %sub3A_683 = arith.subi %get3A_680, %sub3A_682 : vector<16xi32>
    %ge3A_684 = arith.constant 0 : i32
    %ge3A_685 = vector.broadcast %ge3A_684 : i32 to vector<16xi32>
    %ge3A_686 = arith.cmpi sge, %sub3A_683, %ge3A_685 : vector<16xi32>
    %lt3A_687 = arith.constant 40 : i32
    %lt3A_688 = vector.broadcast %lt3A_687 : i32 to vector<16xi32>
    %lt3A_689 = arith.cmpi slt, %sub3A_683, %lt3A_688 : vector<16xi32>
    %and3A_690 = arith.andi %ge3A_686, %lt3A_689 : vector<16xi1>
    %jit3A_691 = arith.constant 0 : i32
    %jit3A_692 = arith.constant 39 : i32
    %max3A_693 = vector.broadcast %jit3A_691 : i32 to vector<16xi32>
    %max3A_694 = arith.maxsi %max3A_693, %sub3A_683 : vector<16xi32>
    %min3A_695 = vector.broadcast %jit3A_692 : i32 to vector<16xi32>
    %min3A_696 = arith.minsi %min3A_695, %max3A_694 : vector<16xi32>
    %add3A_697 = arith.constant 0 : i32
    %add3A_698 = vector.broadcast %add3A_697 : i32 to vector<16xi32>
    %add3A_699 = arith.addi %add3A_698, %iota3A : vector<16xi32>
    tpu.vector_store_idx %arg6[%min3A_696, %add3A_699], %broadcast_in_dim3A_3 masked %and3A_690 : memref<40x512xf32, #tpu.memory_space<vmem>>[vector<16xi32>, vector<16xi32>], vector<16xf32>, vector<16xi1>
    %get3A_700 = arith.constant 16 : index
    %get3A_701 = tpu.vector_load %arg4[%get3A_700] {strides = array<i32>} : memref<512xi32, #tpu.memory_space<vmem>>, vector<16xi32>,
    %sub3A_702 = arith.constant 40 : i32
    %sub3A_703 = vector.broadcast %sub3A_702 : i32 to vector<16xi32>
    %sub3A_704 = arith.subi %get3A_701, %sub3A_703 : vector<16xi32>
    %ge3A_705 = arith.constant 0 : i32
    %ge3A_706 = vector.broadcast %ge3A_705 : i32 to vector<16xi32>
    %ge3A_707 = arith.cmpi sge, %sub3A_704, %ge3A_706 : vector<16xi32>
    %lt3A_708 = arith.constant 40 : i32
    %lt3A_709 = vector.broadcast %lt3A_708 : i32 to vector<16xi32>
    %lt3A_710 = arith.cmpi slt, %sub3A_704, %lt3A_709 : vector<16xi32>
    %and3A_711 = arith.andi %ge3A_707, %lt3A_710 : vector<16xi1>
    %jit3A_712 = arith.constant 0 : i32
    %jit3A_713 = arith.constant 39 : i32
    %max3A_714 = vector.broadcast %jit3A_712 : i32 to vector<16xi32>
    %max3A_715 = arith.maxsi %max3A_714, %sub3A_704 : vector<16xi32>
    %min3A_716 = vector.broadcast %jit3A_713 : i32 to vector<16xi32>
    %min3A_717 = arith.minsi %min3A_716, %max3A_715 : vector<16xi32>
    %add3A_718 = arith.constant 16 : i32
    %add3A_719 = vector.broadcast %add3A_718 : i32 to vector<16xi32>
    %add3A_720 = arith.addi %add3A_719, %iota3A : vector<16xi32>
    tpu.vector_store_idx %arg6[%min3A_717, %add3A_720], %broadcast_in_dim3A_3 masked %and3A_711 : memref<40x512xf32, #tpu.memory_space<vmem>>[vector<16xi32>, vector<16xi32>], vector<16xf32>, vector<16xi1>
    %get3A_721 = arith.constant 32 : index
    %get3A_722 = tpu.vector_load %arg4[%get3A_721] {strides = array<i32>} : memref<512xi32, #tpu.memory_space<vmem>>, vector<16xi32>,
    %sub3A_723 = arith.constant 40 : i32
    %sub3A_724 = vector.broadcast %sub3A_723 : i32 to vector<16xi32>
    %sub3A_725 = arith.subi %get3A_722, %sub3A_724 : vector<16xi32>
    %ge3A_726 = arith.constant 0 : i32
    %ge3A_727 = vector.broadcast %ge3A_726 : i32 to vector<16xi32>
    %ge3A_728 = arith.cmpi sge, %sub3A_725, %ge3A_727 : vector<16xi32>
    %lt3A_729 = arith.constant 40 : i32
    %lt3A_730 = vector.broadcast %lt3A_729 : i32 to vector<16xi32>
    %lt3A_731 = arith.cmpi slt, %sub3A_725, %lt3A_730 : vector<16xi32>
    %and3A_732 = arith.andi %ge3A_728, %lt3A_731 : vector<16xi1>
    %jit3A_733 = arith.constant 0 : i32
    %jit3A_734 = arith.constant 39 : i32
    %max3A_735 = vector.broadcast %jit3A_733 : i32 to vector<16xi32>
    %max3A_736 = arith.maxsi %max3A_735, %sub3A_725 : vector<16xi32>
    %min3A_737 = vector.broadcast %jit3A_734 : i32 to vector<16xi32>
    %min3A_738 = arith.minsi %min3A_737, %max3A_736 : vector<16xi32>
    %add3A_739 = arith.constant 32 : i32
    %add3A_740 = vector.broadcast %add3A_739 : i32 to vector<16xi32>
    %add3A_741 = arith.addi %add3A_740, %iota3A : vector<16xi32>
    tpu.vector_store_idx %arg6[%min3A_738, %add3A_741], %broadcast_in_dim3A_3 masked %and3A_732 : memref<40x512xf32, #tpu.memory_space<vmem>>[vector<16xi32>, vector<16xi32>], vector<16xf32>, vector<16xi1>
    %get3A_742 = arith.constant 48 : index
    %get3A_743 = tpu.vector_load %arg4[%get3A_742] {strides = array<i32>} : memref<512xi32, #tpu.memory_space<vmem>>, vector<16xi32>,
    %sub3A_744 = arith.constant 40 : i32
    %sub3A_745 = vector.broadcast %sub3A_744 : i32 to vector<16xi32>
    %sub3A_746 = arith.subi %get3A_743, %sub3A_745 : vector<16xi32>
    %ge3A_747 = arith.constant 0 : i32
    %ge3A_748 = vector.broadcast %ge3A_747 : i32 to vector<16xi32>
    %ge3A_749 = arith.cmpi sge, %sub3A_746, %ge3A_748 : vector<16xi32>
    %lt3A_750 = arith.constant 40 : i32
    %lt3A_751 = vector.broadcast %lt3A_750 : i32 to vector<16xi32>
    %lt3A_752 = arith.cmpi slt, %sub3A_746, %lt3A_751 : vector<16xi32>
    %and3A_753 = arith.andi %ge3A_749, %lt3A_752 : vector<16xi1>
    %jit3A_754 = arith.constant 0 : i32
    %jit3A_755 = arith.constant 39 : i32
    %max3A_756 = vector.broadcast %jit3A_754 : i32 to vector<16xi32>
    %max3A_757 = arith.maxsi %max3A_756, %sub3A_746 : vector<16xi32>
    %min3A_758 = vector.broadcast %jit3A_755 : i32 to vector<16xi32>
    %min3A_759 = arith.minsi %min3A_758, %max3A_757 : vector<16xi32>
    %add3A_760 = arith.constant 48 : i32
    %add3A_761 = vector.broadcast %add3A_760 : i32 to vector<16xi32>
    %add3A_762 = arith.addi %add3A_761, %iota3A : vector<16xi32>
    tpu.vector_store_idx %arg6[%min3A_759, %add3A_762], %broadcast_in_dim3A_3 masked %and3A_753 : memref<40x512xf32, #tpu.memory_space<vmem>>[vector<16xi32>, vector<16xi32>], vector<16xf32>, vector<16xi1>
    %get3A_763 = arith.constant 64 : index
    %get3A_764 = tpu.vector_load %arg4[%get3A_763] {strides = array<i32>} : memref<512xi32, #tpu.memory_space<vmem>>, vector<16xi32>,
    %sub3A_765 = arith.constant 40 : i32
    %sub3A_766 = vector.broadcast %sub3A_765 : i32 to vector<16xi32>
    %sub3A_767 = arith.subi %get3A_764, %sub3A_766 : vector<16xi32>
    %ge3A_768 = arith.constant 0 : i32
    %ge3A_769 = vector.broadcast %ge3A_768 : i32 to vector<16xi32>
    %ge3A_770 = arith.cmpi sge, %sub3A_767, %ge3A_769 : vector<16xi32>
    %lt3A_771 = arith.constant 40 : i32
    %lt3A_772 = vector.broadcast %lt3A_771 : i32 to vector<16xi32>
    %lt3A_773 = arith.cmpi slt, %sub3A_767, %lt3A_772 : vector<16xi32>
    %and3A_774 = arith.andi %ge3A_770, %lt3A_773 : vector<16xi1>
    %jit3A_775 = arith.constant 0 : i32
    %jit3A_776 = arith.constant 39 : i32
    %max3A_777 = vector.broadcast %jit3A_775 : i32 to vector<16xi32>
    %max3A_778 = arith.maxsi %max3A_777, %sub3A_767 : vector<16xi32>
    %min3A_779 = vector.broadcast %jit3A_776 : i32 to vector<16xi32>
    %min3A_780 = arith.minsi %min3A_779, %max3A_778 : vector<16xi32>
    %add3A_781 = arith.constant 64 : i32
    %add3A_782 = vector.broadcast %add3A_781 : i32 to vector<16xi32>
    %add3A_783 = arith.addi %add3A_782, %iota3A : vector<16xi32>
    tpu.vector_store_idx %arg6[%min3A_780, %add3A_783], %broadcast_in_dim3A_3 masked %and3A_774 : memref<40x512xf32, #tpu.memory_space<vmem>>[vector<16xi32>, vector<16xi32>], vector<16xf32>, vector<16xi1>
    %get3A_784 = arith.constant 80 : index
    %get3A_785 = tpu.vector_load %arg4[%get3A_784] {strides = array<i32>} : memref<512xi32, #tpu.memory_space<vmem>>, vector<16xi32>,
    %sub3A_786 = arith.constant 40 : i32
    %sub3A_787 = vector.broadcast %sub3A_786 : i32 to vector<16xi32>
    %sub3A_788 = arith.subi %get3A_785, %sub3A_787 : vector<16xi32>
    %ge3A_789 = arith.constant 0 : i32
    %ge3A_790 = vector.broadcast %ge3A_789 : i32 to vector<16xi32>
    %ge3A_791 = arith.cmpi sge, %sub3A_788, %ge3A_790 : vector<16xi32>
    %lt3A_792 = arith.constant 40 : i32
    %lt3A_793 = vector.broadcast %lt3A_792 : i32 to vector<16xi32>
    %lt3A_794 = arith.cmpi slt, %sub3A_788, %lt3A_793 : vector<16xi32>
    %and3A_795 = arith.andi %ge3A_791, %lt3A_794 : vector<16xi1>
    %jit3A_796 = arith.constant 0 : i32
    %jit3A_797 = arith.constant 39 : i32
    %max3A_798 = vector.broadcast %jit3A_796 : i32 to vector<16xi32>
    %max3A_799 = arith.maxsi %max3A_798, %sub3A_788 : vector<16xi32>
    %min3A_800 = vector.broadcast %jit3A_797 : i32 to vector<16xi32>
    %min3A_801 = arith.minsi %min3A_800, %max3A_799 : vector<16xi32>
    %add3A_802 = arith.constant 80 : i32
    %add3A_803 = vector.broadcast %add3A_802 : i32 to vector<16xi32>
    %add3A_804 = arith.addi %add3A_803, %iota3A : vector<16xi32>
    tpu.vector_store_idx %arg6[%min3A_801, %add3A_804], %broadcast_in_dim3A_3 masked %and3A_795 : memref<40x512xf32, #tpu.memory_space<vmem>>[vector<16xi32>, vector<16xi32>], vector<16xf32>, vector<16xi1>
    %get3A_805 = arith.constant 96 : index
    %get3A_806 = tpu.vector_load %arg4[%get3A_805] {strides = array<i32>} : memref<512xi32, #tpu.memory_space<vmem>>, vector<16xi32>,
    %sub3A_807 = arith.constant 40 : i32
    %sub3A_808 = vector.broadcast %sub3A_807 : i32 to vector<16xi32>
    %sub3A_809 = arith.subi %get3A_806, %sub3A_808 : vector<16xi32>
    %ge3A_810 = arith.constant 0 : i32
    %ge3A_811 = vector.broadcast %ge3A_810 : i32 to vector<16xi32>
    %ge3A_812 = arith.cmpi sge, %sub3A_809, %ge3A_811 : vector<16xi32>
    %lt3A_813 = arith.constant 40 : i32
    %lt3A_814 = vector.broadcast %lt3A_813 : i32 to vector<16xi32>
    %lt3A_815 = arith.cmpi slt, %sub3A_809, %lt3A_814 : vector<16xi32>
    %and3A_816 = arith.andi %ge3A_812, %lt3A_815 : vector<16xi1>
    %jit3A_817 = arith.constant 0 : i32
    %jit3A_818 = arith.constant 39 : i32
    %max3A_819 = vector.broadcast %jit3A_817 : i32 to vector<16xi32>
    %max3A_820 = arith.maxsi %max3A_819, %sub3A_809 : vector<16xi32>
    %min3A_821 = vector.broadcast %jit3A_818 : i32 to vector<16xi32>
    %min3A_822 = arith.minsi %min3A_821, %max3A_820 : vector<16xi32>
    %add3A_823 = arith.constant 96 : i32
    %add3A_824 = vector.broadcast %add3A_823 : i32 to vector<16xi32>
    %add3A_825 = arith.addi %add3A_824, %iota3A : vector<16xi32>
    tpu.vector_store_idx %arg6[%min3A_822, %add3A_825], %broadcast_in_dim3A_3 masked %and3A_816 : memref<40x512xf32, #tpu.memory_space<vmem>>[vector<16xi32>, vector<16xi32>], vector<16xf32>, vector<16xi1>
    %get3A_826 = arith.constant 112 : index
    %get3A_827 = tpu.vector_load %arg4[%get3A_826] {strides = array<i32>} : memref<512xi32, #tpu.memory_space<vmem>>, vector<16xi32>,
    %sub3A_828 = arith.constant 40 : i32
    %sub3A_829 = vector.broadcast %sub3A_828 : i32 to vector<16xi32>
    %sub3A_830 = arith.subi %get3A_827, %sub3A_829 : vector<16xi32>
    %ge3A_831 = arith.constant 0 : i32
    %ge3A_832 = vector.broadcast %ge3A_831 : i32 to vector<16xi32>
    %ge3A_833 = arith.cmpi sge, %sub3A_830, %ge3A_832 : vector<16xi32>
    %lt3A_834 = arith.constant 40 : i32
    %lt3A_835 = vector.broadcast %lt3A_834 : i32 to vector<16xi32>
    %lt3A_836 = arith.cmpi slt, %sub3A_830, %lt3A_835 : vector<16xi32>
    %and3A_837 = arith.andi %ge3A_833, %lt3A_836 : vector<16xi1>
    %jit3A_838 = arith.constant 0 : i32
    %jit3A_839 = arith.constant 39 : i32
    %max3A_840 = vector.broadcast %jit3A_838 : i32 to vector<16xi32>
    %max3A_841 = arith.maxsi %max3A_840, %sub3A_830 : vector<16xi32>
    %min3A_842 = vector.broadcast %jit3A_839 : i32 to vector<16xi32>
    %min3A_843 = arith.minsi %min3A_842, %max3A_841 : vector<16xi32>
    %add3A_844 = arith.constant 112 : i32
    %add3A_845 = vector.broadcast %add3A_844 : i32 to vector<16xi32>
    %add3A_846 = arith.addi %add3A_845, %iota3A : vector<16xi32>
    tpu.vector_store_idx %arg6[%min3A_843, %add3A_846], %broadcast_in_dim3A_3 masked %and3A_837 : memref<40x512xf32, #tpu.memory_space<vmem>>[vector<16xi32>, vector<16xi32>], vector<16xf32>, vector<16xi1>
    %get3A_847 = arith.constant 128 : index
    %get3A_848 = tpu.vector_load %arg4[%get3A_847] {strides = array<i32>} : memref<512xi32, #tpu.memory_space<vmem>>, vector<16xi32>,
    %sub3A_849 = arith.constant 40 : i32
    %sub3A_850 = vector.broadcast %sub3A_849 : i32 to vector<16xi32>
    %sub3A_851 = arith.subi %get3A_848, %sub3A_850 : vector<16xi32>
    %ge3A_852 = arith.constant 0 : i32
    %ge3A_853 = vector.broadcast %ge3A_852 : i32 to vector<16xi32>
    %ge3A_854 = arith.cmpi sge, %sub3A_851, %ge3A_853 : vector<16xi32>
    %lt3A_855 = arith.constant 40 : i32
    %lt3A_856 = vector.broadcast %lt3A_855 : i32 to vector<16xi32>
    %lt3A_857 = arith.cmpi slt, %sub3A_851, %lt3A_856 : vector<16xi32>
    %and3A_858 = arith.andi %ge3A_854, %lt3A_857 : vector<16xi1>
    %jit3A_859 = arith.constant 0 : i32
    %jit3A_860 = arith.constant 39 : i32
    %max3A_861 = vector.broadcast %jit3A_859 : i32 to vector<16xi32>
    %max3A_862 = arith.maxsi %max3A_861, %sub3A_851 : vector<16xi32>
    %min3A_863 = vector.broadcast %jit3A_860 : i32 to vector<16xi32>
    %min3A_864 = arith.minsi %min3A_863, %max3A_862 : vector<16xi32>
    %add3A_865 = arith.constant 128 : i32
    %add3A_866 = vector.broadcast %add3A_865 : i32 to vector<16xi32>
    %add3A_867 = arith.addi %add3A_866, %iota3A : vector<16xi32>
    tpu.vector_store_idx %arg6[%min3A_864, %add3A_867], %broadcast_in_dim3A_3 masked %and3A_858 : memref<40x512xf32, #tpu.memory_space<vmem>>[vector<16xi32>, vector<16xi32>], vector<16xf32>, vector<16xi1>
    %get3A_868 = arith.constant 144 : index
    %get3A_869 = tpu.vector_load %arg4[%get3A_868] {strides = array<i32>} : memref<512xi32, #tpu.memory_space<vmem>>, vector<16xi32>,
    %sub3A_870 = arith.constant 40 : i32
    %sub3A_871 = vector.broadcast %sub3A_870 : i32 to vector<16xi32>
    %sub3A_872 = arith.subi %get3A_869, %sub3A_871 : vector<16xi32>
    %ge3A_873 = arith.constant 0 : i32
    %ge3A_874 = vector.broadcast %ge3A_873 : i32 to vector<16xi32>
    %ge3A_875 = arith.cmpi sge, %sub3A_872, %ge3A_874 : vector<16xi32>
    %lt3A_876 = arith.constant 40 : i32
    %lt3A_877 = vector.broadcast %lt3A_876 : i32 to vector<16xi32>
    %lt3A_878 = arith.cmpi slt, %sub3A_872, %lt3A_877 : vector<16xi32>
    %and3A_879 = arith.andi %ge3A_875, %lt3A_878 : vector<16xi1>
    %jit3A_880 = arith.constant 0 : i32
    %jit3A_881 = arith.constant 39 : i32
    %max3A_882 = vector.broadcast %jit3A_880 : i32 to vector<16xi32>
    %max3A_883 = arith.maxsi %max3A_882, %sub3A_872 : vector<16xi32>
    %min3A_884 = vector.broadcast %jit3A_881 : i32 to vector<16xi32>
    %min3A_885 = arith.minsi %min3A_884, %max3A_883 : vector<16xi32>
    %add3A_886 = arith.constant 144 : i32
    %add3A_887 = vector.broadcast %add3A_886 : i32 to vector<16xi32>
    %add3A_888 = arith.addi %add3A_887, %iota3A : vector<16xi32>
    tpu.vector_store_idx %arg6[%min3A_885, %add3A_888], %broadcast_in_dim3A_3 masked %and3A_879 : memref<40x512xf32, #tpu.memory_space<vmem>>[vector<16xi32>, vector<16xi32>], vector<16xf32>, vector<16xi1>
    %get3A_889 = arith.constant 160 : index
    %get3A_890 = tpu.vector_load %arg4[%get3A_889] {strides = array<i32>} : memref<512xi32, #tpu.memory_space<vmem>>, vector<16xi32>,
    %sub3A_891 = arith.constant 40 : i32
    %sub3A_892 = vector.broadcast %sub3A_891 : i32 to vector<16xi32>
    %sub3A_893 = arith.subi %get3A_890, %sub3A_892 : vector<16xi32>
    %ge3A_894 = arith.constant 0 : i32
    %ge3A_895 = vector.broadcast %ge3A_894 : i32 to vector<16xi32>
    %ge3A_896 = arith.cmpi sge, %sub3A_893, %ge3A_895 : vector<16xi32>
    %lt3A_897 = arith.constant 40 : i32
    %lt3A_898 = vector.broadcast %lt3A_897 : i32 to vector<16xi32>
    %lt3A_899 = arith.cmpi slt, %sub3A_893, %lt3A_898 : vector<16xi32>
    %and3A_900 = arith.andi %ge3A_896, %lt3A_899 : vector<16xi1>
    %jit3A_901 = arith.constant 0 : i32
    %jit3A_902 = arith.constant 39 : i32
    %max3A_903 = vector.broadcast %jit3A_901 : i32 to vector<16xi32>
    %max3A_904 = arith.maxsi %max3A_903, %sub3A_893 : vector<16xi32>
    %min3A_905 = vector.broadcast %jit3A_902 : i32 to vector<16xi32>
    %min3A_906 = arith.minsi %min3A_905, %max3A_904 : vector<16xi32>
    %add3A_907 = arith.constant 160 : i32
    %add3A_908 = vector.broadcast %add3A_907 : i32 to vector<16xi32>
    %add3A_909 = arith.addi %add3A_908, %iota3A : vector<16xi32>
    tpu.vector_store_idx %arg6[%min3A_906, %add3A_909], %broadcast_in_dim3A_3 masked %and3A_900 : memref<40x512xf32, #tpu.memory_space<vmem>>[vector<16xi32>, vector<16xi32>], vector<16xf32>, vector<16xi1>
    %get3A_910 = arith.constant 176 : index
    %get3A_911 = tpu.vector_load %arg4[%get3A_910] {strides = array<i32>} : memref<512xi32, #tpu.memory_space<vmem>>, vector<16xi32>,
    %sub3A_912 = arith.constant 40 : i32
    %sub3A_913 = vector.broadcast %sub3A_912 : i32 to vector<16xi32>
    %sub3A_914 = arith.subi %get3A_911, %sub3A_913 : vector<16xi32>
    %ge3A_915 = arith.constant 0 : i32
    %ge3A_916 = vector.broadcast %ge3A_915 : i32 to vector<16xi32>
    %ge3A_917 = arith.cmpi sge, %sub3A_914, %ge3A_916 : vector<16xi32>
    %lt3A_918 = arith.constant 40 : i32
    %lt3A_919 = vector.broadcast %lt3A_918 : i32 to vector<16xi32>
    %lt3A_920 = arith.cmpi slt, %sub3A_914, %lt3A_919 : vector<16xi32>
    %and3A_921 = arith.andi %ge3A_917, %lt3A_920 : vector<16xi1>
    %jit3A_922 = arith.constant 0 : i32
    %jit3A_923 = arith.constant 39 : i32
    %max3A_924 = vector.broadcast %jit3A_922 : i32 to vector<16xi32>
    %max3A_925 = arith.maxsi %max3A_924, %sub3A_914 : vector<16xi32>
    %min3A_926 = vector.broadcast %jit3A_923 : i32 to vector<16xi32>
    %min3A_927 = arith.minsi %min3A_926, %max3A_925 : vector<16xi32>
    %add3A_928 = arith.constant 176 : i32
    %add3A_929 = vector.broadcast %add3A_928 : i32 to vector<16xi32>
    %add3A_930 = arith.addi %add3A_929, %iota3A : vector<16xi32>
    tpu.vector_store_idx %arg6[%min3A_927, %add3A_930], %broadcast_in_dim3A_3 masked %and3A_921 : memref<40x512xf32, #tpu.memory_space<vmem>>[vector<16xi32>, vector<16xi32>], vector<16xf32>, vector<16xi1>
    %get3A_931 = arith.constant 192 : index
    %get3A_932 = tpu.vector_load %arg4[%get3A_931] {strides = array<i32>} : memref<512xi32, #tpu.memory_space<vmem>>, vector<16xi32>,
    %sub3A_933 = arith.constant 40 : i32
    %sub3A_934 = vector.broadcast %sub3A_933 : i32 to vector<16xi32>
    %sub3A_935 = arith.subi %get3A_932, %sub3A_934 : vector<16xi32>
    %ge3A_936 = arith.constant 0 : i32
    %ge3A_937 = vector.broadcast %ge3A_936 : i32 to vector<16xi32>
    %ge3A_938 = arith.cmpi sge, %sub3A_935, %ge3A_937 : vector<16xi32>
    %lt3A_939 = arith.constant 40 : i32
    %lt3A_940 = vector.broadcast %lt3A_939 : i32 to vector<16xi32>
    %lt3A_941 = arith.cmpi slt, %sub3A_935, %lt3A_940 : vector<16xi32>
    %and3A_942 = arith.andi %ge3A_938, %lt3A_941 : vector<16xi1>
    %jit3A_943 = arith.constant 0 : i32
    %jit3A_944 = arith.constant 39 : i32
    %max3A_945 = vector.broadcast %jit3A_943 : i32 to vector<16xi32>
    %max3A_946 = arith.maxsi %max3A_945, %sub3A_935 : vector<16xi32>
    %min3A_947 = vector.broadcast %jit3A_944 : i32 to vector<16xi32>
    %min3A_948 = arith.minsi %min3A_947, %max3A_946 : vector<16xi32>
    %add3A_949 = arith.constant 192 : i32
    %add3A_950 = vector.broadcast %add3A_949 : i32 to vector<16xi32>
    %add3A_951 = arith.addi %add3A_950, %iota3A : vector<16xi32>
    tpu.vector_store_idx %arg6[%min3A_948, %add3A_951], %broadcast_in_dim3A_3 masked %and3A_942 : memref<40x512xf32, #tpu.memory_space<vmem>>[vector<16xi32>, vector<16xi32>], vector<16xf32>, vector<16xi1>
    %get3A_952 = arith.constant 208 : index
    %get3A_953 = tpu.vector_load %arg4[%get3A_952] {strides = array<i32>} : memref<512xi32, #tpu.memory_space<vmem>>, vector<16xi32>,
    %sub3A_954 = arith.constant 40 : i32
    %sub3A_955 = vector.broadcast %sub3A_954 : i32 to vector<16xi32>
    %sub3A_956 = arith.subi %get3A_953, %sub3A_955 : vector<16xi32>
    %ge3A_957 = arith.constant 0 : i32
    %ge3A_958 = vector.broadcast %ge3A_957 : i32 to vector<16xi32>
    %ge3A_959 = arith.cmpi sge, %sub3A_956, %ge3A_958 : vector<16xi32>
    %lt3A_960 = arith.constant 40 : i32
    %lt3A_961 = vector.broadcast %lt3A_960 : i32 to vector<16xi32>
    %lt3A_962 = arith.cmpi slt, %sub3A_956, %lt3A_961 : vector<16xi32>
    %and3A_963 = arith.andi %ge3A_959, %lt3A_962 : vector<16xi1>
    %jit3A_964 = arith.constant 0 : i32
    %jit3A_965 = arith.constant 39 : i32
    %max3A_966 = vector.broadcast %jit3A_964 : i32 to vector<16xi32>
    %max3A_967 = arith.maxsi %max3A_966, %sub3A_956 : vector<16xi32>
    %min3A_968 = vector.broadcast %jit3A_965 : i32 to vector<16xi32>
    %min3A_969 = arith.minsi %min3A_968, %max3A_967 : vector<16xi32>
    %add3A_970 = arith.constant 208 : i32
    %add3A_971 = vector.broadcast %add3A_970 : i32 to vector<16xi32>
    %add3A_972 = arith.addi %add3A_971, %iota3A : vector<16xi32>
    tpu.vector_store_idx %arg6[%min3A_969, %add3A_972], %broadcast_in_dim3A_3 masked %and3A_963 : memref<40x512xf32, #tpu.memory_space<vmem>>[vector<16xi32>, vector<16xi32>], vector<16xf32>, vector<16xi1>
    %get3A_973 = arith.constant 224 : index
    %get3A_974 = tpu.vector_load %arg4[%get3A_973] {strides = array<i32>} : memref<512xi32, #tpu.memory_space<vmem>>, vector<16xi32>,
    %sub3A_975 = arith.constant 40 : i32
    %sub3A_976 = vector.broadcast %sub3A_975 : i32 to vector<16xi32>
    %sub3A_977 = arith.subi %get3A_974, %sub3A_976 : vector<16xi32>
    %ge3A_978 = arith.constant 0 : i32
    %ge3A_979 = vector.broadcast %ge3A_978 : i32 to vector<16xi32>
    %ge3A_980 = arith.cmpi sge, %sub3A_977, %ge3A_979 : vector<16xi32>
    %lt3A_981 = arith.constant 40 : i32
    %lt3A_982 = vector.broadcast %lt3A_981 : i32 to vector<16xi32>
    %lt3A_983 = arith.cmpi slt, %sub3A_977, %lt3A_982 : vector<16xi32>
    %and3A_984 = arith.andi %ge3A_980, %lt3A_983 : vector<16xi1>
    %jit3A_985 = arith.constant 0 : i32
    %jit3A_986 = arith.constant 39 : i32
    %max3A_987 = vector.broadcast %jit3A_985 : i32 to vector<16xi32>
    %max3A_988 = arith.maxsi %max3A_987, %sub3A_977 : vector<16xi32>
    %min3A_989 = vector.broadcast %jit3A_986 : i32 to vector<16xi32>
    %min3A_990 = arith.minsi %min3A_989, %max3A_988 : vector<16xi32>
    %add3A_991 = arith.constant 224 : i32
    %add3A_992 = vector.broadcast %add3A_991 : i32 to vector<16xi32>
    %add3A_993 = arith.addi %add3A_992, %iota3A : vector<16xi32>
    tpu.vector_store_idx %arg6[%min3A_990, %add3A_993], %broadcast_in_dim3A_3 masked %and3A_984 : memref<40x512xf32, #tpu.memory_space<vmem>>[vector<16xi32>, vector<16xi32>], vector<16xf32>, vector<16xi1>
    %get3A_994 = arith.constant 240 : index
    %get3A_995 = tpu.vector_load %arg4[%get3A_994] {strides = array<i32>} : memref<512xi32, #tpu.memory_space<vmem>>, vector<16xi32>,
    %sub3A_996 = arith.constant 40 : i32
    %sub3A_997 = vector.broadcast %sub3A_996 : i32 to vector<16xi32>
    %sub3A_998 = arith.subi %get3A_995, %sub3A_997 : vector<16xi32>
    %ge3A_999 = arith.constant 0 : i32
    %ge3A_1000 = vector.broadcast %ge3A_999 : i32 to vector<16xi32>
    %ge3A_1001 = arith.cmpi sge, %sub3A_998, %ge3A_1000 : vector<16xi32>
    %lt3A_1002 = arith.constant 40 : i32
    %lt3A_1003 = vector.broadcast %lt3A_1002 : i32 to vector<16xi32>
    %lt3A_1004 = arith.cmpi slt, %sub3A_998, %lt3A_1003 : vector<16xi32>
    %and3A_1005 = arith.andi %ge3A_1001, %lt3A_1004 : vector<16xi1>
    %jit3A_1006 = arith.constant 0 : i32
    %jit3A_1007 = arith.constant 39 : i32
    %max3A_1008 = vector.broadcast %jit3A_1006 : i32 to vector<16xi32>
    %max3A_1009 = arith.maxsi %max3A_1008, %sub3A_998 : vector<16xi32>
    %min3A_1010 = vector.broadcast %jit3A_1007 : i32 to vector<16xi32>
    %min3A_1011 = arith.minsi %min3A_1010, %max3A_1009 : vector<16xi32>
    %add3A_1012 = arith.constant 240 : i32
    %add3A_1013 = vector.broadcast %add3A_1012 : i32 to vector<16xi32>
    %add3A_1014 = arith.addi %add3A_1013, %iota3A : vector<16xi32>
    tpu.vector_store_idx %arg6[%min3A_1011, %add3A_1014], %broadcast_in_dim3A_3 masked %and3A_1005 : memref<40x512xf32, #tpu.memory_space<vmem>>[vector<16xi32>, vector<16xi32>], vector<16xf32>, vector<16xi1>
    %get3A_1015 = arith.constant 256 : index
    %get3A_1016 = tpu.vector_load %arg4[%get3A_1015] {strides = array<i32>} : memref<512xi32, #tpu.memory_space<vmem>>, vector<16xi32>,
    %sub3A_1017 = arith.constant 40 : i32
    %sub3A_1018 = vector.broadcast %sub3A_1017 : i32 to vector<16xi32>
    %sub3A_1019 = arith.subi %get3A_1016, %sub3A_1018 : vector<16xi32>
    %ge3A_1020 = arith.constant 0 : i32
    %ge3A_1021 = vector.broadcast %ge3A_1020 : i32 to vector<16xi32>
    %ge3A_1022 = arith.cmpi sge, %sub3A_1019, %ge3A_1021 : vector<16xi32>
    %lt3A_1023 = arith.constant 40 : i32
    %lt3A_1024 = vector.broadcast %lt3A_1023 : i32 to vector<16xi32>
    %lt3A_1025 = arith.cmpi slt, %sub3A_1019, %lt3A_1024 : vector<16xi32>
    %and3A_1026 = arith.andi %ge3A_1022, %lt3A_1025 : vector<16xi1>
    %jit3A_1027 = arith.constant 0 : i32
    %jit3A_1028 = arith.constant 39 : i32
    %max3A_1029 = vector.broadcast %jit3A_1027 : i32 to vector<16xi32>
    %max3A_1030 = arith.maxsi %max3A_1029, %sub3A_1019 : vector<16xi32>
    %min3A_1031 = vector.broadcast %jit3A_1028 : i32 to vector<16xi32>
    %min3A_1032 = arith.minsi %min3A_1031, %max3A_1030 : vector<16xi32>
    %add3A_1033 = arith.constant 256 : i32
    %add3A_1034 = vector.broadcast %add3A_1033 : i32 to vector<16xi32>
    %add3A_1035 = arith.addi %add3A_1034, %iota3A : vector<16xi32>
    tpu.vector_store_idx %arg6[%min3A_1032, %add3A_1035], %broadcast_in_dim3A_3 masked %and3A_1026 : memref<40x512xf32, #tpu.memory_space<vmem>>[vector<16xi32>, vector<16xi32>], vector<16xf32>, vector<16xi1>
    %get3A_1036 = arith.constant 272 : index
    %get3A_1037 = tpu.vector_load %arg4[%get3A_1036] {strides = array<i32>} : memref<512xi32, #tpu.memory_space<vmem>>, vector<16xi32>,
    %sub3A_1038 = arith.constant 40 : i32
    %sub3A_1039 = vector.broadcast %sub3A_1038 : i32 to vector<16xi32>
    %sub3A_1040 = arith.subi %get3A_1037, %sub3A_1039 : vector<16xi32>
    %ge3A_1041 = arith.constant 0 : i32
    %ge3A_1042 = vector.broadcast %ge3A_1041 : i32 to vector<16xi32>
    %ge3A_1043 = arith.cmpi sge, %sub3A_1040, %ge3A_1042 : vector<16xi32>
    %lt3A_1044 = arith.constant 40 : i32
    %lt3A_1045 = vector.broadcast %lt3A_1044 : i32 to vector<16xi32>
    %lt3A_1046 = arith.cmpi slt, %sub3A_1040, %lt3A_1045 : vector<16xi32>
    %and3A_1047 = arith.andi %ge3A_1043, %lt3A_1046 : vector<16xi1>
    %jit3A_1048 = arith.constant 0 : i32
    %jit3A_1049 = arith.constant 39 : i32
    %max3A_1050 = vector.broadcast %jit3A_1048 : i32 to vector<16xi32>
    %max3A_1051 = arith.maxsi %max3A_1050, %sub3A_1040 : vector<16xi32>
    %min3A_1052 = vector.broadcast %jit3A_1049 : i32 to vector<16xi32>
    %min3A_1053 = arith.minsi %min3A_1052, %max3A_1051 : vector<16xi32>
    %add3A_1054 = arith.constant 272 : i32
    %add3A_1055 = vector.broadcast %add3A_1054 : i32 to vector<16xi32>
    %add3A_1056 = arith.addi %add3A_1055, %iota3A : vector<16xi32>
    tpu.vector_store_idx %arg6[%min3A_1053, %add3A_1056], %broadcast_in_dim3A_3 masked %and3A_1047 : memref<40x512xf32, #tpu.memory_space<vmem>>[vector<16xi32>, vector<16xi32>], vector<16xf32>, vector<16xi1>
    %get3A_1057 = arith.constant 288 : index
    %get3A_1058 = tpu.vector_load %arg4[%get3A_1057] {strides = array<i32>} : memref<512xi32, #tpu.memory_space<vmem>>, vector<16xi32>,
    %sub3A_1059 = arith.constant 40 : i32
    %sub3A_1060 = vector.broadcast %sub3A_1059 : i32 to vector<16xi32>
    %sub3A_1061 = arith.subi %get3A_1058, %sub3A_1060 : vector<16xi32>
    %ge3A_1062 = arith.constant 0 : i32
    %ge3A_1063 = vector.broadcast %ge3A_1062 : i32 to vector<16xi32>
    %ge3A_1064 = arith.cmpi sge, %sub3A_1061, %ge3A_1063 : vector<16xi32>
    %lt3A_1065 = arith.constant 40 : i32
    %lt3A_1066 = vector.broadcast %lt3A_1065 : i32 to vector<16xi32>
    %lt3A_1067 = arith.cmpi slt, %sub3A_1061, %lt3A_1066 : vector<16xi32>
    %and3A_1068 = arith.andi %ge3A_1064, %lt3A_1067 : vector<16xi1>
    %jit3A_1069 = arith.constant 0 : i32
    %jit3A_1070 = arith.constant 39 : i32
    %max3A_1071 = vector.broadcast %jit3A_1069 : i32 to vector<16xi32>
    %max3A_1072 = arith.maxsi %max3A_1071, %sub3A_1061 : vector<16xi32>
    %min3A_1073 = vector.broadcast %jit3A_1070 : i32 to vector<16xi32>
    %min3A_1074 = arith.minsi %min3A_1073, %max3A_1072 : vector<16xi32>
    %add3A_1075 = arith.constant 288 : i32
    %add3A_1076 = vector.broadcast %add3A_1075 : i32 to vector<16xi32>
    %add3A_1077 = arith.addi %add3A_1076, %iota3A : vector<16xi32>
    tpu.vector_store_idx %arg6[%min3A_1074, %add3A_1077], %broadcast_in_dim3A_3 masked %and3A_1068 : memref<40x512xf32, #tpu.memory_space<vmem>>[vector<16xi32>, vector<16xi32>], vector<16xf32>, vector<16xi1>
    %get3A_1078 = arith.constant 304 : index
    %get3A_1079 = tpu.vector_load %arg4[%get3A_1078] {strides = array<i32>} : memref<512xi32, #tpu.memory_space<vmem>>, vector<16xi32>,
    %sub3A_1080 = arith.constant 40 : i32
    %sub3A_1081 = vector.broadcast %sub3A_1080 : i32 to vector<16xi32>
    %sub3A_1082 = arith.subi %get3A_1079, %sub3A_1081 : vector<16xi32>
    %ge3A_1083 = arith.constant 0 : i32
    %ge3A_1084 = vector.broadcast %ge3A_1083 : i32 to vector<16xi32>
    %ge3A_1085 = arith.cmpi sge, %sub3A_1082, %ge3A_1084 : vector<16xi32>
    %lt3A_1086 = arith.constant 40 : i32
    %lt3A_1087 = vector.broadcast %lt3A_1086 : i32 to vector<16xi32>
    %lt3A_1088 = arith.cmpi slt, %sub3A_1082, %lt3A_1087 : vector<16xi32>
    %and3A_1089 = arith.andi %ge3A_1085, %lt3A_1088 : vector<16xi1>
    %jit3A_1090 = arith.constant 0 : i32
    %jit3A_1091 = arith.constant 39 : i32
    %max3A_1092 = vector.broadcast %jit3A_1090 : i32 to vector<16xi32>
    %max3A_1093 = arith.maxsi %max3A_1092, %sub3A_1082 : vector<16xi32>
    %min3A_1094 = vector.broadcast %jit3A_1091 : i32 to vector<16xi32>
    %min3A_1095 = arith.minsi %min3A_1094, %max3A_1093 : vector<16xi32>
    %add3A_1096 = arith.constant 304 : i32
    %add3A_1097 = vector.broadcast %add3A_1096 : i32 to vector<16xi32>
    %add3A_1098 = arith.addi %add3A_1097, %iota3A : vector<16xi32>
    tpu.vector_store_idx %arg6[%min3A_1095, %add3A_1098], %broadcast_in_dim3A_3 masked %and3A_1089 : memref<40x512xf32, #tpu.memory_space<vmem>>[vector<16xi32>, vector<16xi32>], vector<16xf32>, vector<16xi1>
    %get3A_1099 = arith.constant 320 : index
    %get3A_1100 = tpu.vector_load %arg4[%get3A_1099] {strides = array<i32>} : memref<512xi32, #tpu.memory_space<vmem>>, vector<16xi32>,
    %sub3A_1101 = arith.constant 40 : i32
    %sub3A_1102 = vector.broadcast %sub3A_1101 : i32 to vector<16xi32>
    %sub3A_1103 = arith.subi %get3A_1100, %sub3A_1102 : vector<16xi32>
    %ge3A_1104 = arith.constant 0 : i32
    %ge3A_1105 = vector.broadcast %ge3A_1104 : i32 to vector<16xi32>
    %ge3A_1106 = arith.cmpi sge, %sub3A_1103, %ge3A_1105 : vector<16xi32>
    %lt3A_1107 = arith.constant 40 : i32
    %lt3A_1108 = vector.broadcast %lt3A_1107 : i32 to vector<16xi32>
    %lt3A_1109 = arith.cmpi slt, %sub3A_1103, %lt3A_1108 : vector<16xi32>
    %and3A_1110 = arith.andi %ge3A_1106, %lt3A_1109 : vector<16xi1>
    %jit3A_1111 = arith.constant 0 : i32
    %jit3A_1112 = arith.constant 39 : i32
    %max3A_1113 = vector.broadcast %jit3A_1111 : i32 to vector<16xi32>
    %max3A_1114 = arith.maxsi %max3A_1113, %sub3A_1103 : vector<16xi32>
    %min3A_1115 = vector.broadcast %jit3A_1112 : i32 to vector<16xi32>
    %min3A_1116 = arith.minsi %min3A_1115, %max3A_1114 : vector<16xi32>
    %add3A_1117 = arith.constant 320 : i32
    %add3A_1118 = vector.broadcast %add3A_1117 : i32 to vector<16xi32>
    %add3A_1119 = arith.addi %add3A_1118, %iota3A : vector<16xi32>
    tpu.vector_store_idx %arg6[%min3A_1116, %add3A_1119], %broadcast_in_dim3A_3 masked %and3A_1110 : memref<40x512xf32, #tpu.memory_space<vmem>>[vector<16xi32>, vector<16xi32>], vector<16xf32>, vector<16xi1>
    %get3A_1120 = arith.constant 336 : index
    %get3A_1121 = tpu.vector_load %arg4[%get3A_1120] {strides = array<i32>} : memref<512xi32, #tpu.memory_space<vmem>>, vector<16xi32>,
    %sub3A_1122 = arith.constant 40 : i32
    %sub3A_1123 = vector.broadcast %sub3A_1122 : i32 to vector<16xi32>
    %sub3A_1124 = arith.subi %get3A_1121, %sub3A_1123 : vector<16xi32>
    %ge3A_1125 = arith.constant 0 : i32
    %ge3A_1126 = vector.broadcast %ge3A_1125 : i32 to vector<16xi32>
    %ge3A_1127 = arith.cmpi sge, %sub3A_1124, %ge3A_1126 : vector<16xi32>
    %lt3A_1128 = arith.constant 40 : i32
    %lt3A_1129 = vector.broadcast %lt3A_1128 : i32 to vector<16xi32>
    %lt3A_1130 = arith.cmpi slt, %sub3A_1124, %lt3A_1129 : vector<16xi32>
    %and3A_1131 = arith.andi %ge3A_1127, %lt3A_1130 : vector<16xi1>
    %jit3A_1132 = arith.constant 0 : i32
    %jit3A_1133 = arith.constant 39 : i32
    %max3A_1134 = vector.broadcast %jit3A_1132 : i32 to vector<16xi32>
    %max3A_1135 = arith.maxsi %max3A_1134, %sub3A_1124 : vector<16xi32>
    %min3A_1136 = vector.broadcast %jit3A_1133 : i32 to vector<16xi32>
    %min3A_1137 = arith.minsi %min3A_1136, %max3A_1135 : vector<16xi32>
    %add3A_1138 = arith.constant 336 : i32
    %add3A_1139 = vector.broadcast %add3A_1138 : i32 to vector<16xi32>
    %add3A_1140 = arith.addi %add3A_1139, %iota3A : vector<16xi32>
    tpu.vector_store_idx %arg6[%min3A_1137, %add3A_1140], %broadcast_in_dim3A_3 masked %and3A_1131 : memref<40x512xf32, #tpu.memory_space<vmem>>[vector<16xi32>, vector<16xi32>], vector<16xf32>, vector<16xi1>
    %get3A_1141 = arith.constant 352 : index
    %get3A_1142 = tpu.vector_load %arg4[%get3A_1141] {strides = array<i32>} : memref<512xi32, #tpu.memory_space<vmem>>, vector<16xi32>,
    %sub3A_1143 = arith.constant 40 : i32
    %sub3A_1144 = vector.broadcast %sub3A_1143 : i32 to vector<16xi32>
    %sub3A_1145 = arith.subi %get3A_1142, %sub3A_1144 : vector<16xi32>
    %ge3A_1146 = arith.constant 0 : i32
    %ge3A_1147 = vector.broadcast %ge3A_1146 : i32 to vector<16xi32>
    %ge3A_1148 = arith.cmpi sge, %sub3A_1145, %ge3A_1147 : vector<16xi32>
    %lt3A_1149 = arith.constant 40 : i32
    %lt3A_1150 = vector.broadcast %lt3A_1149 : i32 to vector<16xi32>
    %lt3A_1151 = arith.cmpi slt, %sub3A_1145, %lt3A_1150 : vector<16xi32>
    %and3A_1152 = arith.andi %ge3A_1148, %lt3A_1151 : vector<16xi1>
    %jit3A_1153 = arith.constant 0 : i32
    %jit3A_1154 = arith.constant 39 : i32
    %max3A_1155 = vector.broadcast %jit3A_1153 : i32 to vector<16xi32>
    %max3A_1156 = arith.maxsi %max3A_1155, %sub3A_1145 : vector<16xi32>
    %min3A_1157 = vector.broadcast %jit3A_1154 : i32 to vector<16xi32>
    %min3A_1158 = arith.minsi %min3A_1157, %max3A_1156 : vector<16xi32>
    %add3A_1159 = arith.constant 352 : i32
    %add3A_1160 = vector.broadcast %add3A_1159 : i32 to vector<16xi32>
    %add3A_1161 = arith.addi %add3A_1160, %iota3A : vector<16xi32>
    tpu.vector_store_idx %arg6[%min3A_1158, %add3A_1161], %broadcast_in_dim3A_3 masked %and3A_1152 : memref<40x512xf32, #tpu.memory_space<vmem>>[vector<16xi32>, vector<16xi32>], vector<16xf32>, vector<16xi1>
    %get3A_1162 = arith.constant 368 : index
    %get3A_1163 = tpu.vector_load %arg4[%get3A_1162] {strides = array<i32>} : memref<512xi32, #tpu.memory_space<vmem>>, vector<16xi32>,
    %sub3A_1164 = arith.constant 40 : i32
    %sub3A_1165 = vector.broadcast %sub3A_1164 : i32 to vector<16xi32>
    %sub3A_1166 = arith.subi %get3A_1163, %sub3A_1165 : vector<16xi32>
    %ge3A_1167 = arith.constant 0 : i32
    %ge3A_1168 = vector.broadcast %ge3A_1167 : i32 to vector<16xi32>
    %ge3A_1169 = arith.cmpi sge, %sub3A_1166, %ge3A_1168 : vector<16xi32>
    %lt3A_1170 = arith.constant 40 : i32
    %lt3A_1171 = vector.broadcast %lt3A_1170 : i32 to vector<16xi32>
    %lt3A_1172 = arith.cmpi slt, %sub3A_1166, %lt3A_1171 : vector<16xi32>
    %and3A_1173 = arith.andi %ge3A_1169, %lt3A_1172 : vector<16xi1>
    %jit3A_1174 = arith.constant 0 : i32
    %jit3A_1175 = arith.constant 39 : i32
    %max3A_1176 = vector.broadcast %jit3A_1174 : i32 to vector<16xi32>
    %max3A_1177 = arith.maxsi %max3A_1176, %sub3A_1166 : vector<16xi32>
    %min3A_1178 = vector.broadcast %jit3A_1175 : i32 to vector<16xi32>
    %min3A_1179 = arith.minsi %min3A_1178, %max3A_1177 : vector<16xi32>
    %add3A_1180 = arith.constant 368 : i32
    %add3A_1181 = vector.broadcast %add3A_1180 : i32 to vector<16xi32>
    %add3A_1182 = arith.addi %add3A_1181, %iota3A : vector<16xi32>
    tpu.vector_store_idx %arg6[%min3A_1179, %add3A_1182], %broadcast_in_dim3A_3 masked %and3A_1173 : memref<40x512xf32, #tpu.memory_space<vmem>>[vector<16xi32>, vector<16xi32>], vector<16xf32>, vector<16xi1>
    %get3A_1183 = arith.constant 384 : index
    %get3A_1184 = tpu.vector_load %arg4[%get3A_1183] {strides = array<i32>} : memref<512xi32, #tpu.memory_space<vmem>>, vector<16xi32>,
    %sub3A_1185 = arith.constant 40 : i32
    %sub3A_1186 = vector.broadcast %sub3A_1185 : i32 to vector<16xi32>
    %sub3A_1187 = arith.subi %get3A_1184, %sub3A_1186 : vector<16xi32>
    %ge3A_1188 = arith.constant 0 : i32
    %ge3A_1189 = vector.broadcast %ge3A_1188 : i32 to vector<16xi32>
    %ge3A_1190 = arith.cmpi sge, %sub3A_1187, %ge3A_1189 : vector<16xi32>
    %lt3A_1191 = arith.constant 40 : i32
    %lt3A_1192 = vector.broadcast %lt3A_1191 : i32 to vector<16xi32>
    %lt3A_1193 = arith.cmpi slt, %sub3A_1187, %lt3A_1192 : vector<16xi32>
    %and3A_1194 = arith.andi %ge3A_1190, %lt3A_1193 : vector<16xi1>
    %jit3A_1195 = arith.constant 0 : i32
    %jit3A_1196 = arith.constant 39 : i32
    %max3A_1197 = vector.broadcast %jit3A_1195 : i32 to vector<16xi32>
    %max3A_1198 = arith.maxsi %max3A_1197, %sub3A_1187 : vector<16xi32>
    %min3A_1199 = vector.broadcast %jit3A_1196 : i32 to vector<16xi32>
    %min3A_1200 = arith.minsi %min3A_1199, %max3A_1198 : vector<16xi32>
    %add3A_1201 = arith.constant 384 : i32
    %add3A_1202 = vector.broadcast %add3A_1201 : i32 to vector<16xi32>
    %add3A_1203 = arith.addi %add3A_1202, %iota3A : vector<16xi32>
    tpu.vector_store_idx %arg6[%min3A_1200, %add3A_1203], %broadcast_in_dim3A_3 masked %and3A_1194 : memref<40x512xf32, #tpu.memory_space<vmem>>[vector<16xi32>, vector<16xi32>], vector<16xf32>, vector<16xi1>
    %get3A_1204 = arith.constant 400 : index
    %get3A_1205 = tpu.vector_load %arg4[%get3A_1204] {strides = array<i32>} : memref<512xi32, #tpu.memory_space<vmem>>, vector<16xi32>,
    %sub3A_1206 = arith.constant 40 : i32
    %sub3A_1207 = vector.broadcast %sub3A_1206 : i32 to vector<16xi32>
    %sub3A_1208 = arith.subi %get3A_1205, %sub3A_1207 : vector<16xi32>
    %ge3A_1209 = arith.constant 0 : i32
    %ge3A_1210 = vector.broadcast %ge3A_1209 : i32 to vector<16xi32>
    %ge3A_1211 = arith.cmpi sge, %sub3A_1208, %ge3A_1210 : vector<16xi32>
    %lt3A_1212 = arith.constant 40 : i32
    %lt3A_1213 = vector.broadcast %lt3A_1212 : i32 to vector<16xi32>
    %lt3A_1214 = arith.cmpi slt, %sub3A_1208, %lt3A_1213 : vector<16xi32>
    %and3A_1215 = arith.andi %ge3A_1211, %lt3A_1214 : vector<16xi1>
    %jit3A_1216 = arith.constant 0 : i32
    %jit3A_1217 = arith.constant 39 : i32
    %max3A_1218 = vector.broadcast %jit3A_1216 : i32 to vector<16xi32>
    %max3A_1219 = arith.maxsi %max3A_1218, %sub3A_1208 : vector<16xi32>
    %min3A_1220 = vector.broadcast %jit3A_1217 : i32 to vector<16xi32>
    %min3A_1221 = arith.minsi %min3A_1220, %max3A_1219 : vector<16xi32>
    %add3A_1222 = arith.constant 400 : i32
    %add3A_1223 = vector.broadcast %add3A_1222 : i32 to vector<16xi32>
    %add3A_1224 = arith.addi %add3A_1223, %iota3A : vector<16xi32>
    tpu.vector_store_idx %arg6[%min3A_1221, %add3A_1224], %broadcast_in_dim3A_3 masked %and3A_1215 : memref<40x512xf32, #tpu.memory_space<vmem>>[vector<16xi32>, vector<16xi32>], vector<16xf32>, vector<16xi1>
    %get3A_1225 = arith.constant 416 : index
    %get3A_1226 = tpu.vector_load %arg4[%get3A_1225] {strides = array<i32>} : memref<512xi32, #tpu.memory_space<vmem>>, vector<16xi32>,
    %sub3A_1227 = arith.constant 40 : i32
    %sub3A_1228 = vector.broadcast %sub3A_1227 : i32 to vector<16xi32>
    %sub3A_1229 = arith.subi %get3A_1226, %sub3A_1228 : vector<16xi32>
    %ge3A_1230 = arith.constant 0 : i32
    %ge3A_1231 = vector.broadcast %ge3A_1230 : i32 to vector<16xi32>
    %ge3A_1232 = arith.cmpi sge, %sub3A_1229, %ge3A_1231 : vector<16xi32>
    %lt3A_1233 = arith.constant 40 : i32
    %lt3A_1234 = vector.broadcast %lt3A_1233 : i32 to vector<16xi32>
    %lt3A_1235 = arith.cmpi slt, %sub3A_1229, %lt3A_1234 : vector<16xi32>
    %and3A_1236 = arith.andi %ge3A_1232, %lt3A_1235 : vector<16xi1>
    %jit3A_1237 = arith.constant 0 : i32
    %jit3A_1238 = arith.constant 39 : i32
    %max3A_1239 = vector.broadcast %jit3A_1237 : i32 to vector<16xi32>
    %max3A_1240 = arith.maxsi %max3A_1239, %sub3A_1229 : vector<16xi32>
    %min3A_1241 = vector.broadcast %jit3A_1238 : i32 to vector<16xi32>
    %min3A_1242 = arith.minsi %min3A_1241, %max3A_1240 : vector<16xi32>
    %add3A_1243 = arith.constant 416 : i32
    %add3A_1244 = vector.broadcast %add3A_1243 : i32 to vector<16xi32>
    %add3A_1245 = arith.addi %add3A_1244, %iota3A : vector<16xi32>
    tpu.vector_store_idx %arg6[%min3A_1242, %add3A_1245], %broadcast_in_dim3A_3 masked %and3A_1236 : memref<40x512xf32, #tpu.memory_space<vmem>>[vector<16xi32>, vector<16xi32>], vector<16xf32>, vector<16xi1>
    %get3A_1246 = arith.constant 432 : index
    %get3A_1247 = tpu.vector_load %arg4[%get3A_1246] {strides = array<i32>} : memref<512xi32, #tpu.memory_space<vmem>>, vector<16xi32>,
    %sub3A_1248 = arith.constant 40 : i32
    %sub3A_1249 = vector.broadcast %sub3A_1248 : i32 to vector<16xi32>
    %sub3A_1250 = arith.subi %get3A_1247, %sub3A_1249 : vector<16xi32>
    %ge3A_1251 = arith.constant 0 : i32
    %ge3A_1252 = vector.broadcast %ge3A_1251 : i32 to vector<16xi32>
    %ge3A_1253 = arith.cmpi sge, %sub3A_1250, %ge3A_1252 : vector<16xi32>
    %lt3A_1254 = arith.constant 40 : i32
    %lt3A_1255 = vector.broadcast %lt3A_1254 : i32 to vector<16xi32>
    %lt3A_1256 = arith.cmpi slt, %sub3A_1250, %lt3A_1255 : vector<16xi32>
    %and3A_1257 = arith.andi %ge3A_1253, %lt3A_1256 : vector<16xi1>
    %jit3A_1258 = arith.constant 0 : i32
    %jit3A_1259 = arith.constant 39 : i32
    %max3A_1260 = vector.broadcast %jit3A_1258 : i32 to vector<16xi32>
    %max3A_1261 = arith.maxsi %max3A_1260, %sub3A_1250 : vector<16xi32>
    %min3A_1262 = vector.broadcast %jit3A_1259 : i32 to vector<16xi32>
    %min3A_1263 = arith.minsi %min3A_1262, %max3A_1261 : vector<16xi32>
    %add3A_1264 = arith.constant 432 : i32
    %add3A_1265 = vector.broadcast %add3A_1264 : i32 to vector<16xi32>
    %add3A_1266 = arith.addi %add3A_1265, %iota3A : vector<16xi32>
    tpu.vector_store_idx %arg6[%min3A_1263, %add3A_1266], %broadcast_in_dim3A_3 masked %and3A_1257 : memref<40x512xf32, #tpu.memory_space<vmem>>[vector<16xi32>, vector<16xi32>], vector<16xf32>, vector<16xi1>
    %get3A_1267 = arith.constant 448 : index
    %get3A_1268 = tpu.vector_load %arg4[%get3A_1267] {strides = array<i32>} : memref<512xi32, #tpu.memory_space<vmem>>, vector<16xi32>,
    %sub3A_1269 = arith.constant 40 : i32
    %sub3A_1270 = vector.broadcast %sub3A_1269 : i32 to vector<16xi32>
    %sub3A_1271 = arith.subi %get3A_1268, %sub3A_1270 : vector<16xi32>
    %ge3A_1272 = arith.constant 0 : i32
    %ge3A_1273 = vector.broadcast %ge3A_1272 : i32 to vector<16xi32>
    %ge3A_1274 = arith.cmpi sge, %sub3A_1271, %ge3A_1273 : vector<16xi32>
    %lt3A_1275 = arith.constant 40 : i32
    %lt3A_1276 = vector.broadcast %lt3A_1275 : i32 to vector<16xi32>
    %lt3A_1277 = arith.cmpi slt, %sub3A_1271, %lt3A_1276 : vector<16xi32>
    %and3A_1278 = arith.andi %ge3A_1274, %lt3A_1277 : vector<16xi1>
    %jit3A_1279 = arith.constant 0 : i32
    %jit3A_1280 = arith.constant 39 : i32
    %max3A_1281 = vector.broadcast %jit3A_1279 : i32 to vector<16xi32>
    %max3A_1282 = arith.maxsi %max3A_1281, %sub3A_1271 : vector<16xi32>
    %min3A_1283 = vector.broadcast %jit3A_1280 : i32 to vector<16xi32>
    %min3A_1284 = arith.minsi %min3A_1283, %max3A_1282 : vector<16xi32>
    %add3A_1285 = arith.constant 448 : i32
    %add3A_1286 = vector.broadcast %add3A_1285 : i32 to vector<16xi32>
    %add3A_1287 = arith.addi %add3A_1286, %iota3A : vector<16xi32>
    tpu.vector_store_idx %arg6[%min3A_1284, %add3A_1287], %broadcast_in_dim3A_3 masked %and3A_1278 : memref<40x512xf32, #tpu.memory_space<vmem>>[vector<16xi32>, vector<16xi32>], vector<16xf32>, vector<16xi1>
    %get3A_1288 = arith.constant 464 : index
    %get3A_1289 = tpu.vector_load %arg4[%get3A_1288] {strides = array<i32>} : memref<512xi32, #tpu.memory_space<vmem>>, vector<16xi32>,
    %sub3A_1290 = arith.constant 40 : i32
    %sub3A_1291 = vector.broadcast %sub3A_1290 : i32 to vector<16xi32>
    %sub3A_1292 = arith.subi %get3A_1289, %sub3A_1291 : vector<16xi32>
    %ge3A_1293 = arith.constant 0 : i32
    %ge3A_1294 = vector.broadcast %ge3A_1293 : i32 to vector<16xi32>
    %ge3A_1295 = arith.cmpi sge, %sub3A_1292, %ge3A_1294 : vector<16xi32>
    %lt3A_1296 = arith.constant 40 : i32
    %lt3A_1297 = vector.broadcast %lt3A_1296 : i32 to vector<16xi32>
    %lt3A_1298 = arith.cmpi slt, %sub3A_1292, %lt3A_1297 : vector<16xi32>
    %and3A_1299 = arith.andi %ge3A_1295, %lt3A_1298 : vector<16xi1>
    %jit3A_1300 = arith.constant 0 : i32
    %jit3A_1301 = arith.constant 39 : i32
    %max3A_1302 = vector.broadcast %jit3A_1300 : i32 to vector<16xi32>
    %max3A_1303 = arith.maxsi %max3A_1302, %sub3A_1292 : vector<16xi32>
    %min3A_1304 = vector.broadcast %jit3A_1301 : i32 to vector<16xi32>
    %min3A_1305 = arith.minsi %min3A_1304, %max3A_1303 : vector<16xi32>
    %add3A_1306 = arith.constant 464 : i32
    %add3A_1307 = vector.broadcast %add3A_1306 : i32 to vector<16xi32>
    %add3A_1308 = arith.addi %add3A_1307, %iota3A : vector<16xi32>
    tpu.vector_store_idx %arg6[%min3A_1305, %add3A_1308], %broadcast_in_dim3A_3 masked %and3A_1299 : memref<40x512xf32, #tpu.memory_space<vmem>>[vector<16xi32>, vector<16xi32>], vector<16xf32>, vector<16xi1>
    %get3A_1309 = arith.constant 480 : index
    %get3A_1310 = tpu.vector_load %arg4[%get3A_1309] {strides = array<i32>} : memref<512xi32, #tpu.memory_space<vmem>>, vector<16xi32>,
    %sub3A_1311 = arith.constant 40 : i32
    %sub3A_1312 = vector.broadcast %sub3A_1311 : i32 to vector<16xi32>
    %sub3A_1313 = arith.subi %get3A_1310, %sub3A_1312 : vector<16xi32>
    %ge3A_1314 = arith.constant 0 : i32
    %ge3A_1315 = vector.broadcast %ge3A_1314 : i32 to vector<16xi32>
    %ge3A_1316 = arith.cmpi sge, %sub3A_1313, %ge3A_1315 : vector<16xi32>
    %lt3A_1317 = arith.constant 40 : i32
    %lt3A_1318 = vector.broadcast %lt3A_1317 : i32 to vector<16xi32>
    %lt3A_1319 = arith.cmpi slt, %sub3A_1313, %lt3A_1318 : vector<16xi32>
    %and3A_1320 = arith.andi %ge3A_1316, %lt3A_1319 : vector<16xi1>
    %jit3A_1321 = arith.constant 0 : i32
    %jit3A_1322 = arith.constant 39 : i32
    %max3A_1323 = vector.broadcast %jit3A_1321 : i32 to vector<16xi32>
    %max3A_1324 = arith.maxsi %max3A_1323, %sub3A_1313 : vector<16xi32>
    %min3A_1325 = vector.broadcast %jit3A_1322 : i32 to vector<16xi32>
    %min3A_1326 = arith.minsi %min3A_1325, %max3A_1324 : vector<16xi32>
    %add3A_1327 = arith.constant 480 : i32
    %add3A_1328 = vector.broadcast %add3A_1327 : i32 to vector<16xi32>
    %add3A_1329 = arith.addi %add3A_1328, %iota3A : vector<16xi32>
    tpu.vector_store_idx %arg6[%min3A_1326, %add3A_1329], %broadcast_in_dim3A_3 masked %and3A_1320 : memref<40x512xf32, #tpu.memory_space<vmem>>[vector<16xi32>, vector<16xi32>], vector<16xf32>, vector<16xi1>
    %get3A_1330 = arith.constant 496 : index
    %get3A_1331 = tpu.vector_load %arg4[%get3A_1330] {strides = array<i32>} : memref<512xi32, #tpu.memory_space<vmem>>, vector<16xi32>,
    %sub3A_1332 = arith.constant 40 : i32
    %sub3A_1333 = vector.broadcast %sub3A_1332 : i32 to vector<16xi32>
    %sub3A_1334 = arith.subi %get3A_1331, %sub3A_1333 : vector<16xi32>
    %ge3A_1335 = arith.constant 0 : i32
    %ge3A_1336 = vector.broadcast %ge3A_1335 : i32 to vector<16xi32>
    %ge3A_1337 = arith.cmpi sge, %sub3A_1334, %ge3A_1336 : vector<16xi32>
    %lt3A_1338 = arith.constant 40 : i32
    %lt3A_1339 = vector.broadcast %lt3A_1338 : i32 to vector<16xi32>
    %lt3A_1340 = arith.cmpi slt, %sub3A_1334, %lt3A_1339 : vector<16xi32>
    %and3A_1341 = arith.andi %ge3A_1337, %lt3A_1340 : vector<16xi1>
    %jit3A_1342 = arith.constant 0 : i32
    %jit3A_1343 = arith.constant 39 : i32
    %max3A_1344 = vector.broadcast %jit3A_1342 : i32 to vector<16xi32>
    %max3A_1345 = arith.maxsi %max3A_1344, %sub3A_1334 : vector<16xi32>
    %min3A_1346 = vector.broadcast %jit3A_1343 : i32 to vector<16xi32>
    %min3A_1347 = arith.minsi %min3A_1346, %max3A_1345 : vector<16xi32>
    %add3A_1348 = arith.constant 496 : i32
    %add3A_1349 = vector.broadcast %add3A_1348 : i32 to vector<16xi32>
    %add3A_1350 = arith.addi %add3A_1349, %iota3A : vector<16xi32>
    tpu.vector_store_idx %arg6[%min3A_1347, %add3A_1350], %broadcast_in_dim3A_3 masked %and3A_1341 : memref<40x512xf32, #tpu.memory_space<vmem>>[vector<16xi32>, vector<16xi32>], vector<16xf32>, vector<16xi1>
    %dma_start3A_1351 = arith.constant 40 : i32
    %dma_start3A_1352 = tpu.memref_slice %arg3[%dma_start3A_1351, %mul3A_2] : memref<1000x16384xf32, #tpu.memory_space<hbm>> -> memref<40x512xf32, #tpu.memory_space<hbm>>
    %dma_start3A_1353 = arith.constant 40 : i32
    %dma_start3A_1354 = tpu.memref_slice %arg3[%dma_start3A_1353, %mul3A_2] : memref<1000x16384xf32, #tpu.memory_space<hbm>> -> memref<40x512xf32, #tpu.memory_space<hbm>>
    tpu.enqueue_dma source(%arg6 : memref<40x512xf32, #tpu.memory_space<vmem>>) target(%dma_start3A_1354 : memref<40x512xf32, #tpu.memory_space<hbm>>) target_semaphore(%arg8 : memref<!tpu.dma_semaphore, #tpu.memory_space<semaphore_mem>>)
    %scan3A_1355 = arith.constant 0 : i32
    %scan3A_1356 = arith.constant 0 : i32
    %scan3A_1357 = arith.constant 12 : i32
    %scan3A_1358 = arith.addi %scan3A_1356, %scan3A_1357 : i32
    %scan3A_1359 = arith.constant 1 : i32
    %scan3A_1360 = scf.for %scan3A_1365 = %scan3A_1356 to %scan3A_1358 step %scan3A_1359 iter_args(%scan3A_1366 = %scan3A_1355) -> (i32)  : i32 {
      %mul3A_1367 = arith.constant 2 : i32
      %mul3A_1368 = arith.muli %mul3A_1367, %scan3A_1365 : i32
      %add3A_1369 = arith.constant 2 : i32
      %add3A_1370 = arith.addi %mul3A_1368, %add3A_1369 : i32
      %add3A_1371 = arith.constant 0 : i32
      %add3A_1372 = arith.addi %add3A_1370, %add3A_1371 : i32
      %sub3A_1373 = arith.constant 2 : i32
      %sub3A_1374 = arith.subi %add3A_1372, %sub3A_1373 : i32
      %mul3A_1375 = arith.constant 40 : i32
      %mul3A_1376 = arith.muli %sub3A_1374, %mul3A_1375 : i32
      %dma_wait3A_1377 = tpu.memref_slice %arg3[%mul3A_1376, %mul3A_2] : memref<1000x16384xf32, #tpu.memory_space<hbm>> -> memref<40x512xf32, #tpu.memory_space<hbm>>
      %dma_wait3A_1378 = tpu.memref_slice %arg3[%mul3A_1376, %mul3A_2] : memref<1000x16384xf32, #tpu.memory_space<hbm>> -> memref<40x512xf32, #tpu.memory_space<hbm>>
      tpu.wait_dma2 semaphore(%arg7 : memref<!tpu.dma_semaphore, #tpu.memory_space<semaphore_mem>>) src(%arg5 : memref<40x512xf32, #tpu.memory_space<vmem>>) dst(%dma_wait3A_1378 : memref<40x512xf32, #tpu.memory_space<hbm>>)
      %sub3A_1379 = arith.constant 2 : i32
      %sub3A_1380 = arith.subi %add3A_1372, %sub3A_1379 : i32
      %mul3A_1381 = arith.constant 40 : i32
      %mul3A_1382 = arith.muli %sub3A_1380, %mul3A_1381 : i32
      %get3A_1383 = arith.constant 0 : index
      %get3A_1384 = tpu.vector_load %arg4[%get3A_1383] {strides = array<i32>} : memref<512xi32, #tpu.memory_space<vmem>>, vector<16xi32>,
      %sub3A_1385 = vector.broadcast %mul3A_1382 : i32 to vector<16xi32>
      %sub3A_1386 = arith.subi %get3A_1384, %sub3A_1385 : vector<16xi32>
      %ge3A_1387 = arith.constant 0 : i32
      %ge3A_1388 = vector.broadcast %ge3A_1387 : i32 to vector<16xi32>
      %ge3A_1389 = arith.cmpi sge, %sub3A_1386, %ge3A_1388 : vector<16xi32>
      %lt3A_1390 = arith.constant 40 : i32
      %lt3A_1391 = vector.broadcast %lt3A_1390 : i32 to vector<16xi32>
      %lt3A_1392 = arith.cmpi slt, %sub3A_1386, %lt3A_1391 : vector<16xi32>
      %and3A_1393 = arith.andi %ge3A_1389, %lt3A_1392 : vector<16xi1>
      %jit3A_1394 = arith.constant 0 : i32
      %jit3A_1395 = arith.constant 39 : i32
      %max3A_1396 = vector.broadcast %jit3A_1394 : i32 to vector<16xi32>
      %max3A_1397 = arith.maxsi %max3A_1396, %sub3A_1386 : vector<16xi32>
      %min3A_1398 = vector.broadcast %jit3A_1395 : i32 to vector<16xi32>
      %min3A_1399 = arith.minsi %min3A_1398, %max3A_1397 : vector<16xi32>
      %add3A_1400 = arith.constant 0 : i32
      %add3A_1401 = vector.broadcast %add3A_1400 : i32 to vector<16xi32>
      %add3A_1402 = arith.addi %add3A_1401, %iota3A : vector<16xi32>
      tpu.vector_store_idx %arg5[%min3A_1399, %add3A_1402], %broadcast_in_dim3A_5 masked %and3A_1393 : memref<40x512xf32, #tpu.memory_space<vmem>>[vector<16xi32>, vector<16xi32>], vector<16xf32>, vector<16xi1>
      %get3A_1403 = arith.constant 16 : index
      %get3A_1404 = tpu.vector_load %arg4[%get3A_1403] {strides = array<i32>} : memref<512xi32, #tpu.memory_space<vmem>>, vector<16xi32>,
      %sub3A_1405 = vector.broadcast %mul3A_1382 : i32 to vector<16xi32>
      %sub3A_1406 = arith.subi %get3A_1404, %sub3A_1405 : vector<16xi32>
      %ge3A_1407 = arith.constant 0 : i32
      %ge3A_1408 = vector.broadcast %ge3A_1407 : i32 to vector<16xi32>
      %ge3A_1409 = arith.cmpi sge, %sub3A_1406, %ge3A_1408 : vector<16xi32>
      %lt3A_1410 = arith.constant 40 : i32
      %lt3A_1411 = vector.broadcast %lt3A_1410 : i32 to vector<16xi32>
      %lt3A_1412 = arith.cmpi slt, %sub3A_1406, %lt3A_1411 : vector<16xi32>
      %and3A_1413 = arith.andi %ge3A_1409, %lt3A_1412 : vector<16xi1>
      %jit3A_1414 = arith.constant 0 : i32
      %jit3A_1415 = arith.constant 39 : i32
      %max3A_1416 = vector.broadcast %jit3A_1414 : i32 to vector<16xi32>
      %max3A_1417 = arith.maxsi %max3A_1416, %sub3A_1406 : vector<16xi32>
      %min3A_1418 = vector.broadcast %jit3A_1415 : i32 to vector<16xi32>
      %min3A_1419 = arith.minsi %min3A_1418, %max3A_1417 : vector<16xi32>
      %add3A_1420 = arith.constant 16 : i32
      %add3A_1421 = vector.broadcast %add3A_1420 : i32 to vector<16xi32>
      %add3A_1422 = arith.addi %add3A_1421, %iota3A : vector<16xi32>
      tpu.vector_store_idx %arg5[%min3A_1419, %add3A_1422], %broadcast_in_dim3A_5 masked %and3A_1413 : memref<40x512xf32, #tpu.memory_space<vmem>>[vector<16xi32>, vector<16xi32>], vector<16xf32>, vector<16xi1>
      %get3A_1423 = arith.constant 32 : index
      %get3A_1424 = tpu.vector_load %arg4[%get3A_1423] {strides = array<i32>} : memref<512xi32, #tpu.memory_space<vmem>>, vector<16xi32>,
      %sub3A_1425 = vector.broadcast %mul3A_1382 : i32 to vector<16xi32>
      %sub3A_1426 = arith.subi %get3A_1424, %sub3A_1425 : vector<16xi32>
      %ge3A_1427 = arith.constant 0 : i32
      %ge3A_1428 = vector.broadcast %ge3A_1427 : i32 to vector<16xi32>
      %ge3A_1429 = arith.cmpi sge, %sub3A_1426, %ge3A_1428 : vector<16xi32>
      %lt3A_1430 = arith.constant 40 : i32
      %lt3A_1431 = vector.broadcast %lt3A_1430 : i32 to vector<16xi32>
      %lt3A_1432 = arith.cmpi slt, %sub3A_1426, %lt3A_1431 : vector<16xi32>
      %and3A_1433 = arith.andi %ge3A_1429, %lt3A_1432 : vector<16xi1>
      %jit3A_1434 = arith.constant 0 : i32
      %jit3A_1435 = arith.constant 39 : i32
      %max3A_1436 = vector.broadcast %jit3A_1434 : i32 to vector<16xi32>
      %max3A_1437 = arith.maxsi %max3A_1436, %sub3A_1426 : vector<16xi32>
      %min3A_1438 = vector.broadcast %jit3A_1435 : i32 to vector<16xi32>
      %min3A_1439 = arith.minsi %min3A_1438, %max3A_1437 : vector<16xi32>
      %add3A_1440 = arith.constant 32 : i32
      %add3A_1441 = vector.broadcast %add3A_1440 : i32 to vector<16xi32>
      %add3A_1442 = arith.addi %add3A_1441, %iota3A : vector<16xi32>
      tpu.vector_store_idx %arg5[%min3A_1439, %add3A_1442], %broadcast_in_dim3A_5 masked %and3A_1433 : memref<40x512xf32, #tpu.memory_space<vmem>>[vector<16xi32>, vector<16xi32>], vector<16xf32>, vector<16xi1>
      %get3A_1443 = arith.constant 48 : index
      %get3A_1444 = tpu.vector_load %arg4[%get3A_1443] {strides = array<i32>} : memref<512xi32, #tpu.memory_space<vmem>>, vector<16xi32>,
      %sub3A_1445 = vector.broadcast %mul3A_1382 : i32 to vector<16xi32>
      %sub3A_1446 = arith.subi %get3A_1444, %sub3A_1445 : vector<16xi32>
      %ge3A_1447 = arith.constant 0 : i32
      %ge3A_1448 = vector.broadcast %ge3A_1447 : i32 to vector<16xi32>
      %ge3A_1449 = arith.cmpi sge, %sub3A_1446, %ge3A_1448 : vector<16xi32>
      %lt3A_1450 = arith.constant 40 : i32
      %lt3A_1451 = vector.broadcast %lt3A_1450 : i32 to vector<16xi32>
      %lt3A_1452 = arith.cmpi slt, %sub3A_1446, %lt3A_1451 : vector<16xi32>
      %and3A_1453 = arith.andi %ge3A_1449, %lt3A_1452 : vector<16xi1>
      %jit3A_1454 = arith.constant 0 : i32
      %jit3A_1455 = arith.constant 39 : i32
      %max3A_1456 = vector.broadcast %jit3A_1454 : i32 to vector<16xi32>
      %max3A_1457 = arith.maxsi %max3A_1456, %sub3A_1446 : vector<16xi32>
      %min3A_1458 = vector.broadcast %jit3A_1455 : i32 to vector<16xi32>
      %min3A_1459 = arith.minsi %min3A_1458, %max3A_1457 : vector<16xi32>
      %add3A_1460 = arith.constant 48 : i32
      %add3A_1461 = vector.broadcast %add3A_1460 : i32 to vector<16xi32>
      %add3A_1462 = arith.addi %add3A_1461, %iota3A : vector<16xi32>
      tpu.vector_store_idx %arg5[%min3A_1459, %add3A_1462], %broadcast_in_dim3A_5 masked %and3A_1453 : memref<40x512xf32, #tpu.memory_space<vmem>>[vector<16xi32>, vector<16xi32>], vector<16xf32>, vector<16xi1>
      %get3A_1463 = arith.constant 64 : index
      %get3A_1464 = tpu.vector_load %arg4[%get3A_1463] {strides = array<i32>} : memref<512xi32, #tpu.memory_space<vmem>>, vector<16xi32>,
      %sub3A_1465 = vector.broadcast %mul3A_1382 : i32 to vector<16xi32>
      %sub3A_1466 = arith.subi %get3A_1464, %sub3A_1465 : vector<16xi32>
      %ge3A_1467 = arith.constant 0 : i32
      %ge3A_1468 = vector.broadcast %ge3A_1467 : i32 to vector<16xi32>
      %ge3A_1469 = arith.cmpi sge, %sub3A_1466, %ge3A_1468 : vector<16xi32>
      %lt3A_1470 = arith.constant 40 : i32
      %lt3A_1471 = vector.broadcast %lt3A_1470 : i32 to vector<16xi32>
      %lt3A_1472 = arith.cmpi slt, %sub3A_1466, %lt3A_1471 : vector<16xi32>
      %and3A_1473 = arith.andi %ge3A_1469, %lt3A_1472 : vector<16xi1>
      %jit3A_1474 = arith.constant 0 : i32
      %jit3A_1475 = arith.constant 39 : i32
      %max3A_1476 = vector.broadcast %jit3A_1474 : i32 to vector<16xi32>
      %max3A_1477 = arith.maxsi %max3A_1476, %sub3A_1466 : vector<16xi32>
      %min3A_1478 = vector.broadcast %jit3A_1475 : i32 to vector<16xi32>
      %min3A_1479 = arith.minsi %min3A_1478, %max3A_1477 : vector<16xi32>
      %add3A_1480 = arith.constant 64 : i32
      %add3A_1481 = vector.broadcast %add3A_1480 : i32 to vector<16xi32>
      %add3A_1482 = arith.addi %add3A_1481, %iota3A : vector<16xi32>
      tpu.vector_store_idx %arg5[%min3A_1479, %add3A_1482], %broadcast_in_dim3A_5 masked %and3A_1473 : memref<40x512xf32, #tpu.memory_space<vmem>>[vector<16xi32>, vector<16xi32>], vector<16xf32>, vector<16xi1>
      %get3A_1483 = arith.constant 80 : index
      %get3A_1484 = tpu.vector_load %arg4[%get3A_1483] {strides = array<i32>} : memref<512xi32, #tpu.memory_space<vmem>>, vector<16xi32>,
      %sub3A_1485 = vector.broadcast %mul3A_1382 : i32 to vector<16xi32>
      %sub3A_1486 = arith.subi %get3A_1484, %sub3A_1485 : vector<16xi32>
      %ge3A_1487 = arith.constant 0 : i32
      %ge3A_1488 = vector.broadcast %ge3A_1487 : i32 to vector<16xi32>
      %ge3A_1489 = arith.cmpi sge, %sub3A_1486, %ge3A_1488 : vector<16xi32>
      %lt3A_1490 = arith.constant 40 : i32
      %lt3A_1491 = vector.broadcast %lt3A_1490 : i32 to vector<16xi32>
      %lt3A_1492 = arith.cmpi slt, %sub3A_1486, %lt3A_1491 : vector<16xi32>
      %and3A_1493 = arith.andi %ge3A_1489, %lt3A_1492 : vector<16xi1>
      %jit3A_1494 = arith.constant 0 : i32
      %jit3A_1495 = arith.constant 39 : i32
      %max3A_1496 = vector.broadcast %jit3A_1494 : i32 to vector<16xi32>
      %max3A_1497 = arith.maxsi %max3A_1496, %sub3A_1486 : vector<16xi32>
      %min3A_1498 = vector.broadcast %jit3A_1495 : i32 to vector<16xi32>
      %min3A_1499 = arith.minsi %min3A_1498, %max3A_1497 : vector<16xi32>
      %add3A_1500 = arith.constant 80 : i32
      %add3A_1501 = vector.broadcast %add3A_1500 : i32 to vector<16xi32>
      %add3A_1502 = arith.addi %add3A_1501, %iota3A : vector<16xi32>
      tpu.vector_store_idx %arg5[%min3A_1499, %add3A_1502], %broadcast_in_dim3A_5 masked %and3A_1493 : memref<40x512xf32, #tpu.memory_space<vmem>>[vector<16xi32>, vector<16xi32>], vector<16xf32>, vector<16xi1>
      %get3A_1503 = arith.constant 96 : index
      %get3A_1504 = tpu.vector_load %arg4[%get3A_1503] {strides = array<i32>} : memref<512xi32, #tpu.memory_space<vmem>>, vector<16xi32>,
      %sub3A_1505 = vector.broadcast %mul3A_1382 : i32 to vector<16xi32>
      %sub3A_1506 = arith.subi %get3A_1504, %sub3A_1505 : vector<16xi32>
      %ge3A_1507 = arith.constant 0 : i32
      %ge3A_1508 = vector.broadcast %ge3A_1507 : i32 to vector<16xi32>
      %ge3A_1509 = arith.cmpi sge, %sub3A_1506, %ge3A_1508 : vector<16xi32>
      %lt3A_1510 = arith.constant 40 : i32
      %lt3A_1511 = vector.broadcast %lt3A_1510 : i32 to vector<16xi32>
      %lt3A_1512 = arith.cmpi slt, %sub3A_1506, %lt3A_1511 : vector<16xi32>
      %and3A_1513 = arith.andi %ge3A_1509, %lt3A_1512 : vector<16xi1>
      %jit3A_1514 = arith.constant 0 : i32
      %jit3A_1515 = arith.constant 39 : i32
      %max3A_1516 = vector.broadcast %jit3A_1514 : i32 to vector<16xi32>
      %max3A_1517 = arith.maxsi %max3A_1516, %sub3A_1506 : vector<16xi32>
      %min3A_1518 = vector.broadcast %jit3A_1515 : i32 to vector<16xi32>
      %min3A_1519 = arith.minsi %min3A_1518, %max3A_1517 : vector<16xi32>
      %add3A_1520 = arith.constant 96 : i32
      %add3A_1521 = vector.broadcast %add3A_1520 : i32 to vector<16xi32>
      %add3A_1522 = arith.addi %add3A_1521, %iota3A : vector<16xi32>
      tpu.vector_store_idx %arg5[%min3A_1519, %add3A_1522], %broadcast_in_dim3A_5 masked %and3A_1513 : memref<40x512xf32, #tpu.memory_space<vmem>>[vector<16xi32>, vector<16xi32>], vector<16xf32>, vector<16xi1>
      %get3A_1523 = arith.constant 112 : index
      %get3A_1524 = tpu.vector_load %arg4[%get3A_1523] {strides = array<i32>} : memref<512xi32, #tpu.memory_space<vmem>>, vector<16xi32>,
      %sub3A_1525 = vector.broadcast %mul3A_1382 : i32 to vector<16xi32>
      %sub3A_1526 = arith.subi %get3A_1524, %sub3A_1525 : vector<16xi32>
      %ge3A_1527 = arith.constant 0 : i32
      %ge3A_1528 = vector.broadcast %ge3A_1527 : i32 to vector<16xi32>
      %ge3A_1529 = arith.cmpi sge, %sub3A_1526, %ge3A_1528 : vector<16xi32>
      %lt3A_1530 = arith.constant 40 : i32
      %lt3A_1531 = vector.broadcast %lt3A_1530 : i32 to vector<16xi32>
      %lt3A_1532 = arith.cmpi slt, %sub3A_1526, %lt3A_1531 : vector<16xi32>
      %and3A_1533 = arith.andi %ge3A_1529, %lt3A_1532 : vector<16xi1>
      %jit3A_1534 = arith.constant 0 : i32
      %jit3A_1535 = arith.constant 39 : i32
      %max3A_1536 = vector.broadcast %jit3A_1534 : i32 to vector<16xi32>
      %max3A_1537 = arith.maxsi %max3A_1536, %sub3A_1526 : vector<16xi32>
      %min3A_1538 = vector.broadcast %jit3A_1535 : i32 to vector<16xi32>
      %min3A_1539 = arith.minsi %min3A_1538, %max3A_1537 : vector<16xi32>
      %add3A_1540 = arith.constant 112 : i32
      %add3A_1541 = vector.broadcast %add3A_1540 : i32 to vector<16xi32>
      %add3A_1542 = arith.addi %add3A_1541, %iota3A : vector<16xi32>
      tpu.vector_store_idx %arg5[%min3A_1539, %add3A_1542], %broadcast_in_dim3A_5 masked %and3A_1533 : memref<40x512xf32, #tpu.memory_space<vmem>>[vector<16xi32>, vector<16xi32>], vector<16xf32>, vector<16xi1>
      %get3A_1543 = arith.constant 128 : index
      %get3A_1544 = tpu.vector_load %arg4[%get3A_1543] {strides = array<i32>} : memref<512xi32, #tpu.memory_space<vmem>>, vector<16xi32>,
      %sub3A_1545 = vector.broadcast %mul3A_1382 : i32 to vector<16xi32>
      %sub3A_1546 = arith.subi %get3A_1544, %sub3A_1545 : vector<16xi32>
      %ge3A_1547 = arith.constant 0 : i32
      %ge3A_1548 = vector.broadcast %ge3A_1547 : i32 to vector<16xi32>
      %ge3A_1549 = arith.cmpi sge, %sub3A_1546, %ge3A_1548 : vector<16xi32>
      %lt3A_1550 = arith.constant 40 : i32
      %lt3A_1551 = vector.broadcast %lt3A_1550 : i32 to vector<16xi32>
      %lt3A_1552 = arith.cmpi slt, %sub3A_1546, %lt3A_1551 : vector<16xi32>
      %and3A_1553 = arith.andi %ge3A_1549, %lt3A_1552 : vector<16xi1>
      %jit3A_1554 = arith.constant 0 : i32
      %jit3A_1555 = arith.constant 39 : i32
      %max3A_1556 = vector.broadcast %jit3A_1554 : i32 to vector<16xi32>
      %max3A_1557 = arith.maxsi %max3A_1556, %sub3A_1546 : vector<16xi32>
      %min3A_1558 = vector.broadcast %jit3A_1555 : i32 to vector<16xi32>
      %min3A_1559 = arith.minsi %min3A_1558, %max3A_1557 : vector<16xi32>
      %add3A_1560 = arith.constant 128 : i32
      %add3A_1561 = vector.broadcast %add3A_1560 : i32 to vector<16xi32>
      %add3A_1562 = arith.addi %add3A_1561, %iota3A : vector<16xi32>
      tpu.vector_store_idx %arg5[%min3A_1559, %add3A_1562], %broadcast_in_dim3A_5 masked %and3A_1553 : memref<40x512xf32, #tpu.memory_space<vmem>>[vector<16xi32>, vector<16xi32>], vector<16xf32>, vector<16xi1>
      %get3A_1563 = arith.constant 144 : index
      %get3A_1564 = tpu.vector_load %arg4[%get3A_1563] {strides = array<i32>} : memref<512xi32, #tpu.memory_space<vmem>>, vector<16xi32>,
      %sub3A_1565 = vector.broadcast %mul3A_1382 : i32 to vector<16xi32>
      %sub3A_1566 = arith.subi %get3A_1564, %sub3A_1565 : vector<16xi32>
      %ge3A_1567 = arith.constant 0 : i32
      %ge3A_1568 = vector.broadcast %ge3A_1567 : i32 to vector<16xi32>
      %ge3A_1569 = arith.cmpi sge, %sub3A_1566, %ge3A_1568 : vector<16xi32>
      %lt3A_1570 = arith.constant 40 : i32
      %lt3A_1571 = vector.broadcast %lt3A_1570 : i32 to vector<16xi32>
      %lt3A_1572 = arith.cmpi slt, %sub3A_1566, %lt3A_1571 : vector<16xi32>
      %and3A_1573 = arith.andi %ge3A_1569, %lt3A_1572 : vector<16xi1>
      %jit3A_1574 = arith.constant 0 : i32
      %jit3A_1575 = arith.constant 39 : i32
      %max3A_1576 = vector.broadcast %jit3A_1574 : i32 to vector<16xi32>
      %max3A_1577 = arith.maxsi %max3A_1576, %sub3A_1566 : vector<16xi32>
      %min3A_1578 = vector.broadcast %jit3A_1575 : i32 to vector<16xi32>
      %min3A_1579 = arith.minsi %min3A_1578, %max3A_1577 : vector<16xi32>
      %add3A_1580 = arith.constant 144 : i32
      %add3A_1581 = vector.broadcast %add3A_1580 : i32 to vector<16xi32>
      %add3A_1582 = arith.addi %add3A_1581, %iota3A : vector<16xi32>
      tpu.vector_store_idx %arg5[%min3A_1579, %add3A_1582], %broadcast_in_dim3A_5 masked %and3A_1573 : memref<40x512xf32, #tpu.memory_space<vmem>>[vector<16xi32>, vector<16xi32>], vector<16xf32>, vector<16xi1>
      %get3A_1583 = arith.constant 160 : index
      %get3A_1584 = tpu.vector_load %arg4[%get3A_1583] {strides = array<i32>} : memref<512xi32, #tpu.memory_space<vmem>>, vector<16xi32>,
      %sub3A_1585 = vector.broadcast %mul3A_1382 : i32 to vector<16xi32>
      %sub3A_1586 = arith.subi %get3A_1584, %sub3A_1585 : vector<16xi32>
      %ge3A_1587 = arith.constant 0 : i32
      %ge3A_1588 = vector.broadcast %ge3A_1587 : i32 to vector<16xi32>
      %ge3A_1589 = arith.cmpi sge, %sub3A_1586, %ge3A_1588 : vector<16xi32>
      %lt3A_1590 = arith.constant 40 : i32
      %lt3A_1591 = vector.broadcast %lt3A_1590 : i32 to vector<16xi32>
      %lt3A_1592 = arith.cmpi slt, %sub3A_1586, %lt3A_1591 : vector<16xi32>
      %and3A_1593 = arith.andi %ge3A_1589, %lt3A_1592 : vector<16xi1>
      %jit3A_1594 = arith.constant 0 : i32
      %jit3A_1595 = arith.constant 39 : i32
      %max3A_1596 = vector.broadcast %jit3A_1594 : i32 to vector<16xi32>
      %max3A_1597 = arith.maxsi %max3A_1596, %sub3A_1586 : vector<16xi32>
      %min3A_1598 = vector.broadcast %jit3A_1595 : i32 to vector<16xi32>
      %min3A_1599 = arith.minsi %min3A_1598, %max3A_1597 : vector<16xi32>
      %add3A_1600 = arith.constant 160 : i32
      %add3A_1601 = vector.broadcast %add3A_1600 : i32 to vector<16xi32>
      %add3A_1602 = arith.addi %add3A_1601, %iota3A : vector<16xi32>
      tpu.vector_store_idx %arg5[%min3A_1599, %add3A_1602], %broadcast_in_dim3A_5 masked %and3A_1593 : memref<40x512xf32, #tpu.memory_space<vmem>>[vector<16xi32>, vector<16xi32>], vector<16xf32>, vector<16xi1>
      %get3A_1603 = arith.constant 176 : index
      %get3A_1604 = tpu.vector_load %arg4[%get3A_1603] {strides = array<i32>} : memref<512xi32, #tpu.memory_space<vmem>>, vector<16xi32>,
      %sub3A_1605 = vector.broadcast %mul3A_1382 : i32 to vector<16xi32>
      %sub3A_1606 = arith.subi %get3A_1604, %sub3A_1605 : vector<16xi32>
      %ge3A_1607 = arith.constant 0 : i32
      %ge3A_1608 = vector.broadcast %ge3A_1607 : i32 to vector<16xi32>
      %ge3A_1609 = arith.cmpi sge, %sub3A_1606, %ge3A_1608 : vector<16xi32>
      %lt3A_1610 = arith.constant 40 : i32
      %lt3A_1611 = vector.broadcast %lt3A_1610 : i32 to vector<16xi32>
      %lt3A_1612 = arith.cmpi slt, %sub3A_1606, %lt3A_1611 : vector<16xi32>
      %and3A_1613 = arith.andi %ge3A_1609, %lt3A_1612 : vector<16xi1>
      %jit3A_1614 = arith.constant 0 : i32
      %jit3A_1615 = arith.constant 39 : i32
      %max3A_1616 = vector.broadcast %jit3A_1614 : i32 to vector<16xi32>
      %max3A_1617 = arith.maxsi %max3A_1616, %sub3A_1606 : vector<16xi32>
      %min3A_1618 = vector.broadcast %jit3A_1615 : i32 to vector<16xi32>
      %min3A_1619 = arith.minsi %min3A_1618, %max3A_1617 : vector<16xi32>
      %add3A_1620 = arith.constant 176 : i32
      %add3A_1621 = vector.broadcast %add3A_1620 : i32 to vector<16xi32>
      %add3A_1622 = arith.addi %add3A_1621, %iota3A : vector<16xi32>
      tpu.vector_store_idx %arg5[%min3A_1619, %add3A_1622], %broadcast_in_dim3A_5 masked %and3A_1613 : memref<40x512xf32, #tpu.memory_space<vmem>>[vector<16xi32>, vector<16xi32>], vector<16xf32>, vector<16xi1>
      %get3A_1623 = arith.constant 192 : index
      %get3A_1624 = tpu.vector_load %arg4[%get3A_1623] {strides = array<i32>} : memref<512xi32, #tpu.memory_space<vmem>>, vector<16xi32>,
      %sub3A_1625 = vector.broadcast %mul3A_1382 : i32 to vector<16xi32>
      %sub3A_1626 = arith.subi %get3A_1624, %sub3A_1625 : vector<16xi32>
      %ge3A_1627 = arith.constant 0 : i32
      %ge3A_1628 = vector.broadcast %ge3A_1627 : i32 to vector<16xi32>
      %ge3A_1629 = arith.cmpi sge, %sub3A_1626, %ge3A_1628 : vector<16xi32>
      %lt3A_1630 = arith.constant 40 : i32
      %lt3A_1631 = vector.broadcast %lt3A_1630 : i32 to vector<16xi32>
      %lt3A_1632 = arith.cmpi slt, %sub3A_1626, %lt3A_1631 : vector<16xi32>
      %and3A_1633 = arith.andi %ge3A_1629, %lt3A_1632 : vector<16xi1>
      %jit3A_1634 = arith.constant 0 : i32
      %jit3A_1635 = arith.constant 39 : i32
      %max3A_1636 = vector.broadcast %jit3A_1634 : i32 to vector<16xi32>
      %max3A_1637 = arith.maxsi %max3A_1636, %sub3A_1626 : vector<16xi32>
      %min3A_1638 = vector.broadcast %jit3A_1635 : i32 to vector<16xi32>
      %min3A_1639 = arith.minsi %min3A_1638, %max3A_1637 : vector<16xi32>
      %add3A_1640 = arith.constant 192 : i32
      %add3A_1641 = vector.broadcast %add3A_1640 : i32 to vector<16xi32>
      %add3A_1642 = arith.addi %add3A_1641, %iota3A : vector<16xi32>
      tpu.vector_store_idx %arg5[%min3A_1639, %add3A_1642], %broadcast_in_dim3A_5 masked %and3A_1633 : memref<40x512xf32, #tpu.memory_space<vmem>>[vector<16xi32>, vector<16xi32>], vector<16xf32>, vector<16xi1>
      %get3A_1643 = arith.constant 208 : index
      %get3A_1644 = tpu.vector_load %arg4[%get3A_1643] {strides = array<i32>} : memref<512xi32, #tpu.memory_space<vmem>>, vector<16xi32>,
      %sub3A_1645 = vector.broadcast %mul3A_1382 : i32 to vector<16xi32>
      %sub3A_1646 = arith.subi %get3A_1644, %sub3A_1645 : vector<16xi32>
      %ge3A_1647 = arith.constant 0 : i32
      %ge3A_1648 = vector.broadcast %ge3A_1647 : i32 to vector<16xi32>
      %ge3A_1649 = arith.cmpi sge, %sub3A_1646, %ge3A_1648 : vector<16xi32>
      %lt3A_1650 = arith.constant 40 : i32
      %lt3A_1651 = vector.broadcast %lt3A_1650 : i32 to vector<16xi32>
      %lt3A_1652 = arith.cmpi slt, %sub3A_1646, %lt3A_1651 : vector<16xi32>
      %and3A_1653 = arith.andi %ge3A_1649, %lt3A_1652 : vector<16xi1>
      %jit3A_1654 = arith.constant 0 : i32
      %jit3A_1655 = arith.constant 39 : i32
      %max3A_1656 = vector.broadcast %jit3A_1654 : i32 to vector<16xi32>
      %max3A_1657 = arith.maxsi %max3A_1656, %sub3A_1646 : vector<16xi32>
      %min3A_1658 = vector.broadcast %jit3A_1655 : i32 to vector<16xi32>
      %min3A_1659 = arith.minsi %min3A_1658, %max3A_1657 : vector<16xi32>
      %add3A_1660 = arith.constant 208 : i32
      %add3A_1661 = vector.broadcast %add3A_1660 : i32 to vector<16xi32>
      %add3A_1662 = arith.addi %add3A_1661, %iota3A : vector<16xi32>
      tpu.vector_store_idx %arg5[%min3A_1659, %add3A_1662], %broadcast_in_dim3A_5 masked %and3A_1653 : memref<40x512xf32, #tpu.memory_space<vmem>>[vector<16xi32>, vector<16xi32>], vector<16xf32>, vector<16xi1>
      %get3A_1663 = arith.constant 224 : index
      %get3A_1664 = tpu.vector_load %arg4[%get3A_1663] {strides = array<i32>} : memref<512xi32, #tpu.memory_space<vmem>>, vector<16xi32>,
      %sub3A_1665 = vector.broadcast %mul3A_1382 : i32 to vector<16xi32>
      %sub3A_1666 = arith.subi %get3A_1664, %sub3A_1665 : vector<16xi32>
      %ge3A_1667 = arith.constant 0 : i32
      %ge3A_1668 = vector.broadcast %ge3A_1667 : i32 to vector<16xi32>
      %ge3A_1669 = arith.cmpi sge, %sub3A_1666, %ge3A_1668 : vector<16xi32>
      %lt3A_1670 = arith.constant 40 : i32
      %lt3A_1671 = vector.broadcast %lt3A_1670 : i32 to vector<16xi32>
      %lt3A_1672 = arith.cmpi slt, %sub3A_1666, %lt3A_1671 : vector<16xi32>
      %and3A_1673 = arith.andi %ge3A_1669, %lt3A_1672 : vector<16xi1>
      %jit3A_1674 = arith.constant 0 : i32
      %jit3A_1675 = arith.constant 39 : i32
      %max3A_1676 = vector.broadcast %jit3A_1674 : i32 to vector<16xi32>
      %max3A_1677 = arith.maxsi %max3A_1676, %sub3A_1666 : vector<16xi32>
      %min3A_1678 = vector.broadcast %jit3A_1675 : i32 to vector<16xi32>
      %min3A_1679 = arith.minsi %min3A_1678, %max3A_1677 : vector<16xi32>
      %add3A_1680 = arith.constant 224 : i32
      %add3A_1681 = vector.broadcast %add3A_1680 : i32 to vector<16xi32>
      %add3A_1682 = arith.addi %add3A_1681, %iota3A : vector<16xi32>
      tpu.vector_store_idx %arg5[%min3A_1679, %add3A_1682], %broadcast_in_dim3A_5 masked %and3A_1673 : memref<40x512xf32, #tpu.memory_space<vmem>>[vector<16xi32>, vector<16xi32>], vector<16xf32>, vector<16xi1>
      %get3A_1683 = arith.constant 240 : index
      %get3A_1684 = tpu.vector_load %arg4[%get3A_1683] {strides = array<i32>} : memref<512xi32, #tpu.memory_space<vmem>>, vector<16xi32>,
      %sub3A_1685 = vector.broadcast %mul3A_1382 : i32 to vector<16xi32>
      %sub3A_1686 = arith.subi %get3A_1684, %sub3A_1685 : vector<16xi32>
      %ge3A_1687 = arith.constant 0 : i32
      %ge3A_1688 = vector.broadcast %ge3A_1687 : i32 to vector<16xi32>
      %ge3A_1689 = arith.cmpi sge, %sub3A_1686, %ge3A_1688 : vector<16xi32>
      %lt3A_1690 = arith.constant 40 : i32
      %lt3A_1691 = vector.broadcast %lt3A_1690 : i32 to vector<16xi32>
      %lt3A_1692 = arith.cmpi slt, %sub3A_1686, %lt3A_1691 : vector<16xi32>
      %and3A_1693 = arith.andi %ge3A_1689, %lt3A_1692 : vector<16xi1>
      %jit3A_1694 = arith.constant 0 : i32
      %jit3A_1695 = arith.constant 39 : i32
      %max3A_1696 = vector.broadcast %jit3A_1694 : i32 to vector<16xi32>
      %max3A_1697 = arith.maxsi %max3A_1696, %sub3A_1686 : vector<16xi32>
      %min3A_1698 = vector.broadcast %jit3A_1695 : i32 to vector<16xi32>
      %min3A_1699 = arith.minsi %min3A_1698, %max3A_1697 : vector<16xi32>
      %add3A_1700 = arith.constant 240 : i32
      %add3A_1701 = vector.broadcast %add3A_1700 : i32 to vector<16xi32>
      %add3A_1702 = arith.addi %add3A_1701, %iota3A : vector<16xi32>
      tpu.vector_store_idx %arg5[%min3A_1699, %add3A_1702], %broadcast_in_dim3A_5 masked %and3A_1693 : memref<40x512xf32, #tpu.memory_space<vmem>>[vector<16xi32>, vector<16xi32>], vector<16xf32>, vector<16xi1>
      %get3A_1703 = arith.constant 256 : index
      %get3A_1704 = tpu.vector_load %arg4[%get3A_1703] {strides = array<i32>} : memref<512xi32, #tpu.memory_space<vmem>>, vector<16xi32>,
      %sub3A_1705 = vector.broadcast %mul3A_1382 : i32 to vector<16xi32>
      %sub3A_1706 = arith.subi %get3A_1704, %sub3A_1705 : vector<16xi32>
      %ge3A_1707 = arith.constant 0 : i32
      %ge3A_1708 = vector.broadcast %ge3A_1707 : i32 to vector<16xi32>
      %ge3A_1709 = arith.cmpi sge, %sub3A_1706, %ge3A_1708 : vector<16xi32>
      %lt3A_1710 = arith.constant 40 : i32
      %lt3A_1711 = vector.broadcast %lt3A_1710 : i32 to vector<16xi32>
      %lt3A_1712 = arith.cmpi slt, %sub3A_1706, %lt3A_1711 : vector<16xi32>
      %and3A_1713 = arith.andi %ge3A_1709, %lt3A_1712 : vector<16xi1>
      %jit3A_1714 = arith.constant 0 : i32
      %jit3A_1715 = arith.constant 39 : i32
      %max3A_1716 = vector.broadcast %jit3A_1714 : i32 to vector<16xi32>
      %max3A_1717 = arith.maxsi %max3A_1716, %sub3A_1706 : vector<16xi32>
      %min3A_1718 = vector.broadcast %jit3A_1715 : i32 to vector<16xi32>
      %min3A_1719 = arith.minsi %min3A_1718, %max3A_1717 : vector<16xi32>
      %add3A_1720 = arith.constant 256 : i32
      %add3A_1721 = vector.broadcast %add3A_1720 : i32 to vector<16xi32>
      %add3A_1722 = arith.addi %add3A_1721, %iota3A : vector<16xi32>
      tpu.vector_store_idx %arg5[%min3A_1719, %add3A_1722], %broadcast_in_dim3A_5 masked %and3A_1713 : memref<40x512xf32, #tpu.memory_space<vmem>>[vector<16xi32>, vector<16xi32>], vector<16xf32>, vector<16xi1>
      %get3A_1723 = arith.constant 272 : index
      %get3A_1724 = tpu.vector_load %arg4[%get3A_1723] {strides = array<i32>} : memref<512xi32, #tpu.memory_space<vmem>>, vector<16xi32>,
      %sub3A_1725 = vector.broadcast %mul3A_1382 : i32 to vector<16xi32>
      %sub3A_1726 = arith.subi %get3A_1724, %sub3A_1725 : vector<16xi32>
      %ge3A_1727 = arith.constant 0 : i32
      %ge3A_1728 = vector.broadcast %ge3A_1727 : i32 to vector<16xi32>
      %ge3A_1729 = arith.cmpi sge, %sub3A_1726, %ge3A_1728 : vector<16xi32>
      %lt3A_1730 = arith.constant 40 : i32
      %lt3A_1731 = vector.broadcast %lt3A_1730 : i32 to vector<16xi32>
      %lt3A_1732 = arith.cmpi slt, %sub3A_1726, %lt3A_1731 : vector<16xi32>
      %and3A_1733 = arith.andi %ge3A_1729, %lt3A_1732 : vector<16xi1>
      %jit3A_1734 = arith.constant 0 : i32
      %jit3A_1735 = arith.constant 39 : i32
      %max3A_1736 = vector.broadcast %jit3A_1734 : i32 to vector<16xi32>
      %max3A_1737 = arith.maxsi %max3A_1736, %sub3A_1726 : vector<16xi32>
      %min3A_1738 = vector.broadcast %jit3A_1735 : i32 to vector<16xi32>
      %min3A_1739 = arith.minsi %min3A_1738, %max3A_1737 : vector<16xi32>
      %add3A_1740 = arith.constant 272 : i32
      %add3A_1741 = vector.broadcast %add3A_1740 : i32 to vector<16xi32>
      %add3A_1742 = arith.addi %add3A_1741, %iota3A : vector<16xi32>
      tpu.vector_store_idx %arg5[%min3A_1739, %add3A_1742], %broadcast_in_dim3A_5 masked %and3A_1733 : memref<40x512xf32, #tpu.memory_space<vmem>>[vector<16xi32>, vector<16xi32>], vector<16xf32>, vector<16xi1>
      %get3A_1743 = arith.constant 288 : index
      %get3A_1744 = tpu.vector_load %arg4[%get3A_1743] {strides = array<i32>} : memref<512xi32, #tpu.memory_space<vmem>>, vector<16xi32>,
      %sub3A_1745 = vector.broadcast %mul3A_1382 : i32 to vector<16xi32>
      %sub3A_1746 = arith.subi %get3A_1744, %sub3A_1745 : vector<16xi32>
      %ge3A_1747 = arith.constant 0 : i32
      %ge3A_1748 = vector.broadcast %ge3A_1747 : i32 to vector<16xi32>
      %ge3A_1749 = arith.cmpi sge, %sub3A_1746, %ge3A_1748 : vector<16xi32>
      %lt3A_1750 = arith.constant 40 : i32
      %lt3A_1751 = vector.broadcast %lt3A_1750 : i32 to vector<16xi32>
      %lt3A_1752 = arith.cmpi slt, %sub3A_1746, %lt3A_1751 : vector<16xi32>
      %and3A_1753 = arith.andi %ge3A_1749, %lt3A_1752 : vector<16xi1>
      %jit3A_1754 = arith.constant 0 : i32
      %jit3A_1755 = arith.constant 39 : i32
      %max3A_1756 = vector.broadcast %jit3A_1754 : i32 to vector<16xi32>
      %max3A_1757 = arith.maxsi %max3A_1756, %sub3A_1746 : vector<16xi32>
      %min3A_1758 = vector.broadcast %jit3A_1755 : i32 to vector<16xi32>
      %min3A_1759 = arith.minsi %min3A_1758, %max3A_1757 : vector<16xi32>
      %add3A_1760 = arith.constant 288 : i32
      %add3A_1761 = vector.broadcast %add3A_1760 : i32 to vector<16xi32>
      %add3A_1762 = arith.addi %add3A_1761, %iota3A : vector<16xi32>
      tpu.vector_store_idx %arg5[%min3A_1759, %add3A_1762], %broadcast_in_dim3A_5 masked %and3A_1753 : memref<40x512xf32, #tpu.memory_space<vmem>>[vector<16xi32>, vector<16xi32>], vector<16xf32>, vector<16xi1>
      %get3A_1763 = arith.constant 304 : index
      %get3A_1764 = tpu.vector_load %arg4[%get3A_1763] {strides = array<i32>} : memref<512xi32, #tpu.memory_space<vmem>>, vector<16xi32>,
      %sub3A_1765 = vector.broadcast %mul3A_1382 : i32 to vector<16xi32>
      %sub3A_1766 = arith.subi %get3A_1764, %sub3A_1765 : vector<16xi32>
      %ge3A_1767 = arith.constant 0 : i32
      %ge3A_1768 = vector.broadcast %ge3A_1767 : i32 to vector<16xi32>
      %ge3A_1769 = arith.cmpi sge, %sub3A_1766, %ge3A_1768 : vector<16xi32>
      %lt3A_1770 = arith.constant 40 : i32
      %lt3A_1771 = vector.broadcast %lt3A_1770 : i32 to vector<16xi32>
      %lt3A_1772 = arith.cmpi slt, %sub3A_1766, %lt3A_1771 : vector<16xi32>
      %and3A_1773 = arith.andi %ge3A_1769, %lt3A_1772 : vector<16xi1>
      %jit3A_1774 = arith.constant 0 : i32
      %jit3A_1775 = arith.constant 39 : i32
      %max3A_1776 = vector.broadcast %jit3A_1774 : i32 to vector<16xi32>
      %max3A_1777 = arith.maxsi %max3A_1776, %sub3A_1766 : vector<16xi32>
      %min3A_1778 = vector.broadcast %jit3A_1775 : i32 to vector<16xi32>
      %min3A_1779 = arith.minsi %min3A_1778, %max3A_1777 : vector<16xi32>
      %add3A_1780 = arith.constant 304 : i32
      %add3A_1781 = vector.broadcast %add3A_1780 : i32 to vector<16xi32>
      %add3A_1782 = arith.addi %add3A_1781, %iota3A : vector<16xi32>
      tpu.vector_store_idx %arg5[%min3A_1779, %add3A_1782], %broadcast_in_dim3A_5 masked %and3A_1773 : memref<40x512xf32, #tpu.memory_space<vmem>>[vector<16xi32>, vector<16xi32>], vector<16xf32>, vector<16xi1>
      %get3A_1783 = arith.constant 320 : index
      %get3A_1784 = tpu.vector_load %arg4[%get3A_1783] {strides = array<i32>} : memref<512xi32, #tpu.memory_space<vmem>>, vector<16xi32>,
      %sub3A_1785 = vector.broadcast %mul3A_1382 : i32 to vector<16xi32>
      %sub3A_1786 = arith.subi %get3A_1784, %sub3A_1785 : vector<16xi32>
      %ge3A_1787 = arith.constant 0 : i32
      %ge3A_1788 = vector.broadcast %ge3A_1787 : i32 to vector<16xi32>
      %ge3A_1789 = arith.cmpi sge, %sub3A_1786, %ge3A_1788 : vector<16xi32>
      %lt3A_1790 = arith.constant 40 : i32
      %lt3A_1791 = vector.broadcast %lt3A_1790 : i32 to vector<16xi32>
      %lt3A_1792 = arith.cmpi slt, %sub3A_1786, %lt3A_1791 : vector<16xi32>
      %and3A_1793 = arith.andi %ge3A_1789, %lt3A_1792 : vector<16xi1>
      %jit3A_1794 = arith.constant 0 : i32
      %jit3A_1795 = arith.constant 39 : i32
      %max3A_1796 = vector.broadcast %jit3A_1794 : i32 to vector<16xi32>
      %max3A_1797 = arith.maxsi %max3A_1796, %sub3A_1786 : vector<16xi32>
      %min3A_1798 = vector.broadcast %jit3A_1795 : i32 to vector<16xi32>
      %min3A_1799 = arith.minsi %min3A_1798, %max3A_1797 : vector<16xi32>
      %add3A_1800 = arith.constant 320 : i32
      %add3A_1801 = vector.broadcast %add3A_1800 : i32 to vector<16xi32>
      %add3A_1802 = arith.addi %add3A_1801, %iota3A : vector<16xi32>
      tpu.vector_store_idx %arg5[%min3A_1799, %add3A_1802], %broadcast_in_dim3A_5 masked %and3A_1793 : memref<40x512xf32, #tpu.memory_space<vmem>>[vector<16xi32>, vector<16xi32>], vector<16xf32>, vector<16xi1>
      %get3A_1803 = arith.constant 336 : index
      %get3A_1804 = tpu.vector_load %arg4[%get3A_1803] {strides = array<i32>} : memref<512xi32, #tpu.memory_space<vmem>>, vector<16xi32>,
      %sub3A_1805 = vector.broadcast %mul3A_1382 : i32 to vector<16xi32>
      %sub3A_1806 = arith.subi %get3A_1804, %sub3A_1805 : vector<16xi32>
      %ge3A_1807 = arith.constant 0 : i32
      %ge3A_1808 = vector.broadcast %ge3A_1807 : i32 to vector<16xi32>
      %ge3A_1809 = arith.cmpi sge, %sub3A_1806, %ge3A_1808 : vector<16xi32>
      %lt3A_1810 = arith.constant 40 : i32
      %lt3A_1811 = vector.broadcast %lt3A_1810 : i32 to vector<16xi32>
      %lt3A_1812 = arith.cmpi slt, %sub3A_1806, %lt3A_1811 : vector<16xi32>
      %and3A_1813 = arith.andi %ge3A_1809, %lt3A_1812 : vector<16xi1>
      %jit3A_1814 = arith.constant 0 : i32
      %jit3A_1815 = arith.constant 39 : i32
      %max3A_1816 = vector.broadcast %jit3A_1814 : i32 to vector<16xi32>
      %max3A_1817 = arith.maxsi %max3A_1816, %sub3A_1806 : vector<16xi32>
      %min3A_1818 = vector.broadcast %jit3A_1815 : i32 to vector<16xi32>
      %min3A_1819 = arith.minsi %min3A_1818, %max3A_1817 : vector<16xi32>
      %add3A_1820 = arith.constant 336 : i32
      %add3A_1821 = vector.broadcast %add3A_1820 : i32 to vector<16xi32>
      %add3A_1822 = arith.addi %add3A_1821, %iota3A : vector<16xi32>
      tpu.vector_store_idx %arg5[%min3A_1819, %add3A_1822], %broadcast_in_dim3A_5 masked %and3A_1813 : memref<40x512xf32, #tpu.memory_space<vmem>>[vector<16xi32>, vector<16xi32>], vector<16xf32>, vector<16xi1>
      %get3A_1823 = arith.constant 352 : index
      %get3A_1824 = tpu.vector_load %arg4[%get3A_1823] {strides = array<i32>} : memref<512xi32, #tpu.memory_space<vmem>>, vector<16xi32>,
      %sub3A_1825 = vector.broadcast %mul3A_1382 : i32 to vector<16xi32>
      %sub3A_1826 = arith.subi %get3A_1824, %sub3A_1825 : vector<16xi32>
      %ge3A_1827 = arith.constant 0 : i32
      %ge3A_1828 = vector.broadcast %ge3A_1827 : i32 to vector<16xi32>
      %ge3A_1829 = arith.cmpi sge, %sub3A_1826, %ge3A_1828 : vector<16xi32>
      %lt3A_1830 = arith.constant 40 : i32
      %lt3A_1831 = vector.broadcast %lt3A_1830 : i32 to vector<16xi32>
      %lt3A_1832 = arith.cmpi slt, %sub3A_1826, %lt3A_1831 : vector<16xi32>
      %and3A_1833 = arith.andi %ge3A_1829, %lt3A_1832 : vector<16xi1>
      %jit3A_1834 = arith.constant 0 : i32
      %jit3A_1835 = arith.constant 39 : i32
      %max3A_1836 = vector.broadcast %jit3A_1834 : i32 to vector<16xi32>
      %max3A_1837 = arith.maxsi %max3A_1836, %sub3A_1826 : vector<16xi32>
      %min3A_1838 = vector.broadcast %jit3A_1835 : i32 to vector<16xi32>
      %min3A_1839 = arith.minsi %min3A_1838, %max3A_1837 : vector<16xi32>
      %add3A_1840 = arith.constant 352 : i32
      %add3A_1841 = vector.broadcast %add3A_1840 : i32 to vector<16xi32>
      %add3A_1842 = arith.addi %add3A_1841, %iota3A : vector<16xi32>
      tpu.vector_store_idx %arg5[%min3A_1839, %add3A_1842], %broadcast_in_dim3A_5 masked %and3A_1833 : memref<40x512xf32, #tpu.memory_space<vmem>>[vector<16xi32>, vector<16xi32>], vector<16xf32>, vector<16xi1>
      %get3A_1843 = arith.constant 368 : index
      %get3A_1844 = tpu.vector_load %arg4[%get3A_1843] {strides = array<i32>} : memref<512xi32, #tpu.memory_space<vmem>>, vector<16xi32>,
      %sub3A_1845 = vector.broadcast %mul3A_1382 : i32 to vector<16xi32>
      %sub3A_1846 = arith.subi %get3A_1844, %sub3A_1845 : vector<16xi32>
      %ge3A_1847 = arith.constant 0 : i32
      %ge3A_1848 = vector.broadcast %ge3A_1847 : i32 to vector<16xi32>
      %ge3A_1849 = arith.cmpi sge, %sub3A_1846, %ge3A_1848 : vector<16xi32>
      %lt3A_1850 = arith.constant 40 : i32
      %lt3A_1851 = vector.broadcast %lt3A_1850 : i32 to vector<16xi32>
      %lt3A_1852 = arith.cmpi slt, %sub3A_1846, %lt3A_1851 : vector<16xi32>
      %and3A_1853 = arith.andi %ge3A_1849, %lt3A_1852 : vector<16xi1>
      %jit3A_1854 = arith.constant 0 : i32
      %jit3A_1855 = arith.constant 39 : i32
      %max3A_1856 = vector.broadcast %jit3A_1854 : i32 to vector<16xi32>
      %max3A_1857 = arith.maxsi %max3A_1856, %sub3A_1846 : vector<16xi32>
      %min3A_1858 = vector.broadcast %jit3A_1855 : i32 to vector<16xi32>
      %min3A_1859 = arith.minsi %min3A_1858, %max3A_1857 : vector<16xi32>
      %add3A_1860 = arith.constant 368 : i32
      %add3A_1861 = vector.broadcast %add3A_1860 : i32 to vector<16xi32>
      %add3A_1862 = arith.addi %add3A_1861, %iota3A : vector<16xi32>
      tpu.vector_store_idx %arg5[%min3A_1859, %add3A_1862], %broadcast_in_dim3A_5 masked %and3A_1853 : memref<40x512xf32, #tpu.memory_space<vmem>>[vector<16xi32>, vector<16xi32>], vector<16xf32>, vector<16xi1>
      %get3A_1863 = arith.constant 384 : index
      %get3A_1864 = tpu.vector_load %arg4[%get3A_1863] {strides = array<i32>} : memref<512xi32, #tpu.memory_space<vmem>>, vector<16xi32>,
      %sub3A_1865 = vector.broadcast %mul3A_1382 : i32 to vector<16xi32>
      %sub3A_1866 = arith.subi %get3A_1864, %sub3A_1865 : vector<16xi32>
      %ge3A_1867 = arith.constant 0 : i32
      %ge3A_1868 = vector.broadcast %ge3A_1867 : i32 to vector<16xi32>
      %ge3A_1869 = arith.cmpi sge, %sub3A_1866, %ge3A_1868 : vector<16xi32>
      %lt3A_1870 = arith.constant 40 : i32
      %lt3A_1871 = vector.broadcast %lt3A_1870 : i32 to vector<16xi32>
      %lt3A_1872 = arith.cmpi slt, %sub3A_1866, %lt3A_1871 : vector<16xi32>
      %and3A_1873 = arith.andi %ge3A_1869, %lt3A_1872 : vector<16xi1>
      %jit3A_1874 = arith.constant 0 : i32
      %jit3A_1875 = arith.constant 39 : i32
      %max3A_1876 = vector.broadcast %jit3A_1874 : i32 to vector<16xi32>
      %max3A_1877 = arith.maxsi %max3A_1876, %sub3A_1866 : vector<16xi32>
      %min3A_1878 = vector.broadcast %jit3A_1875 : i32 to vector<16xi32>
      %min3A_1879 = arith.minsi %min3A_1878, %max3A_1877 : vector<16xi32>
      %add3A_1880 = arith.constant 384 : i32
      %add3A_1881 = vector.broadcast %add3A_1880 : i32 to vector<16xi32>
      %add3A_1882 = arith.addi %add3A_1881, %iota3A : vector<16xi32>
      tpu.vector_store_idx %arg5[%min3A_1879, %add3A_1882], %broadcast_in_dim3A_5 masked %and3A_1873 : memref<40x512xf32, #tpu.memory_space<vmem>>[vector<16xi32>, vector<16xi32>], vector<16xf32>, vector<16xi1>
      %get3A_1883 = arith.constant 400 : index
      %get3A_1884 = tpu.vector_load %arg4[%get3A_1883] {strides = array<i32>} : memref<512xi32, #tpu.memory_space<vmem>>, vector<16xi32>,
      %sub3A_1885 = vector.broadcast %mul3A_1382 : i32 to vector<16xi32>
      %sub3A_1886 = arith.subi %get3A_1884, %sub3A_1885 : vector<16xi32>
      %ge3A_1887 = arith.constant 0 : i32
      %ge3A_1888 = vector.broadcast %ge3A_1887 : i32 to vector<16xi32>
      %ge3A_1889 = arith.cmpi sge, %sub3A_1886, %ge3A_1888 : vector<16xi32>
      %lt3A_1890 = arith.constant 40 : i32
      %lt3A_1891 = vector.broadcast %lt3A_1890 : i32 to vector<16xi32>
      %lt3A_1892 = arith.cmpi slt, %sub3A_1886, %lt3A_1891 : vector<16xi32>
      %and3A_1893 = arith.andi %ge3A_1889, %lt3A_1892 : vector<16xi1>
      %jit3A_1894 = arith.constant 0 : i32
      %jit3A_1895 = arith.constant 39 : i32
      %max3A_1896 = vector.broadcast %jit3A_1894 : i32 to vector<16xi32>
      %max3A_1897 = arith.maxsi %max3A_1896, %sub3A_1886 : vector<16xi32>
      %min3A_1898 = vector.broadcast %jit3A_1895 : i32 to vector<16xi32>
      %min3A_1899 = arith.minsi %min3A_1898, %max3A_1897 : vector<16xi32>
      %add3A_1900 = arith.constant 400 : i32
      %add3A_1901 = vector.broadcast %add3A_1900 : i32 to vector<16xi32>
      %add3A_1902 = arith.addi %add3A_1901, %iota3A : vector<16xi32>
      tpu.vector_store_idx %arg5[%min3A_1899, %add3A_1902], %broadcast_in_dim3A_5 masked %and3A_1893 : memref<40x512xf32, #tpu.memory_space<vmem>>[vector<16xi32>, vector<16xi32>], vector<16xf32>, vector<16xi1>
      %get3A_1903 = arith.constant 416 : index
      %get3A_1904 = tpu.vector_load %arg4[%get3A_1903] {strides = array<i32>} : memref<512xi32, #tpu.memory_space<vmem>>, vector<16xi32>,
      %sub3A_1905 = vector.broadcast %mul3A_1382 : i32 to vector<16xi32>
      %sub3A_1906 = arith.subi %get3A_1904, %sub3A_1905 : vector<16xi32>
      %ge3A_1907 = arith.constant 0 : i32
      %ge3A_1908 = vector.broadcast %ge3A_1907 : i32 to vector<16xi32>
      %ge3A_1909 = arith.cmpi sge, %sub3A_1906, %ge3A_1908 : vector<16xi32>
      %lt3A_1910 = arith.constant 40 : i32
      %lt3A_1911 = vector.broadcast %lt3A_1910 : i32 to vector<16xi32>
      %lt3A_1912 = arith.cmpi slt, %sub3A_1906, %lt3A_1911 : vector<16xi32>
      %and3A_1913 = arith.andi %ge3A_1909, %lt3A_1912 : vector<16xi1>
      %jit3A_1914 = arith.constant 0 : i32
      %jit3A_1915 = arith.constant 39 : i32
      %max3A_1916 = vector.broadcast %jit3A_1914 : i32 to vector<16xi32>
      %max3A_1917 = arith.maxsi %max3A_1916, %sub3A_1906 : vector<16xi32>
      %min3A_1918 = vector.broadcast %jit3A_1915 : i32 to vector<16xi32>
      %min3A_1919 = arith.minsi %min3A_1918, %max3A_1917 : vector<16xi32>
      %add3A_1920 = arith.constant 416 : i32
      %add3A_1921 = vector.broadcast %add3A_1920 : i32 to vector<16xi32>
      %add3A_1922 = arith.addi %add3A_1921, %iota3A : vector<16xi32>
      tpu.vector_store_idx %arg5[%min3A_1919, %add3A_1922], %broadcast_in_dim3A_5 masked %and3A_1913 : memref<40x512xf32, #tpu.memory_space<vmem>>[vector<16xi32>, vector<16xi32>], vector<16xf32>, vector<16xi1>
      %get3A_1923 = arith.constant 432 : index
      %get3A_1924 = tpu.vector_load %arg4[%get3A_1923] {strides = array<i32>} : memref<512xi32, #tpu.memory_space<vmem>>, vector<16xi32>,
      %sub3A_1925 = vector.broadcast %mul3A_1382 : i32 to vector<16xi32>
      %sub3A_1926 = arith.subi %get3A_1924, %sub3A_1925 : vector<16xi32>
      %ge3A_1927 = arith.constant 0 : i32
      %ge3A_1928 = vector.broadcast %ge3A_1927 : i32 to vector<16xi32>
      %ge3A_1929 = arith.cmpi sge, %sub3A_1926, %ge3A_1928 : vector<16xi32>
      %lt3A_1930 = arith.constant 40 : i32
      %lt3A_1931 = vector.broadcast %lt3A_1930 : i32 to vector<16xi32>
      %lt3A_1932 = arith.cmpi slt, %sub3A_1926, %lt3A_1931 : vector<16xi32>
      %and3A_1933 = arith.andi %ge3A_1929, %lt3A_1932 : vector<16xi1>
      %jit3A_1934 = arith.constant 0 : i32
      %jit3A_1935 = arith.constant 39 : i32
      %max3A_1936 = vector.broadcast %jit3A_1934 : i32 to vector<16xi32>
      %max3A_1937 = arith.maxsi %max3A_1936, %sub3A_1926 : vector<16xi32>
      %min3A_1938 = vector.broadcast %jit3A_1935 : i32 to vector<16xi32>
      %min3A_1939 = arith.minsi %min3A_1938, %max3A_1937 : vector<16xi32>
      %add3A_1940 = arith.constant 432 : i32
      %add3A_1941 = vector.broadcast %add3A_1940 : i32 to vector<16xi32>
      %add3A_1942 = arith.addi %add3A_1941, %iota3A : vector<16xi32>
      tpu.vector_store_idx %arg5[%min3A_1939, %add3A_1942], %broadcast_in_dim3A_5 masked %and3A_1933 : memref<40x512xf32, #tpu.memory_space<vmem>>[vector<16xi32>, vector<16xi32>], vector<16xf32>, vector<16xi1>
      %get3A_1943 = arith.constant 448 : index
      %get3A_1944 = tpu.vector_load %arg4[%get3A_1943] {strides = array<i32>} : memref<512xi32, #tpu.memory_space<vmem>>, vector<16xi32>,
      %sub3A_1945 = vector.broadcast %mul3A_1382 : i32 to vector<16xi32>
      %sub3A_1946 = arith.subi %get3A_1944, %sub3A_1945 : vector<16xi32>
      %ge3A_1947 = arith.constant 0 : i32
      %ge3A_1948 = vector.broadcast %ge3A_1947 : i32 to vector<16xi32>
      %ge3A_1949 = arith.cmpi sge, %sub3A_1946, %ge3A_1948 : vector<16xi32>
      %lt3A_1950 = arith.constant 40 : i32
      %lt3A_1951 = vector.broadcast %lt3A_1950 : i32 to vector<16xi32>
      %lt3A_1952 = arith.cmpi slt, %sub3A_1946, %lt3A_1951 : vector<16xi32>
      %and3A_1953 = arith.andi %ge3A_1949, %lt3A_1952 : vector<16xi1>
      %jit3A_1954 = arith.constant 0 : i32
      %jit3A_1955 = arith.constant 39 : i32
      %max3A_1956 = vector.broadcast %jit3A_1954 : i32 to vector<16xi32>
      %max3A_1957 = arith.maxsi %max3A_1956, %sub3A_1946 : vector<16xi32>
      %min3A_1958 = vector.broadcast %jit3A_1955 : i32 to vector<16xi32>
      %min3A_1959 = arith.minsi %min3A_1958, %max3A_1957 : vector<16xi32>
      %add3A_1960 = arith.constant 448 : i32
      %add3A_1961 = vector.broadcast %add3A_1960 : i32 to vector<16xi32>
      %add3A_1962 = arith.addi %add3A_1961, %iota3A : vector<16xi32>
      tpu.vector_store_idx %arg5[%min3A_1959, %add3A_1962], %broadcast_in_dim3A_5 masked %and3A_1953 : memref<40x512xf32, #tpu.memory_space<vmem>>[vector<16xi32>, vector<16xi32>], vector<16xf32>, vector<16xi1>
      %get3A_1963 = arith.constant 464 : index
      %get3A_1964 = tpu.vector_load %arg4[%get3A_1963] {strides = array<i32>} : memref<512xi32, #tpu.memory_space<vmem>>, vector<16xi32>,
      %sub3A_1965 = vector.broadcast %mul3A_1382 : i32 to vector<16xi32>
      %sub3A_1966 = arith.subi %get3A_1964, %sub3A_1965 : vector<16xi32>
      %ge3A_1967 = arith.constant 0 : i32
      %ge3A_1968 = vector.broadcast %ge3A_1967 : i32 to vector<16xi32>
      %ge3A_1969 = arith.cmpi sge, %sub3A_1966, %ge3A_1968 : vector<16xi32>
      %lt3A_1970 = arith.constant 40 : i32
      %lt3A_1971 = vector.broadcast %lt3A_1970 : i32 to vector<16xi32>
      %lt3A_1972 = arith.cmpi slt, %sub3A_1966, %lt3A_1971 : vector<16xi32>
      %and3A_1973 = arith.andi %ge3A_1969, %lt3A_1972 : vector<16xi1>
      %jit3A_1974 = arith.constant 0 : i32
      %jit3A_1975 = arith.constant 39 : i32
      %max3A_1976 = vector.broadcast %jit3A_1974 : i32 to vector<16xi32>
      %max3A_1977 = arith.maxsi %max3A_1976, %sub3A_1966 : vector<16xi32>
      %min3A_1978 = vector.broadcast %jit3A_1975 : i32 to vector<16xi32>
      %min3A_1979 = arith.minsi %min3A_1978, %max3A_1977 : vector<16xi32>
      %add3A_1980 = arith.constant 464 : i32
      %add3A_1981 = vector.broadcast %add3A_1980 : i32 to vector<16xi32>
      %add3A_1982 = arith.addi %add3A_1981, %iota3A : vector<16xi32>
      tpu.vector_store_idx %arg5[%min3A_1979, %add3A_1982], %broadcast_in_dim3A_5 masked %and3A_1973 : memref<40x512xf32, #tpu.memory_space<vmem>>[vector<16xi32>, vector<16xi32>], vector<16xf32>, vector<16xi1>
      %get3A_1983 = arith.constant 480 : index
      %get3A_1984 = tpu.vector_load %arg4[%get3A_1983] {strides = array<i32>} : memref<512xi32, #tpu.memory_space<vmem>>, vector<16xi32>,
      %sub3A_1985 = vector.broadcast %mul3A_1382 : i32 to vector<16xi32>
      %sub3A_1986 = arith.subi %get3A_1984, %sub3A_1985 : vector<16xi32>
      %ge3A_1987 = arith.constant 0 : i32
      %ge3A_1988 = vector.broadcast %ge3A_1987 : i32 to vector<16xi32>
      %ge3A_1989 = arith.cmpi sge, %sub3A_1986, %ge3A_1988 : vector<16xi32>
      %lt3A_1990 = arith.constant 40 : i32
      %lt3A_1991 = vector.broadcast %lt3A_1990 : i32 to vector<16xi32>
      %lt3A_1992 = arith.cmpi slt, %sub3A_1986, %lt3A_1991 : vector<16xi32>
      %and3A_1993 = arith.andi %ge3A_1989, %lt3A_1992 : vector<16xi1>
      %jit3A_1994 = arith.constant 0 : i32
      %jit3A_1995 = arith.constant 39 : i32
      %max3A_1996 = vector.broadcast %jit3A_1994 : i32 to vector<16xi32>
      %max3A_1997 = arith.maxsi %max3A_1996, %sub3A_1986 : vector<16xi32>
      %min3A_1998 = vector.broadcast %jit3A_1995 : i32 to vector<16xi32>
      %min3A_1999 = arith.minsi %min3A_1998, %max3A_1997 : vector<16xi32>
      %add3A_2000 = arith.constant 480 : i32
      %add3A_2001 = vector.broadcast %add3A_2000 : i32 to vector<16xi32>
      %add3A_2002 = arith.addi %add3A_2001, %iota3A : vector<16xi32>
      tpu.vector_store_idx %arg5[%min3A_1999, %add3A_2002], %broadcast_in_dim3A_5 masked %and3A_1993 : memref<40x512xf32, #tpu.memory_space<vmem>>[vector<16xi32>, vector<16xi32>], vector<16xf32>, vector<16xi1>
      %get3A_2003 = arith.constant 496 : index
      %get3A_2004 = tpu.vector_load %arg4[%get3A_2003] {strides = array<i32>} : memref<512xi32, #tpu.memory_space<vmem>>, vector<16xi32>,
      %sub3A_2005 = vector.broadcast %mul3A_1382 : i32 to vector<16xi32>
      %sub3A_2006 = arith.subi %get3A_2004, %sub3A_2005 : vector<16xi32>
      %ge3A_2007 = arith.constant 0 : i32
      %ge3A_2008 = vector.broadcast %ge3A_2007 : i32 to vector<16xi32>
      %ge3A_2009 = arith.cmpi sge, %sub3A_2006, %ge3A_2008 : vector<16xi32>
      %lt3A_2010 = arith.constant 40 : i32
      %lt3A_2011 = vector.broadcast %lt3A_2010 : i32 to vector<16xi32>
      %lt3A_2012 = arith.cmpi slt, %sub3A_2006, %lt3A_2011 : vector<16xi32>
      %and3A_2013 = arith.andi %ge3A_2009, %lt3A_2012 : vector<16xi1>
      %jit3A_2014 = arith.constant 0 : i32
      %jit3A_2015 = arith.constant 39 : i32
      %max3A_2016 = vector.broadcast %jit3A_2014 : i32 to vector<16xi32>
      %max3A_2017 = arith.maxsi %max3A_2016, %sub3A_2006 : vector<16xi32>
      %min3A_2018 = vector.broadcast %jit3A_2015 : i32 to vector<16xi32>
      %min3A_2019 = arith.minsi %min3A_2018, %max3A_2017 : vector<16xi32>
      %add3A_2020 = arith.constant 496 : i32
      %add3A_2021 = vector.broadcast %add3A_2020 : i32 to vector<16xi32>
      %add3A_2022 = arith.addi %add3A_2021, %iota3A : vector<16xi32>
      tpu.vector_store_idx %arg5[%min3A_2019, %add3A_2022], %broadcast_in_dim3A_5 masked %and3A_2013 : memref<40x512xf32, #tpu.memory_space<vmem>>[vector<16xi32>, vector<16xi32>], vector<16xf32>, vector<16xi1>
      %lt3A_2023 = arith.constant 25 : i32
      %lt3A_2024 = arith.cmpi slt, %add3A_1372, %lt3A_2023 : i32
      %convert_element_type3A = arith.extui %lt3A_2024 : i1 to i32
      %cond3A = arith.constant 0 : i32
      %cond3A_2025 = arith.cmpi ne, %convert_element_type3A, %cond3A : i32
      scf.if %cond3A_2025 {
        %mul3A_2688 = arith.constant 40 : i32
        %mul3A_2689 = arith.muli %add3A_1372, %mul3A_2688 : i32
        %get3A_2690 = arith.constant 0 : index
        %get3A_2691 = tpu.vector_load %arg4[%get3A_2690] {strides = array<i32>} : memref<512xi32, #tpu.memory_space<vmem>>, vector<16xi32>,
        %sub3A_2692 = vector.broadcast %mul3A_2689 : i32 to vector<16xi32>
        %sub3A_2693 = arith.subi %get3A_2691, %sub3A_2692 : vector<16xi32>
        %ge3A_2694 = arith.constant 0 : i32
        %ge3A_2695 = vector.broadcast %ge3A_2694 : i32 to vector<16xi32>
        %ge3A_2696 = arith.cmpi sge, %sub3A_2693, %ge3A_2695 : vector<16xi32>
        %lt3A_2697 = arith.constant 40 : i32
        %lt3A_2698 = vector.broadcast %lt3A_2697 : i32 to vector<16xi32>
        %lt3A_2699 = arith.cmpi slt, %sub3A_2693, %lt3A_2698 : vector<16xi32>
        %and3A_2700 = arith.andi %ge3A_2696, %lt3A_2699 : vector<16xi1>
        %jit3A_2701 = arith.constant 0 : i32
        %jit3A_2702 = arith.constant 39 : i32
        %max3A_2703 = vector.broadcast %jit3A_2701 : i32 to vector<16xi32>
        %max3A_2704 = arith.maxsi %max3A_2703, %sub3A_2693 : vector<16xi32>
        %min3A_2705 = vector.broadcast %jit3A_2702 : i32 to vector<16xi32>
        %min3A_2706 = arith.minsi %min3A_2705, %max3A_2704 : vector<16xi32>
        %add3A_2707 = arith.constant 0 : i32
        %add3A_2708 = vector.broadcast %add3A_2707 : i32 to vector<16xi32>
        %add3A_2709 = arith.addi %add3A_2708, %iota3A : vector<16xi32>
        tpu.vector_store_idx %arg5[%min3A_2706, %add3A_2709], %broadcast_in_dim3A_3 masked %and3A_2700 : memref<40x512xf32, #tpu.memory_space<vmem>>[vector<16xi32>, vector<16xi32>], vector<16xf32>, vector<16xi1>
        %get3A_2710 = arith.constant 16 : index
        %get3A_2711 = tpu.vector_load %arg4[%get3A_2710] {strides = array<i32>} : memref<512xi32, #tpu.memory_space<vmem>>, vector<16xi32>,
        %sub3A_2712 = vector.broadcast %mul3A_2689 : i32 to vector<16xi32>
        %sub3A_2713 = arith.subi %get3A_2711, %sub3A_2712 : vector<16xi32>
        %ge3A_2714 = arith.constant 0 : i32
        %ge3A_2715 = vector.broadcast %ge3A_2714 : i32 to vector<16xi32>
        %ge3A_2716 = arith.cmpi sge, %sub3A_2713, %ge3A_2715 : vector<16xi32>
        %lt3A_2717 = arith.constant 40 : i32
        %lt3A_2718 = vector.broadcast %lt3A_2717 : i32 to vector<16xi32>
        %lt3A_2719 = arith.cmpi slt, %sub3A_2713, %lt3A_2718 : vector<16xi32>
        %and3A_2720 = arith.andi %ge3A_2716, %lt3A_2719 : vector<16xi1>
        %jit3A_2721 = arith.constant 0 : i32
        %jit3A_2722 = arith.constant 39 : i32
        %max3A_2723 = vector.broadcast %jit3A_2721 : i32 to vector<16xi32>
        %max3A_2724 = arith.maxsi %max3A_2723, %sub3A_2713 : vector<16xi32>
        %min3A_2725 = vector.broadcast %jit3A_2722 : i32 to vector<16xi32>
        %min3A_2726 = arith.minsi %min3A_2725, %max3A_2724 : vector<16xi32>
        %add3A_2727 = arith.constant 16 : i32
        %add3A_2728 = vector.broadcast %add3A_2727 : i32 to vector<16xi32>
        %add3A_2729 = arith.addi %add3A_2728, %iota3A : vector<16xi32>
        tpu.vector_store_idx %arg5[%min3A_2726, %add3A_2729], %broadcast_in_dim3A_3 masked %and3A_2720 : memref<40x512xf32, #tpu.memory_space<vmem>>[vector<16xi32>, vector<16xi32>], vector<16xf32>, vector<16xi1>
        %get3A_2730 = arith.constant 32 : index
        %get3A_2731 = tpu.vector_load %arg4[%get3A_2730] {strides = array<i32>} : memref<512xi32, #tpu.memory_space<vmem>>, vector<16xi32>,
        %sub3A_2732 = vector.broadcast %mul3A_2689 : i32 to vector<16xi32>
        %sub3A_2733 = arith.subi %get3A_2731, %sub3A_2732 : vector<16xi32>
        %ge3A_2734 = arith.constant 0 : i32
        %ge3A_2735 = vector.broadcast %ge3A_2734 : i32 to vector<16xi32>
        %ge3A_2736 = arith.cmpi sge, %sub3A_2733, %ge3A_2735 : vector<16xi32>
        %lt3A_2737 = arith.constant 40 : i32
        %lt3A_2738 = vector.broadcast %lt3A_2737 : i32 to vector<16xi32>
        %lt3A_2739 = arith.cmpi slt, %sub3A_2733, %lt3A_2738 : vector<16xi32>
        %and3A_2740 = arith.andi %ge3A_2736, %lt3A_2739 : vector<16xi1>
        %jit3A_2741 = arith.constant 0 : i32
        %jit3A_2742 = arith.constant 39 : i32
        %max3A_2743 = vector.broadcast %jit3A_2741 : i32 to vector<16xi32>
        %max3A_2744 = arith.maxsi %max3A_2743, %sub3A_2733 : vector<16xi32>
        %min3A_2745 = vector.broadcast %jit3A_2742 : i32 to vector<16xi32>
        %min3A_2746 = arith.minsi %min3A_2745, %max3A_2744 : vector<16xi32>
        %add3A_2747 = arith.constant 32 : i32
        %add3A_2748 = vector.broadcast %add3A_2747 : i32 to vector<16xi32>
        %add3A_2749 = arith.addi %add3A_2748, %iota3A : vector<16xi32>
        tpu.vector_store_idx %arg5[%min3A_2746, %add3A_2749], %broadcast_in_dim3A_3 masked %and3A_2740 : memref<40x512xf32, #tpu.memory_space<vmem>>[vector<16xi32>, vector<16xi32>], vector<16xf32>, vector<16xi1>
        %get3A_2750 = arith.constant 48 : index
        %get3A_2751 = tpu.vector_load %arg4[%get3A_2750] {strides = array<i32>} : memref<512xi32, #tpu.memory_space<vmem>>, vector<16xi32>,
        %sub3A_2752 = vector.broadcast %mul3A_2689 : i32 to vector<16xi32>
        %sub3A_2753 = arith.subi %get3A_2751, %sub3A_2752 : vector<16xi32>
        %ge3A_2754 = arith.constant 0 : i32
        %ge3A_2755 = vector.broadcast %ge3A_2754 : i32 to vector<16xi32>
        %ge3A_2756 = arith.cmpi sge, %sub3A_2753, %ge3A_2755 : vector<16xi32>
        %lt3A_2757 = arith.constant 40 : i32
        %lt3A_2758 = vector.broadcast %lt3A_2757 : i32 to vector<16xi32>
        %lt3A_2759 = arith.cmpi slt, %sub3A_2753, %lt3A_2758 : vector<16xi32>
        %and3A_2760 = arith.andi %ge3A_2756, %lt3A_2759 : vector<16xi1>
        %jit3A_2761 = arith.constant 0 : i32
        %jit3A_2762 = arith.constant 39 : i32
        %max3A_2763 = vector.broadcast %jit3A_2761 : i32 to vector<16xi32>
        %max3A_2764 = arith.maxsi %max3A_2763, %sub3A_2753 : vector<16xi32>
        %min3A_2765 = vector.broadcast %jit3A_2762 : i32 to vector<16xi32>
        %min3A_2766 = arith.minsi %min3A_2765, %max3A_2764 : vector<16xi32>
        %add3A_2767 = arith.constant 48 : i32
        %add3A_2768 = vector.broadcast %add3A_2767 : i32 to vector<16xi32>
        %add3A_2769 = arith.addi %add3A_2768, %iota3A : vector<16xi32>
        tpu.vector_store_idx %arg5[%min3A_2766, %add3A_2769], %broadcast_in_dim3A_3 masked %and3A_2760 : memref<40x512xf32, #tpu.memory_space<vmem>>[vector<16xi32>, vector<16xi32>], vector<16xf32>, vector<16xi1>
        %get3A_2770 = arith.constant 64 : index
        %get3A_2771 = tpu.vector_load %arg4[%get3A_2770] {strides = array<i32>} : memref<512xi32, #tpu.memory_space<vmem>>, vector<16xi32>,
        %sub3A_2772 = vector.broadcast %mul3A_2689 : i32 to vector<16xi32>
        %sub3A_2773 = arith.subi %get3A_2771, %sub3A_2772 : vector<16xi32>
        %ge3A_2774 = arith.constant 0 : i32
        %ge3A_2775 = vector.broadcast %ge3A_2774 : i32 to vector<16xi32>
        %ge3A_2776 = arith.cmpi sge, %sub3A_2773, %ge3A_2775 : vector<16xi32>
        %lt3A_2777 = arith.constant 40 : i32
        %lt3A_2778 = vector.broadcast %lt3A_2777 : i32 to vector<16xi32>
        %lt3A_2779 = arith.cmpi slt, %sub3A_2773, %lt3A_2778 : vector<16xi32>
        %and3A_2780 = arith.andi %ge3A_2776, %lt3A_2779 : vector<16xi1>
        %jit3A_2781 = arith.constant 0 : i32
        %jit3A_2782 = arith.constant 39 : i32
        %max3A_2783 = vector.broadcast %jit3A_2781 : i32 to vector<16xi32>
        %max3A_2784 = arith.maxsi %max3A_2783, %sub3A_2773 : vector<16xi32>
        %min3A_2785 = vector.broadcast %jit3A_2782 : i32 to vector<16xi32>
        %min3A_2786 = arith.minsi %min3A_2785, %max3A_2784 : vector<16xi32>
        %add3A_2787 = arith.constant 64 : i32
        %add3A_2788 = vector.broadcast %add3A_2787 : i32 to vector<16xi32>
        %add3A_2789 = arith.addi %add3A_2788, %iota3A : vector<16xi32>
        tpu.vector_store_idx %arg5[%min3A_2786, %add3A_2789], %broadcast_in_dim3A_3 masked %and3A_2780 : memref<40x512xf32, #tpu.memory_space<vmem>>[vector<16xi32>, vector<16xi32>], vector<16xf32>, vector<16xi1>
        %get3A_2790 = arith.constant 80 : index
        %get3A_2791 = tpu.vector_load %arg4[%get3A_2790] {strides = array<i32>} : memref<512xi32, #tpu.memory_space<vmem>>, vector<16xi32>,
        %sub3A_2792 = vector.broadcast %mul3A_2689 : i32 to vector<16xi32>
        %sub3A_2793 = arith.subi %get3A_2791, %sub3A_2792 : vector<16xi32>
        %ge3A_2794 = arith.constant 0 : i32
        %ge3A_2795 = vector.broadcast %ge3A_2794 : i32 to vector<16xi32>
        %ge3A_2796 = arith.cmpi sge, %sub3A_2793, %ge3A_2795 : vector<16xi32>
        %lt3A_2797 = arith.constant 40 : i32
        %lt3A_2798 = vector.broadcast %lt3A_2797 : i32 to vector<16xi32>
        %lt3A_2799 = arith.cmpi slt, %sub3A_2793, %lt3A_2798 : vector<16xi32>
        %and3A_2800 = arith.andi %ge3A_2796, %lt3A_2799 : vector<16xi1>
        %jit3A_2801 = arith.constant 0 : i32
        %jit3A_2802 = arith.constant 39 : i32
        %max3A_2803 = vector.broadcast %jit3A_2801 : i32 to vector<16xi32>
        %max3A_2804 = arith.maxsi %max3A_2803, %sub3A_2793 : vector<16xi32>
        %min3A_2805 = vector.broadcast %jit3A_2802 : i32 to vector<16xi32>
        %min3A_2806 = arith.minsi %min3A_2805, %max3A_2804 : vector<16xi32>
        %add3A_2807 = arith.constant 80 : i32
        %add3A_2808 = vector.broadcast %add3A_2807 : i32 to vector<16xi32>
        %add3A_2809 = arith.addi %add3A_2808, %iota3A : vector<16xi32>
        tpu.vector_store_idx %arg5[%min3A_2806, %add3A_2809], %broadcast_in_dim3A_3 masked %and3A_2800 : memref<40x512xf32, #tpu.memory_space<vmem>>[vector<16xi32>, vector<16xi32>], vector<16xf32>, vector<16xi1>
        %get3A_2810 = arith.constant 96 : index
        %get3A_2811 = tpu.vector_load %arg4[%get3A_2810] {strides = array<i32>} : memref<512xi32, #tpu.memory_space<vmem>>, vector<16xi32>,
        %sub3A_2812 = vector.broadcast %mul3A_2689 : i32 to vector<16xi32>
        %sub3A_2813 = arith.subi %get3A_2811, %sub3A_2812 : vector<16xi32>
        %ge3A_2814 = arith.constant 0 : i32
        %ge3A_2815 = vector.broadcast %ge3A_2814 : i32 to vector<16xi32>
        %ge3A_2816 = arith.cmpi sge, %sub3A_2813, %ge3A_2815 : vector<16xi32>
        %lt3A_2817 = arith.constant 40 : i32
        %lt3A_2818 = vector.broadcast %lt3A_2817 : i32 to vector<16xi32>
        %lt3A_2819 = arith.cmpi slt, %sub3A_2813, %lt3A_2818 : vector<16xi32>
        %and3A_2820 = arith.andi %ge3A_2816, %lt3A_2819 : vector<16xi1>
        %jit3A_2821 = arith.constant 0 : i32
        %jit3A_2822 = arith.constant 39 : i32
        %max3A_2823 = vector.broadcast %jit3A_2821 : i32 to vector<16xi32>
        %max3A_2824 = arith.maxsi %max3A_2823, %sub3A_2813 : vector<16xi32>
        %min3A_2825 = vector.broadcast %jit3A_2822 : i32 to vector<16xi32>
        %min3A_2826 = arith.minsi %min3A_2825, %max3A_2824 : vector<16xi32>
        %add3A_2827 = arith.constant 96 : i32
        %add3A_2828 = vector.broadcast %add3A_2827 : i32 to vector<16xi32>
        %add3A_2829 = arith.addi %add3A_2828, %iota3A : vector<16xi32>
        tpu.vector_store_idx %arg5[%min3A_2826, %add3A_2829], %broadcast_in_dim3A_3 masked %and3A_2820 : memref<40x512xf32, #tpu.memory_space<vmem>>[vector<16xi32>, vector<16xi32>], vector<16xf32>, vector<16xi1>
        %get3A_2830 = arith.constant 112 : index
        %get3A_2831 = tpu.vector_load %arg4[%get3A_2830] {strides = array<i32>} : memref<512xi32, #tpu.memory_space<vmem>>, vector<16xi32>,
        %sub3A_2832 = vector.broadcast %mul3A_2689 : i32 to vector<16xi32>
        %sub3A_2833 = arith.subi %get3A_2831, %sub3A_2832 : vector<16xi32>
        %ge3A_2834 = arith.constant 0 : i32
        %ge3A_2835 = vector.broadcast %ge3A_2834 : i32 to vector<16xi32>
        %ge3A_2836 = arith.cmpi sge, %sub3A_2833, %ge3A_2835 : vector<16xi32>
        %lt3A_2837 = arith.constant 40 : i32
        %lt3A_2838 = vector.broadcast %lt3A_2837 : i32 to vector<16xi32>
        %lt3A_2839 = arith.cmpi slt, %sub3A_2833, %lt3A_2838 : vector<16xi32>
        %and3A_2840 = arith.andi %ge3A_2836, %lt3A_2839 : vector<16xi1>
        %jit3A_2841 = arith.constant 0 : i32
        %jit3A_2842 = arith.constant 39 : i32
        %max3A_2843 = vector.broadcast %jit3A_2841 : i32 to vector<16xi32>
        %max3A_2844 = arith.maxsi %max3A_2843, %sub3A_2833 : vector<16xi32>
        %min3A_2845 = vector.broadcast %jit3A_2842 : i32 to vector<16xi32>
        %min3A_2846 = arith.minsi %min3A_2845, %max3A_2844 : vector<16xi32>
        %add3A_2847 = arith.constant 112 : i32
        %add3A_2848 = vector.broadcast %add3A_2847 : i32 to vector<16xi32>
        %add3A_2849 = arith.addi %add3A_2848, %iota3A : vector<16xi32>
        tpu.vector_store_idx %arg5[%min3A_2846, %add3A_2849], %broadcast_in_dim3A_3 masked %and3A_2840 : memref<40x512xf32, #tpu.memory_space<vmem>>[vector<16xi32>, vector<16xi32>], vector<16xf32>, vector<16xi1>
        %get3A_2850 = arith.constant 128 : index
        %get3A_2851 = tpu.vector_load %arg4[%get3A_2850] {strides = array<i32>} : memref<512xi32, #tpu.memory_space<vmem>>, vector<16xi32>,
        %sub3A_2852 = vector.broadcast %mul3A_2689 : i32 to vector<16xi32>
        %sub3A_2853 = arith.subi %get3A_2851, %sub3A_2852 : vector<16xi32>
        %ge3A_2854 = arith.constant 0 : i32
        %ge3A_2855 = vector.broadcast %ge3A_2854 : i32 to vector<16xi32>
        %ge3A_2856 = arith.cmpi sge, %sub3A_2853, %ge3A_2855 : vector<16xi32>
        %lt3A_2857 = arith.constant 40 : i32
        %lt3A_2858 = vector.broadcast %lt3A_2857 : i32 to vector<16xi32>
        %lt3A_2859 = arith.cmpi slt, %sub3A_2853, %lt3A_2858 : vector<16xi32>
        %and3A_2860 = arith.andi %ge3A_2856, %lt3A_2859 : vector<16xi1>
        %jit3A_2861 = arith.constant 0 : i32
        %jit3A_2862 = arith.constant 39 : i32
        %max3A_2863 = vector.broadcast %jit3A_2861 : i32 to vector<16xi32>
        %max3A_2864 = arith.maxsi %max3A_2863, %sub3A_2853 : vector<16xi32>
        %min3A_2865 = vector.broadcast %jit3A_2862 : i32 to vector<16xi32>
        %min3A_2866 = arith.minsi %min3A_2865, %max3A_2864 : vector<16xi32>
        %add3A_2867 = arith.constant 128 : i32
        %add3A_2868 = vector.broadcast %add3A_2867 : i32 to vector<16xi32>
        %add3A_2869 = arith.addi %add3A_2868, %iota3A : vector<16xi32>
        tpu.vector_store_idx %arg5[%min3A_2866, %add3A_2869], %broadcast_in_dim3A_3 masked %and3A_2860 : memref<40x512xf32, #tpu.memory_space<vmem>>[vector<16xi32>, vector<16xi32>], vector<16xf32>, vector<16xi1>
        %get3A_2870 = arith.constant 144 : index
        %get3A_2871 = tpu.vector_load %arg4[%get3A_2870] {strides = array<i32>} : memref<512xi32, #tpu.memory_space<vmem>>, vector<16xi32>,
        %sub3A_2872 = vector.broadcast %mul3A_2689 : i32 to vector<16xi32>
        %sub3A_2873 = arith.subi %get3A_2871, %sub3A_2872 : vector<16xi32>
        %ge3A_2874 = arith.constant 0 : i32
        %ge3A_2875 = vector.broadcast %ge3A_2874 : i32 to vector<16xi32>
        %ge3A_2876 = arith.cmpi sge, %sub3A_2873, %ge3A_2875 : vector<16xi32>
        %lt3A_2877 = arith.constant 40 : i32
        %lt3A_2878 = vector.broadcast %lt3A_2877 : i32 to vector<16xi32>
        %lt3A_2879 = arith.cmpi slt, %sub3A_2873, %lt3A_2878 : vector<16xi32>
        %and3A_2880 = arith.andi %ge3A_2876, %lt3A_2879 : vector<16xi1>
        %jit3A_2881 = arith.constant 0 : i32
        %jit3A_2882 = arith.constant 39 : i32
        %max3A_2883 = vector.broadcast %jit3A_2881 : i32 to vector<16xi32>
        %max3A_2884 = arith.maxsi %max3A_2883, %sub3A_2873 : vector<16xi32>
        %min3A_2885 = vector.broadcast %jit3A_2882 : i32 to vector<16xi32>
        %min3A_2886 = arith.minsi %min3A_2885, %max3A_2884 : vector<16xi32>
        %add3A_2887 = arith.constant 144 : i32
        %add3A_2888 = vector.broadcast %add3A_2887 : i32 to vector<16xi32>
        %add3A_2889 = arith.addi %add3A_2888, %iota3A : vector<16xi32>
        tpu.vector_store_idx %arg5[%min3A_2886, %add3A_2889], %broadcast_in_dim3A_3 masked %and3A_2880 : memref<40x512xf32, #tpu.memory_space<vmem>>[vector<16xi32>, vector<16xi32>], vector<16xf32>, vector<16xi1>
        %get3A_2890 = arith.constant 160 : index
        %get3A_2891 = tpu.vector_load %arg4[%get3A_2890] {strides = array<i32>} : memref<512xi32, #tpu.memory_space<vmem>>, vector<16xi32>,
        %sub3A_2892 = vector.broadcast %mul3A_2689 : i32 to vector<16xi32>
        %sub3A_2893 = arith.subi %get3A_2891, %sub3A_2892 : vector<16xi32>
        %ge3A_2894 = arith.constant 0 : i32
        %ge3A_2895 = vector.broadcast %ge3A_2894 : i32 to vector<16xi32>
        %ge3A_2896 = arith.cmpi sge, %sub3A_2893, %ge3A_2895 : vector<16xi32>
        %lt3A_2897 = arith.constant 40 : i32
        %lt3A_2898 = vector.broadcast %lt3A_2897 : i32 to vector<16xi32>
        %lt3A_2899 = arith.cmpi slt, %sub3A_2893, %lt3A_2898 : vector<16xi32>
        %and3A_2900 = arith.andi %ge3A_2896, %lt3A_2899 : vector<16xi1>
        %jit3A_2901 = arith.constant 0 : i32
        %jit3A_2902 = arith.constant 39 : i32
        %max3A_2903 = vector.broadcast %jit3A_2901 : i32 to vector<16xi32>
        %max3A_2904 = arith.maxsi %max3A_2903, %sub3A_2893 : vector<16xi32>
        %min3A_2905 = vector.broadcast %jit3A_2902 : i32 to vector<16xi32>
        %min3A_2906 = arith.minsi %min3A_2905, %max3A_2904 : vector<16xi32>
        %add3A_2907 = arith.constant 160 : i32
        %add3A_2908 = vector.broadcast %add3A_2907 : i32 to vector<16xi32>
        %add3A_2909 = arith.addi %add3A_2908, %iota3A : vector<16xi32>
        tpu.vector_store_idx %arg5[%min3A_2906, %add3A_2909], %broadcast_in_dim3A_3 masked %and3A_2900 : memref<40x512xf32, #tpu.memory_space<vmem>>[vector<16xi32>, vector<16xi32>], vector<16xf32>, vector<16xi1>
        %get3A_2910 = arith.constant 176 : index
        %get3A_2911 = tpu.vector_load %arg4[%get3A_2910] {strides = array<i32>} : memref<512xi32, #tpu.memory_space<vmem>>, vector<16xi32>,
        %sub3A_2912 = vector.broadcast %mul3A_2689 : i32 to vector<16xi32>
        %sub3A_2913 = arith.subi %get3A_2911, %sub3A_2912 : vector<16xi32>
        %ge3A_2914 = arith.constant 0 : i32
        %ge3A_2915 = vector.broadcast %ge3A_2914 : i32 to vector<16xi32>
        %ge3A_2916 = arith.cmpi sge, %sub3A_2913, %ge3A_2915 : vector<16xi32>
        %lt3A_2917 = arith.constant 40 : i32
        %lt3A_2918 = vector.broadcast %lt3A_2917 : i32 to vector<16xi32>
        %lt3A_2919 = arith.cmpi slt, %sub3A_2913, %lt3A_2918 : vector<16xi32>
        %and3A_2920 = arith.andi %ge3A_2916, %lt3A_2919 : vector<16xi1>
        %jit3A_2921 = arith.constant 0 : i32
        %jit3A_2922 = arith.constant 39 : i32
        %max3A_2923 = vector.broadcast %jit3A_2921 : i32 to vector<16xi32>
        %max3A_2924 = arith.maxsi %max3A_2923, %sub3A_2913 : vector<16xi32>
        %min3A_2925 = vector.broadcast %jit3A_2922 : i32 to vector<16xi32>
        %min3A_2926 = arith.minsi %min3A_2925, %max3A_2924 : vector<16xi32>
        %add3A_2927 = arith.constant 176 : i32
        %add3A_2928 = vector.broadcast %add3A_2927 : i32 to vector<16xi32>
        %add3A_2929 = arith.addi %add3A_2928, %iota3A : vector<16xi32>
        tpu.vector_store_idx %arg5[%min3A_2926, %add3A_2929], %broadcast_in_dim3A_3 masked %and3A_2920 : memref<40x512xf32, #tpu.memory_space<vmem>>[vector<16xi32>, vector<16xi32>], vector<16xf32>, vector<16xi1>
        %get3A_2930 = arith.constant 192 : index
        %get3A_2931 = tpu.vector_load %arg4[%get3A_2930] {strides = array<i32>} : memref<512xi32, #tpu.memory_space<vmem>>, vector<16xi32>,
        %sub3A_2932 = vector.broadcast %mul3A_2689 : i32 to vector<16xi32>
        %sub3A_2933 = arith.subi %get3A_2931, %sub3A_2932 : vector<16xi32>
        %ge3A_2934 = arith.constant 0 : i32
        %ge3A_2935 = vector.broadcast %ge3A_2934 : i32 to vector<16xi32>
        %ge3A_2936 = arith.cmpi sge, %sub3A_2933, %ge3A_2935 : vector<16xi32>
        %lt3A_2937 = arith.constant 40 : i32
        %lt3A_2938 = vector.broadcast %lt3A_2937 : i32 to vector<16xi32>
        %lt3A_2939 = arith.cmpi slt, %sub3A_2933, %lt3A_2938 : vector<16xi32>
        %and3A_2940 = arith.andi %ge3A_2936, %lt3A_2939 : vector<16xi1>
        %jit3A_2941 = arith.constant 0 : i32
        %jit3A_2942 = arith.constant 39 : i32
        %max3A_2943 = vector.broadcast %jit3A_2941 : i32 to vector<16xi32>
        %max3A_2944 = arith.maxsi %max3A_2943, %sub3A_2933 : vector<16xi32>
        %min3A_2945 = vector.broadcast %jit3A_2942 : i32 to vector<16xi32>
        %min3A_2946 = arith.minsi %min3A_2945, %max3A_2944 : vector<16xi32>
        %add3A_2947 = arith.constant 192 : i32
        %add3A_2948 = vector.broadcast %add3A_2947 : i32 to vector<16xi32>
        %add3A_2949 = arith.addi %add3A_2948, %iota3A : vector<16xi32>
        tpu.vector_store_idx %arg5[%min3A_2946, %add3A_2949], %broadcast_in_dim3A_3 masked %and3A_2940 : memref<40x512xf32, #tpu.memory_space<vmem>>[vector<16xi32>, vector<16xi32>], vector<16xf32>, vector<16xi1>
        %get3A_2950 = arith.constant 208 : index
        %get3A_2951 = tpu.vector_load %arg4[%get3A_2950] {strides = array<i32>} : memref<512xi32, #tpu.memory_space<vmem>>, vector<16xi32>,
        %sub3A_2952 = vector.broadcast %mul3A_2689 : i32 to vector<16xi32>
        %sub3A_2953 = arith.subi %get3A_2951, %sub3A_2952 : vector<16xi32>
        %ge3A_2954 = arith.constant 0 : i32
        %ge3A_2955 = vector.broadcast %ge3A_2954 : i32 to vector<16xi32>
        %ge3A_2956 = arith.cmpi sge, %sub3A_2953, %ge3A_2955 : vector<16xi32>
        %lt3A_2957 = arith.constant 40 : i32
        %lt3A_2958 = vector.broadcast %lt3A_2957 : i32 to vector<16xi32>
        %lt3A_2959 = arith.cmpi slt, %sub3A_2953, %lt3A_2958 : vector<16xi32>
        %and3A_2960 = arith.andi %ge3A_2956, %lt3A_2959 : vector<16xi1>
        %jit3A_2961 = arith.constant 0 : i32
        %jit3A_2962 = arith.constant 39 : i32
        %max3A_2963 = vector.broadcast %jit3A_2961 : i32 to vector<16xi32>
        %max3A_2964 = arith.maxsi %max3A_2963, %sub3A_2953 : vector<16xi32>
        %min3A_2965 = vector.broadcast %jit3A_2962 : i32 to vector<16xi32>
        %min3A_2966 = arith.minsi %min3A_2965, %max3A_2964 : vector<16xi32>
        %add3A_2967 = arith.constant 208 : i32
        %add3A_2968 = vector.broadcast %add3A_2967 : i32 to vector<16xi32>
        %add3A_2969 = arith.addi %add3A_2968, %iota3A : vector<16xi32>
        tpu.vector_store_idx %arg5[%min3A_2966, %add3A_2969], %broadcast_in_dim3A_3 masked %and3A_2960 : memref<40x512xf32, #tpu.memory_space<vmem>>[vector<16xi32>, vector<16xi32>], vector<16xf32>, vector<16xi1>
        %get3A_2970 = arith.constant 224 : index
        %get3A_2971 = tpu.vector_load %arg4[%get3A_2970] {strides = array<i32>} : memref<512xi32, #tpu.memory_space<vmem>>, vector<16xi32>,
        %sub3A_2972 = vector.broadcast %mul3A_2689 : i32 to vector<16xi32>
        %sub3A_2973 = arith.subi %get3A_2971, %sub3A_2972 : vector<16xi32>
        %ge3A_2974 = arith.constant 0 : i32
        %ge3A_2975 = vector.broadcast %ge3A_2974 : i32 to vector<16xi32>
        %ge3A_2976 = arith.cmpi sge, %sub3A_2973, %ge3A_2975 : vector<16xi32>
        %lt3A_2977 = arith.constant 40 : i32
        %lt3A_2978 = vector.broadcast %lt3A_2977 : i32 to vector<16xi32>
        %lt3A_2979 = arith.cmpi slt, %sub3A_2973, %lt3A_2978 : vector<16xi32>
        %and3A_2980 = arith.andi %ge3A_2976, %lt3A_2979 : vector<16xi1>
        %jit3A_2981 = arith.constant 0 : i32
        %jit3A_2982 = arith.constant 39 : i32
        %max3A_2983 = vector.broadcast %jit3A_2981 : i32 to vector<16xi32>
        %max3A_2984 = arith.maxsi %max3A_2983, %sub3A_2973 : vector<16xi32>
        %min3A_2985 = vector.broadcast %jit3A_2982 : i32 to vector<16xi32>
        %min3A_2986 = arith.minsi %min3A_2985, %max3A_2984 : vector<16xi32>
        %add3A_2987 = arith.constant 224 : i32
        %add3A_2988 = vector.broadcast %add3A_2987 : i32 to vector<16xi32>
        %add3A_2989 = arith.addi %add3A_2988, %iota3A : vector<16xi32>
        tpu.vector_store_idx %arg5[%min3A_2986, %add3A_2989], %broadcast_in_dim3A_3 masked %and3A_2980 : memref<40x512xf32, #tpu.memory_space<vmem>>[vector<16xi32>, vector<16xi32>], vector<16xf32>, vector<16xi1>
        %get3A_2990 = arith.constant 240 : index
        %get3A_2991 = tpu.vector_load %arg4[%get3A_2990] {strides = array<i32>} : memref<512xi32, #tpu.memory_space<vmem>>, vector<16xi32>,
        %sub3A_2992 = vector.broadcast %mul3A_2689 : i32 to vector<16xi32>
        %sub3A_2993 = arith.subi %get3A_2991, %sub3A_2992 : vector<16xi32>
        %ge3A_2994 = arith.constant 0 : i32
        %ge3A_2995 = vector.broadcast %ge3A_2994 : i32 to vector<16xi32>
        %ge3A_2996 = arith.cmpi sge, %sub3A_2993, %ge3A_2995 : vector<16xi32>
        %lt3A_2997 = arith.constant 40 : i32
        %lt3A_2998 = vector.broadcast %lt3A_2997 : i32 to vector<16xi32>
        %lt3A_2999 = arith.cmpi slt, %sub3A_2993, %lt3A_2998 : vector<16xi32>
        %and3A_3000 = arith.andi %ge3A_2996, %lt3A_2999 : vector<16xi1>
        %jit3A_3001 = arith.constant 0 : i32
        %jit3A_3002 = arith.constant 39 : i32
        %max3A_3003 = vector.broadcast %jit3A_3001 : i32 to vector<16xi32>
        %max3A_3004 = arith.maxsi %max3A_3003, %sub3A_2993 : vector<16xi32>
        %min3A_3005 = vector.broadcast %jit3A_3002 : i32 to vector<16xi32>
        %min3A_3006 = arith.minsi %min3A_3005, %max3A_3004 : vector<16xi32>
        %add3A_3007 = arith.constant 240 : i32
        %add3A_3008 = vector.broadcast %add3A_3007 : i32 to vector<16xi32>
        %add3A_3009 = arith.addi %add3A_3008, %iota3A : vector<16xi32>
        tpu.vector_store_idx %arg5[%min3A_3006, %add3A_3009], %broadcast_in_dim3A_3 masked %and3A_3000 : memref<40x512xf32, #tpu.memory_space<vmem>>[vector<16xi32>, vector<16xi32>], vector<16xf32>, vector<16xi1>
        %get3A_3010 = arith.constant 256 : index
        %get3A_3011 = tpu.vector_load %arg4[%get3A_3010] {strides = array<i32>} : memref<512xi32, #tpu.memory_space<vmem>>, vector<16xi32>,
        %sub3A_3012 = vector.broadcast %mul3A_2689 : i32 to vector<16xi32>
        %sub3A_3013 = arith.subi %get3A_3011, %sub3A_3012 : vector<16xi32>
        %ge3A_3014 = arith.constant 0 : i32
        %ge3A_3015 = vector.broadcast %ge3A_3014 : i32 to vector<16xi32>
        %ge3A_3016 = arith.cmpi sge, %sub3A_3013, %ge3A_3015 : vector<16xi32>
        %lt3A_3017 = arith.constant 40 : i32
        %lt3A_3018 = vector.broadcast %lt3A_3017 : i32 to vector<16xi32>
        %lt3A_3019 = arith.cmpi slt, %sub3A_3013, %lt3A_3018 : vector<16xi32>
        %and3A_3020 = arith.andi %ge3A_3016, %lt3A_3019 : vector<16xi1>
        %jit3A_3021 = arith.constant 0 : i32
        %jit3A_3022 = arith.constant 39 : i32
        %max3A_3023 = vector.broadcast %jit3A_3021 : i32 to vector<16xi32>
        %max3A_3024 = arith.maxsi %max3A_3023, %sub3A_3013 : vector<16xi32>
        %min3A_3025 = vector.broadcast %jit3A_3022 : i32 to vector<16xi32>
        %min3A_3026 = arith.minsi %min3A_3025, %max3A_3024 : vector<16xi32>
        %add3A_3027 = arith.constant 256 : i32
        %add3A_3028 = vector.broadcast %add3A_3027 : i32 to vector<16xi32>
        %add3A_3029 = arith.addi %add3A_3028, %iota3A : vector<16xi32>
        tpu.vector_store_idx %arg5[%min3A_3026, %add3A_3029], %broadcast_in_dim3A_3 masked %and3A_3020 : memref<40x512xf32, #tpu.memory_space<vmem>>[vector<16xi32>, vector<16xi32>], vector<16xf32>, vector<16xi1>
        %get3A_3030 = arith.constant 272 : index
        %get3A_3031 = tpu.vector_load %arg4[%get3A_3030] {strides = array<i32>} : memref<512xi32, #tpu.memory_space<vmem>>, vector<16xi32>,
        %sub3A_3032 = vector.broadcast %mul3A_2689 : i32 to vector<16xi32>
        %sub3A_3033 = arith.subi %get3A_3031, %sub3A_3032 : vector<16xi32>
        %ge3A_3034 = arith.constant 0 : i32
        %ge3A_3035 = vector.broadcast %ge3A_3034 : i32 to vector<16xi32>
        %ge3A_3036 = arith.cmpi sge, %sub3A_3033, %ge3A_3035 : vector<16xi32>
        %lt3A_3037 = arith.constant 40 : i32
        %lt3A_3038 = vector.broadcast %lt3A_3037 : i32 to vector<16xi32>
        %lt3A_3039 = arith.cmpi slt, %sub3A_3033, %lt3A_3038 : vector<16xi32>
        %and3A_3040 = arith.andi %ge3A_3036, %lt3A_3039 : vector<16xi1>
        %jit3A_3041 = arith.constant 0 : i32
        %jit3A_3042 = arith.constant 39 : i32
        %max3A_3043 = vector.broadcast %jit3A_3041 : i32 to vector<16xi32>
        %max3A_3044 = arith.maxsi %max3A_3043, %sub3A_3033 : vector<16xi32>
        %min3A_3045 = vector.broadcast %jit3A_3042 : i32 to vector<16xi32>
        %min3A_3046 = arith.minsi %min3A_3045, %max3A_3044 : vector<16xi32>
        %add3A_3047 = arith.constant 272 : i32
        %add3A_3048 = vector.broadcast %add3A_3047 : i32 to vector<16xi32>
        %add3A_3049 = arith.addi %add3A_3048, %iota3A : vector<16xi32>
        tpu.vector_store_idx %arg5[%min3A_3046, %add3A_3049], %broadcast_in_dim3A_3 masked %and3A_3040 : memref<40x512xf32, #tpu.memory_space<vmem>>[vector<16xi32>, vector<16xi32>], vector<16xf32>, vector<16xi1>
        %get3A_3050 = arith.constant 288 : index
        %get3A_3051 = tpu.vector_load %arg4[%get3A_3050] {strides = array<i32>} : memref<512xi32, #tpu.memory_space<vmem>>, vector<16xi32>,
        %sub3A_3052 = vector.broadcast %mul3A_2689 : i32 to vector<16xi32>
        %sub3A_3053 = arith.subi %get3A_3051, %sub3A_3052 : vector<16xi32>
        %ge3A_3054 = arith.constant 0 : i32
        %ge3A_3055 = vector.broadcast %ge3A_3054 : i32 to vector<16xi32>
        %ge3A_3056 = arith.cmpi sge, %sub3A_3053, %ge3A_3055 : vector<16xi32>
        %lt3A_3057 = arith.constant 40 : i32
        %lt3A_3058 = vector.broadcast %lt3A_3057 : i32 to vector<16xi32>
        %lt3A_3059 = arith.cmpi slt, %sub3A_3053, %lt3A_3058 : vector<16xi32>
        %and3A_3060 = arith.andi %ge3A_3056, %lt3A_3059 : vector<16xi1>
        %jit3A_3061 = arith.constant 0 : i32
        %jit3A_3062 = arith.constant 39 : i32
        %max3A_3063 = vector.broadcast %jit3A_3061 : i32 to vector<16xi32>
        %max3A_3064 = arith.maxsi %max3A_3063, %sub3A_3053 : vector<16xi32>
        %min3A_3065 = vector.broadcast %jit3A_3062 : i32 to vector<16xi32>
        %min3A_3066 = arith.minsi %min3A_3065, %max3A_3064 : vector<16xi32>
        %add3A_3067 = arith.constant 288 : i32
        %add3A_3068 = vector.broadcast %add3A_3067 : i32 to vector<16xi32>
        %add3A_3069 = arith.addi %add3A_3068, %iota3A : vector<16xi32>
        tpu.vector_store_idx %arg5[%min3A_3066, %add3A_3069], %broadcast_in_dim3A_3 masked %and3A_3060 : memref<40x512xf32, #tpu.memory_space<vmem>>[vector<16xi32>, vector<16xi32>], vector<16xf32>, vector<16xi1>
        %get3A_3070 = arith.constant 304 : index
        %get3A_3071 = tpu.vector_load %arg4[%get3A_3070] {strides = array<i32>} : memref<512xi32, #tpu.memory_space<vmem>>, vector<16xi32>,
        %sub3A_3072 = vector.broadcast %mul3A_2689 : i32 to vector<16xi32>
        %sub3A_3073 = arith.subi %get3A_3071, %sub3A_3072 : vector<16xi32>
        %ge3A_3074 = arith.constant 0 : i32
        %ge3A_3075 = vector.broadcast %ge3A_3074 : i32 to vector<16xi32>
        %ge3A_3076 = arith.cmpi sge, %sub3A_3073, %ge3A_3075 : vector<16xi32>
        %lt3A_3077 = arith.constant 40 : i32
        %lt3A_3078 = vector.broadcast %lt3A_3077 : i32 to vector<16xi32>
        %lt3A_3079 = arith.cmpi slt, %sub3A_3073, %lt3A_3078 : vector<16xi32>
        %and3A_3080 = arith.andi %ge3A_3076, %lt3A_3079 : vector<16xi1>
        %jit3A_3081 = arith.constant 0 : i32
        %jit3A_3082 = arith.constant 39 : i32
        %max3A_3083 = vector.broadcast %jit3A_3081 : i32 to vector<16xi32>
        %max3A_3084 = arith.maxsi %max3A_3083, %sub3A_3073 : vector<16xi32>
        %min3A_3085 = vector.broadcast %jit3A_3082 : i32 to vector<16xi32>
        %min3A_3086 = arith.minsi %min3A_3085, %max3A_3084 : vector<16xi32>
        %add3A_3087 = arith.constant 304 : i32
        %add3A_3088 = vector.broadcast %add3A_3087 : i32 to vector<16xi32>
        %add3A_3089 = arith.addi %add3A_3088, %iota3A : vector<16xi32>
        tpu.vector_store_idx %arg5[%min3A_3086, %add3A_3089], %broadcast_in_dim3A_3 masked %and3A_3080 : memref<40x512xf32, #tpu.memory_space<vmem>>[vector<16xi32>, vector<16xi32>], vector<16xf32>, vector<16xi1>
        %get3A_3090 = arith.constant 320 : index
        %get3A_3091 = tpu.vector_load %arg4[%get3A_3090] {strides = array<i32>} : memref<512xi32, #tpu.memory_space<vmem>>, vector<16xi32>,
        %sub3A_3092 = vector.broadcast %mul3A_2689 : i32 to vector<16xi32>
        %sub3A_3093 = arith.subi %get3A_3091, %sub3A_3092 : vector<16xi32>
        %ge3A_3094 = arith.constant 0 : i32
        %ge3A_3095 = vector.broadcast %ge3A_3094 : i32 to vector<16xi32>
        %ge3A_3096 = arith.cmpi sge, %sub3A_3093, %ge3A_3095 : vector<16xi32>
        %lt3A_3097 = arith.constant 40 : i32
        %lt3A_3098 = vector.broadcast %lt3A_3097 : i32 to vector<16xi32>
        %lt3A_3099 = arith.cmpi slt, %sub3A_3093, %lt3A_3098 : vector<16xi32>
        %and3A_3100 = arith.andi %ge3A_3096, %lt3A_3099 : vector<16xi1>
        %jit3A_3101 = arith.constant 0 : i32
        %jit3A_3102 = arith.constant 39 : i32
        %max3A_3103 = vector.broadcast %jit3A_3101 : i32 to vector<16xi32>
        %max3A_3104 = arith.maxsi %max3A_3103, %sub3A_3093 : vector<16xi32>
        %min3A_3105 = vector.broadcast %jit3A_3102 : i32 to vector<16xi32>
        %min3A_3106 = arith.minsi %min3A_3105, %max3A_3104 : vector<16xi32>
        %add3A_3107 = arith.constant 320 : i32
        %add3A_3108 = vector.broadcast %add3A_3107 : i32 to vector<16xi32>
        %add3A_3109 = arith.addi %add3A_3108, %iota3A : vector<16xi32>
        tpu.vector_store_idx %arg5[%min3A_3106, %add3A_3109], %broadcast_in_dim3A_3 masked %and3A_3100 : memref<40x512xf32, #tpu.memory_space<vmem>>[vector<16xi32>, vector<16xi32>], vector<16xf32>, vector<16xi1>
        %get3A_3110 = arith.constant 336 : index
        %get3A_3111 = tpu.vector_load %arg4[%get3A_3110] {strides = array<i32>} : memref<512xi32, #tpu.memory_space<vmem>>, vector<16xi32>,
        %sub3A_3112 = vector.broadcast %mul3A_2689 : i32 to vector<16xi32>
        %sub3A_3113 = arith.subi %get3A_3111, %sub3A_3112 : vector<16xi32>
        %ge3A_3114 = arith.constant 0 : i32
        %ge3A_3115 = vector.broadcast %ge3A_3114 : i32 to vector<16xi32>
        %ge3A_3116 = arith.cmpi sge, %sub3A_3113, %ge3A_3115 : vector<16xi32>
        %lt3A_3117 = arith.constant 40 : i32
        %lt3A_3118 = vector.broadcast %lt3A_3117 : i32 to vector<16xi32>
        %lt3A_3119 = arith.cmpi slt, %sub3A_3113, %lt3A_3118 : vector<16xi32>
        %and3A_3120 = arith.andi %ge3A_3116, %lt3A_3119 : vector<16xi1>
        %jit3A_3121 = arith.constant 0 : i32
        %jit3A_3122 = arith.constant 39 : i32
        %max3A_3123 = vector.broadcast %jit3A_3121 : i32 to vector<16xi32>
        %max3A_3124 = arith.maxsi %max3A_3123, %sub3A_3113 : vector<16xi32>
        %min3A_3125 = vector.broadcast %jit3A_3122 : i32 to vector<16xi32>
        %min3A_3126 = arith.minsi %min3A_3125, %max3A_3124 : vector<16xi32>
        %add3A_3127 = arith.constant 336 : i32
        %add3A_3128 = vector.broadcast %add3A_3127 : i32 to vector<16xi32>
        %add3A_3129 = arith.addi %add3A_3128, %iota3A : vector<16xi32>
        tpu.vector_store_idx %arg5[%min3A_3126, %add3A_3129], %broadcast_in_dim3A_3 masked %and3A_3120 : memref<40x512xf32, #tpu.memory_space<vmem>>[vector<16xi32>, vector<16xi32>], vector<16xf32>, vector<16xi1>
        %get3A_3130 = arith.constant 352 : index
        %get3A_3131 = tpu.vector_load %arg4[%get3A_3130] {strides = array<i32>} : memref<512xi32, #tpu.memory_space<vmem>>, vector<16xi32>,
        %sub3A_3132 = vector.broadcast %mul3A_2689 : i32 to vector<16xi32>
        %sub3A_3133 = arith.subi %get3A_3131, %sub3A_3132 : vector<16xi32>
        %ge3A_3134 = arith.constant 0 : i32
        %ge3A_3135 = vector.broadcast %ge3A_3134 : i32 to vector<16xi32>
        %ge3A_3136 = arith.cmpi sge, %sub3A_3133, %ge3A_3135 : vector<16xi32>
        %lt3A_3137 = arith.constant 40 : i32
        %lt3A_3138 = vector.broadcast %lt3A_3137 : i32 to vector<16xi32>
        %lt3A_3139 = arith.cmpi slt, %sub3A_3133, %lt3A_3138 : vector<16xi32>
        %and3A_3140 = arith.andi %ge3A_3136, %lt3A_3139 : vector<16xi1>
        %jit3A_3141 = arith.constant 0 : i32
        %jit3A_3142 = arith.constant 39 : i32
        %max3A_3143 = vector.broadcast %jit3A_3141 : i32 to vector<16xi32>
        %max3A_3144 = arith.maxsi %max3A_3143, %sub3A_3133 : vector<16xi32>
        %min3A_3145 = vector.broadcast %jit3A_3142 : i32 to vector<16xi32>
        %min3A_3146 = arith.minsi %min3A_3145, %max3A_3144 : vector<16xi32>
        %add3A_3147 = arith.constant 352 : i32
        %add3A_3148 = vector.broadcast %add3A_3147 : i32 to vector<16xi32>
        %add3A_3149 = arith.addi %add3A_3148, %iota3A : vector<16xi32>
        tpu.vector_store_idx %arg5[%min3A_3146, %add3A_3149], %broadcast_in_dim3A_3 masked %and3A_3140 : memref<40x512xf32, #tpu.memory_space<vmem>>[vector<16xi32>, vector<16xi32>], vector<16xf32>, vector<16xi1>
        %get3A_3150 = arith.constant 368 : index
        %get3A_3151 = tpu.vector_load %arg4[%get3A_3150] {strides = array<i32>} : memref<512xi32, #tpu.memory_space<vmem>>, vector<16xi32>,
        %sub3A_3152 = vector.broadcast %mul3A_2689 : i32 to vector<16xi32>
        %sub3A_3153 = arith.subi %get3A_3151, %sub3A_3152 : vector<16xi32>
        %ge3A_3154 = arith.constant 0 : i32
        %ge3A_3155 = vector.broadcast %ge3A_3154 : i32 to vector<16xi32>
        %ge3A_3156 = arith.cmpi sge, %sub3A_3153, %ge3A_3155 : vector<16xi32>
        %lt3A_3157 = arith.constant 40 : i32
        %lt3A_3158 = vector.broadcast %lt3A_3157 : i32 to vector<16xi32>
        %lt3A_3159 = arith.cmpi slt, %sub3A_3153, %lt3A_3158 : vector<16xi32>
        %and3A_3160 = arith.andi %ge3A_3156, %lt3A_3159 : vector<16xi1>
        %jit3A_3161 = arith.constant 0 : i32
        %jit3A_3162 = arith.constant 39 : i32
        %max3A_3163 = vector.broadcast %jit3A_3161 : i32 to vector<16xi32>
        %max3A_3164 = arith.maxsi %max3A_3163, %sub3A_3153 : vector<16xi32>
        %min3A_3165 = vector.broadcast %jit3A_3162 : i32 to vector<16xi32>
        %min3A_3166 = arith.minsi %min3A_3165, %max3A_3164 : vector<16xi32>
        %add3A_3167 = arith.constant 368 : i32
        %add3A_3168 = vector.broadcast %add3A_3167 : i32 to vector<16xi32>
        %add3A_3169 = arith.addi %add3A_3168, %iota3A : vector<16xi32>
        tpu.vector_store_idx %arg5[%min3A_3166, %add3A_3169], %broadcast_in_dim3A_3 masked %and3A_3160 : memref<40x512xf32, #tpu.memory_space<vmem>>[vector<16xi32>, vector<16xi32>], vector<16xf32>, vector<16xi1>
        %get3A_3170 = arith.constant 384 : index
        %get3A_3171 = tpu.vector_load %arg4[%get3A_3170] {strides = array<i32>} : memref<512xi32, #tpu.memory_space<vmem>>, vector<16xi32>,
        %sub3A_3172 = vector.broadcast %mul3A_2689 : i32 to vector<16xi32>
        %sub3A_3173 = arith.subi %get3A_3171, %sub3A_3172 : vector<16xi32>
        %ge3A_3174 = arith.constant 0 : i32
        %ge3A_3175 = vector.broadcast %ge3A_3174 : i32 to vector<16xi32>
        %ge3A_3176 = arith.cmpi sge, %sub3A_3173, %ge3A_3175 : vector<16xi32>
        %lt3A_3177 = arith.constant 40 : i32
        %lt3A_3178 = vector.broadcast %lt3A_3177 : i32 to vector<16xi32>
        %lt3A_3179 = arith.cmpi slt, %sub3A_3173, %lt3A_3178 : vector<16xi32>
        %and3A_3180 = arith.andi %ge3A_3176, %lt3A_3179 : vector<16xi1>
        %jit3A_3181 = arith.constant 0 : i32
        %jit3A_3182 = arith.constant 39 : i32
        %max3A_3183 = vector.broadcast %jit3A_3181 : i32 to vector<16xi32>
        %max3A_3184 = arith.maxsi %max3A_3183, %sub3A_3173 : vector<16xi32>
        %min3A_3185 = vector.broadcast %jit3A_3182 : i32 to vector<16xi32>
        %min3A_3186 = arith.minsi %min3A_3185, %max3A_3184 : vector<16xi32>
        %add3A_3187 = arith.constant 384 : i32
        %add3A_3188 = vector.broadcast %add3A_3187 : i32 to vector<16xi32>
        %add3A_3189 = arith.addi %add3A_3188, %iota3A : vector<16xi32>
        tpu.vector_store_idx %arg5[%min3A_3186, %add3A_3189], %broadcast_in_dim3A_3 masked %and3A_3180 : memref<40x512xf32, #tpu.memory_space<vmem>>[vector<16xi32>, vector<16xi32>], vector<16xf32>, vector<16xi1>
        %get3A_3190 = arith.constant 400 : index
        %get3A_3191 = tpu.vector_load %arg4[%get3A_3190] {strides = array<i32>} : memref<512xi32, #tpu.memory_space<vmem>>, vector<16xi32>,
        %sub3A_3192 = vector.broadcast %mul3A_2689 : i32 to vector<16xi32>
        %sub3A_3193 = arith.subi %get3A_3191, %sub3A_3192 : vector<16xi32>
        %ge3A_3194 = arith.constant 0 : i32
        %ge3A_3195 = vector.broadcast %ge3A_3194 : i32 to vector<16xi32>
        %ge3A_3196 = arith.cmpi sge, %sub3A_3193, %ge3A_3195 : vector<16xi32>
        %lt3A_3197 = arith.constant 40 : i32
        %lt3A_3198 = vector.broadcast %lt3A_3197 : i32 to vector<16xi32>
        %lt3A_3199 = arith.cmpi slt, %sub3A_3193, %lt3A_3198 : vector<16xi32>
        %and3A_3200 = arith.andi %ge3A_3196, %lt3A_3199 : vector<16xi1>
        %jit3A_3201 = arith.constant 0 : i32
        %jit3A_3202 = arith.constant 39 : i32
        %max3A_3203 = vector.broadcast %jit3A_3201 : i32 to vector<16xi32>
        %max3A_3204 = arith.maxsi %max3A_3203, %sub3A_3193 : vector<16xi32>
        %min3A_3205 = vector.broadcast %jit3A_3202 : i32 to vector<16xi32>
        %min3A_3206 = arith.minsi %min3A_3205, %max3A_3204 : vector<16xi32>
        %add3A_3207 = arith.constant 400 : i32
        %add3A_3208 = vector.broadcast %add3A_3207 : i32 to vector<16xi32>
        %add3A_3209 = arith.addi %add3A_3208, %iota3A : vector<16xi32>
        tpu.vector_store_idx %arg5[%min3A_3206, %add3A_3209], %broadcast_in_dim3A_3 masked %and3A_3200 : memref<40x512xf32, #tpu.memory_space<vmem>>[vector<16xi32>, vector<16xi32>], vector<16xf32>, vector<16xi1>
        %get3A_3210 = arith.constant 416 : index
        %get3A_3211 = tpu.vector_load %arg4[%get3A_3210] {strides = array<i32>} : memref<512xi32, #tpu.memory_space<vmem>>, vector<16xi32>,
        %sub3A_3212 = vector.broadcast %mul3A_2689 : i32 to vector<16xi32>
        %sub3A_3213 = arith.subi %get3A_3211, %sub3A_3212 : vector<16xi32>
        %ge3A_3214 = arith.constant 0 : i32
        %ge3A_3215 = vector.broadcast %ge3A_3214 : i32 to vector<16xi32>
        %ge3A_3216 = arith.cmpi sge, %sub3A_3213, %ge3A_3215 : vector<16xi32>
        %lt3A_3217 = arith.constant 40 : i32
        %lt3A_3218 = vector.broadcast %lt3A_3217 : i32 to vector<16xi32>
        %lt3A_3219 = arith.cmpi slt, %sub3A_3213, %lt3A_3218 : vector<16xi32>
        %and3A_3220 = arith.andi %ge3A_3216, %lt3A_3219 : vector<16xi1>
        %jit3A_3221 = arith.constant 0 : i32
        %jit3A_3222 = arith.constant 39 : i32
        %max3A_3223 = vector.broadcast %jit3A_3221 : i32 to vector<16xi32>
        %max3A_3224 = arith.maxsi %max3A_3223, %sub3A_3213 : vector<16xi32>
        %min3A_3225 = vector.broadcast %jit3A_3222 : i32 to vector<16xi32>
        %min3A_3226 = arith.minsi %min3A_3225, %max3A_3224 : vector<16xi32>
        %add3A_3227 = arith.constant 416 : i32
        %add3A_3228 = vector.broadcast %add3A_3227 : i32 to vector<16xi32>
        %add3A_3229 = arith.addi %add3A_3228, %iota3A : vector<16xi32>
        tpu.vector_store_idx %arg5[%min3A_3226, %add3A_3229], %broadcast_in_dim3A_3 masked %and3A_3220 : memref<40x512xf32, #tpu.memory_space<vmem>>[vector<16xi32>, vector<16xi32>], vector<16xf32>, vector<16xi1>
        %get3A_3230 = arith.constant 432 : index
        %get3A_3231 = tpu.vector_load %arg4[%get3A_3230] {strides = array<i32>} : memref<512xi32, #tpu.memory_space<vmem>>, vector<16xi32>,
        %sub3A_3232 = vector.broadcast %mul3A_2689 : i32 to vector<16xi32>
        %sub3A_3233 = arith.subi %get3A_3231, %sub3A_3232 : vector<16xi32>
        %ge3A_3234 = arith.constant 0 : i32
        %ge3A_3235 = vector.broadcast %ge3A_3234 : i32 to vector<16xi32>
        %ge3A_3236 = arith.cmpi sge, %sub3A_3233, %ge3A_3235 : vector<16xi32>
        %lt3A_3237 = arith.constant 40 : i32
        %lt3A_3238 = vector.broadcast %lt3A_3237 : i32 to vector<16xi32>
        %lt3A_3239 = arith.cmpi slt, %sub3A_3233, %lt3A_3238 : vector<16xi32>
        %and3A_3240 = arith.andi %ge3A_3236, %lt3A_3239 : vector<16xi1>
        %jit3A_3241 = arith.constant 0 : i32
        %jit3A_3242 = arith.constant 39 : i32
        %max3A_3243 = vector.broadcast %jit3A_3241 : i32 to vector<16xi32>
        %max3A_3244 = arith.maxsi %max3A_3243, %sub3A_3233 : vector<16xi32>
        %min3A_3245 = vector.broadcast %jit3A_3242 : i32 to vector<16xi32>
        %min3A_3246 = arith.minsi %min3A_3245, %max3A_3244 : vector<16xi32>
        %add3A_3247 = arith.constant 432 : i32
        %add3A_3248 = vector.broadcast %add3A_3247 : i32 to vector<16xi32>
        %add3A_3249 = arith.addi %add3A_3248, %iota3A : vector<16xi32>
        tpu.vector_store_idx %arg5[%min3A_3246, %add3A_3249], %broadcast_in_dim3A_3 masked %and3A_3240 : memref<40x512xf32, #tpu.memory_space<vmem>>[vector<16xi32>, vector<16xi32>], vector<16xf32>, vector<16xi1>
        %get3A_3250 = arith.constant 448 : index
        %get3A_3251 = tpu.vector_load %arg4[%get3A_3250] {strides = array<i32>} : memref<512xi32, #tpu.memory_space<vmem>>, vector<16xi32>,
        %sub3A_3252 = vector.broadcast %mul3A_2689 : i32 to vector<16xi32>
        %sub3A_3253 = arith.subi %get3A_3251, %sub3A_3252 : vector<16xi32>
        %ge3A_3254 = arith.constant 0 : i32
        %ge3A_3255 = vector.broadcast %ge3A_3254 : i32 to vector<16xi32>
        %ge3A_3256 = arith.cmpi sge, %sub3A_3253, %ge3A_3255 : vector<16xi32>
        %lt3A_3257 = arith.constant 40 : i32
        %lt3A_3258 = vector.broadcast %lt3A_3257 : i32 to vector<16xi32>
        %lt3A_3259 = arith.cmpi slt, %sub3A_3253, %lt3A_3258 : vector<16xi32>
        %and3A_3260 = arith.andi %ge3A_3256, %lt3A_3259 : vector<16xi1>
        %jit3A_3261 = arith.constant 0 : i32
        %jit3A_3262 = arith.constant 39 : i32
        %max3A_3263 = vector.broadcast %jit3A_3261 : i32 to vector<16xi32>
        %max3A_3264 = arith.maxsi %max3A_3263, %sub3A_3253 : vector<16xi32>
        %min3A_3265 = vector.broadcast %jit3A_3262 : i32 to vector<16xi32>
        %min3A_3266 = arith.minsi %min3A_3265, %max3A_3264 : vector<16xi32>
        %add3A_3267 = arith.constant 448 : i32
        %add3A_3268 = vector.broadcast %add3A_3267 : i32 to vector<16xi32>
        %add3A_3269 = arith.addi %add3A_3268, %iota3A : vector<16xi32>
        tpu.vector_store_idx %arg5[%min3A_3266, %add3A_3269], %broadcast_in_dim3A_3 masked %and3A_3260 : memref<40x512xf32, #tpu.memory_space<vmem>>[vector<16xi32>, vector<16xi32>], vector<16xf32>, vector<16xi1>
        %get3A_3270 = arith.constant 464 : index
        %get3A_3271 = tpu.vector_load %arg4[%get3A_3270] {strides = array<i32>} : memref<512xi32, #tpu.memory_space<vmem>>, vector<16xi32>,
        %sub3A_3272 = vector.broadcast %mul3A_2689 : i32 to vector<16xi32>
        %sub3A_3273 = arith.subi %get3A_3271, %sub3A_3272 : vector<16xi32>
        %ge3A_3274 = arith.constant 0 : i32
        %ge3A_3275 = vector.broadcast %ge3A_3274 : i32 to vector<16xi32>
        %ge3A_3276 = arith.cmpi sge, %sub3A_3273, %ge3A_3275 : vector<16xi32>
        %lt3A_3277 = arith.constant 40 : i32
        %lt3A_3278 = vector.broadcast %lt3A_3277 : i32 to vector<16xi32>
        %lt3A_3279 = arith.cmpi slt, %sub3A_3273, %lt3A_3278 : vector<16xi32>
        %and3A_3280 = arith.andi %ge3A_3276, %lt3A_3279 : vector<16xi1>
        %jit3A_3281 = arith.constant 0 : i32
        %jit3A_3282 = arith.constant 39 : i32
        %max3A_3283 = vector.broadcast %jit3A_3281 : i32 to vector<16xi32>
        %max3A_3284 = arith.maxsi %max3A_3283, %sub3A_3273 : vector<16xi32>
        %min3A_3285 = vector.broadcast %jit3A_3282 : i32 to vector<16xi32>
        %min3A_3286 = arith.minsi %min3A_3285, %max3A_3284 : vector<16xi32>
        %add3A_3287 = arith.constant 464 : i32
        %add3A_3288 = vector.broadcast %add3A_3287 : i32 to vector<16xi32>
        %add3A_3289 = arith.addi %add3A_3288, %iota3A : vector<16xi32>
        tpu.vector_store_idx %arg5[%min3A_3286, %add3A_3289], %broadcast_in_dim3A_3 masked %and3A_3280 : memref<40x512xf32, #tpu.memory_space<vmem>>[vector<16xi32>, vector<16xi32>], vector<16xf32>, vector<16xi1>
        %get3A_3290 = arith.constant 480 : index
        %get3A_3291 = tpu.vector_load %arg4[%get3A_3290] {strides = array<i32>} : memref<512xi32, #tpu.memory_space<vmem>>, vector<16xi32>,
        %sub3A_3292 = vector.broadcast %mul3A_2689 : i32 to vector<16xi32>
        %sub3A_3293 = arith.subi %get3A_3291, %sub3A_3292 : vector<16xi32>
        %ge3A_3294 = arith.constant 0 : i32
        %ge3A_3295 = vector.broadcast %ge3A_3294 : i32 to vector<16xi32>
        %ge3A_3296 = arith.cmpi sge, %sub3A_3293, %ge3A_3295 : vector<16xi32>
        %lt3A_3297 = arith.constant 40 : i32
        %lt3A_3298 = vector.broadcast %lt3A_3297 : i32 to vector<16xi32>
        %lt3A_3299 = arith.cmpi slt, %sub3A_3293, %lt3A_3298 : vector<16xi32>
        %and3A_3300 = arith.andi %ge3A_3296, %lt3A_3299 : vector<16xi1>
        %jit3A_3301 = arith.constant 0 : i32
        %jit3A_3302 = arith.constant 39 : i32
        %max3A_3303 = vector.broadcast %jit3A_3301 : i32 to vector<16xi32>
        %max3A_3304 = arith.maxsi %max3A_3303, %sub3A_3293 : vector<16xi32>
        %min3A_3305 = vector.broadcast %jit3A_3302 : i32 to vector<16xi32>
        %min3A_3306 = arith.minsi %min3A_3305, %max3A_3304 : vector<16xi32>
        %add3A_3307 = arith.constant 480 : i32
        %add3A_3308 = vector.broadcast %add3A_3307 : i32 to vector<16xi32>
        %add3A_3309 = arith.addi %add3A_3308, %iota3A : vector<16xi32>
        tpu.vector_store_idx %arg5[%min3A_3306, %add3A_3309], %broadcast_in_dim3A_3 masked %and3A_3300 : memref<40x512xf32, #tpu.memory_space<vmem>>[vector<16xi32>, vector<16xi32>], vector<16xf32>, vector<16xi1>
        %get3A_3310 = arith.constant 496 : index
        %get3A_3311 = tpu.vector_load %arg4[%get3A_3310] {strides = array<i32>} : memref<512xi32, #tpu.memory_space<vmem>>, vector<16xi32>,
        %sub3A_3312 = vector.broadcast %mul3A_2689 : i32 to vector<16xi32>
        %sub3A_3313 = arith.subi %get3A_3311, %sub3A_3312 : vector<16xi32>
        %ge3A_3314 = arith.constant 0 : i32
        %ge3A_3315 = vector.broadcast %ge3A_3314 : i32 to vector<16xi32>
        %ge3A_3316 = arith.cmpi sge, %sub3A_3313, %ge3A_3315 : vector<16xi32>
        %lt3A_3317 = arith.constant 40 : i32
        %lt3A_3318 = vector.broadcast %lt3A_3317 : i32 to vector<16xi32>
        %lt3A_3319 = arith.cmpi slt, %sub3A_3313, %lt3A_3318 : vector<16xi32>
        %and3A_3320 = arith.andi %ge3A_3316, %lt3A_3319 : vector<16xi1>
        %jit3A_3321 = arith.constant 0 : i32
        %jit3A_3322 = arith.constant 39 : i32
        %max3A_3323 = vector.broadcast %jit3A_3321 : i32 to vector<16xi32>
        %max3A_3324 = arith.maxsi %max3A_3323, %sub3A_3313 : vector<16xi32>
        %min3A_3325 = vector.broadcast %jit3A_3322 : i32 to vector<16xi32>
        %min3A_3326 = arith.minsi %min3A_3325, %max3A_3324 : vector<16xi32>
        %add3A_3327 = arith.constant 496 : i32
        %add3A_3328 = vector.broadcast %add3A_3327 : i32 to vector<16xi32>
        %add3A_3329 = arith.addi %add3A_3328, %iota3A : vector<16xi32>
        tpu.vector_store_idx %arg5[%min3A_3326, %add3A_3329], %broadcast_in_dim3A_3 masked %and3A_3320 : memref<40x512xf32, #tpu.memory_space<vmem>>[vector<16xi32>, vector<16xi32>], vector<16xf32>, vector<16xi1>
        %mul3A_3330 = arith.constant 40 : i32
        %mul3A_3331 = arith.muli %add3A_1372, %mul3A_3330 : i32
        %dma_start3A_3332 = tpu.memref_slice %arg3[%mul3A_3331, %mul3A_2] : memref<1000x16384xf32, #tpu.memory_space<hbm>> -> memref<40x512xf32, #tpu.memory_space<hbm>>
        %dma_start3A_3333 = tpu.memref_slice %arg3[%mul3A_3331, %mul3A_2] : memref<1000x16384xf32, #tpu.memory_space<hbm>> -> memref<40x512xf32, #tpu.memory_space<hbm>>
        tpu.enqueue_dma source(%arg5 : memref<40x512xf32, #tpu.memory_space<vmem>>) target(%dma_start3A_3333 : memref<40x512xf32, #tpu.memory_space<hbm>>) target_semaphore(%arg7 : memref<!tpu.dma_semaphore, #tpu.memory_space<semaphore_mem>>)
      } else {
      }
      %mul3A_2026 = arith.constant 2 : i32
      %mul3A_2027 = arith.muli %mul3A_2026, %scan3A_1365 : i32
      %add3A_2028 = arith.constant 2 : i32
      %add3A_2029 = arith.addi %mul3A_2027, %add3A_2028 : i32
      %add3A_2030 = arith.constant 1 : i32
      %add3A_2031 = arith.addi %add3A_2029, %add3A_2030 : i32
      %sub3A_2032 = arith.constant 2 : i32
      %sub3A_2033 = arith.subi %add3A_2031, %sub3A_2032 : i32
      %mul3A_2034 = arith.constant 40 : i32
      %mul3A_2035 = arith.muli %sub3A_2033, %mul3A_2034 : i32
      %dma_wait3A_2036 = tpu.memref_slice %arg3[%mul3A_2035, %mul3A_2] : memref<1000x16384xf32, #tpu.memory_space<hbm>> -> memref<40x512xf32, #tpu.memory_space<hbm>>
      %dma_wait3A_2037 = tpu.memref_slice %arg3[%mul3A_2035, %mul3A_2] : memref<1000x16384xf32, #tpu.memory_space<hbm>> -> memref<40x512xf32, #tpu.memory_space<hbm>>
      tpu.wait_dma2 semaphore(%arg8 : memref<!tpu.dma_semaphore, #tpu.memory_space<semaphore_mem>>) src(%arg6 : memref<40x512xf32, #tpu.memory_space<vmem>>) dst(%dma_wait3A_2037 : memref<40x512xf32, #tpu.memory_space<hbm>>)
      %sub3A_2038 = arith.constant 2 : i32
      %sub3A_2039 = arith.subi %add3A_2031, %sub3A_2038 : i32
      %mul3A_2040 = arith.constant 40 : i32
      %mul3A_2041 = arith.muli %sub3A_2039, %mul3A_2040 : i32
      %get3A_2042 = arith.constant 0 : index
      %get3A_2043 = tpu.vector_load %arg4[%get3A_2042] {strides = array<i32>} : memref<512xi32, #tpu.memory_space<vmem>>, vector<16xi32>,
      %sub3A_2044 = vector.broadcast %mul3A_2041 : i32 to vector<16xi32>
      %sub3A_2045 = arith.subi %get3A_2043, %sub3A_2044 : vector<16xi32>
      %ge3A_2046 = arith.constant 0 : i32
      %ge3A_2047 = vector.broadcast %ge3A_2046 : i32 to vector<16xi32>
      %ge3A_2048 = arith.cmpi sge, %sub3A_2045, %ge3A_2047 : vector<16xi32>
      %lt3A_2049 = arith.constant 40 : i32
      %lt3A_2050 = vector.broadcast %lt3A_2049 : i32 to vector<16xi32>
      %lt3A_2051 = arith.cmpi slt, %sub3A_2045, %lt3A_2050 : vector<16xi32>
      %and3A_2052 = arith.andi %ge3A_2048, %lt3A_2051 : vector<16xi1>
      %jit3A_2053 = arith.constant 0 : i32
      %jit3A_2054 = arith.constant 39 : i32
      %max3A_2055 = vector.broadcast %jit3A_2053 : i32 to vector<16xi32>
      %max3A_2056 = arith.maxsi %max3A_2055, %sub3A_2045 : vector<16xi32>
      %min3A_2057 = vector.broadcast %jit3A_2054 : i32 to vector<16xi32>
      %min3A_2058 = arith.minsi %min3A_2057, %max3A_2056 : vector<16xi32>
      %add3A_2059 = arith.constant 0 : i32
      %add3A_2060 = vector.broadcast %add3A_2059 : i32 to vector<16xi32>
      %add3A_2061 = arith.addi %add3A_2060, %iota3A : vector<16xi32>
      tpu.vector_store_idx %arg6[%min3A_2058, %add3A_2061], %broadcast_in_dim3A_5 masked %and3A_2052 : memref<40x512xf32, #tpu.memory_space<vmem>>[vector<16xi32>, vector<16xi32>], vector<16xf32>, vector<16xi1>
      %get3A_2062 = arith.constant 16 : index
      %get3A_2063 = tpu.vector_load %arg4[%get3A_2062] {strides = array<i32>} : memref<512xi32, #tpu.memory_space<vmem>>, vector<16xi32>,
      %sub3A_2064 = vector.broadcast %mul3A_2041 : i32 to vector<16xi32>
      %sub3A_2065 = arith.subi %get3A_2063, %sub3A_2064 : vector<16xi32>
      %ge3A_2066 = arith.constant 0 : i32
      %ge3A_2067 = vector.broadcast %ge3A_2066 : i32 to vector<16xi32>
      %ge3A_2068 = arith.cmpi sge, %sub3A_2065, %ge3A_2067 : vector<16xi32>
      %lt3A_2069 = arith.constant 40 : i32
      %lt3A_2070 = vector.broadcast %lt3A_2069 : i32 to vector<16xi32>
      %lt3A_2071 = arith.cmpi slt, %sub3A_2065, %lt3A_2070 : vector<16xi32>
      %and3A_2072 = arith.andi %ge3A_2068, %lt3A_2071 : vector<16xi1>
      %jit3A_2073 = arith.constant 0 : i32
      %jit3A_2074 = arith.constant 39 : i32
      %max3A_2075 = vector.broadcast %jit3A_2073 : i32 to vector<16xi32>
      %max3A_2076 = arith.maxsi %max3A_2075, %sub3A_2065 : vector<16xi32>
      %min3A_2077 = vector.broadcast %jit3A_2074 : i32 to vector<16xi32>
      %min3A_2078 = arith.minsi %min3A_2077, %max3A_2076 : vector<16xi32>
      %add3A_2079 = arith.constant 16 : i32
      %add3A_2080 = vector.broadcast %add3A_2079 : i32 to vector<16xi32>
      %add3A_2081 = arith.addi %add3A_2080, %iota3A : vector<16xi32>
      tpu.vector_store_idx %arg6[%min3A_2078, %add3A_2081], %broadcast_in_dim3A_5 masked %and3A_2072 : memref<40x512xf32, #tpu.memory_space<vmem>>[vector<16xi32>, vector<16xi32>], vector<16xf32>, vector<16xi1>
      %get3A_2082 = arith.constant 32 : index
      %get3A_2083 = tpu.vector_load %arg4[%get3A_2082] {strides = array<i32>} : memref<512xi32, #tpu.memory_space<vmem>>, vector<16xi32>,
      %sub3A_2084 = vector.broadcast %mul3A_2041 : i32 to vector<16xi32>
      %sub3A_2085 = arith.subi %get3A_2083, %sub3A_2084 : vector<16xi32>
      %ge3A_2086 = arith.constant 0 : i32
      %ge3A_2087 = vector.broadcast %ge3A_2086 : i32 to vector<16xi32>
      %ge3A_2088 = arith.cmpi sge, %sub3A_2085, %ge3A_2087 : vector<16xi32>
      %lt3A_2089 = arith.constant 40 : i32
      %lt3A_2090 = vector.broadcast %lt3A_2089 : i32 to vector<16xi32>
      %lt3A_2091 = arith.cmpi slt, %sub3A_2085, %lt3A_2090 : vector<16xi32>
      %and3A_2092 = arith.andi %ge3A_2088, %lt3A_2091 : vector<16xi1>
      %jit3A_2093 = arith.constant 0 : i32
      %jit3A_2094 = arith.constant 39 : i32
      %max3A_2095 = vector.broadcast %jit3A_2093 : i32 to vector<16xi32>
      %max3A_2096 = arith.maxsi %max3A_2095, %sub3A_2085 : vector<16xi32>
      %min3A_2097 = vector.broadcast %jit3A_2094 : i32 to vector<16xi32>
      %min3A_2098 = arith.minsi %min3A_2097, %max3A_2096 : vector<16xi32>
      %add3A_2099 = arith.constant 32 : i32
      %add3A_2100 = vector.broadcast %add3A_2099 : i32 to vector<16xi32>
      %add3A_2101 = arith.addi %add3A_2100, %iota3A : vector<16xi32>
      tpu.vector_store_idx %arg6[%min3A_2098, %add3A_2101], %broadcast_in_dim3A_5 masked %and3A_2092 : memref<40x512xf32, #tpu.memory_space<vmem>>[vector<16xi32>, vector<16xi32>], vector<16xf32>, vector<16xi1>
      %get3A_2102 = arith.constant 48 : index
      %get3A_2103 = tpu.vector_load %arg4[%get3A_2102] {strides = array<i32>} : memref<512xi32, #tpu.memory_space<vmem>>, vector<16xi32>,
      %sub3A_2104 = vector.broadcast %mul3A_2041 : i32 to vector<16xi32>
      %sub3A_2105 = arith.subi %get3A_2103, %sub3A_2104 : vector<16xi32>
      %ge3A_2106 = arith.constant 0 : i32
      %ge3A_2107 = vector.broadcast %ge3A_2106 : i32 to vector<16xi32>
      %ge3A_2108 = arith.cmpi sge, %sub3A_2105, %ge3A_2107 : vector<16xi32>
      %lt3A_2109 = arith.constant 40 : i32
      %lt3A_2110 = vector.broadcast %lt3A_2109 : i32 to vector<16xi32>
      %lt3A_2111 = arith.cmpi slt, %sub3A_2105, %lt3A_2110 : vector<16xi32>
      %and3A_2112 = arith.andi %ge3A_2108, %lt3A_2111 : vector<16xi1>
      %jit3A_2113 = arith.constant 0 : i32
      %jit3A_2114 = arith.constant 39 : i32
      %max3A_2115 = vector.broadcast %jit3A_2113 : i32 to vector<16xi32>
      %max3A_2116 = arith.maxsi %max3A_2115, %sub3A_2105 : vector<16xi32>
      %min3A_2117 = vector.broadcast %jit3A_2114 : i32 to vector<16xi32>
      %min3A_2118 = arith.minsi %min3A_2117, %max3A_2116 : vector<16xi32>
      %add3A_2119 = arith.constant 48 : i32
      %add3A_2120 = vector.broadcast %add3A_2119 : i32 to vector<16xi32>
      %add3A_2121 = arith.addi %add3A_2120, %iota3A : vector<16xi32>
      tpu.vector_store_idx %arg6[%min3A_2118, %add3A_2121], %broadcast_in_dim3A_5 masked %and3A_2112 : memref<40x512xf32, #tpu.memory_space<vmem>>[vector<16xi32>, vector<16xi32>], vector<16xf32>, vector<16xi1>
      %get3A_2122 = arith.constant 64 : index
      %get3A_2123 = tpu.vector_load %arg4[%get3A_2122] {strides = array<i32>} : memref<512xi32, #tpu.memory_space<vmem>>, vector<16xi32>,
      %sub3A_2124 = vector.broadcast %mul3A_2041 : i32 to vector<16xi32>
      %sub3A_2125 = arith.subi %get3A_2123, %sub3A_2124 : vector<16xi32>
      %ge3A_2126 = arith.constant 0 : i32
      %ge3A_2127 = vector.broadcast %ge3A_2126 : i32 to vector<16xi32>
      %ge3A_2128 = arith.cmpi sge, %sub3A_2125, %ge3A_2127 : vector<16xi32>
      %lt3A_2129 = arith.constant 40 : i32
      %lt3A_2130 = vector.broadcast %lt3A_2129 : i32 to vector<16xi32>
      %lt3A_2131 = arith.cmpi slt, %sub3A_2125, %lt3A_2130 : vector<16xi32>
      %and3A_2132 = arith.andi %ge3A_2128, %lt3A_2131 : vector<16xi1>
      %jit3A_2133 = arith.constant 0 : i32
      %jit3A_2134 = arith.constant 39 : i32
      %max3A_2135 = vector.broadcast %jit3A_2133 : i32 to vector<16xi32>
      %max3A_2136 = arith.maxsi %max3A_2135, %sub3A_2125 : vector<16xi32>
      %min3A_2137 = vector.broadcast %jit3A_2134 : i32 to vector<16xi32>
      %min3A_2138 = arith.minsi %min3A_2137, %max3A_2136 : vector<16xi32>
      %add3A_2139 = arith.constant 64 : i32
      %add3A_2140 = vector.broadcast %add3A_2139 : i32 to vector<16xi32>
      %add3A_2141 = arith.addi %add3A_2140, %iota3A : vector<16xi32>
      tpu.vector_store_idx %arg6[%min3A_2138, %add3A_2141], %broadcast_in_dim3A_5 masked %and3A_2132 : memref<40x512xf32, #tpu.memory_space<vmem>>[vector<16xi32>, vector<16xi32>], vector<16xf32>, vector<16xi1>
      %get3A_2142 = arith.constant 80 : index
      %get3A_2143 = tpu.vector_load %arg4[%get3A_2142] {strides = array<i32>} : memref<512xi32, #tpu.memory_space<vmem>>, vector<16xi32>,
      %sub3A_2144 = vector.broadcast %mul3A_2041 : i32 to vector<16xi32>
      %sub3A_2145 = arith.subi %get3A_2143, %sub3A_2144 : vector<16xi32>
      %ge3A_2146 = arith.constant 0 : i32
      %ge3A_2147 = vector.broadcast %ge3A_2146 : i32 to vector<16xi32>
      %ge3A_2148 = arith.cmpi sge, %sub3A_2145, %ge3A_2147 : vector<16xi32>
      %lt3A_2149 = arith.constant 40 : i32
      %lt3A_2150 = vector.broadcast %lt3A_2149 : i32 to vector<16xi32>
      %lt3A_2151 = arith.cmpi slt, %sub3A_2145, %lt3A_2150 : vector<16xi32>
      %and3A_2152 = arith.andi %ge3A_2148, %lt3A_2151 : vector<16xi1>
      %jit3A_2153 = arith.constant 0 : i32
      %jit3A_2154 = arith.constant 39 : i32
      %max3A_2155 = vector.broadcast %jit3A_2153 : i32 to vector<16xi32>
      %max3A_2156 = arith.maxsi %max3A_2155, %sub3A_2145 : vector<16xi32>
      %min3A_2157 = vector.broadcast %jit3A_2154 : i32 to vector<16xi32>
      %min3A_2158 = arith.minsi %min3A_2157, %max3A_2156 : vector<16xi32>
      %add3A_2159 = arith.constant 80 : i32
      %add3A_2160 = vector.broadcast %add3A_2159 : i32 to vector<16xi32>
      %add3A_2161 = arith.addi %add3A_2160, %iota3A : vector<16xi32>
      tpu.vector_store_idx %arg6[%min3A_2158, %add3A_2161], %broadcast_in_dim3A_5 masked %and3A_2152 : memref<40x512xf32, #tpu.memory_space<vmem>>[vector<16xi32>, vector<16xi32>], vector<16xf32>, vector<16xi1>
      %get3A_2162 = arith.constant 96 : index
      %get3A_2163 = tpu.vector_load %arg4[%get3A_2162] {strides = array<i32>} : memref<512xi32, #tpu.memory_space<vmem>>, vector<16xi32>,
      %sub3A_2164 = vector.broadcast %mul3A_2041 : i32 to vector<16xi32>
      %sub3A_2165 = arith.subi %get3A_2163, %sub3A_2164 : vector<16xi32>
      %ge3A_2166 = arith.constant 0 : i32
      %ge3A_2167 = vector.broadcast %ge3A_2166 : i32 to vector<16xi32>
      %ge3A_2168 = arith.cmpi sge, %sub3A_2165, %ge3A_2167 : vector<16xi32>
      %lt3A_2169 = arith.constant 40 : i32
      %lt3A_2170 = vector.broadcast %lt3A_2169 : i32 to vector<16xi32>
      %lt3A_2171 = arith.cmpi slt, %sub3A_2165, %lt3A_2170 : vector<16xi32>
      %and3A_2172 = arith.andi %ge3A_2168, %lt3A_2171 : vector<16xi1>
      %jit3A_2173 = arith.constant 0 : i32
      %jit3A_2174 = arith.constant 39 : i32
      %max3A_2175 = vector.broadcast %jit3A_2173 : i32 to vector<16xi32>
      %max3A_2176 = arith.maxsi %max3A_2175, %sub3A_2165 : vector<16xi32>
      %min3A_2177 = vector.broadcast %jit3A_2174 : i32 to vector<16xi32>
      %min3A_2178 = arith.minsi %min3A_2177, %max3A_2176 : vector<16xi32>
      %add3A_2179 = arith.constant 96 : i32
      %add3A_2180 = vector.broadcast %add3A_2179 : i32 to vector<16xi32>
      %add3A_2181 = arith.addi %add3A_2180, %iota3A : vector<16xi32>
      tpu.vector_store_idx %arg6[%min3A_2178, %add3A_2181], %broadcast_in_dim3A_5 masked %and3A_2172 : memref<40x512xf32, #tpu.memory_space<vmem>>[vector<16xi32>, vector<16xi32>], vector<16xf32>, vector<16xi1>
      %get3A_2182 = arith.constant 112 : index
      %get3A_2183 = tpu.vector_load %arg4[%get3A_2182] {strides = array<i32>} : memref<512xi32, #tpu.memory_space<vmem>>, vector<16xi32>,
      %sub3A_2184 = vector.broadcast %mul3A_2041 : i32 to vector<16xi32>
      %sub3A_2185 = arith.subi %get3A_2183, %sub3A_2184 : vector<16xi32>
      %ge3A_2186 = arith.constant 0 : i32
      %ge3A_2187 = vector.broadcast %ge3A_2186 : i32 to vector<16xi32>
      %ge3A_2188 = arith.cmpi sge, %sub3A_2185, %ge3A_2187 : vector<16xi32>
      %lt3A_2189 = arith.constant 40 : i32
      %lt3A_2190 = vector.broadcast %lt3A_2189 : i32 to vector<16xi32>
      %lt3A_2191 = arith.cmpi slt, %sub3A_2185, %lt3A_2190 : vector<16xi32>
      %and3A_2192 = arith.andi %ge3A_2188, %lt3A_2191 : vector<16xi1>
      %jit3A_2193 = arith.constant 0 : i32
      %jit3A_2194 = arith.constant 39 : i32
      %max3A_2195 = vector.broadcast %jit3A_2193 : i32 to vector<16xi32>
      %max3A_2196 = arith.maxsi %max3A_2195, %sub3A_2185 : vector<16xi32>
      %min3A_2197 = vector.broadcast %jit3A_2194 : i32 to vector<16xi32>
      %min3A_2198 = arith.minsi %min3A_2197, %max3A_2196 : vector<16xi32>
      %add3A_2199 = arith.constant 112 : i32
      %add3A_2200 = vector.broadcast %add3A_2199 : i32 to vector<16xi32>
      %add3A_2201 = arith.addi %add3A_2200, %iota3A : vector<16xi32>
      tpu.vector_store_idx %arg6[%min3A_2198, %add3A_2201], %broadcast_in_dim3A_5 masked %and3A_2192 : memref<40x512xf32, #tpu.memory_space<vmem>>[vector<16xi32>, vector<16xi32>], vector<16xf32>, vector<16xi1>
      %get3A_2202 = arith.constant 128 : index
      %get3A_2203 = tpu.vector_load %arg4[%get3A_2202] {strides = array<i32>} : memref<512xi32, #tpu.memory_space<vmem>>, vector<16xi32>,
      %sub3A_2204 = vector.broadcast %mul3A_2041 : i32 to vector<16xi32>
      %sub3A_2205 = arith.subi %get3A_2203, %sub3A_2204 : vector<16xi32>
      %ge3A_2206 = arith.constant 0 : i32
      %ge3A_2207 = vector.broadcast %ge3A_2206 : i32 to vector<16xi32>
      %ge3A_2208 = arith.cmpi sge, %sub3A_2205, %ge3A_2207 : vector<16xi32>
      %lt3A_2209 = arith.constant 40 : i32
      %lt3A_2210 = vector.broadcast %lt3A_2209 : i32 to vector<16xi32>
      %lt3A_2211 = arith.cmpi slt, %sub3A_2205, %lt3A_2210 : vector<16xi32>
      %and3A_2212 = arith.andi %ge3A_2208, %lt3A_2211 : vector<16xi1>
      %jit3A_2213 = arith.constant 0 : i32
      %jit3A_2214 = arith.constant 39 : i32
      %max3A_2215 = vector.broadcast %jit3A_2213 : i32 to vector<16xi32>
      %max3A_2216 = arith.maxsi %max3A_2215, %sub3A_2205 : vector<16xi32>
      %min3A_2217 = vector.broadcast %jit3A_2214 : i32 to vector<16xi32>
      %min3A_2218 = arith.minsi %min3A_2217, %max3A_2216 : vector<16xi32>
      %add3A_2219 = arith.constant 128 : i32
      %add3A_2220 = vector.broadcast %add3A_2219 : i32 to vector<16xi32>
      %add3A_2221 = arith.addi %add3A_2220, %iota3A : vector<16xi32>
      tpu.vector_store_idx %arg6[%min3A_2218, %add3A_2221], %broadcast_in_dim3A_5 masked %and3A_2212 : memref<40x512xf32, #tpu.memory_space<vmem>>[vector<16xi32>, vector<16xi32>], vector<16xf32>, vector<16xi1>
      %get3A_2222 = arith.constant 144 : index
      %get3A_2223 = tpu.vector_load %arg4[%get3A_2222] {strides = array<i32>} : memref<512xi32, #tpu.memory_space<vmem>>, vector<16xi32>,
      %sub3A_2224 = vector.broadcast %mul3A_2041 : i32 to vector<16xi32>
      %sub3A_2225 = arith.subi %get3A_2223, %sub3A_2224 : vector<16xi32>
      %ge3A_2226 = arith.constant 0 : i32
      %ge3A_2227 = vector.broadcast %ge3A_2226 : i32 to vector<16xi32>
      %ge3A_2228 = arith.cmpi sge, %sub3A_2225, %ge3A_2227 : vector<16xi32>
      %lt3A_2229 = arith.constant 40 : i32
      %lt3A_2230 = vector.broadcast %lt3A_2229 : i32 to vector<16xi32>
      %lt3A_2231 = arith.cmpi slt, %sub3A_2225, %lt3A_2230 : vector<16xi32>
      %and3A_2232 = arith.andi %ge3A_2228, %lt3A_2231 : vector<16xi1>
      %jit3A_2233 = arith.constant 0 : i32
      %jit3A_2234 = arith.constant 39 : i32
      %max3A_2235 = vector.broadcast %jit3A_2233 : i32 to vector<16xi32>
      %max3A_2236 = arith.maxsi %max3A_2235, %sub3A_2225 : vector<16xi32>
      %min3A_2237 = vector.broadcast %jit3A_2234 : i32 to vector<16xi32>
      %min3A_2238 = arith.minsi %min3A_2237, %max3A_2236 : vector<16xi32>
      %add3A_2239 = arith.constant 144 : i32
      %add3A_2240 = vector.broadcast %add3A_2239 : i32 to vector<16xi32>
      %add3A_2241 = arith.addi %add3A_2240, %iota3A : vector<16xi32>
      tpu.vector_store_idx %arg6[%min3A_2238, %add3A_2241], %broadcast_in_dim3A_5 masked %and3A_2232 : memref<40x512xf32, #tpu.memory_space<vmem>>[vector<16xi32>, vector<16xi32>], vector<16xf32>, vector<16xi1>
      %get3A_2242 = arith.constant 160 : index
      %get3A_2243 = tpu.vector_load %arg4[%get3A_2242] {strides = array<i32>} : memref<512xi32, #tpu.memory_space<vmem>>, vector<16xi32>,
      %sub3A_2244 = vector.broadcast %mul3A_2041 : i32 to vector<16xi32>
      %sub3A_2245 = arith.subi %get3A_2243, %sub3A_2244 : vector<16xi32>
      %ge3A_2246 = arith.constant 0 : i32
      %ge3A_2247 = vector.broadcast %ge3A_2246 : i32 to vector<16xi32>
      %ge3A_2248 = arith.cmpi sge, %sub3A_2245, %ge3A_2247 : vector<16xi32>
      %lt3A_2249 = arith.constant 40 : i32
      %lt3A_2250 = vector.broadcast %lt3A_2249 : i32 to vector<16xi32>
      %lt3A_2251 = arith.cmpi slt, %sub3A_2245, %lt3A_2250 : vector<16xi32>
      %and3A_2252 = arith.andi %ge3A_2248, %lt3A_2251 : vector<16xi1>
      %jit3A_2253 = arith.constant 0 : i32
      %jit3A_2254 = arith.constant 39 : i32
      %max3A_2255 = vector.broadcast %jit3A_2253 : i32 to vector<16xi32>
      %max3A_2256 = arith.maxsi %max3A_2255, %sub3A_2245 : vector<16xi32>
      %min3A_2257 = vector.broadcast %jit3A_2254 : i32 to vector<16xi32>
      %min3A_2258 = arith.minsi %min3A_2257, %max3A_2256 : vector<16xi32>
      %add3A_2259 = arith.constant 160 : i32
      %add3A_2260 = vector.broadcast %add3A_2259 : i32 to vector<16xi32>
      %add3A_2261 = arith.addi %add3A_2260, %iota3A : vector<16xi32>
      tpu.vector_store_idx %arg6[%min3A_2258, %add3A_2261], %broadcast_in_dim3A_5 masked %and3A_2252 : memref<40x512xf32, #tpu.memory_space<vmem>>[vector<16xi32>, vector<16xi32>], vector<16xf32>, vector<16xi1>
      %get3A_2262 = arith.constant 176 : index
      %get3A_2263 = tpu.vector_load %arg4[%get3A_2262] {strides = array<i32>} : memref<512xi32, #tpu.memory_space<vmem>>, vector<16xi32>,
      %sub3A_2264 = vector.broadcast %mul3A_2041 : i32 to vector<16xi32>
      %sub3A_2265 = arith.subi %get3A_2263, %sub3A_2264 : vector<16xi32>
      %ge3A_2266 = arith.constant 0 : i32
      %ge3A_2267 = vector.broadcast %ge3A_2266 : i32 to vector<16xi32>
      %ge3A_2268 = arith.cmpi sge, %sub3A_2265, %ge3A_2267 : vector<16xi32>
      %lt3A_2269 = arith.constant 40 : i32
      %lt3A_2270 = vector.broadcast %lt3A_2269 : i32 to vector<16xi32>
      %lt3A_2271 = arith.cmpi slt, %sub3A_2265, %lt3A_2270 : vector<16xi32>
      %and3A_2272 = arith.andi %ge3A_2268, %lt3A_2271 : vector<16xi1>
      %jit3A_2273 = arith.constant 0 : i32
      %jit3A_2274 = arith.constant 39 : i32
      %max3A_2275 = vector.broadcast %jit3A_2273 : i32 to vector<16xi32>
      %max3A_2276 = arith.maxsi %max3A_2275, %sub3A_2265 : vector<16xi32>
      %min3A_2277 = vector.broadcast %jit3A_2274 : i32 to vector<16xi32>
      %min3A_2278 = arith.minsi %min3A_2277, %max3A_2276 : vector<16xi32>
      %add3A_2279 = arith.constant 176 : i32
      %add3A_2280 = vector.broadcast %add3A_2279 : i32 to vector<16xi32>
      %add3A_2281 = arith.addi %add3A_2280, %iota3A : vector<16xi32>
      tpu.vector_store_idx %arg6[%min3A_2278, %add3A_2281], %broadcast_in_dim3A_5 masked %and3A_2272 : memref<40x512xf32, #tpu.memory_space<vmem>>[vector<16xi32>, vector<16xi32>], vector<16xf32>, vector<16xi1>
      %get3A_2282 = arith.constant 192 : index
      %get3A_2283 = tpu.vector_load %arg4[%get3A_2282] {strides = array<i32>} : memref<512xi32, #tpu.memory_space<vmem>>, vector<16xi32>,
      %sub3A_2284 = vector.broadcast %mul3A_2041 : i32 to vector<16xi32>
      %sub3A_2285 = arith.subi %get3A_2283, %sub3A_2284 : vector<16xi32>
      %ge3A_2286 = arith.constant 0 : i32
      %ge3A_2287 = vector.broadcast %ge3A_2286 : i32 to vector<16xi32>
      %ge3A_2288 = arith.cmpi sge, %sub3A_2285, %ge3A_2287 : vector<16xi32>
      %lt3A_2289 = arith.constant 40 : i32
      %lt3A_2290 = vector.broadcast %lt3A_2289 : i32 to vector<16xi32>
      %lt3A_2291 = arith.cmpi slt, %sub3A_2285, %lt3A_2290 : vector<16xi32>
      %and3A_2292 = arith.andi %ge3A_2288, %lt3A_2291 : vector<16xi1>
      %jit3A_2293 = arith.constant 0 : i32
      %jit3A_2294 = arith.constant 39 : i32
      %max3A_2295 = vector.broadcast %jit3A_2293 : i32 to vector<16xi32>
      %max3A_2296 = arith.maxsi %max3A_2295, %sub3A_2285 : vector<16xi32>
      %min3A_2297 = vector.broadcast %jit3A_2294 : i32 to vector<16xi32>
      %min3A_2298 = arith.minsi %min3A_2297, %max3A_2296 : vector<16xi32>
      %add3A_2299 = arith.constant 192 : i32
      %add3A_2300 = vector.broadcast %add3A_2299 : i32 to vector<16xi32>
      %add3A_2301 = arith.addi %add3A_2300, %iota3A : vector<16xi32>
      tpu.vector_store_idx %arg6[%min3A_2298, %add3A_2301], %broadcast_in_dim3A_5 masked %and3A_2292 : memref<40x512xf32, #tpu.memory_space<vmem>>[vector<16xi32>, vector<16xi32>], vector<16xf32>, vector<16xi1>
      %get3A_2302 = arith.constant 208 : index
      %get3A_2303 = tpu.vector_load %arg4[%get3A_2302] {strides = array<i32>} : memref<512xi32, #tpu.memory_space<vmem>>, vector<16xi32>,
      %sub3A_2304 = vector.broadcast %mul3A_2041 : i32 to vector<16xi32>
      %sub3A_2305 = arith.subi %get3A_2303, %sub3A_2304 : vector<16xi32>
      %ge3A_2306 = arith.constant 0 : i32
      %ge3A_2307 = vector.broadcast %ge3A_2306 : i32 to vector<16xi32>
      %ge3A_2308 = arith.cmpi sge, %sub3A_2305, %ge3A_2307 : vector<16xi32>
      %lt3A_2309 = arith.constant 40 : i32
      %lt3A_2310 = vector.broadcast %lt3A_2309 : i32 to vector<16xi32>
      %lt3A_2311 = arith.cmpi slt, %sub3A_2305, %lt3A_2310 : vector<16xi32>
      %and3A_2312 = arith.andi %ge3A_2308, %lt3A_2311 : vector<16xi1>
      %jit3A_2313 = arith.constant 0 : i32
      %jit3A_2314 = arith.constant 39 : i32
      %max3A_2315 = vector.broadcast %jit3A_2313 : i32 to vector<16xi32>
      %max3A_2316 = arith.maxsi %max3A_2315, %sub3A_2305 : vector<16xi32>
      %min3A_2317 = vector.broadcast %jit3A_2314 : i32 to vector<16xi32>
      %min3A_2318 = arith.minsi %min3A_2317, %max3A_2316 : vector<16xi32>
      %add3A_2319 = arith.constant 208 : i32
      %add3A_2320 = vector.broadcast %add3A_2319 : i32 to vector<16xi32>
      %add3A_2321 = arith.addi %add3A_2320, %iota3A : vector<16xi32>
      tpu.vector_store_idx %arg6[%min3A_2318, %add3A_2321], %broadcast_in_dim3A_5 masked %and3A_2312 : memref<40x512xf32, #tpu.memory_space<vmem>>[vector<16xi32>, vector<16xi32>], vector<16xf32>, vector<16xi1>
      %get3A_2322 = arith.constant 224 : index
      %get3A_2323 = tpu.vector_load %arg4[%get3A_2322] {strides = array<i32>} : memref<512xi32, #tpu.memory_space<vmem>>, vector<16xi32>,
      %sub3A_2324 = vector.broadcast %mul3A_2041 : i32 to vector<16xi32>
      %sub3A_2325 = arith.subi %get3A_2323, %sub3A_2324 : vector<16xi32>
      %ge3A_2326 = arith.constant 0 : i32
      %ge3A_2327 = vector.broadcast %ge3A_2326 : i32 to vector<16xi32>
      %ge3A_2328 = arith.cmpi sge, %sub3A_2325, %ge3A_2327 : vector<16xi32>
      %lt3A_2329 = arith.constant 40 : i32
      %lt3A_2330 = vector.broadcast %lt3A_2329 : i32 to vector<16xi32>
      %lt3A_2331 = arith.cmpi slt, %sub3A_2325, %lt3A_2330 : vector<16xi32>
      %and3A_2332 = arith.andi %ge3A_2328, %lt3A_2331 : vector<16xi1>
      %jit3A_2333 = arith.constant 0 : i32
      %jit3A_2334 = arith.constant 39 : i32
      %max3A_2335 = vector.broadcast %jit3A_2333 : i32 to vector<16xi32>
      %max3A_2336 = arith.maxsi %max3A_2335, %sub3A_2325 : vector<16xi32>
      %min3A_2337 = vector.broadcast %jit3A_2334 : i32 to vector<16xi32>
      %min3A_2338 = arith.minsi %min3A_2337, %max3A_2336 : vector<16xi32>
      %add3A_2339 = arith.constant 224 : i32
      %add3A_2340 = vector.broadcast %add3A_2339 : i32 to vector<16xi32>
      %add3A_2341 = arith.addi %add3A_2340, %iota3A : vector<16xi32>
      tpu.vector_store_idx %arg6[%min3A_2338, %add3A_2341], %broadcast_in_dim3A_5 masked %and3A_2332 : memref<40x512xf32, #tpu.memory_space<vmem>>[vector<16xi32>, vector<16xi32>], vector<16xf32>, vector<16xi1>
      %get3A_2342 = arith.constant 240 : index
      %get3A_2343 = tpu.vector_load %arg4[%get3A_2342] {strides = array<i32>} : memref<512xi32, #tpu.memory_space<vmem>>, vector<16xi32>,
      %sub3A_2344 = vector.broadcast %mul3A_2041 : i32 to vector<16xi32>
      %sub3A_2345 = arith.subi %get3A_2343, %sub3A_2344 : vector<16xi32>
      %ge3A_2346 = arith.constant 0 : i32
      %ge3A_2347 = vector.broadcast %ge3A_2346 : i32 to vector<16xi32>
      %ge3A_2348 = arith.cmpi sge, %sub3A_2345, %ge3A_2347 : vector<16xi32>
      %lt3A_2349 = arith.constant 40 : i32
      %lt3A_2350 = vector.broadcast %lt3A_2349 : i32 to vector<16xi32>
      %lt3A_2351 = arith.cmpi slt, %sub3A_2345, %lt3A_2350 : vector<16xi32>
      %and3A_2352 = arith.andi %ge3A_2348, %lt3A_2351 : vector<16xi1>
      %jit3A_2353 = arith.constant 0 : i32
      %jit3A_2354 = arith.constant 39 : i32
      %max3A_2355 = vector.broadcast %jit3A_2353 : i32 to vector<16xi32>
      %max3A_2356 = arith.maxsi %max3A_2355, %sub3A_2345 : vector<16xi32>
      %min3A_2357 = vector.broadcast %jit3A_2354 : i32 to vector<16xi32>
      %min3A_2358 = arith.minsi %min3A_2357, %max3A_2356 : vector<16xi32>
      %add3A_2359 = arith.constant 240 : i32
      %add3A_2360 = vector.broadcast %add3A_2359 : i32 to vector<16xi32>
      %add3A_2361 = arith.addi %add3A_2360, %iota3A : vector<16xi32>
      tpu.vector_store_idx %arg6[%min3A_2358, %add3A_2361], %broadcast_in_dim3A_5 masked %and3A_2352 : memref<40x512xf32, #tpu.memory_space<vmem>>[vector<16xi32>, vector<16xi32>], vector<16xf32>, vector<16xi1>
      %get3A_2362 = arith.constant 256 : index
      %get3A_2363 = tpu.vector_load %arg4[%get3A_2362] {strides = array<i32>} : memref<512xi32, #tpu.memory_space<vmem>>, vector<16xi32>,
      %sub3A_2364 = vector.broadcast %mul3A_2041 : i32 to vector<16xi32>
      %sub3A_2365 = arith.subi %get3A_2363, %sub3A_2364 : vector<16xi32>
      %ge3A_2366 = arith.constant 0 : i32
      %ge3A_2367 = vector.broadcast %ge3A_2366 : i32 to vector<16xi32>
      %ge3A_2368 = arith.cmpi sge, %sub3A_2365, %ge3A_2367 : vector<16xi32>
      %lt3A_2369 = arith.constant 40 : i32
      %lt3A_2370 = vector.broadcast %lt3A_2369 : i32 to vector<16xi32>
      %lt3A_2371 = arith.cmpi slt, %sub3A_2365, %lt3A_2370 : vector<16xi32>
      %and3A_2372 = arith.andi %ge3A_2368, %lt3A_2371 : vector<16xi1>
      %jit3A_2373 = arith.constant 0 : i32
      %jit3A_2374 = arith.constant 39 : i32
      %max3A_2375 = vector.broadcast %jit3A_2373 : i32 to vector<16xi32>
      %max3A_2376 = arith.maxsi %max3A_2375, %sub3A_2365 : vector<16xi32>
      %min3A_2377 = vector.broadcast %jit3A_2374 : i32 to vector<16xi32>
      %min3A_2378 = arith.minsi %min3A_2377, %max3A_2376 : vector<16xi32>
      %add3A_2379 = arith.constant 256 : i32
      %add3A_2380 = vector.broadcast %add3A_2379 : i32 to vector<16xi32>
      %add3A_2381 = arith.addi %add3A_2380, %iota3A : vector<16xi32>
      tpu.vector_store_idx %arg6[%min3A_2378, %add3A_2381], %broadcast_in_dim3A_5 masked %and3A_2372 : memref<40x512xf32, #tpu.memory_space<vmem>>[vector<16xi32>, vector<16xi32>], vector<16xf32>, vector<16xi1>
      %get3A_2382 = arith.constant 272 : index
      %get3A_2383 = tpu.vector_load %arg4[%get3A_2382] {strides = array<i32>} : memref<512xi32, #tpu.memory_space<vmem>>, vector<16xi32>,
      %sub3A_2384 = vector.broadcast %mul3A_2041 : i32 to vector<16xi32>
      %sub3A_2385 = arith.subi %get3A_2383, %sub3A_2384 : vector<16xi32>
      %ge3A_2386 = arith.constant 0 : i32
      %ge3A_2387 = vector.broadcast %ge3A_2386 : i32 to vector<16xi32>
      %ge3A_2388 = arith.cmpi sge, %sub3A_2385, %ge3A_2387 : vector<16xi32>
      %lt3A_2389 = arith.constant 40 : i32
      %lt3A_2390 = vector.broadcast %lt3A_2389 : i32 to vector<16xi32>
      %lt3A_2391 = arith.cmpi slt, %sub3A_2385, %lt3A_2390 : vector<16xi32>
      %and3A_2392 = arith.andi %ge3A_2388, %lt3A_2391 : vector<16xi1>
      %jit3A_2393 = arith.constant 0 : i32
      %jit3A_2394 = arith.constant 39 : i32
      %max3A_2395 = vector.broadcast %jit3A_2393 : i32 to vector<16xi32>
      %max3A_2396 = arith.maxsi %max3A_2395, %sub3A_2385 : vector<16xi32>
      %min3A_2397 = vector.broadcast %jit3A_2394 : i32 to vector<16xi32>
      %min3A_2398 = arith.minsi %min3A_2397, %max3A_2396 : vector<16xi32>
      %add3A_2399 = arith.constant 272 : i32
      %add3A_2400 = vector.broadcast %add3A_2399 : i32 to vector<16xi32>
      %add3A_2401 = arith.addi %add3A_2400, %iota3A : vector<16xi32>
      tpu.vector_store_idx %arg6[%min3A_2398, %add3A_2401], %broadcast_in_dim3A_5 masked %and3A_2392 : memref<40x512xf32, #tpu.memory_space<vmem>>[vector<16xi32>, vector<16xi32>], vector<16xf32>, vector<16xi1>
      %get3A_2402 = arith.constant 288 : index
      %get3A_2403 = tpu.vector_load %arg4[%get3A_2402] {strides = array<i32>} : memref<512xi32, #tpu.memory_space<vmem>>, vector<16xi32>,
      %sub3A_2404 = vector.broadcast %mul3A_2041 : i32 to vector<16xi32>
      %sub3A_2405 = arith.subi %get3A_2403, %sub3A_2404 : vector<16xi32>
      %ge3A_2406 = arith.constant 0 : i32
      %ge3A_2407 = vector.broadcast %ge3A_2406 : i32 to vector<16xi32>
      %ge3A_2408 = arith.cmpi sge, %sub3A_2405, %ge3A_2407 : vector<16xi32>
      %lt3A_2409 = arith.constant 40 : i32
      %lt3A_2410 = vector.broadcast %lt3A_2409 : i32 to vector<16xi32>
      %lt3A_2411 = arith.cmpi slt, %sub3A_2405, %lt3A_2410 : vector<16xi32>
      %and3A_2412 = arith.andi %ge3A_2408, %lt3A_2411 : vector<16xi1>
      %jit3A_2413 = arith.constant 0 : i32
      %jit3A_2414 = arith.constant 39 : i32
      %max3A_2415 = vector.broadcast %jit3A_2413 : i32 to vector<16xi32>
      %max3A_2416 = arith.maxsi %max3A_2415, %sub3A_2405 : vector<16xi32>
      %min3A_2417 = vector.broadcast %jit3A_2414 : i32 to vector<16xi32>
      %min3A_2418 = arith.minsi %min3A_2417, %max3A_2416 : vector<16xi32>
      %add3A_2419 = arith.constant 288 : i32
      %add3A_2420 = vector.broadcast %add3A_2419 : i32 to vector<16xi32>
      %add3A_2421 = arith.addi %add3A_2420, %iota3A : vector<16xi32>
      tpu.vector_store_idx %arg6[%min3A_2418, %add3A_2421], %broadcast_in_dim3A_5 masked %and3A_2412 : memref<40x512xf32, #tpu.memory_space<vmem>>[vector<16xi32>, vector<16xi32>], vector<16xf32>, vector<16xi1>
      %get3A_2422 = arith.constant 304 : index
      %get3A_2423 = tpu.vector_load %arg4[%get3A_2422] {strides = array<i32>} : memref<512xi32, #tpu.memory_space<vmem>>, vector<16xi32>,
      %sub3A_2424 = vector.broadcast %mul3A_2041 : i32 to vector<16xi32>
      %sub3A_2425 = arith.subi %get3A_2423, %sub3A_2424 : vector<16xi32>
      %ge3A_2426 = arith.constant 0 : i32
      %ge3A_2427 = vector.broadcast %ge3A_2426 : i32 to vector<16xi32>
      %ge3A_2428 = arith.cmpi sge, %sub3A_2425, %ge3A_2427 : vector<16xi32>
      %lt3A_2429 = arith.constant 40 : i32
      %lt3A_2430 = vector.broadcast %lt3A_2429 : i32 to vector<16xi32>
      %lt3A_2431 = arith.cmpi slt, %sub3A_2425, %lt3A_2430 : vector<16xi32>
      %and3A_2432 = arith.andi %ge3A_2428, %lt3A_2431 : vector<16xi1>
      %jit3A_2433 = arith.constant 0 : i32
      %jit3A_2434 = arith.constant 39 : i32
      %max3A_2435 = vector.broadcast %jit3A_2433 : i32 to vector<16xi32>
      %max3A_2436 = arith.maxsi %max3A_2435, %sub3A_2425 : vector<16xi32>
      %min3A_2437 = vector.broadcast %jit3A_2434 : i32 to vector<16xi32>
      %min3A_2438 = arith.minsi %min3A_2437, %max3A_2436 : vector<16xi32>
      %add3A_2439 = arith.constant 304 : i32
      %add3A_2440 = vector.broadcast %add3A_2439 : i32 to vector<16xi32>
      %add3A_2441 = arith.addi %add3A_2440, %iota3A : vector<16xi32>
      tpu.vector_store_idx %arg6[%min3A_2438, %add3A_2441], %broadcast_in_dim3A_5 masked %and3A_2432 : memref<40x512xf32, #tpu.memory_space<vmem>>[vector<16xi32>, vector<16xi32>], vector<16xf32>, vector<16xi1>
      %get3A_2442 = arith.constant 320 : index
      %get3A_2443 = tpu.vector_load %arg4[%get3A_2442] {strides = array<i32>} : memref<512xi32, #tpu.memory_space<vmem>>, vector<16xi32>,
      %sub3A_2444 = vector.broadcast %mul3A_2041 : i32 to vector<16xi32>
      %sub3A_2445 = arith.subi %get3A_2443, %sub3A_2444 : vector<16xi32>
      %ge3A_2446 = arith.constant 0 : i32
      %ge3A_2447 = vector.broadcast %ge3A_2446 : i32 to vector<16xi32>
      %ge3A_2448 = arith.cmpi sge, %sub3A_2445, %ge3A_2447 : vector<16xi32>
      %lt3A_2449 = arith.constant 40 : i32
      %lt3A_2450 = vector.broadcast %lt3A_2449 : i32 to vector<16xi32>
      %lt3A_2451 = arith.cmpi slt, %sub3A_2445, %lt3A_2450 : vector<16xi32>
      %and3A_2452 = arith.andi %ge3A_2448, %lt3A_2451 : vector<16xi1>
      %jit3A_2453 = arith.constant 0 : i32
      %jit3A_2454 = arith.constant 39 : i32
      %max3A_2455 = vector.broadcast %jit3A_2453 : i32 to vector<16xi32>
      %max3A_2456 = arith.maxsi %max3A_2455, %sub3A_2445 : vector<16xi32>
      %min3A_2457 = vector.broadcast %jit3A_2454 : i32 to vector<16xi32>
      %min3A_2458 = arith.minsi %min3A_2457, %max3A_2456 : vector<16xi32>
      %add3A_2459 = arith.constant 320 : i32
      %add3A_2460 = vector.broadcast %add3A_2459 : i32 to vector<16xi32>
      %add3A_2461 = arith.addi %add3A_2460, %iota3A : vector<16xi32>
      tpu.vector_store_idx %arg6[%min3A_2458, %add3A_2461], %broadcast_in_dim3A_5 masked %and3A_2452 : memref<40x512xf32, #tpu.memory_space<vmem>>[vector<16xi32>, vector<16xi32>], vector<16xf32>, vector<16xi1>
      %get3A_2462 = arith.constant 336 : index
      %get3A_2463 = tpu.vector_load %arg4[%get3A_2462] {strides = array<i32>} : memref<512xi32, #tpu.memory_space<vmem>>, vector<16xi32>,
      %sub3A_2464 = vector.broadcast %mul3A_2041 : i32 to vector<16xi32>
      %sub3A_2465 = arith.subi %get3A_2463, %sub3A_2464 : vector<16xi32>
      %ge3A_2466 = arith.constant 0 : i32
      %ge3A_2467 = vector.broadcast %ge3A_2466 : i32 to vector<16xi32>
      %ge3A_2468 = arith.cmpi sge, %sub3A_2465, %ge3A_2467 : vector<16xi32>
      %lt3A_2469 = arith.constant 40 : i32
      %lt3A_2470 = vector.broadcast %lt3A_2469 : i32 to vector<16xi32>
      %lt3A_2471 = arith.cmpi slt, %sub3A_2465, %lt3A_2470 : vector<16xi32>
      %and3A_2472 = arith.andi %ge3A_2468, %lt3A_2471 : vector<16xi1>
      %jit3A_2473 = arith.constant 0 : i32
      %jit3A_2474 = arith.constant 39 : i32
      %max3A_2475 = vector.broadcast %jit3A_2473 : i32 to vector<16xi32>
      %max3A_2476 = arith.maxsi %max3A_2475, %sub3A_2465 : vector<16xi32>
      %min3A_2477 = vector.broadcast %jit3A_2474 : i32 to vector<16xi32>
      %min3A_2478 = arith.minsi %min3A_2477, %max3A_2476 : vector<16xi32>
      %add3A_2479 = arith.constant 336 : i32
      %add3A_2480 = vector.broadcast %add3A_2479 : i32 to vector<16xi32>
      %add3A_2481 = arith.addi %add3A_2480, %iota3A : vector<16xi32>
      tpu.vector_store_idx %arg6[%min3A_2478, %add3A_2481], %broadcast_in_dim3A_5 masked %and3A_2472 : memref<40x512xf32, #tpu.memory_space<vmem>>[vector<16xi32>, vector<16xi32>], vector<16xf32>, vector<16xi1>
      %get3A_2482 = arith.constant 352 : index
      %get3A_2483 = tpu.vector_load %arg4[%get3A_2482] {strides = array<i32>} : memref<512xi32, #tpu.memory_space<vmem>>, vector<16xi32>,
      %sub3A_2484 = vector.broadcast %mul3A_2041 : i32 to vector<16xi32>
      %sub3A_2485 = arith.subi %get3A_2483, %sub3A_2484 : vector<16xi32>
      %ge3A_2486 = arith.constant 0 : i32
      %ge3A_2487 = vector.broadcast %ge3A_2486 : i32 to vector<16xi32>
      %ge3A_2488 = arith.cmpi sge, %sub3A_2485, %ge3A_2487 : vector<16xi32>
      %lt3A_2489 = arith.constant 40 : i32
      %lt3A_2490 = vector.broadcast %lt3A_2489 : i32 to vector<16xi32>
      %lt3A_2491 = arith.cmpi slt, %sub3A_2485, %lt3A_2490 : vector<16xi32>
      %and3A_2492 = arith.andi %ge3A_2488, %lt3A_2491 : vector<16xi1>
      %jit3A_2493 = arith.constant 0 : i32
      %jit3A_2494 = arith.constant 39 : i32
      %max3A_2495 = vector.broadcast %jit3A_2493 : i32 to vector<16xi32>
      %max3A_2496 = arith.maxsi %max3A_2495, %sub3A_2485 : vector<16xi32>
      %min3A_2497 = vector.broadcast %jit3A_2494 : i32 to vector<16xi32>
      %min3A_2498 = arith.minsi %min3A_2497, %max3A_2496 : vector<16xi32>
      %add3A_2499 = arith.constant 352 : i32
      %add3A_2500 = vector.broadcast %add3A_2499 : i32 to vector<16xi32>
      %add3A_2501 = arith.addi %add3A_2500, %iota3A : vector<16xi32>
      tpu.vector_store_idx %arg6[%min3A_2498, %add3A_2501], %broadcast_in_dim3A_5 masked %and3A_2492 : memref<40x512xf32, #tpu.memory_space<vmem>>[vector<16xi32>, vector<16xi32>], vector<16xf32>, vector<16xi1>
      %get3A_2502 = arith.constant 368 : index
      %get3A_2503 = tpu.vector_load %arg4[%get3A_2502] {strides = array<i32>} : memref<512xi32, #tpu.memory_space<vmem>>, vector<16xi32>,
      %sub3A_2504 = vector.broadcast %mul3A_2041 : i32 to vector<16xi32>
      %sub3A_2505 = arith.subi %get3A_2503, %sub3A_2504 : vector<16xi32>
      %ge3A_2506 = arith.constant 0 : i32
      %ge3A_2507 = vector.broadcast %ge3A_2506 : i32 to vector<16xi32>
      %ge3A_2508 = arith.cmpi sge, %sub3A_2505, %ge3A_2507 : vector<16xi32>
      %lt3A_2509 = arith.constant 40 : i32
      %lt3A_2510 = vector.broadcast %lt3A_2509 : i32 to vector<16xi32>
      %lt3A_2511 = arith.cmpi slt, %sub3A_2505, %lt3A_2510 : vector<16xi32>
      %and3A_2512 = arith.andi %ge3A_2508, %lt3A_2511 : vector<16xi1>
      %jit3A_2513 = arith.constant 0 : i32
      %jit3A_2514 = arith.constant 39 : i32
      %max3A_2515 = vector.broadcast %jit3A_2513 : i32 to vector<16xi32>
      %max3A_2516 = arith.maxsi %max3A_2515, %sub3A_2505 : vector<16xi32>
      %min3A_2517 = vector.broadcast %jit3A_2514 : i32 to vector<16xi32>
      %min3A_2518 = arith.minsi %min3A_2517, %max3A_2516 : vector<16xi32>
      %add3A_2519 = arith.constant 368 : i32
      %add3A_2520 = vector.broadcast %add3A_2519 : i32 to vector<16xi32>
      %add3A_2521 = arith.addi %add3A_2520, %iota3A : vector<16xi32>
      tpu.vector_store_idx %arg6[%min3A_2518, %add3A_2521], %broadcast_in_dim3A_5 masked %and3A_2512 : memref<40x512xf32, #tpu.memory_space<vmem>>[vector<16xi32>, vector<16xi32>], vector<16xf32>, vector<16xi1>
      %get3A_2522 = arith.constant 384 : index
      %get3A_2523 = tpu.vector_load %arg4[%get3A_2522] {strides = array<i32>} : memref<512xi32, #tpu.memory_space<vmem>>, vector<16xi32>,
      %sub3A_2524 = vector.broadcast %mul3A_2041 : i32 to vector<16xi32>
      %sub3A_2525 = arith.subi %get3A_2523, %sub3A_2524 : vector<16xi32>
      %ge3A_2526 = arith.constant 0 : i32
      %ge3A_2527 = vector.broadcast %ge3A_2526 : i32 to vector<16xi32>
      %ge3A_2528 = arith.cmpi sge, %sub3A_2525, %ge3A_2527 : vector<16xi32>
      %lt3A_2529 = arith.constant 40 : i32
      %lt3A_2530 = vector.broadcast %lt3A_2529 : i32 to vector<16xi32>
      %lt3A_2531 = arith.cmpi slt, %sub3A_2525, %lt3A_2530 : vector<16xi32>
      %and3A_2532 = arith.andi %ge3A_2528, %lt3A_2531 : vector<16xi1>
      %jit3A_2533 = arith.constant 0 : i32
      %jit3A_2534 = arith.constant 39 : i32
      %max3A_2535 = vector.broadcast %jit3A_2533 : i32 to vector<16xi32>
      %max3A_2536 = arith.maxsi %max3A_2535, %sub3A_2525 : vector<16xi32>
      %min3A_2537 = vector.broadcast %jit3A_2534 : i32 to vector<16xi32>
      %min3A_2538 = arith.minsi %min3A_2537, %max3A_2536 : vector<16xi32>
      %add3A_2539 = arith.constant 384 : i32
      %add3A_2540 = vector.broadcast %add3A_2539 : i32 to vector<16xi32>
      %add3A_2541 = arith.addi %add3A_2540, %iota3A : vector<16xi32>
      tpu.vector_store_idx %arg6[%min3A_2538, %add3A_2541], %broadcast_in_dim3A_5 masked %and3A_2532 : memref<40x512xf32, #tpu.memory_space<vmem>>[vector<16xi32>, vector<16xi32>], vector<16xf32>, vector<16xi1>
      %get3A_2542 = arith.constant 400 : index
      %get3A_2543 = tpu.vector_load %arg4[%get3A_2542] {strides = array<i32>} : memref<512xi32, #tpu.memory_space<vmem>>, vector<16xi32>,
      %sub3A_2544 = vector.broadcast %mul3A_2041 : i32 to vector<16xi32>
      %sub3A_2545 = arith.subi %get3A_2543, %sub3A_2544 : vector<16xi32>
      %ge3A_2546 = arith.constant 0 : i32
      %ge3A_2547 = vector.broadcast %ge3A_2546 : i32 to vector<16xi32>
      %ge3A_2548 = arith.cmpi sge, %sub3A_2545, %ge3A_2547 : vector<16xi32>
      %lt3A_2549 = arith.constant 40 : i32
      %lt3A_2550 = vector.broadcast %lt3A_2549 : i32 to vector<16xi32>
      %lt3A_2551 = arith.cmpi slt, %sub3A_2545, %lt3A_2550 : vector<16xi32>
      %and3A_2552 = arith.andi %ge3A_2548, %lt3A_2551 : vector<16xi1>
      %jit3A_2553 = arith.constant 0 : i32
      %jit3A_2554 = arith.constant 39 : i32
      %max3A_2555 = vector.broadcast %jit3A_2553 : i32 to vector<16xi32>
      %max3A_2556 = arith.maxsi %max3A_2555, %sub3A_2545 : vector<16xi32>
      %min3A_2557 = vector.broadcast %jit3A_2554 : i32 to vector<16xi32>
      %min3A_2558 = arith.minsi %min3A_2557, %max3A_2556 : vector<16xi32>
      %add3A_2559 = arith.constant 400 : i32
      %add3A_2560 = vector.broadcast %add3A_2559 : i32 to vector<16xi32>
      %add3A_2561 = arith.addi %add3A_2560, %iota3A : vector<16xi32>
      tpu.vector_store_idx %arg6[%min3A_2558, %add3A_2561], %broadcast_in_dim3A_5 masked %and3A_2552 : memref<40x512xf32, #tpu.memory_space<vmem>>[vector<16xi32>, vector<16xi32>], vector<16xf32>, vector<16xi1>
      %get3A_2562 = arith.constant 416 : index
      %get3A_2563 = tpu.vector_load %arg4[%get3A_2562] {strides = array<i32>} : memref<512xi32, #tpu.memory_space<vmem>>, vector<16xi32>,
      %sub3A_2564 = vector.broadcast %mul3A_2041 : i32 to vector<16xi32>
      %sub3A_2565 = arith.subi %get3A_2563, %sub3A_2564 : vector<16xi32>
      %ge3A_2566 = arith.constant 0 : i32
      %ge3A_2567 = vector.broadcast %ge3A_2566 : i32 to vector<16xi32>
      %ge3A_2568 = arith.cmpi sge, %sub3A_2565, %ge3A_2567 : vector<16xi32>
      %lt3A_2569 = arith.constant 40 : i32
      %lt3A_2570 = vector.broadcast %lt3A_2569 : i32 to vector<16xi32>
      %lt3A_2571 = arith.cmpi slt, %sub3A_2565, %lt3A_2570 : vector<16xi32>
      %and3A_2572 = arith.andi %ge3A_2568, %lt3A_2571 : vector<16xi1>
      %jit3A_2573 = arith.constant 0 : i32
      %jit3A_2574 = arith.constant 39 : i32
      %max3A_2575 = vector.broadcast %jit3A_2573 : i32 to vector<16xi32>
      %max3A_2576 = arith.maxsi %max3A_2575, %sub3A_2565 : vector<16xi32>
      %min3A_2577 = vector.broadcast %jit3A_2574 : i32 to vector<16xi32>
      %min3A_2578 = arith.minsi %min3A_2577, %max3A_2576 : vector<16xi32>
      %add3A_2579 = arith.constant 416 : i32
      %add3A_2580 = vector.broadcast %add3A_2579 : i32 to vector<16xi32>
      %add3A_2581 = arith.addi %add3A_2580, %iota3A : vector<16xi32>
      tpu.vector_store_idx %arg6[%min3A_2578, %add3A_2581], %broadcast_in_dim3A_5 masked %and3A_2572 : memref<40x512xf32, #tpu.memory_space<vmem>>[vector<16xi32>, vector<16xi32>], vector<16xf32>, vector<16xi1>
      %get3A_2582 = arith.constant 432 : index
      %get3A_2583 = tpu.vector_load %arg4[%get3A_2582] {strides = array<i32>} : memref<512xi32, #tpu.memory_space<vmem>>, vector<16xi32>,
      %sub3A_2584 = vector.broadcast %mul3A_2041 : i32 to vector<16xi32>
      %sub3A_2585 = arith.subi %get3A_2583, %sub3A_2584 : vector<16xi32>
      %ge3A_2586 = arith.constant 0 : i32
      %ge3A_2587 = vector.broadcast %ge3A_2586 : i32 to vector<16xi32>
      %ge3A_2588 = arith.cmpi sge, %sub3A_2585, %ge3A_2587 : vector<16xi32>
      %lt3A_2589 = arith.constant 40 : i32
      %lt3A_2590 = vector.broadcast %lt3A_2589 : i32 to vector<16xi32>
      %lt3A_2591 = arith.cmpi slt, %sub3A_2585, %lt3A_2590 : vector<16xi32>
      %and3A_2592 = arith.andi %ge3A_2588, %lt3A_2591 : vector<16xi1>
      %jit3A_2593 = arith.constant 0 : i32
      %jit3A_2594 = arith.constant 39 : i32
      %max3A_2595 = vector.broadcast %jit3A_2593 : i32 to vector<16xi32>
      %max3A_2596 = arith.maxsi %max3A_2595, %sub3A_2585 : vector<16xi32>
      %min3A_2597 = vector.broadcast %jit3A_2594 : i32 to vector<16xi32>
      %min3A_2598 = arith.minsi %min3A_2597, %max3A_2596 : vector<16xi32>
      %add3A_2599 = arith.constant 432 : i32
      %add3A_2600 = vector.broadcast %add3A_2599 : i32 to vector<16xi32>
      %add3A_2601 = arith.addi %add3A_2600, %iota3A : vector<16xi32>
      tpu.vector_store_idx %arg6[%min3A_2598, %add3A_2601], %broadcast_in_dim3A_5 masked %and3A_2592 : memref<40x512xf32, #tpu.memory_space<vmem>>[vector<16xi32>, vector<16xi32>], vector<16xf32>, vector<16xi1>
      %get3A_2602 = arith.constant 448 : index
      %get3A_2603 = tpu.vector_load %arg4[%get3A_2602] {strides = array<i32>} : memref<512xi32, #tpu.memory_space<vmem>>, vector<16xi32>,
      %sub3A_2604 = vector.broadcast %mul3A_2041 : i32 to vector<16xi32>
      %sub3A_2605 = arith.subi %get3A_2603, %sub3A_2604 : vector<16xi32>
      %ge3A_2606 = arith.constant 0 : i32
      %ge3A_2607 = vector.broadcast %ge3A_2606 : i32 to vector<16xi32>
      %ge3A_2608 = arith.cmpi sge, %sub3A_2605, %ge3A_2607 : vector<16xi32>
      %lt3A_2609 = arith.constant 40 : i32
      %lt3A_2610 = vector.broadcast %lt3A_2609 : i32 to vector<16xi32>
      %lt3A_2611 = arith.cmpi slt, %sub3A_2605, %lt3A_2610 : vector<16xi32>
      %and3A_2612 = arith.andi %ge3A_2608, %lt3A_2611 : vector<16xi1>
      %jit3A_2613 = arith.constant 0 : i32
      %jit3A_2614 = arith.constant 39 : i32
      %max3A_2615 = vector.broadcast %jit3A_2613 : i32 to vector<16xi32>
      %max3A_2616 = arith.maxsi %max3A_2615, %sub3A_2605 : vector<16xi32>
      %min3A_2617 = vector.broadcast %jit3A_2614 : i32 to vector<16xi32>
      %min3A_2618 = arith.minsi %min3A_2617, %max3A_2616 : vector<16xi32>
      %add3A_2619 = arith.constant 448 : i32
      %add3A_2620 = vector.broadcast %add3A_2619 : i32 to vector<16xi32>
      %add3A_2621 = arith.addi %add3A_2620, %iota3A : vector<16xi32>
      tpu.vector_store_idx %arg6[%min3A_2618, %add3A_2621], %broadcast_in_dim3A_5 masked %and3A_2612 : memref<40x512xf32, #tpu.memory_space<vmem>>[vector<16xi32>, vector<16xi32>], vector<16xf32>, vector<16xi1>
      %get3A_2622 = arith.constant 464 : index
      %get3A_2623 = tpu.vector_load %arg4[%get3A_2622] {strides = array<i32>} : memref<512xi32, #tpu.memory_space<vmem>>, vector<16xi32>,
      %sub3A_2624 = vector.broadcast %mul3A_2041 : i32 to vector<16xi32>
      %sub3A_2625 = arith.subi %get3A_2623, %sub3A_2624 : vector<16xi32>
      %ge3A_2626 = arith.constant 0 : i32
      %ge3A_2627 = vector.broadcast %ge3A_2626 : i32 to vector<16xi32>
      %ge3A_2628 = arith.cmpi sge, %sub3A_2625, %ge3A_2627 : vector<16xi32>
      %lt3A_2629 = arith.constant 40 : i32
      %lt3A_2630 = vector.broadcast %lt3A_2629 : i32 to vector<16xi32>
      %lt3A_2631 = arith.cmpi slt, %sub3A_2625, %lt3A_2630 : vector<16xi32>
      %and3A_2632 = arith.andi %ge3A_2628, %lt3A_2631 : vector<16xi1>
      %jit3A_2633 = arith.constant 0 : i32
      %jit3A_2634 = arith.constant 39 : i32
      %max3A_2635 = vector.broadcast %jit3A_2633 : i32 to vector<16xi32>
      %max3A_2636 = arith.maxsi %max3A_2635, %sub3A_2625 : vector<16xi32>
      %min3A_2637 = vector.broadcast %jit3A_2634 : i32 to vector<16xi32>
      %min3A_2638 = arith.minsi %min3A_2637, %max3A_2636 : vector<16xi32>
      %add3A_2639 = arith.constant 464 : i32
      %add3A_2640 = vector.broadcast %add3A_2639 : i32 to vector<16xi32>
      %add3A_2641 = arith.addi %add3A_2640, %iota3A : vector<16xi32>
      tpu.vector_store_idx %arg6[%min3A_2638, %add3A_2641], %broadcast_in_dim3A_5 masked %and3A_2632 : memref<40x512xf32, #tpu.memory_space<vmem>>[vector<16xi32>, vector<16xi32>], vector<16xf32>, vector<16xi1>
      %get3A_2642 = arith.constant 480 : index
      %get3A_2643 = tpu.vector_load %arg4[%get3A_2642] {strides = array<i32>} : memref<512xi32, #tpu.memory_space<vmem>>, vector<16xi32>,
      %sub3A_2644 = vector.broadcast %mul3A_2041 : i32 to vector<16xi32>
      %sub3A_2645 = arith.subi %get3A_2643, %sub3A_2644 : vector<16xi32>
      %ge3A_2646 = arith.constant 0 : i32
      %ge3A_2647 = vector.broadcast %ge3A_2646 : i32 to vector<16xi32>
      %ge3A_2648 = arith.cmpi sge, %sub3A_2645, %ge3A_2647 : vector<16xi32>
      %lt3A_2649 = arith.constant 40 : i32
      %lt3A_2650 = vector.broadcast %lt3A_2649 : i32 to vector<16xi32>
      %lt3A_2651 = arith.cmpi slt, %sub3A_2645, %lt3A_2650 : vector<16xi32>
      %and3A_2652 = arith.andi %ge3A_2648, %lt3A_2651 : vector<16xi1>
      %jit3A_2653 = arith.constant 0 : i32
      %jit3A_2654 = arith.constant 39 : i32
      %max3A_2655 = vector.broadcast %jit3A_2653 : i32 to vector<16xi32>
      %max3A_2656 = arith.maxsi %max3A_2655, %sub3A_2645 : vector<16xi32>
      %min3A_2657 = vector.broadcast %jit3A_2654 : i32 to vector<16xi32>
      %min3A_2658 = arith.minsi %min3A_2657, %max3A_2656 : vector<16xi32>
      %add3A_2659 = arith.constant 480 : i32
      %add3A_2660 = vector.broadcast %add3A_2659 : i32 to vector<16xi32>
      %add3A_2661 = arith.addi %add3A_2660, %iota3A : vector<16xi32>
      tpu.vector_store_idx %arg6[%min3A_2658, %add3A_2661], %broadcast_in_dim3A_5 masked %and3A_2652 : memref<40x512xf32, #tpu.memory_space<vmem>>[vector<16xi32>, vector<16xi32>], vector<16xf32>, vector<16xi1>
      %get3A_2662 = arith.constant 496 : index
      %get3A_2663 = tpu.vector_load %arg4[%get3A_2662] {strides = array<i32>} : memref<512xi32, #tpu.memory_space<vmem>>, vector<16xi32>,
      %sub3A_2664 = vector.broadcast %mul3A_2041 : i32 to vector<16xi32>
      %sub3A_2665 = arith.subi %get3A_2663, %sub3A_2664 : vector<16xi32>
      %ge3A_2666 = arith.constant 0 : i32
      %ge3A_2667 = vector.broadcast %ge3A_2666 : i32 to vector<16xi32>
      %ge3A_2668 = arith.cmpi sge, %sub3A_2665, %ge3A_2667 : vector<16xi32>
      %lt3A_2669 = arith.constant 40 : i32
      %lt3A_2670 = vector.broadcast %lt3A_2669 : i32 to vector<16xi32>
      %lt3A_2671 = arith.cmpi slt, %sub3A_2665, %lt3A_2670 : vector<16xi32>
      %and3A_2672 = arith.andi %ge3A_2668, %lt3A_2671 : vector<16xi1>
      %jit3A_2673 = arith.constant 0 : i32
      %jit3A_2674 = arith.constant 39 : i32
      %max3A_2675 = vector.broadcast %jit3A_2673 : i32 to vector<16xi32>
      %max3A_2676 = arith.maxsi %max3A_2675, %sub3A_2665 : vector<16xi32>
      %min3A_2677 = vector.broadcast %jit3A_2674 : i32 to vector<16xi32>
      %min3A_2678 = arith.minsi %min3A_2677, %max3A_2676 : vector<16xi32>
      %add3A_2679 = arith.constant 496 : i32
      %add3A_2680 = vector.broadcast %add3A_2679 : i32 to vector<16xi32>
      %add3A_2681 = arith.addi %add3A_2680, %iota3A : vector<16xi32>
      tpu.vector_store_idx %arg6[%min3A_2678, %add3A_2681], %broadcast_in_dim3A_5 masked %and3A_2672 : memref<40x512xf32, #tpu.memory_space<vmem>>[vector<16xi32>, vector<16xi32>], vector<16xf32>, vector<16xi1>
      %lt3A_2682 = arith.constant 25 : i32
      %lt3A_2683 = arith.cmpi slt, %add3A_2031, %lt3A_2682 : i32
      %convert_element_type3A_2684 = arith.extui %lt3A_2683 : i1 to i32
      %cond3A_2685 = arith.constant 0 : i32
      %cond3A_2686 = arith.cmpi ne, %convert_element_type3A_2684, %cond3A_2685 : i32
      scf.if %cond3A_2686 {
        %mul3A_2688 = arith.constant 40 : i32
        %mul3A_2689 = arith.muli %add3A_2031, %mul3A_2688 : i32
        %get3A_2690 = arith.constant 0 : index
        %get3A_2691 = tpu.vector_load %arg4[%get3A_2690] {strides = array<i32>} : memref<512xi32, #tpu.memory_space<vmem>>, vector<16xi32>,
        %sub3A_2692 = vector.broadcast %mul3A_2689 : i32 to vector<16xi32>
        %sub3A_2693 = arith.subi %get3A_2691, %sub3A_2692 : vector<16xi32>
        %ge3A_2694 = arith.constant 0 : i32
        %ge3A_2695 = vector.broadcast %ge3A_2694 : i32 to vector<16xi32>
        %ge3A_2696 = arith.cmpi sge, %sub3A_2693, %ge3A_2695 : vector<16xi32>
        %lt3A_2697 = arith.constant 40 : i32
        %lt3A_2698 = vector.broadcast %lt3A_2697 : i32 to vector<16xi32>
        %lt3A_2699 = arith.cmpi slt, %sub3A_2693, %lt3A_2698 : vector<16xi32>
        %and3A_2700 = arith.andi %ge3A_2696, %lt3A_2699 : vector<16xi1>
        %jit3A_2701 = arith.constant 0 : i32
        %jit3A_2702 = arith.constant 39 : i32
        %max3A_2703 = vector.broadcast %jit3A_2701 : i32 to vector<16xi32>
        %max3A_2704 = arith.maxsi %max3A_2703, %sub3A_2693 : vector<16xi32>
        %min3A_2705 = vector.broadcast %jit3A_2702 : i32 to vector<16xi32>
        %min3A_2706 = arith.minsi %min3A_2705, %max3A_2704 : vector<16xi32>
        %add3A_2707 = arith.constant 0 : i32
        %add3A_2708 = vector.broadcast %add3A_2707 : i32 to vector<16xi32>
        %add3A_2709 = arith.addi %add3A_2708, %iota3A : vector<16xi32>
        tpu.vector_store_idx %arg6[%min3A_2706, %add3A_2709], %broadcast_in_dim3A_3 masked %and3A_2700 : memref<40x512xf32, #tpu.memory_space<vmem>>[vector<16xi32>, vector<16xi32>], vector<16xf32>, vector<16xi1>
        %get3A_2710 = arith.constant 16 : index
        %get3A_2711 = tpu.vector_load %arg4[%get3A_2710] {strides = array<i32>} : memref<512xi32, #tpu.memory_space<vmem>>, vector<16xi32>,
        %sub3A_2712 = vector.broadcast %mul3A_2689 : i32 to vector<16xi32>
        %sub3A_2713 = arith.subi %get3A_2711, %sub3A_2712 : vector<16xi32>
        %ge3A_2714 = arith.constant 0 : i32
        %ge3A_2715 = vector.broadcast %ge3A_2714 : i32 to vector<16xi32>
        %ge3A_2716 = arith.cmpi sge, %sub3A_2713, %ge3A_2715 : vector<16xi32>
        %lt3A_2717 = arith.constant 40 : i32
        %lt3A_2718 = vector.broadcast %lt3A_2717 : i32 to vector<16xi32>
        %lt3A_2719 = arith.cmpi slt, %sub3A_2713, %lt3A_2718 : vector<16xi32>
        %and3A_2720 = arith.andi %ge3A_2716, %lt3A_2719 : vector<16xi1>
        %jit3A_2721 = arith.constant 0 : i32
        %jit3A_2722 = arith.constant 39 : i32
        %max3A_2723 = vector.broadcast %jit3A_2721 : i32 to vector<16xi32>
        %max3A_2724 = arith.maxsi %max3A_2723, %sub3A_2713 : vector<16xi32>
        %min3A_2725 = vector.broadcast %jit3A_2722 : i32 to vector<16xi32>
        %min3A_2726 = arith.minsi %min3A_2725, %max3A_2724 : vector<16xi32>
        %add3A_2727 = arith.constant 16 : i32
        %add3A_2728 = vector.broadcast %add3A_2727 : i32 to vector<16xi32>
        %add3A_2729 = arith.addi %add3A_2728, %iota3A : vector<16xi32>
        tpu.vector_store_idx %arg6[%min3A_2726, %add3A_2729], %broadcast_in_dim3A_3 masked %and3A_2720 : memref<40x512xf32, #tpu.memory_space<vmem>>[vector<16xi32>, vector<16xi32>], vector<16xf32>, vector<16xi1>
        %get3A_2730 = arith.constant 32 : index
        %get3A_2731 = tpu.vector_load %arg4[%get3A_2730] {strides = array<i32>} : memref<512xi32, #tpu.memory_space<vmem>>, vector<16xi32>,
        %sub3A_2732 = vector.broadcast %mul3A_2689 : i32 to vector<16xi32>
        %sub3A_2733 = arith.subi %get3A_2731, %sub3A_2732 : vector<16xi32>
        %ge3A_2734 = arith.constant 0 : i32
        %ge3A_2735 = vector.broadcast %ge3A_2734 : i32 to vector<16xi32>
        %ge3A_2736 = arith.cmpi sge, %sub3A_2733, %ge3A_2735 : vector<16xi32>
        %lt3A_2737 = arith.constant 40 : i32
        %lt3A_2738 = vector.broadcast %lt3A_2737 : i32 to vector<16xi32>
        %lt3A_2739 = arith.cmpi slt, %sub3A_2733, %lt3A_2738 : vector<16xi32>
        %and3A_2740 = arith.andi %ge3A_2736, %lt3A_2739 : vector<16xi1>
        %jit3A_2741 = arith.constant 0 : i32
        %jit3A_2742 = arith.constant 39 : i32
        %max3A_2743 = vector.broadcast %jit3A_2741 : i32 to vector<16xi32>
        %max3A_2744 = arith.maxsi %max3A_2743, %sub3A_2733 : vector<16xi32>
        %min3A_2745 = vector.broadcast %jit3A_2742 : i32 to vector<16xi32>
        %min3A_2746 = arith.minsi %min3A_2745, %max3A_2744 : vector<16xi32>
        %add3A_2747 = arith.constant 32 : i32
        %add3A_2748 = vector.broadcast %add3A_2747 : i32 to vector<16xi32>
        %add3A_2749 = arith.addi %add3A_2748, %iota3A : vector<16xi32>
        tpu.vector_store_idx %arg6[%min3A_2746, %add3A_2749], %broadcast_in_dim3A_3 masked %and3A_2740 : memref<40x512xf32, #tpu.memory_space<vmem>>[vector<16xi32>, vector<16xi32>], vector<16xf32>, vector<16xi1>
        %get3A_2750 = arith.constant 48 : index
        %get3A_2751 = tpu.vector_load %arg4[%get3A_2750] {strides = array<i32>} : memref<512xi32, #tpu.memory_space<vmem>>, vector<16xi32>,
        %sub3A_2752 = vector.broadcast %mul3A_2689 : i32 to vector<16xi32>
        %sub3A_2753 = arith.subi %get3A_2751, %sub3A_2752 : vector<16xi32>
        %ge3A_2754 = arith.constant 0 : i32
        %ge3A_2755 = vector.broadcast %ge3A_2754 : i32 to vector<16xi32>
        %ge3A_2756 = arith.cmpi sge, %sub3A_2753, %ge3A_2755 : vector<16xi32>
        %lt3A_2757 = arith.constant 40 : i32
        %lt3A_2758 = vector.broadcast %lt3A_2757 : i32 to vector<16xi32>
        %lt3A_2759 = arith.cmpi slt, %sub3A_2753, %lt3A_2758 : vector<16xi32>
        %and3A_2760 = arith.andi %ge3A_2756, %lt3A_2759 : vector<16xi1>
        %jit3A_2761 = arith.constant 0 : i32
        %jit3A_2762 = arith.constant 39 : i32
        %max3A_2763 = vector.broadcast %jit3A_2761 : i32 to vector<16xi32>
        %max3A_2764 = arith.maxsi %max3A_2763, %sub3A_2753 : vector<16xi32>
        %min3A_2765 = vector.broadcast %jit3A_2762 : i32 to vector<16xi32>
        %min3A_2766 = arith.minsi %min3A_2765, %max3A_2764 : vector<16xi32>
        %add3A_2767 = arith.constant 48 : i32
        %add3A_2768 = vector.broadcast %add3A_2767 : i32 to vector<16xi32>
        %add3A_2769 = arith.addi %add3A_2768, %iota3A : vector<16xi32>
        tpu.vector_store_idx %arg6[%min3A_2766, %add3A_2769], %broadcast_in_dim3A_3 masked %and3A_2760 : memref<40x512xf32, #tpu.memory_space<vmem>>[vector<16xi32>, vector<16xi32>], vector<16xf32>, vector<16xi1>
        %get3A_2770 = arith.constant 64 : index
        %get3A_2771 = tpu.vector_load %arg4[%get3A_2770] {strides = array<i32>} : memref<512xi32, #tpu.memory_space<vmem>>, vector<16xi32>,
        %sub3A_2772 = vector.broadcast %mul3A_2689 : i32 to vector<16xi32>
        %sub3A_2773 = arith.subi %get3A_2771, %sub3A_2772 : vector<16xi32>
        %ge3A_2774 = arith.constant 0 : i32
        %ge3A_2775 = vector.broadcast %ge3A_2774 : i32 to vector<16xi32>
        %ge3A_2776 = arith.cmpi sge, %sub3A_2773, %ge3A_2775 : vector<16xi32>
        %lt3A_2777 = arith.constant 40 : i32
        %lt3A_2778 = vector.broadcast %lt3A_2777 : i32 to vector<16xi32>
        %lt3A_2779 = arith.cmpi slt, %sub3A_2773, %lt3A_2778 : vector<16xi32>
        %and3A_2780 = arith.andi %ge3A_2776, %lt3A_2779 : vector<16xi1>
        %jit3A_2781 = arith.constant 0 : i32
        %jit3A_2782 = arith.constant 39 : i32
        %max3A_2783 = vector.broadcast %jit3A_2781 : i32 to vector<16xi32>
        %max3A_2784 = arith.maxsi %max3A_2783, %sub3A_2773 : vector<16xi32>
        %min3A_2785 = vector.broadcast %jit3A_2782 : i32 to vector<16xi32>
        %min3A_2786 = arith.minsi %min3A_2785, %max3A_2784 : vector<16xi32>
        %add3A_2787 = arith.constant 64 : i32
        %add3A_2788 = vector.broadcast %add3A_2787 : i32 to vector<16xi32>
        %add3A_2789 = arith.addi %add3A_2788, %iota3A : vector<16xi32>
        tpu.vector_store_idx %arg6[%min3A_2786, %add3A_2789], %broadcast_in_dim3A_3 masked %and3A_2780 : memref<40x512xf32, #tpu.memory_space<vmem>>[vector<16xi32>, vector<16xi32>], vector<16xf32>, vector<16xi1>
        %get3A_2790 = arith.constant 80 : index
        %get3A_2791 = tpu.vector_load %arg4[%get3A_2790] {strides = array<i32>} : memref<512xi32, #tpu.memory_space<vmem>>, vector<16xi32>,
        %sub3A_2792 = vector.broadcast %mul3A_2689 : i32 to vector<16xi32>
        %sub3A_2793 = arith.subi %get3A_2791, %sub3A_2792 : vector<16xi32>
        %ge3A_2794 = arith.constant 0 : i32
        %ge3A_2795 = vector.broadcast %ge3A_2794 : i32 to vector<16xi32>
        %ge3A_2796 = arith.cmpi sge, %sub3A_2793, %ge3A_2795 : vector<16xi32>
        %lt3A_2797 = arith.constant 40 : i32
        %lt3A_2798 = vector.broadcast %lt3A_2797 : i32 to vector<16xi32>
        %lt3A_2799 = arith.cmpi slt, %sub3A_2793, %lt3A_2798 : vector<16xi32>
        %and3A_2800 = arith.andi %ge3A_2796, %lt3A_2799 : vector<16xi1>
        %jit3A_2801 = arith.constant 0 : i32
        %jit3A_2802 = arith.constant 39 : i32
        %max3A_2803 = vector.broadcast %jit3A_2801 : i32 to vector<16xi32>
        %max3A_2804 = arith.maxsi %max3A_2803, %sub3A_2793 : vector<16xi32>
        %min3A_2805 = vector.broadcast %jit3A_2802 : i32 to vector<16xi32>
        %min3A_2806 = arith.minsi %min3A_2805, %max3A_2804 : vector<16xi32>
        %add3A_2807 = arith.constant 80 : i32
        %add3A_2808 = vector.broadcast %add3A_2807 : i32 to vector<16xi32>
        %add3A_2809 = arith.addi %add3A_2808, %iota3A : vector<16xi32>
        tpu.vector_store_idx %arg6[%min3A_2806, %add3A_2809], %broadcast_in_dim3A_3 masked %and3A_2800 : memref<40x512xf32, #tpu.memory_space<vmem>>[vector<16xi32>, vector<16xi32>], vector<16xf32>, vector<16xi1>
        %get3A_2810 = arith.constant 96 : index
        %get3A_2811 = tpu.vector_load %arg4[%get3A_2810] {strides = array<i32>} : memref<512xi32, #tpu.memory_space<vmem>>, vector<16xi32>,
        %sub3A_2812 = vector.broadcast %mul3A_2689 : i32 to vector<16xi32>
        %sub3A_2813 = arith.subi %get3A_2811, %sub3A_2812 : vector<16xi32>
        %ge3A_2814 = arith.constant 0 : i32
        %ge3A_2815 = vector.broadcast %ge3A_2814 : i32 to vector<16xi32>
        %ge3A_2816 = arith.cmpi sge, %sub3A_2813, %ge3A_2815 : vector<16xi32>
        %lt3A_2817 = arith.constant 40 : i32
        %lt3A_2818 = vector.broadcast %lt3A_2817 : i32 to vector<16xi32>
        %lt3A_2819 = arith.cmpi slt, %sub3A_2813, %lt3A_2818 : vector<16xi32>
        %and3A_2820 = arith.andi %ge3A_2816, %lt3A_2819 : vector<16xi1>
        %jit3A_2821 = arith.constant 0 : i32
        %jit3A_2822 = arith.constant 39 : i32
        %max3A_2823 = vector.broadcast %jit3A_2821 : i32 to vector<16xi32>
        %max3A_2824 = arith.maxsi %max3A_2823, %sub3A_2813 : vector<16xi32>
        %min3A_2825 = vector.broadcast %jit3A_2822 : i32 to vector<16xi32>
        %min3A_2826 = arith.minsi %min3A_2825, %max3A_2824 : vector<16xi32>
        %add3A_2827 = arith.constant 96 : i32
        %add3A_2828 = vector.broadcast %add3A_2827 : i32 to vector<16xi32>
        %add3A_2829 = arith.addi %add3A_2828, %iota3A : vector<16xi32>
        tpu.vector_store_idx %arg6[%min3A_2826, %add3A_2829], %broadcast_in_dim3A_3 masked %and3A_2820 : memref<40x512xf32, #tpu.memory_space<vmem>>[vector<16xi32>, vector<16xi32>], vector<16xf32>, vector<16xi1>
        %get3A_2830 = arith.constant 112 : index
        %get3A_2831 = tpu.vector_load %arg4[%get3A_2830] {strides = array<i32>} : memref<512xi32, #tpu.memory_space<vmem>>, vector<16xi32>,
        %sub3A_2832 = vector.broadcast %mul3A_2689 : i32 to vector<16xi32>
        %sub3A_2833 = arith.subi %get3A_2831, %sub3A_2832 : vector<16xi32>
        %ge3A_2834 = arith.constant 0 : i32
        %ge3A_2835 = vector.broadcast %ge3A_2834 : i32 to vector<16xi32>
        %ge3A_2836 = arith.cmpi sge, %sub3A_2833, %ge3A_2835 : vector<16xi32>
        %lt3A_2837 = arith.constant 40 : i32
        %lt3A_2838 = vector.broadcast %lt3A_2837 : i32 to vector<16xi32>
        %lt3A_2839 = arith.cmpi slt, %sub3A_2833, %lt3A_2838 : vector<16xi32>
        %and3A_2840 = arith.andi %ge3A_2836, %lt3A_2839 : vector<16xi1>
        %jit3A_2841 = arith.constant 0 : i32
        %jit3A_2842 = arith.constant 39 : i32
        %max3A_2843 = vector.broadcast %jit3A_2841 : i32 to vector<16xi32>
        %max3A_2844 = arith.maxsi %max3A_2843, %sub3A_2833 : vector<16xi32>
        %min3A_2845 = vector.broadcast %jit3A_2842 : i32 to vector<16xi32>
        %min3A_2846 = arith.minsi %min3A_2845, %max3A_2844 : vector<16xi32>
        %add3A_2847 = arith.constant 112 : i32
        %add3A_2848 = vector.broadcast %add3A_2847 : i32 to vector<16xi32>
        %add3A_2849 = arith.addi %add3A_2848, %iota3A : vector<16xi32>
        tpu.vector_store_idx %arg6[%min3A_2846, %add3A_2849], %broadcast_in_dim3A_3 masked %and3A_2840 : memref<40x512xf32, #tpu.memory_space<vmem>>[vector<16xi32>, vector<16xi32>], vector<16xf32>, vector<16xi1>
        %get3A_2850 = arith.constant 128 : index
        %get3A_2851 = tpu.vector_load %arg4[%get3A_2850] {strides = array<i32>} : memref<512xi32, #tpu.memory_space<vmem>>, vector<16xi32>,
        %sub3A_2852 = vector.broadcast %mul3A_2689 : i32 to vector<16xi32>
        %sub3A_2853 = arith.subi %get3A_2851, %sub3A_2852 : vector<16xi32>
        %ge3A_2854 = arith.constant 0 : i32
        %ge3A_2855 = vector.broadcast %ge3A_2854 : i32 to vector<16xi32>
        %ge3A_2856 = arith.cmpi sge, %sub3A_2853, %ge3A_2855 : vector<16xi32>
        %lt3A_2857 = arith.constant 40 : i32
        %lt3A_2858 = vector.broadcast %lt3A_2857 : i32 to vector<16xi32>
        %lt3A_2859 = arith.cmpi slt, %sub3A_2853, %lt3A_2858 : vector<16xi32>
        %and3A_2860 = arith.andi %ge3A_2856, %lt3A_2859 : vector<16xi1>
        %jit3A_2861 = arith.constant 0 : i32
        %jit3A_2862 = arith.constant 39 : i32
        %max3A_2863 = vector.broadcast %jit3A_2861 : i32 to vector<16xi32>
        %max3A_2864 = arith.maxsi %max3A_2863, %sub3A_2853 : vector<16xi32>
        %min3A_2865 = vector.broadcast %jit3A_2862 : i32 to vector<16xi32>
        %min3A_2866 = arith.minsi %min3A_2865, %max3A_2864 : vector<16xi32>
        %add3A_2867 = arith.constant 128 : i32
        %add3A_2868 = vector.broadcast %add3A_2867 : i32 to vector<16xi32>
        %add3A_2869 = arith.addi %add3A_2868, %iota3A : vector<16xi32>
        tpu.vector_store_idx %arg6[%min3A_2866, %add3A_2869], %broadcast_in_dim3A_3 masked %and3A_2860 : memref<40x512xf32, #tpu.memory_space<vmem>>[vector<16xi32>, vector<16xi32>], vector<16xf32>, vector<16xi1>
        %get3A_2870 = arith.constant 144 : index
        %get3A_2871 = tpu.vector_load %arg4[%get3A_2870] {strides = array<i32>} : memref<512xi32, #tpu.memory_space<vmem>>, vector<16xi32>,
        %sub3A_2872 = vector.broadcast %mul3A_2689 : i32 to vector<16xi32>
        %sub3A_2873 = arith.subi %get3A_2871, %sub3A_2872 : vector<16xi32>
        %ge3A_2874 = arith.constant 0 : i32
        %ge3A_2875 = vector.broadcast %ge3A_2874 : i32 to vector<16xi32>
        %ge3A_2876 = arith.cmpi sge, %sub3A_2873, %ge3A_2875 : vector<16xi32>
        %lt3A_2877 = arith.constant 40 : i32
        %lt3A_2878 = vector.broadcast %lt3A_2877 : i32 to vector<16xi32>
        %lt3A_2879 = arith.cmpi slt, %sub3A_2873, %lt3A_2878 : vector<16xi32>
        %and3A_2880 = arith.andi %ge3A_2876, %lt3A_2879 : vector<16xi1>
        %jit3A_2881 = arith.constant 0 : i32
        %jit3A_2882 = arith.constant 39 : i32
        %max3A_2883 = vector.broadcast %jit3A_2881 : i32 to vector<16xi32>
        %max3A_2884 = arith.maxsi %max3A_2883, %sub3A_2873 : vector<16xi32>
        %min3A_2885 = vector.broadcast %jit3A_2882 : i32 to vector<16xi32>
        %min3A_2886 = arith.minsi %min3A_2885, %max3A_2884 : vector<16xi32>
        %add3A_2887 = arith.constant 144 : i32
        %add3A_2888 = vector.broadcast %add3A_2887 : i32 to vector<16xi32>
        %add3A_2889 = arith.addi %add3A_2888, %iota3A : vector<16xi32>
        tpu.vector_store_idx %arg6[%min3A_2886, %add3A_2889], %broadcast_in_dim3A_3 masked %and3A_2880 : memref<40x512xf32, #tpu.memory_space<vmem>>[vector<16xi32>, vector<16xi32>], vector<16xf32>, vector<16xi1>
        %get3A_2890 = arith.constant 160 : index
        %get3A_2891 = tpu.vector_load %arg4[%get3A_2890] {strides = array<i32>} : memref<512xi32, #tpu.memory_space<vmem>>, vector<16xi32>,
        %sub3A_2892 = vector.broadcast %mul3A_2689 : i32 to vector<16xi32>
        %sub3A_2893 = arith.subi %get3A_2891, %sub3A_2892 : vector<16xi32>
        %ge3A_2894 = arith.constant 0 : i32
        %ge3A_2895 = vector.broadcast %ge3A_2894 : i32 to vector<16xi32>
        %ge3A_2896 = arith.cmpi sge, %sub3A_2893, %ge3A_2895 : vector<16xi32>
        %lt3A_2897 = arith.constant 40 : i32
        %lt3A_2898 = vector.broadcast %lt3A_2897 : i32 to vector<16xi32>
        %lt3A_2899 = arith.cmpi slt, %sub3A_2893, %lt3A_2898 : vector<16xi32>
        %and3A_2900 = arith.andi %ge3A_2896, %lt3A_2899 : vector<16xi1>
        %jit3A_2901 = arith.constant 0 : i32
        %jit3A_2902 = arith.constant 39 : i32
        %max3A_2903 = vector.broadcast %jit3A_2901 : i32 to vector<16xi32>
        %max3A_2904 = arith.maxsi %max3A_2903, %sub3A_2893 : vector<16xi32>
        %min3A_2905 = vector.broadcast %jit3A_2902 : i32 to vector<16xi32>
        %min3A_2906 = arith.minsi %min3A_2905, %max3A_2904 : vector<16xi32>
        %add3A_2907 = arith.constant 160 : i32
        %add3A_2908 = vector.broadcast %add3A_2907 : i32 to vector<16xi32>
        %add3A_2909 = arith.addi %add3A_2908, %iota3A : vector<16xi32>
        tpu.vector_store_idx %arg6[%min3A_2906, %add3A_2909], %broadcast_in_dim3A_3 masked %and3A_2900 : memref<40x512xf32, #tpu.memory_space<vmem>>[vector<16xi32>, vector<16xi32>], vector<16xf32>, vector<16xi1>
        %get3A_2910 = arith.constant 176 : index
        %get3A_2911 = tpu.vector_load %arg4[%get3A_2910] {strides = array<i32>} : memref<512xi32, #tpu.memory_space<vmem>>, vector<16xi32>,
        %sub3A_2912 = vector.broadcast %mul3A_2689 : i32 to vector<16xi32>
        %sub3A_2913 = arith.subi %get3A_2911, %sub3A_2912 : vector<16xi32>
        %ge3A_2914 = arith.constant 0 : i32
        %ge3A_2915 = vector.broadcast %ge3A_2914 : i32 to vector<16xi32>
        %ge3A_2916 = arith.cmpi sge, %sub3A_2913, %ge3A_2915 : vector<16xi32>
        %lt3A_2917 = arith.constant 40 : i32
        %lt3A_2918 = vector.broadcast %lt3A_2917 : i32 to vector<16xi32>
        %lt3A_2919 = arith.cmpi slt, %sub3A_2913, %lt3A_2918 : vector<16xi32>
        %and3A_2920 = arith.andi %ge3A_2916, %lt3A_2919 : vector<16xi1>
        %jit3A_2921 = arith.constant 0 : i32
        %jit3A_2922 = arith.constant 39 : i32
        %max3A_2923 = vector.broadcast %jit3A_2921 : i32 to vector<16xi32>
        %max3A_2924 = arith.maxsi %max3A_2923, %sub3A_2913 : vector<16xi32>
        %min3A_2925 = vector.broadcast %jit3A_2922 : i32 to vector<16xi32>
        %min3A_2926 = arith.minsi %min3A_2925, %max3A_2924 : vector<16xi32>
        %add3A_2927 = arith.constant 176 : i32
        %add3A_2928 = vector.broadcast %add3A_2927 : i32 to vector<16xi32>
        %add3A_2929 = arith.addi %add3A_2928, %iota3A : vector<16xi32>
        tpu.vector_store_idx %arg6[%min3A_2926, %add3A_2929], %broadcast_in_dim3A_3 masked %and3A_2920 : memref<40x512xf32, #tpu.memory_space<vmem>>[vector<16xi32>, vector<16xi32>], vector<16xf32>, vector<16xi1>
        %get3A_2930 = arith.constant 192 : index
        %get3A_2931 = tpu.vector_load %arg4[%get3A_2930] {strides = array<i32>} : memref<512xi32, #tpu.memory_space<vmem>>, vector<16xi32>,
        %sub3A_2932 = vector.broadcast %mul3A_2689 : i32 to vector<16xi32>
        %sub3A_2933 = arith.subi %get3A_2931, %sub3A_2932 : vector<16xi32>
        %ge3A_2934 = arith.constant 0 : i32
        %ge3A_2935 = vector.broadcast %ge3A_2934 : i32 to vector<16xi32>
        %ge3A_2936 = arith.cmpi sge, %sub3A_2933, %ge3A_2935 : vector<16xi32>
        %lt3A_2937 = arith.constant 40 : i32
        %lt3A_2938 = vector.broadcast %lt3A_2937 : i32 to vector<16xi32>
        %lt3A_2939 = arith.cmpi slt, %sub3A_2933, %lt3A_2938 : vector<16xi32>
        %and3A_2940 = arith.andi %ge3A_2936, %lt3A_2939 : vector<16xi1>
        %jit3A_2941 = arith.constant 0 : i32
        %jit3A_2942 = arith.constant 39 : i32
        %max3A_2943 = vector.broadcast %jit3A_2941 : i32 to vector<16xi32>
        %max3A_2944 = arith.maxsi %max3A_2943, %sub3A_2933 : vector<16xi32>
        %min3A_2945 = vector.broadcast %jit3A_2942 : i32 to vector<16xi32>
        %min3A_2946 = arith.minsi %min3A_2945, %max3A_2944 : vector<16xi32>
        %add3A_2947 = arith.constant 192 : i32
        %add3A_2948 = vector.broadcast %add3A_2947 : i32 to vector<16xi32>
        %add3A_2949 = arith.addi %add3A_2948, %iota3A : vector<16xi32>
        tpu.vector_store_idx %arg6[%min3A_2946, %add3A_2949], %broadcast_in_dim3A_3 masked %and3A_2940 : memref<40x512xf32, #tpu.memory_space<vmem>>[vector<16xi32>, vector<16xi32>], vector<16xf32>, vector<16xi1>
        %get3A_2950 = arith.constant 208 : index
        %get3A_2951 = tpu.vector_load %arg4[%get3A_2950] {strides = array<i32>} : memref<512xi32, #tpu.memory_space<vmem>>, vector<16xi32>,
        %sub3A_2952 = vector.broadcast %mul3A_2689 : i32 to vector<16xi32>
        %sub3A_2953 = arith.subi %get3A_2951, %sub3A_2952 : vector<16xi32>
        %ge3A_2954 = arith.constant 0 : i32
        %ge3A_2955 = vector.broadcast %ge3A_2954 : i32 to vector<16xi32>
        %ge3A_2956 = arith.cmpi sge, %sub3A_2953, %ge3A_2955 : vector<16xi32>
        %lt3A_2957 = arith.constant 40 : i32
        %lt3A_2958 = vector.broadcast %lt3A_2957 : i32 to vector<16xi32>
        %lt3A_2959 = arith.cmpi slt, %sub3A_2953, %lt3A_2958 : vector<16xi32>
        %and3A_2960 = arith.andi %ge3A_2956, %lt3A_2959 : vector<16xi1>
        %jit3A_2961 = arith.constant 0 : i32
        %jit3A_2962 = arith.constant 39 : i32
        %max3A_2963 = vector.broadcast %jit3A_2961 : i32 to vector<16xi32>
        %max3A_2964 = arith.maxsi %max3A_2963, %sub3A_2953 : vector<16xi32>
        %min3A_2965 = vector.broadcast %jit3A_2962 : i32 to vector<16xi32>
        %min3A_2966 = arith.minsi %min3A_2965, %max3A_2964 : vector<16xi32>
        %add3A_2967 = arith.constant 208 : i32
        %add3A_2968 = vector.broadcast %add3A_2967 : i32 to vector<16xi32>
        %add3A_2969 = arith.addi %add3A_2968, %iota3A : vector<16xi32>
        tpu.vector_store_idx %arg6[%min3A_2966, %add3A_2969], %broadcast_in_dim3A_3 masked %and3A_2960 : memref<40x512xf32, #tpu.memory_space<vmem>>[vector<16xi32>, vector<16xi32>], vector<16xf32>, vector<16xi1>
        %get3A_2970 = arith.constant 224 : index
        %get3A_2971 = tpu.vector_load %arg4[%get3A_2970] {strides = array<i32>} : memref<512xi32, #tpu.memory_space<vmem>>, vector<16xi32>,
        %sub3A_2972 = vector.broadcast %mul3A_2689 : i32 to vector<16xi32>
        %sub3A_2973 = arith.subi %get3A_2971, %sub3A_2972 : vector<16xi32>
        %ge3A_2974 = arith.constant 0 : i32
        %ge3A_2975 = vector.broadcast %ge3A_2974 : i32 to vector<16xi32>
        %ge3A_2976 = arith.cmpi sge, %sub3A_2973, %ge3A_2975 : vector<16xi32>
        %lt3A_2977 = arith.constant 40 : i32
        %lt3A_2978 = vector.broadcast %lt3A_2977 : i32 to vector<16xi32>
        %lt3A_2979 = arith.cmpi slt, %sub3A_2973, %lt3A_2978 : vector<16xi32>
        %and3A_2980 = arith.andi %ge3A_2976, %lt3A_2979 : vector<16xi1>
        %jit3A_2981 = arith.constant 0 : i32
        %jit3A_2982 = arith.constant 39 : i32
        %max3A_2983 = vector.broadcast %jit3A_2981 : i32 to vector<16xi32>
        %max3A_2984 = arith.maxsi %max3A_2983, %sub3A_2973 : vector<16xi32>
        %min3A_2985 = vector.broadcast %jit3A_2982 : i32 to vector<16xi32>
        %min3A_2986 = arith.minsi %min3A_2985, %max3A_2984 : vector<16xi32>
        %add3A_2987 = arith.constant 224 : i32
        %add3A_2988 = vector.broadcast %add3A_2987 : i32 to vector<16xi32>
        %add3A_2989 = arith.addi %add3A_2988, %iota3A : vector<16xi32>
        tpu.vector_store_idx %arg6[%min3A_2986, %add3A_2989], %broadcast_in_dim3A_3 masked %and3A_2980 : memref<40x512xf32, #tpu.memory_space<vmem>>[vector<16xi32>, vector<16xi32>], vector<16xf32>, vector<16xi1>
        %get3A_2990 = arith.constant 240 : index
        %get3A_2991 = tpu.vector_load %arg4[%get3A_2990] {strides = array<i32>} : memref<512xi32, #tpu.memory_space<vmem>>, vector<16xi32>,
        %sub3A_2992 = vector.broadcast %mul3A_2689 : i32 to vector<16xi32>
        %sub3A_2993 = arith.subi %get3A_2991, %sub3A_2992 : vector<16xi32>
        %ge3A_2994 = arith.constant 0 : i32
        %ge3A_2995 = vector.broadcast %ge3A_2994 : i32 to vector<16xi32>
        %ge3A_2996 = arith.cmpi sge, %sub3A_2993, %ge3A_2995 : vector<16xi32>
        %lt3A_2997 = arith.constant 40 : i32
        %lt3A_2998 = vector.broadcast %lt3A_2997 : i32 to vector<16xi32>
        %lt3A_2999 = arith.cmpi slt, %sub3A_2993, %lt3A_2998 : vector<16xi32>
        %and3A_3000 = arith.andi %ge3A_2996, %lt3A_2999 : vector<16xi1>
        %jit3A_3001 = arith.constant 0 : i32
        %jit3A_3002 = arith.constant 39 : i32
        %max3A_3003 = vector.broadcast %jit3A_3001 : i32 to vector<16xi32>
        %max3A_3004 = arith.maxsi %max3A_3003, %sub3A_2993 : vector<16xi32>
        %min3A_3005 = vector.broadcast %jit3A_3002 : i32 to vector<16xi32>
        %min3A_3006 = arith.minsi %min3A_3005, %max3A_3004 : vector<16xi32>
        %add3A_3007 = arith.constant 240 : i32
        %add3A_3008 = vector.broadcast %add3A_3007 : i32 to vector<16xi32>
        %add3A_3009 = arith.addi %add3A_3008, %iota3A : vector<16xi32>
        tpu.vector_store_idx %arg6[%min3A_3006, %add3A_3009], %broadcast_in_dim3A_3 masked %and3A_3000 : memref<40x512xf32, #tpu.memory_space<vmem>>[vector<16xi32>, vector<16xi32>], vector<16xf32>, vector<16xi1>
        %get3A_3010 = arith.constant 256 : index
        %get3A_3011 = tpu.vector_load %arg4[%get3A_3010] {strides = array<i32>} : memref<512xi32, #tpu.memory_space<vmem>>, vector<16xi32>,
        %sub3A_3012 = vector.broadcast %mul3A_2689 : i32 to vector<16xi32>
        %sub3A_3013 = arith.subi %get3A_3011, %sub3A_3012 : vector<16xi32>
        %ge3A_3014 = arith.constant 0 : i32
        %ge3A_3015 = vector.broadcast %ge3A_3014 : i32 to vector<16xi32>
        %ge3A_3016 = arith.cmpi sge, %sub3A_3013, %ge3A_3015 : vector<16xi32>
        %lt3A_3017 = arith.constant 40 : i32
        %lt3A_3018 = vector.broadcast %lt3A_3017 : i32 to vector<16xi32>
        %lt3A_3019 = arith.cmpi slt, %sub3A_3013, %lt3A_3018 : vector<16xi32>
        %and3A_3020 = arith.andi %ge3A_3016, %lt3A_3019 : vector<16xi1>
        %jit3A_3021 = arith.constant 0 : i32
        %jit3A_3022 = arith.constant 39 : i32
        %max3A_3023 = vector.broadcast %jit3A_3021 : i32 to vector<16xi32>
        %max3A_3024 = arith.maxsi %max3A_3023, %sub3A_3013 : vector<16xi32>
        %min3A_3025 = vector.broadcast %jit3A_3022 : i32 to vector<16xi32>
        %min3A_3026 = arith.minsi %min3A_3025, %max3A_3024 : vector<16xi32>
        %add3A_3027 = arith.constant 256 : i32
        %add3A_3028 = vector.broadcast %add3A_3027 : i32 to vector<16xi32>
        %add3A_3029 = arith.addi %add3A_3028, %iota3A : vector<16xi32>
        tpu.vector_store_idx %arg6[%min3A_3026, %add3A_3029], %broadcast_in_dim3A_3 masked %and3A_3020 : memref<40x512xf32, #tpu.memory_space<vmem>>[vector<16xi32>, vector<16xi32>], vector<16xf32>, vector<16xi1>
        %get3A_3030 = arith.constant 272 : index
        %get3A_3031 = tpu.vector_load %arg4[%get3A_3030] {strides = array<i32>} : memref<512xi32, #tpu.memory_space<vmem>>, vector<16xi32>,
        %sub3A_3032 = vector.broadcast %mul3A_2689 : i32 to vector<16xi32>
        %sub3A_3033 = arith.subi %get3A_3031, %sub3A_3032 : vector<16xi32>
        %ge3A_3034 = arith.constant 0 : i32
        %ge3A_3035 = vector.broadcast %ge3A_3034 : i32 to vector<16xi32>
        %ge3A_3036 = arith.cmpi sge, %sub3A_3033, %ge3A_3035 : vector<16xi32>
        %lt3A_3037 = arith.constant 40 : i32
        %lt3A_3038 = vector.broadcast %lt3A_3037 : i32 to vector<16xi32>
        %lt3A_3039 = arith.cmpi slt, %sub3A_3033, %lt3A_3038 : vector<16xi32>
        %and3A_3040 = arith.andi %ge3A_3036, %lt3A_3039 : vector<16xi1>
        %jit3A_3041 = arith.constant 0 : i32
        %jit3A_3042 = arith.constant 39 : i32
        %max3A_3043 = vector.broadcast %jit3A_3041 : i32 to vector<16xi32>
        %max3A_3044 = arith.maxsi %max3A_3043, %sub3A_3033 : vector<16xi32>
        %min3A_3045 = vector.broadcast %jit3A_3042 : i32 to vector<16xi32>
        %min3A_3046 = arith.minsi %min3A_3045, %max3A_3044 : vector<16xi32>
        %add3A_3047 = arith.constant 272 : i32
        %add3A_3048 = vector.broadcast %add3A_3047 : i32 to vector<16xi32>
        %add3A_3049 = arith.addi %add3A_3048, %iota3A : vector<16xi32>
        tpu.vector_store_idx %arg6[%min3A_3046, %add3A_3049], %broadcast_in_dim3A_3 masked %and3A_3040 : memref<40x512xf32, #tpu.memory_space<vmem>>[vector<16xi32>, vector<16xi32>], vector<16xf32>, vector<16xi1>
        %get3A_3050 = arith.constant 288 : index
        %get3A_3051 = tpu.vector_load %arg4[%get3A_3050] {strides = array<i32>} : memref<512xi32, #tpu.memory_space<vmem>>, vector<16xi32>,
        %sub3A_3052 = vector.broadcast %mul3A_2689 : i32 to vector<16xi32>
        %sub3A_3053 = arith.subi %get3A_3051, %sub3A_3052 : vector<16xi32>
        %ge3A_3054 = arith.constant 0 : i32
        %ge3A_3055 = vector.broadcast %ge3A_3054 : i32 to vector<16xi32>
        %ge3A_3056 = arith.cmpi sge, %sub3A_3053, %ge3A_3055 : vector<16xi32>
        %lt3A_3057 = arith.constant 40 : i32
        %lt3A_3058 = vector.broadcast %lt3A_3057 : i32 to vector<16xi32>
        %lt3A_3059 = arith.cmpi slt, %sub3A_3053, %lt3A_3058 : vector<16xi32>
        %and3A_3060 = arith.andi %ge3A_3056, %lt3A_3059 : vector<16xi1>
        %jit3A_3061 = arith.constant 0 : i32
        %jit3A_3062 = arith.constant 39 : i32
        %max3A_3063 = vector.broadcast %jit3A_3061 : i32 to vector<16xi32>
        %max3A_3064 = arith.maxsi %max3A_3063, %sub3A_3053 : vector<16xi32>
        %min3A_3065 = vector.broadcast %jit3A_3062 : i32 to vector<16xi32>
        %min3A_3066 = arith.minsi %min3A_3065, %max3A_3064 : vector<16xi32>
        %add3A_3067 = arith.constant 288 : i32
        %add3A_3068 = vector.broadcast %add3A_3067 : i32 to vector<16xi32>
        %add3A_3069 = arith.addi %add3A_3068, %iota3A : vector<16xi32>
        tpu.vector_store_idx %arg6[%min3A_3066, %add3A_3069], %broadcast_in_dim3A_3 masked %and3A_3060 : memref<40x512xf32, #tpu.memory_space<vmem>>[vector<16xi32>, vector<16xi32>], vector<16xf32>, vector<16xi1>
        %get3A_3070 = arith.constant 304 : index
        %get3A_3071 = tpu.vector_load %arg4[%get3A_3070] {strides = array<i32>} : memref<512xi32, #tpu.memory_space<vmem>>, vector<16xi32>,
        %sub3A_3072 = vector.broadcast %mul3A_2689 : i32 to vector<16xi32>
        %sub3A_3073 = arith.subi %get3A_3071, %sub3A_3072 : vector<16xi32>
        %ge3A_3074 = arith.constant 0 : i32
        %ge3A_3075 = vector.broadcast %ge3A_3074 : i32 to vector<16xi32>
        %ge3A_3076 = arith.cmpi sge, %sub3A_3073, %ge3A_3075 : vector<16xi32>
        %lt3A_3077 = arith.constant 40 : i32
        %lt3A_3078 = vector.broadcast %lt3A_3077 : i32 to vector<16xi32>
        %lt3A_3079 = arith.cmpi slt, %sub3A_3073, %lt3A_3078 : vector<16xi32>
        %and3A_3080 = arith.andi %ge3A_3076, %lt3A_3079 : vector<16xi1>
        %jit3A_3081 = arith.constant 0 : i32
        %jit3A_3082 = arith.constant 39 : i32
        %max3A_3083 = vector.broadcast %jit3A_3081 : i32 to vector<16xi32>
        %max3A_3084 = arith.maxsi %max3A_3083, %sub3A_3073 : vector<16xi32>
        %min3A_3085 = vector.broadcast %jit3A_3082 : i32 to vector<16xi32>
        %min3A_3086 = arith.minsi %min3A_3085, %max3A_3084 : vector<16xi32>
        %add3A_3087 = arith.constant 304 : i32
        %add3A_3088 = vector.broadcast %add3A_3087 : i32 to vector<16xi32>
        %add3A_3089 = arith.addi %add3A_3088, %iota3A : vector<16xi32>
        tpu.vector_store_idx %arg6[%min3A_3086, %add3A_3089], %broadcast_in_dim3A_3 masked %and3A_3080 : memref<40x512xf32, #tpu.memory_space<vmem>>[vector<16xi32>, vector<16xi32>], vector<16xf32>, vector<16xi1>
        %get3A_3090 = arith.constant 320 : index
        %get3A_3091 = tpu.vector_load %arg4[%get3A_3090] {strides = array<i32>} : memref<512xi32, #tpu.memory_space<vmem>>, vector<16xi32>,
        %sub3A_3092 = vector.broadcast %mul3A_2689 : i32 to vector<16xi32>
        %sub3A_3093 = arith.subi %get3A_3091, %sub3A_3092 : vector<16xi32>
        %ge3A_3094 = arith.constant 0 : i32
        %ge3A_3095 = vector.broadcast %ge3A_3094 : i32 to vector<16xi32>
        %ge3A_3096 = arith.cmpi sge, %sub3A_3093, %ge3A_3095 : vector<16xi32>
        %lt3A_3097 = arith.constant 40 : i32
        %lt3A_3098 = vector.broadcast %lt3A_3097 : i32 to vector<16xi32>
        %lt3A_3099 = arith.cmpi slt, %sub3A_3093, %lt3A_3098 : vector<16xi32>
        %and3A_3100 = arith.andi %ge3A_3096, %lt3A_3099 : vector<16xi1>
        %jit3A_3101 = arith.constant 0 : i32
        %jit3A_3102 = arith.constant 39 : i32
        %max3A_3103 = vector.broadcast %jit3A_3101 : i32 to vector<16xi32>
        %max3A_3104 = arith.maxsi %max3A_3103, %sub3A_3093 : vector<16xi32>
        %min3A_3105 = vector.broadcast %jit3A_3102 : i32 to vector<16xi32>
        %min3A_3106 = arith.minsi %min3A_3105, %max3A_3104 : vector<16xi32>
        %add3A_3107 = arith.constant 320 : i32
        %add3A_3108 = vector.broadcast %add3A_3107 : i32 to vector<16xi32>
        %add3A_3109 = arith.addi %add3A_3108, %iota3A : vector<16xi32>
        tpu.vector_store_idx %arg6[%min3A_3106, %add3A_3109], %broadcast_in_dim3A_3 masked %and3A_3100 : memref<40x512xf32, #tpu.memory_space<vmem>>[vector<16xi32>, vector<16xi32>], vector<16xf32>, vector<16xi1>
        %get3A_3110 = arith.constant 336 : index
        %get3A_3111 = tpu.vector_load %arg4[%get3A_3110] {strides = array<i32>} : memref<512xi32, #tpu.memory_space<vmem>>, vector<16xi32>,
        %sub3A_3112 = vector.broadcast %mul3A_2689 : i32 to vector<16xi32>
        %sub3A_3113 = arith.subi %get3A_3111, %sub3A_3112 : vector<16xi32>
        %ge3A_3114 = arith.constant 0 : i32
        %ge3A_3115 = vector.broadcast %ge3A_3114 : i32 to vector<16xi32>
        %ge3A_3116 = arith.cmpi sge, %sub3A_3113, %ge3A_3115 : vector<16xi32>
        %lt3A_3117 = arith.constant 40 : i32
        %lt3A_3118 = vector.broadcast %lt3A_3117 : i32 to vector<16xi32>
        %lt3A_3119 = arith.cmpi slt, %sub3A_3113, %lt3A_3118 : vector<16xi32>
        %and3A_3120 = arith.andi %ge3A_3116, %lt3A_3119 : vector<16xi1>
        %jit3A_3121 = arith.constant 0 : i32
        %jit3A_3122 = arith.constant 39 : i32
        %max3A_3123 = vector.broadcast %jit3A_3121 : i32 to vector<16xi32>
        %max3A_3124 = arith.maxsi %max3A_3123, %sub3A_3113 : vector<16xi32>
        %min3A_3125 = vector.broadcast %jit3A_3122 : i32 to vector<16xi32>
        %min3A_3126 = arith.minsi %min3A_3125, %max3A_3124 : vector<16xi32>
        %add3A_3127 = arith.constant 336 : i32
        %add3A_3128 = vector.broadcast %add3A_3127 : i32 to vector<16xi32>
        %add3A_3129 = arith.addi %add3A_3128, %iota3A : vector<16xi32>
        tpu.vector_store_idx %arg6[%min3A_3126, %add3A_3129], %broadcast_in_dim3A_3 masked %and3A_3120 : memref<40x512xf32, #tpu.memory_space<vmem>>[vector<16xi32>, vector<16xi32>], vector<16xf32>, vector<16xi1>
        %get3A_3130 = arith.constant 352 : index
        %get3A_3131 = tpu.vector_load %arg4[%get3A_3130] {strides = array<i32>} : memref<512xi32, #tpu.memory_space<vmem>>, vector<16xi32>,
        %sub3A_3132 = vector.broadcast %mul3A_2689 : i32 to vector<16xi32>
        %sub3A_3133 = arith.subi %get3A_3131, %sub3A_3132 : vector<16xi32>
        %ge3A_3134 = arith.constant 0 : i32
        %ge3A_3135 = vector.broadcast %ge3A_3134 : i32 to vector<16xi32>
        %ge3A_3136 = arith.cmpi sge, %sub3A_3133, %ge3A_3135 : vector<16xi32>
        %lt3A_3137 = arith.constant 40 : i32
        %lt3A_3138 = vector.broadcast %lt3A_3137 : i32 to vector<16xi32>
        %lt3A_3139 = arith.cmpi slt, %sub3A_3133, %lt3A_3138 : vector<16xi32>
        %and3A_3140 = arith.andi %ge3A_3136, %lt3A_3139 : vector<16xi1>
        %jit3A_3141 = arith.constant 0 : i32
        %jit3A_3142 = arith.constant 39 : i32
        %max3A_3143 = vector.broadcast %jit3A_3141 : i32 to vector<16xi32>
        %max3A_3144 = arith.maxsi %max3A_3143, %sub3A_3133 : vector<16xi32>
        %min3A_3145 = vector.broadcast %jit3A_3142 : i32 to vector<16xi32>
        %min3A_3146 = arith.minsi %min3A_3145, %max3A_3144 : vector<16xi32>
        %add3A_3147 = arith.constant 352 : i32
        %add3A_3148 = vector.broadcast %add3A_3147 : i32 to vector<16xi32>
        %add3A_3149 = arith.addi %add3A_3148, %iota3A : vector<16xi32>
        tpu.vector_store_idx %arg6[%min3A_3146, %add3A_3149], %broadcast_in_dim3A_3 masked %and3A_3140 : memref<40x512xf32, #tpu.memory_space<vmem>>[vector<16xi32>, vector<16xi32>], vector<16xf32>, vector<16xi1>
        %get3A_3150 = arith.constant 368 : index
        %get3A_3151 = tpu.vector_load %arg4[%get3A_3150] {strides = array<i32>} : memref<512xi32, #tpu.memory_space<vmem>>, vector<16xi32>,
        %sub3A_3152 = vector.broadcast %mul3A_2689 : i32 to vector<16xi32>
        %sub3A_3153 = arith.subi %get3A_3151, %sub3A_3152 : vector<16xi32>
        %ge3A_3154 = arith.constant 0 : i32
        %ge3A_3155 = vector.broadcast %ge3A_3154 : i32 to vector<16xi32>
        %ge3A_3156 = arith.cmpi sge, %sub3A_3153, %ge3A_3155 : vector<16xi32>
        %lt3A_3157 = arith.constant 40 : i32
        %lt3A_3158 = vector.broadcast %lt3A_3157 : i32 to vector<16xi32>
        %lt3A_3159 = arith.cmpi slt, %sub3A_3153, %lt3A_3158 : vector<16xi32>
        %and3A_3160 = arith.andi %ge3A_3156, %lt3A_3159 : vector<16xi1>
        %jit3A_3161 = arith.constant 0 : i32
        %jit3A_3162 = arith.constant 39 : i32
        %max3A_3163 = vector.broadcast %jit3A_3161 : i32 to vector<16xi32>
        %max3A_3164 = arith.maxsi %max3A_3163, %sub3A_3153 : vector<16xi32>
        %min3A_3165 = vector.broadcast %jit3A_3162 : i32 to vector<16xi32>
        %min3A_3166 = arith.minsi %min3A_3165, %max3A_3164 : vector<16xi32>
        %add3A_3167 = arith.constant 368 : i32
        %add3A_3168 = vector.broadcast %add3A_3167 : i32 to vector<16xi32>
        %add3A_3169 = arith.addi %add3A_3168, %iota3A : vector<16xi32>
        tpu.vector_store_idx %arg6[%min3A_3166, %add3A_3169], %broadcast_in_dim3A_3 masked %and3A_3160 : memref<40x512xf32, #tpu.memory_space<vmem>>[vector<16xi32>, vector<16xi32>], vector<16xf32>, vector<16xi1>
        %get3A_3170 = arith.constant 384 : index
        %get3A_3171 = tpu.vector_load %arg4[%get3A_3170] {strides = array<i32>} : memref<512xi32, #tpu.memory_space<vmem>>, vector<16xi32>,
        %sub3A_3172 = vector.broadcast %mul3A_2689 : i32 to vector<16xi32>
        %sub3A_3173 = arith.subi %get3A_3171, %sub3A_3172 : vector<16xi32>
        %ge3A_3174 = arith.constant 0 : i32
        %ge3A_3175 = vector.broadcast %ge3A_3174 : i32 to vector<16xi32>
        %ge3A_3176 = arith.cmpi sge, %sub3A_3173, %ge3A_3175 : vector<16xi32>
        %lt3A_3177 = arith.constant 40 : i32
        %lt3A_3178 = vector.broadcast %lt3A_3177 : i32 to vector<16xi32>
        %lt3A_3179 = arith.cmpi slt, %sub3A_3173, %lt3A_3178 : vector<16xi32>
        %and3A_3180 = arith.andi %ge3A_3176, %lt3A_3179 : vector<16xi1>
        %jit3A_3181 = arith.constant 0 : i32
        %jit3A_3182 = arith.constant 39 : i32
        %max3A_3183 = vector.broadcast %jit3A_3181 : i32 to vector<16xi32>
        %max3A_3184 = arith.maxsi %max3A_3183, %sub3A_3173 : vector<16xi32>
        %min3A_3185 = vector.broadcast %jit3A_3182 : i32 to vector<16xi32>
        %min3A_3186 = arith.minsi %min3A_3185, %max3A_3184 : vector<16xi32>
        %add3A_3187 = arith.constant 384 : i32
        %add3A_3188 = vector.broadcast %add3A_3187 : i32 to vector<16xi32>
        %add3A_3189 = arith.addi %add3A_3188, %iota3A : vector<16xi32>
        tpu.vector_store_idx %arg6[%min3A_3186, %add3A_3189], %broadcast_in_dim3A_3 masked %and3A_3180 : memref<40x512xf32, #tpu.memory_space<vmem>>[vector<16xi32>, vector<16xi32>], vector<16xf32>, vector<16xi1>
        %get3A_3190 = arith.constant 400 : index
        %get3A_3191 = tpu.vector_load %arg4[%get3A_3190] {strides = array<i32>} : memref<512xi32, #tpu.memory_space<vmem>>, vector<16xi32>,
        %sub3A_3192 = vector.broadcast %mul3A_2689 : i32 to vector<16xi32>
        %sub3A_3193 = arith.subi %get3A_3191, %sub3A_3192 : vector<16xi32>
        %ge3A_3194 = arith.constant 0 : i32
        %ge3A_3195 = vector.broadcast %ge3A_3194 : i32 to vector<16xi32>
        %ge3A_3196 = arith.cmpi sge, %sub3A_3193, %ge3A_3195 : vector<16xi32>
        %lt3A_3197 = arith.constant 40 : i32
        %lt3A_3198 = vector.broadcast %lt3A_3197 : i32 to vector<16xi32>
        %lt3A_3199 = arith.cmpi slt, %sub3A_3193, %lt3A_3198 : vector<16xi32>
        %and3A_3200 = arith.andi %ge3A_3196, %lt3A_3199 : vector<16xi1>
        %jit3A_3201 = arith.constant 0 : i32
        %jit3A_3202 = arith.constant 39 : i32
        %max3A_3203 = vector.broadcast %jit3A_3201 : i32 to vector<16xi32>
        %max3A_3204 = arith.maxsi %max3A_3203, %sub3A_3193 : vector<16xi32>
        %min3A_3205 = vector.broadcast %jit3A_3202 : i32 to vector<16xi32>
        %min3A_3206 = arith.minsi %min3A_3205, %max3A_3204 : vector<16xi32>
        %add3A_3207 = arith.constant 400 : i32
        %add3A_3208 = vector.broadcast %add3A_3207 : i32 to vector<16xi32>
        %add3A_3209 = arith.addi %add3A_3208, %iota3A : vector<16xi32>
        tpu.vector_store_idx %arg6[%min3A_3206, %add3A_3209], %broadcast_in_dim3A_3 masked %and3A_3200 : memref<40x512xf32, #tpu.memory_space<vmem>>[vector<16xi32>, vector<16xi32>], vector<16xf32>, vector<16xi1>
        %get3A_3210 = arith.constant 416 : index
        %get3A_3211 = tpu.vector_load %arg4[%get3A_3210] {strides = array<i32>} : memref<512xi32, #tpu.memory_space<vmem>>, vector<16xi32>,
        %sub3A_3212 = vector.broadcast %mul3A_2689 : i32 to vector<16xi32>
        %sub3A_3213 = arith.subi %get3A_3211, %sub3A_3212 : vector<16xi32>
        %ge3A_3214 = arith.constant 0 : i32
        %ge3A_3215 = vector.broadcast %ge3A_3214 : i32 to vector<16xi32>
        %ge3A_3216 = arith.cmpi sge, %sub3A_3213, %ge3A_3215 : vector<16xi32>
        %lt3A_3217 = arith.constant 40 : i32
        %lt3A_3218 = vector.broadcast %lt3A_3217 : i32 to vector<16xi32>
        %lt3A_3219 = arith.cmpi slt, %sub3A_3213, %lt3A_3218 : vector<16xi32>
        %and3A_3220 = arith.andi %ge3A_3216, %lt3A_3219 : vector<16xi1>
        %jit3A_3221 = arith.constant 0 : i32
        %jit3A_3222 = arith.constant 39 : i32
        %max3A_3223 = vector.broadcast %jit3A_3221 : i32 to vector<16xi32>
        %max3A_3224 = arith.maxsi %max3A_3223, %sub3A_3213 : vector<16xi32>
        %min3A_3225 = vector.broadcast %jit3A_3222 : i32 to vector<16xi32>
        %min3A_3226 = arith.minsi %min3A_3225, %max3A_3224 : vector<16xi32>
        %add3A_3227 = arith.constant 416 : i32
        %add3A_3228 = vector.broadcast %add3A_3227 : i32 to vector<16xi32>
        %add3A_3229 = arith.addi %add3A_3228, %iota3A : vector<16xi32>
        tpu.vector_store_idx %arg6[%min3A_3226, %add3A_3229], %broadcast_in_dim3A_3 masked %and3A_3220 : memref<40x512xf32, #tpu.memory_space<vmem>>[vector<16xi32>, vector<16xi32>], vector<16xf32>, vector<16xi1>
        %get3A_3230 = arith.constant 432 : index
        %get3A_3231 = tpu.vector_load %arg4[%get3A_3230] {strides = array<i32>} : memref<512xi32, #tpu.memory_space<vmem>>, vector<16xi32>,
        %sub3A_3232 = vector.broadcast %mul3A_2689 : i32 to vector<16xi32>
        %sub3A_3233 = arith.subi %get3A_3231, %sub3A_3232 : vector<16xi32>
        %ge3A_3234 = arith.constant 0 : i32
        %ge3A_3235 = vector.broadcast %ge3A_3234 : i32 to vector<16xi32>
        %ge3A_3236 = arith.cmpi sge, %sub3A_3233, %ge3A_3235 : vector<16xi32>
        %lt3A_3237 = arith.constant 40 : i32
        %lt3A_3238 = vector.broadcast %lt3A_3237 : i32 to vector<16xi32>
        %lt3A_3239 = arith.cmpi slt, %sub3A_3233, %lt3A_3238 : vector<16xi32>
        %and3A_3240 = arith.andi %ge3A_3236, %lt3A_3239 : vector<16xi1>
        %jit3A_3241 = arith.constant 0 : i32
        %jit3A_3242 = arith.constant 39 : i32
        %max3A_3243 = vector.broadcast %jit3A_3241 : i32 to vector<16xi32>
        %max3A_3244 = arith.maxsi %max3A_3243, %sub3A_3233 : vector<16xi32>
        %min3A_3245 = vector.broadcast %jit3A_3242 : i32 to vector<16xi32>
        %min3A_3246 = arith.minsi %min3A_3245, %max3A_3244 : vector<16xi32>
        %add3A_3247 = arith.constant 432 : i32
        %add3A_3248 = vector.broadcast %add3A_3247 : i32 to vector<16xi32>
        %add3A_3249 = arith.addi %add3A_3248, %iota3A : vector<16xi32>
        tpu.vector_store_idx %arg6[%min3A_3246, %add3A_3249], %broadcast_in_dim3A_3 masked %and3A_3240 : memref<40x512xf32, #tpu.memory_space<vmem>>[vector<16xi32>, vector<16xi32>], vector<16xf32>, vector<16xi1>
        %get3A_3250 = arith.constant 448 : index
        %get3A_3251 = tpu.vector_load %arg4[%get3A_3250] {strides = array<i32>} : memref<512xi32, #tpu.memory_space<vmem>>, vector<16xi32>,
        %sub3A_3252 = vector.broadcast %mul3A_2689 : i32 to vector<16xi32>
        %sub3A_3253 = arith.subi %get3A_3251, %sub3A_3252 : vector<16xi32>
        %ge3A_3254 = arith.constant 0 : i32
        %ge3A_3255 = vector.broadcast %ge3A_3254 : i32 to vector<16xi32>
        %ge3A_3256 = arith.cmpi sge, %sub3A_3253, %ge3A_3255 : vector<16xi32>
        %lt3A_3257 = arith.constant 40 : i32
        %lt3A_3258 = vector.broadcast %lt3A_3257 : i32 to vector<16xi32>
        %lt3A_3259 = arith.cmpi slt, %sub3A_3253, %lt3A_3258 : vector<16xi32>
        %and3A_3260 = arith.andi %ge3A_3256, %lt3A_3259 : vector<16xi1>
        %jit3A_3261 = arith.constant 0 : i32
        %jit3A_3262 = arith.constant 39 : i32
        %max3A_3263 = vector.broadcast %jit3A_3261 : i32 to vector<16xi32>
        %max3A_3264 = arith.maxsi %max3A_3263, %sub3A_3253 : vector<16xi32>
        %min3A_3265 = vector.broadcast %jit3A_3262 : i32 to vector<16xi32>
        %min3A_3266 = arith.minsi %min3A_3265, %max3A_3264 : vector<16xi32>
        %add3A_3267 = arith.constant 448 : i32
        %add3A_3268 = vector.broadcast %add3A_3267 : i32 to vector<16xi32>
        %add3A_3269 = arith.addi %add3A_3268, %iota3A : vector<16xi32>
        tpu.vector_store_idx %arg6[%min3A_3266, %add3A_3269], %broadcast_in_dim3A_3 masked %and3A_3260 : memref<40x512xf32, #tpu.memory_space<vmem>>[vector<16xi32>, vector<16xi32>], vector<16xf32>, vector<16xi1>
        %get3A_3270 = arith.constant 464 : index
        %get3A_3271 = tpu.vector_load %arg4[%get3A_3270] {strides = array<i32>} : memref<512xi32, #tpu.memory_space<vmem>>, vector<16xi32>,
        %sub3A_3272 = vector.broadcast %mul3A_2689 : i32 to vector<16xi32>
        %sub3A_3273 = arith.subi %get3A_3271, %sub3A_3272 : vector<16xi32>
        %ge3A_3274 = arith.constant 0 : i32
        %ge3A_3275 = vector.broadcast %ge3A_3274 : i32 to vector<16xi32>
        %ge3A_3276 = arith.cmpi sge, %sub3A_3273, %ge3A_3275 : vector<16xi32>
        %lt3A_3277 = arith.constant 40 : i32
        %lt3A_3278 = vector.broadcast %lt3A_3277 : i32 to vector<16xi32>
        %lt3A_3279 = arith.cmpi slt, %sub3A_3273, %lt3A_3278 : vector<16xi32>
        %and3A_3280 = arith.andi %ge3A_3276, %lt3A_3279 : vector<16xi1>
        %jit3A_3281 = arith.constant 0 : i32
        %jit3A_3282 = arith.constant 39 : i32
        %max3A_3283 = vector.broadcast %jit3A_3281 : i32 to vector<16xi32>
        %max3A_3284 = arith.maxsi %max3A_3283, %sub3A_3273 : vector<16xi32>
        %min3A_3285 = vector.broadcast %jit3A_3282 : i32 to vector<16xi32>
        %min3A_3286 = arith.minsi %min3A_3285, %max3A_3284 : vector<16xi32>
        %add3A_3287 = arith.constant 464 : i32
        %add3A_3288 = vector.broadcast %add3A_3287 : i32 to vector<16xi32>
        %add3A_3289 = arith.addi %add3A_3288, %iota3A : vector<16xi32>
        tpu.vector_store_idx %arg6[%min3A_3286, %add3A_3289], %broadcast_in_dim3A_3 masked %and3A_3280 : memref<40x512xf32, #tpu.memory_space<vmem>>[vector<16xi32>, vector<16xi32>], vector<16xf32>, vector<16xi1>
        %get3A_3290 = arith.constant 480 : index
        %get3A_3291 = tpu.vector_load %arg4[%get3A_3290] {strides = array<i32>} : memref<512xi32, #tpu.memory_space<vmem>>, vector<16xi32>,
        %sub3A_3292 = vector.broadcast %mul3A_2689 : i32 to vector<16xi32>
        %sub3A_3293 = arith.subi %get3A_3291, %sub3A_3292 : vector<16xi32>
        %ge3A_3294 = arith.constant 0 : i32
        %ge3A_3295 = vector.broadcast %ge3A_3294 : i32 to vector<16xi32>
        %ge3A_3296 = arith.cmpi sge, %sub3A_3293, %ge3A_3295 : vector<16xi32>
        %lt3A_3297 = arith.constant 40 : i32
        %lt3A_3298 = vector.broadcast %lt3A_3297 : i32 to vector<16xi32>
        %lt3A_3299 = arith.cmpi slt, %sub3A_3293, %lt3A_3298 : vector<16xi32>
        %and3A_3300 = arith.andi %ge3A_3296, %lt3A_3299 : vector<16xi1>
        %jit3A_3301 = arith.constant 0 : i32
        %jit3A_3302 = arith.constant 39 : i32
        %max3A_3303 = vector.broadcast %jit3A_3301 : i32 to vector<16xi32>
        %max3A_3304 = arith.maxsi %max3A_3303, %sub3A_3293 : vector<16xi32>
        %min3A_3305 = vector.broadcast %jit3A_3302 : i32 to vector<16xi32>
        %min3A_3306 = arith.minsi %min3A_3305, %max3A_3304 : vector<16xi32>
        %add3A_3307 = arith.constant 480 : i32
        %add3A_3308 = vector.broadcast %add3A_3307 : i32 to vector<16xi32>
        %add3A_3309 = arith.addi %add3A_3308, %iota3A : vector<16xi32>
        tpu.vector_store_idx %arg6[%min3A_3306, %add3A_3309], %broadcast_in_dim3A_3 masked %and3A_3300 : memref<40x512xf32, #tpu.memory_space<vmem>>[vector<16xi32>, vector<16xi32>], vector<16xf32>, vector<16xi1>
        %get3A_3310 = arith.constant 496 : index
        %get3A_3311 = tpu.vector_load %arg4[%get3A_3310] {strides = array<i32>} : memref<512xi32, #tpu.memory_space<vmem>>, vector<16xi32>,
        %sub3A_3312 = vector.broadcast %mul3A_2689 : i32 to vector<16xi32>
        %sub3A_3313 = arith.subi %get3A_3311, %sub3A_3312 : vector<16xi32>
        %ge3A_3314 = arith.constant 0 : i32
        %ge3A_3315 = vector.broadcast %ge3A_3314 : i32 to vector<16xi32>
        %ge3A_3316 = arith.cmpi sge, %sub3A_3313, %ge3A_3315 : vector<16xi32>
        %lt3A_3317 = arith.constant 40 : i32
        %lt3A_3318 = vector.broadcast %lt3A_3317 : i32 to vector<16xi32>
        %lt3A_3319 = arith.cmpi slt, %sub3A_3313, %lt3A_3318 : vector<16xi32>
        %and3A_3320 = arith.andi %ge3A_3316, %lt3A_3319 : vector<16xi1>
        %jit3A_3321 = arith.constant 0 : i32
        %jit3A_3322 = arith.constant 39 : i32
        %max3A_3323 = vector.broadcast %jit3A_3321 : i32 to vector<16xi32>
        %max3A_3324 = arith.maxsi %max3A_3323, %sub3A_3313 : vector<16xi32>
        %min3A_3325 = vector.broadcast %jit3A_3322 : i32 to vector<16xi32>
        %min3A_3326 = arith.minsi %min3A_3325, %max3A_3324 : vector<16xi32>
        %add3A_3327 = arith.constant 496 : i32
        %add3A_3328 = vector.broadcast %add3A_3327 : i32 to vector<16xi32>
        %add3A_3329 = arith.addi %add3A_3328, %iota3A : vector<16xi32>
        tpu.vector_store_idx %arg6[%min3A_3326, %add3A_3329], %broadcast_in_dim3A_3 masked %and3A_3320 : memref<40x512xf32, #tpu.memory_space<vmem>>[vector<16xi32>, vector<16xi32>], vector<16xf32>, vector<16xi1>
        %mul3A_3330 = arith.constant 40 : i32
        %mul3A_3331 = arith.muli %add3A_2031, %mul3A_3330 : i32
        %dma_start3A_3332 = tpu.memref_slice %arg3[%mul3A_3331, %mul3A_2] : memref<1000x16384xf32, #tpu.memory_space<hbm>> -> memref<40x512xf32, #tpu.memory_space<hbm>>
        %dma_start3A_3333 = tpu.memref_slice %arg3[%mul3A_3331, %mul3A_2] : memref<1000x16384xf32, #tpu.memory_space<hbm>> -> memref<40x512xf32, #tpu.memory_space<hbm>>
        tpu.enqueue_dma source(%arg6 : memref<40x512xf32, #tpu.memory_space<vmem>>) target(%dma_start3A_3333 : memref<40x512xf32, #tpu.memory_space<hbm>>) target_semaphore(%arg8 : memref<!tpu.dma_semaphore, #tpu.memory_space<semaphore_mem>>)
      } else {
      }
      %scan3A_2687 = arith.constant 0 : i32
      scf.yield %scan3A_2687 : i32
    }
    %scan3A_1361 = arith.constant 12 : i32
    %dma_wait3A = arith.constant 960 : i32
    %dma_wait3A_1362 = tpu.memref_slice %arg3[%dma_wait3A, %mul3A_2] : memref<1000x16384xf32, #tpu.memory_space<hbm>> -> memref<40x512xf32, #tpu.memory_space<hbm>>
    %dma_wait3A_1363 = arith.constant 960 : i32
    %dma_wait3A_1364 = tpu.memref_slice %arg3[%dma_wait3A_1363, %mul3A_2] : memref<1000x16384xf32, #tpu.memory_space<hbm>> -> memref<40x512xf32, #tpu.memory_space<hbm>>
    tpu.wait_dma2 semaphore(%arg7 : memref<!tpu.dma_semaphore, #tpu.memory_space<semaphore_mem>>) src(%arg5 : memref<40x512xf32, #tpu.memory_space<vmem>>) dst(%dma_wait3A_1364 : memref<40x512xf32, #tpu.memory_space<hbm>>)
    return
  }
}

</mosaic_0001>

<sc_bundles>
// kernel: kernel.3.cloned.1.call-start
scs
__scs_entry_jumppad:
0x0: {  	(pc) =	sbr.rel $0x88, $3  }
0x1: {  	(tag) =	ssettag $0x0;
	lr =	simm.s32 $0x1  }
0x2: {  	[smem:$0x3FA0] =	sst lr;
	_ =	strace $0xD0000000  }
0x3: {  	_ = 	snop  }
0x4: {  	_ = 	snop  }
0x5: {  	_ = 	snop  }
0x6: {  	_ = 	snop  }
0x7: {  	_ = 	snop  }
__scs_overlays_trampoline_lowered:
0x8: {  	[smem:$0x3FAF] =	sst s0  }
0x9: {  	[smem:$0x3FB0] =	sst s1  }
0xa: {  	[smem:$0x3FB1] =	sst s2  }
0xb: {  	[smem:$0x3FB2] =	sst s3  }
0xc: {  	[smem:$0x3FB3] =	sst s4  }
0xd: {  	[smem:$0x3FB4] =	sst s5  }
0xe: {  	[smem:$0x3FB5] =	sst s6  }
0xf: {  	[smem:$0x3FB6] =	sst s7  }
0x10: {  	[smem:$0x3FB7] =	sst s8  }
0x11: {  	[smem:$0x3FB8] =	sst s9;
	s0 =	simm.s32 @!p0 $0x0  }
0x12: {  	s1 =	sld [smem:$0x3F9E];
	s0 =	simm.s32 @p0 $0x1  }
0x13: {  	[smem:$0x3FB9] =	sst s0;
	s0 =	simm.s32 @!p1 $0x0  }
0x14: {  	s2 =	sld [smem:$0x3F9D];
	s0 =	simm.s32 @p1 $0x1  }
0x15: {  	[smem:$0x3FBA] =	sst s0;
	s0 =	simm.s32 @!p2 $0x0  }
0x16: {  	s3 =	sld [smem:$0x3FDB];
	s0 =	simm.s32 @p2 $0x1  }
0x17: {  	s4 =	simm.s32 $0x1BF5;
	[smem:$0x3FBC] =	sst s0  }
0x18: {  	s0 =	sld [smem:$0x3F9F];
	_ =	swait.ge [sflag:s4], $0x0  }
0x19: {  	s7 =	sld [smem:$0x3FA0]  }
0x1a: {  	s8 =	sadd.s32 $0xFFFFE003, lr  }
0x1b: {  	s9 =	sadd.s32 $0xFFFFFEF7, lr;
	s5 =	simm.s32 $0xFFFFFFFF;
	p2 =	slt.u32 s8, $0xFFFFF086  }
0x1c: {  	p1 =	slt.u32 s9, $0xF7A;
	s5 =	simm.s32 @!p2 $0x0  }
0x1d: {  	s5 =	simm.s32 @p1 $0x1;
	p0 =	seq.s32 s7, s2  }
0x1e: {  	s7 =	smul.u32 @!p0 $0xF7A, s2;
	p2 =	seq.s32 @!p0 s5, $0x0  }
0x1f: {  	s9 =	smul.u32 $0xF7A, s1;
	s8 =	simm.s32 @!p0 $0x1BF5;
	p2 =	por !p2, p0  }
0x20: {  	[sflag:s8] =	ssyncset.s32 @!p0 $0xFFFFF086;
	s6 =	sadd.s32 @!p0 s3, s7;
	s7 =	simm.s32 @!p0 $0x108  }
0x21: {  	s3 =	sadd.s32 s3, s9;
	s6 =	sadd.s32 @!p0 $0x88, s6;
	s7 =	simm.s32 @p2 $0x1082  }
0x22: {  	[simem:s7], [sflag:s8] =	dma.local @!p0 [hbm:s6], $0xF7A  }
0x23: {  	s9 =	sor.u32 $0xD0000000, s2;
	s6 =	simm.s32 $0x108;
	_ =	swait.ge @!p0 [sflag:s8], $0x0  }
0x24: {  	s3 =	sadd.s32 $0x88, s3;
	s6 =	simm.s32 @!p1 $0x1082;
	[sflag:s4] =	ssyncset.s32 $0xFFFFF086  }
0x25: {  	[simem:s6], [sflag:s4] =	dma.local [hbm:s3], $0xF7A  }
0x26: {  	[smem:$0x3FA0] =	sst s1;
	(tag) =	ssettag s2;
	_ =	strace s9  }
0x27: {  	s1 =	sld [smem:$0x3FB0]  }
0x28: {  	s2 =	sld [smem:$0x3FB1]  }
0x29: {  	s4 =	sld [smem:$0x3FB3]  }
0x2a: {  	p0 =	seq.s32 s5, $0x0;
	s5 =	sld [smem:$0x3FB4]  }
0x2b: {  	s6 =	sld [smem:$0x3FB5]  }
0x2c: {  	s7 =	sld [smem:$0x3FB6]  }
0x2d: {  	s3 =	simm.s32 $0x108;
	s8 =	sld [smem:$0x3FB7]  }
0x2e: {  	s3 =	simm.s32 @!p0 $0x1082;
	s9 =	sld [smem:$0x3FB8]  }
0x2f: {  	lr =	sadd.s32 s0, s3;
	s0 =	sld [smem:$0x3FAF]  }
0x30: {  	s3 =	sld [smem:$0x3FB2]  }
0x31: {  	[smem:$0x3FBB] =	sst s10  }
0x32: {  	s10 =	sld [smem:$0x3FB9];
	_ =	sdelay $0x3  }
0x33: {  	p0 =	seq.s32 s10, $0x1;
	s10 =	sld [smem:$0x3FBB];
	_ =	sdelay $0x3  }
0x34: {  	[smem:$0x3FBB] =	sst s10  }
0x35: {  	s10 =	sld [smem:$0x3FBA];
	_ =	sdelay $0x3  }
0x36: {  	p1 =	seq.s32 s10, $0x1;
	s10 =	sld [smem:$0x3FBB];
	_ =	sdelay $0x3  }
0x37: {  	[smem:$0x3FBB] =	sst s10  }
0x38: {  	s10 =	sld [smem:$0x3FBC]  }
0x39: {  	_ = 	snop;
	(pc) =	sbr.ind lr, $3  }
0x3a: {  	_ = 	snop  }
0x3b: {  	_ = 	snop  }
0x3c: {  	p2 =	seq.s32 s10, $0x1;
	s10 =	sld [smem:$0x3FBB]  }
0x3d: {  	_ =	shalt  }
0x3e: {  	_ =	shalt  }
0x3f: {  	_ =	shalt  }
0x40: {  	_ =	shalt  }
0x41: {  	_ =	shalt  }
0x42: {  	_ =	shalt  }
0x43: {  	_ =	shalt  }
0x44: {  	_ =	shalt  }
0x45: {  	_ =	shalt  }
0x46: {  	_ =	shalt  }
0x47: {  	_ =	shalt  }
0x48: {  	_ =	shalt  }
0x49: {  	_ =	shalt  }
0x4a: {  	_ =	shalt  }
0x4b: {  	_ =	shalt  }
0x4c: {  	_ =	shalt  }
0x4d: {  	_ =	shalt  }
0x4e: {  	_ =	shalt  }
0x4f: {  	_ =	shalt  }
0x50: {  	_ =	shalt  }
0x51: {  	_ =	shalt  }
0x52: {  	_ =	shalt  }
0x53: {  	_ =	shalt  }
0x54: {  	_ =	shalt  }
0x55: {  	_ =	shalt  }
0x56: {  	_ =	shalt  }
0x57: {  	_ =	shalt  }
0x58: {  	_ =	shalt  }
0x59: {  	_ =	shalt  }
0x5a: {  	_ =	shalt  }
0x5b: {  	_ =	shalt  }
0x5c: {  	_ =	shalt  }
0x5d: {  	_ =	shalt  }
0x5e: {  	_ =	shalt  }
0x5f: {  	_ =	shalt  }
0x60: {  	_ =	shalt  }
0x61: {  	_ =	shalt  }
0x62: {  	_ =	shalt  }
0x63: {  	_ =	shalt  }
0x64: {  	_ =	shalt  }
0x65: {  	_ =	shalt  }
0x66: {  	_ =	shalt  }
0x67: {  	_ =	shalt  }
0x68: {  	_ =	shalt  }
0x69: {  	_ =	shalt  }
0x6a: {  	_ =	shalt  }
0x6b: {  	_ =	shalt  }
0x6c: {  	_ =	shalt  }
0x6d: {  	_ =	shalt  }
0x6e: {  	_ =	shalt  }
0x6f: {  	_ =	shalt  }
0x70: {  	_ =	shalt  }
0x71: {  	_ =	shalt  }
0x72: {  	_ =	shalt  }
0x73: {  	_ =	shalt  }
0x74: {  	_ =	shalt  }
0x75: {  	_ =	shalt  }
0x76: {  	_ =	shalt  }
0x77: {  	_ =	shalt  }
0x78: {  	_ =	shalt  }
0x79: {  	_ =	shalt  }
0x7a: {  	_ =	shalt  }
0x7b: {  	_ =	shalt  }
0x7c: {  	_ =	shalt  }
0x7d: {  	_ =	shalt  }
0x7e: {  	_ =	shalt  }
0x7f: {  	_ =	shalt  }
0x80: {  	_ =	shalt  }
0x81: {  	_ =	shalt  }
0x82: {  	_ =	shalt  }
0x83: {  	_ =	shalt  }
0x84: {  	_ =	shalt  }
0x85: {  	_ =	shalt  }
0x86: {  	_ =	shalt  }
0x87: {  	_ =	shalt  }
.Lfunc_end0:
.L_simem_size_0:
called_computation_lowered:
.L_overlay_start_0:
0x88: {  	s2 =	sld [smem:$0x3FD9]  }
0x89: {  	s3 =	sld [smem:$0x3FFE];
	_ =	sdelay $0x1  }
0x8a: {  	s1 =	srdreg.scid  }
0x8b: {  	s0 =	sand.u32 $0x1, s1  }
0x8c: {  	s18 =	sshll.u32 s0, $0xA;
	s2 =	sadd.s32 s3, s2  }
0x8d: {  	s2 =	sadd.s32 s2, s18  }
0x8e: {  	[smem:$0x3FC7] =	sst s2  }
0x8f: {  	_ = 	snop  }
0x90: {  	s2 =	sld [smem:$0x3FC9]  }
0x91: {  	s19 =	sld [smem:$0x3FD0];
	(tm) =	ssettm $0x1  }
0x92: {  	s4 =	sld [smem:$0x3FFB];
	_ =	sdelay $0x3  }
0x93: {  	_ =	strace s4  }
0x94: {  	s4 =	sld [smem:$0x3FFC];
	_ =	sdelay $0x3  }
0x95: {  	_ =	strace s4  }
0x96: {  	s4 =	sld [smem:$0x3FFD];
	_ =	sdelay $0x3  }
0x97: {  	_ =	strace s4  }
0x98: {  	_ =	strace $0x8FFFFFFF  }
0x99: {  	s20 =	sld [smem:$0x3FDB];
	_ =	sdelay $0x1  }
0x9a: {  	s5 =	simm.s32 $_scs_section_size  }
0x9b: {  	s6 =	simm.s32 $_size__tile_overlayer_lowered;
	s7 =	simm.s32 $_tile_overlayer_lowered  }
0x9c: {  	s23 =	simm.s32 $0x1BFF;
	s22 =	sshll.u32 s7, $0x1;
	s4 =	sadd.s32 s5, s20  }
0x9d: {  	s8 =	simm.s32 $0x0;
	s21 =	sshll.u32 s6, $0x1;
	s6 =	sadd.s32 s22, s4  }
0x9e: {  	[timem:s8], [sflag:s23] =	dma.local [hbm:s6], s21  }
0x9f: {  	_ =	swait.ge [sflag:s23], s21  }
0xa0: {  	s5 =	ssub.s32 $0x0, s21;
	[sflag:s23] =	ssyncset.done $0x0  }
0xa1: {  	[sflag:s23] =	ssyncadd.s32 s5;
	_ =	sdelay $0x1  }
0xa2: {  	s24 =	simm.s32 $0x1B8B  }
0xa3: {  	_ =	swait.ge [sflag:s24], $0x1  }
0xa4: {  	[sflag:s24] =	ssyncset.done $0x0  }
0xa5: {  	s25 =	simm.s32 $0x1B8E;
	[sflag:s24] =	ssyncadd.s32 $0xFFFFFFFF  }
0xa6: {  	s26 =	simm.s32 $execute0_lowered;
	[smem:$0x3FD2] =	sst s25  }
0xa7: {  	s5 =	sshll.u32 s26, $0x1;
	_ =	strace $0x80000046;
	[dreg:$0x1] =	wrdreg $0xFFFFFFFF  }
0xa8: {  	s28 =	simm.s32 $_size_execute0_lowered;
	s4 =	sadd.s32 s4, s5;
	[dreg:$0x0] =	wrdreg $0x0  }
0xa9: {  	s5 =	sshll.u32 s28, $0x1;
	[dreg:$0x2] =	wrdreg s4  }
0xaa: {  	[dreg:$0x3] =	wrdreg s5  }
0xab: {  	[dreg:$0x4] =	wrdreg $0xC0  }
0xac: {  	_ =	task [dreg:s8], $0x5FFFF  }
0xad: {  	[dreg:$0x1] =	wrdreg $0xFFFFFFFF  }
0xae: {  	[dreg:$0x0] =	wrdreg $0x60  }
0xaf: {  	[dreg:$0x2] =	wrdreg s2  }
0xb0: {  	[dreg:$0x3] =	wrdreg s19  }
0xb1: {  	[dreg:$0x4] =	wrdreg $0x9  }
0xb2: {  	_ =	task.clear_ibuf [dreg:s8], $0x5FFFF;
	_ =	strace $0x90000046  }
0xb3: {  	s29 =	simm.s32 $0x9;
	_ =	strace $0x80000048  }
0xb4: {  	_ =	swait.ge [sflag:s29], $0x1  }
0xb5: {  	[sflag:s29] =	ssyncadd.s32 $0xFFFFFFFF  }
0xb6: {  	_ =	strace $0x90000048  }
0xb7: {  	_ =	sfence  }
0xb8: {  	s30 =	sld [smem:$0x0];
	_ =	sdelay $0x2  }
0xb9: {  	s31 =	sshll.u32 s1, $0xD;
	s1 =	sshrl.u32 s1, $0x2  }
0xba: {  	s3 =	sand.u32 $0x4000, s31;
	s1 =	sadd.s32 s1, s30  }
0xbb: {  	s0 =	sor.u32 s3, s0;
	s1 =	sshll.u32 s1, $0x11  }
0xbc: {  	s0 =	sor.u32 s1, s0  }
0xbd: {  	s0 =	sadd.s32 $0x8F2B, s0  }
0xbe: {  	[sflag:s0] =	ssyncadd.remote.s32 $0x1  }
0xbf: {  	_ =	sfence.sel $0xFFFF  }
0xc0: {  	[dreg:$0x0] =	wrdreg $0xFFFFFFFF;
	(pc) =	sbr.abs _section_cstart, $3  }
0xc1: {  	[dreg:$0x1] =	wrdreg $0xFFFFFFFF  }
0xc2: {  	_ =	task.clear_ibuf [dreg:s8], $0x2FFFF;
	_ =	strace $0x9FFFFFFF  }
0xc3: {  	(tm) =	ssettm $0x7FFFFFFF  }
tec
execute0_lowered:
.L_overlay_start_1:
0x0: {  	(tag) =	ssettag $0x1  }
0x1: {  	s3 =	rddreg [dreg:$0x0];
	v0 =	vlaneseq.u32  }
0x2: {  	s5 =	rddreg [dreg:$0x1];
	v1 =	vimm.f32 $0.0e+00;
	v2 =	vimm.f32 $1.000000000e+00;
	v3 =	vor.u32 $0x10, v0  }
0x3: {  	s0 =	rddreg [dreg:$0x2];
	s4 =	srdreg.scid;
	s2 =	simm.s32 $0x0;
	v4 =	vor.u32 $0x20, v0;
	v5 =	vor.u32 $0x30, v0;
	v6 =	vor.u32 $0x40, v0  }
0x4: {  	s1 =	stileid.u32;
	s10 =	simm.s32 $0x1000;
	s11 =	simm.s32 $0x20000;
	v7 =	vor.u32 $0x50, v0;
	v8 =	vor.u32 $0x60, v0;
	v9 =	vor.u32 $0x70, v0  }
0x5: {  	s12 =	simm.s32 $0x5200;
	s13 =	simm.s32 $0x1;
	s14 =	simm.s32 $0x2;
	v10 =	vor.u32 $0x400, v0;
	v11 =	vor.u32 $0x410, v0;
	v12 =	vor.u32 $0x420, v0  }
0x6: {  	s15 =	simm.s32 $0x0;
	s4 =	sand.u32 $0x1, s4;
	s7 =	sshll.u32 s1, $0xA;
	v13 =	vor.u32 $0x430, v0;
	v14 =	vor.u32 $0x440, v0;
	v15 =	vor.u32 $0x450, v0  }
0x7: {  	[smem:$0x7FF] =	sst s2;
	v16 =	vor.u32 $0x460, v0;
	v17 =	vor.u32 $0x470, v0;
	v18 =	vor.u32 $0x800, v0;
	s6 =	ssub.s32 $0x2, s4;
	s8 =	sshll.u32 s4, $0x9  }
.Ltmp0:
0x8: {  	v19 =	vor.u32 $0x810, v0;
	v20 =	vor.u32 $0x820, v0;
	v21 =	vor.u32 $0x830, v0;
	_ =	strace $0x80000047;
	s30 =	sshrl.u32 s6, $0x1;
	(pc) =	sbr.rel .LBB2_1-.Ltmp0, $4  }
0x9: {  	v22 =	vor.u32 $0x840, v0;
	v23 =	vor.u32 $0x850, v0;
	v24 =	vor.u32 $0x860, v0;
	s9 =	sor.u32 s8, s7;
	s7 =	sadd.s32 s7, s5;
	s6 =	ssub.s32 s6, s30  }
0xa: {  	v25 =	vor.u32 $0x870, v0;
	v26 =	vor.u32 $0xC00, v0;
	v27 =	vor.u32 $0xC10, v0;
	s31 =	sshrl.u32 s9, $0x3;
	s4 =	sadd.s32 s5, s9;
	s7 =	sadd.s32 s8, s7  }
0xb: {  	v28 =	vor.u32 $0xC20, v0;
	v29 =	vor.u32 $0xC30, v0;
	v30 =	vor.u32 $0xC40, v0;
	s8 =	simm.s32 $0x3;
	s9 =	simm.s32 $0x200;
	s3 =	sadd.s32 s3, s31  }
0xc: {  	v31 =	vor.u32 $0xC50, v0;
	v32 =	vor.u32 $0xC60, v0;
	v33 =	vor.u32 $0xC70, v0;
	s5 =	sadd.s32 $0x14000, s4;
	s6 =	smax.u32 s6, $0x1;
	s7 =	sadd.s32 $0x28000, s7  }
.LBB2_6:
0xd: {  	s15 =	sadd.s32 $0x1, s15  }
0xe: {  	p0 =	sne.s32 s15, s6  }
.Ltmp1:
0xf: {  	_ = 	snop;
	(pc) =	sbr.rel @!p0 .LBB2_7-.Ltmp1, $4  }
0x10: {  	_ = 	snop  }
0x11: {  	_ =	swait.ge [sflag:s13], $0x5000  }
0x12: {  	[sflag:s13] =	ssyncset.done $0x0  }
0x13: {  	[sflag:s13] =	ssyncadd.s32 $0xFFFFB000  }
.LBB2_1:
0x14: {  	[tilespmem:s2], [sflag:$0x3] =	stream.linear.gather [hbm4b:s3+s2], $0x200, $0x38;
	[tilespmem:$0xA200] =	vst v63  }
0x15: {  	_ =	swait.ge [sflag:s8], $0x200  }
0x16: {  	s16 =	sand.u32 $0x7000, s2;
	s17 =	sand.u32 $0x380, s2;
	[sflag:s8] =	ssyncset.done $0x0  }
0x17: {  	s16 =	sor.u32 s17, s16;
	[sflag:s8] =	ssyncadd.s32 $0xFFFFFE00  }
0x18: {  	[tilespmem:s16+$0x5E70] =	vst v1  }
0x19: {  	[tilespmem:s16+$0x200] =	vst v1  }
0x1a: {  	[tilespmem:s16+$0x210] =	vst v1  }
0x1b: {  	[tilespmem:s16+$0x220] =	vst v1  }
0x1c: {  	[tilespmem:s16+$0x230] =	vst v1  }
0x1d: {  	[tilespmem:s16+$0x240] =	vst v1  }
0x1e: {  	[tilespmem:s16+$0x250] =	vst v1  }
0x1f: {  	[tilespmem:s16+$0x260] =	vst v1  }
0x20: {  	[tilespmem:s16+$0x270] =	vst v1  }
0x21: {  	[tilespmem:s16+$0x600] =	vst v1  }
0x22: {  	[tilespmem:s16+$0x610] =	vst v1  }
0x23: {  	[tilespmem:s16+$0x620] =	vst v1  }
0x24: {  	[tilespmem:s16+$0x630] =	vst v1  }
0x25: {  	[tilespmem:s16+$0x640] =	vst v1  }
0x26: {  	[tilespmem:s16+$0x650] =	vst v1  }
0x27: {  	[tilespmem:s16+$0x660] =	vst v1  }
0x28: {  	[tilespmem:s16+$0x670] =	vst v1  }
0x29: {  	[tilespmem:s16+$0xA00] =	vst v1  }
0x2a: {  	[tilespmem:s16+$0xA10] =	vst v1  }
0x2b: {  	[tilespmem:s16+$0xA20] =	vst v1  }
0x2c: {  	[tilespmem:s16+$0xA30] =	vst v1  }
0x2d: {  	[tilespmem:s16+$0xA40] =	vst v1  }
0x2e: {  	[tilespmem:s16+$0xA50] =	vst v1  }
0x2f: {  	[tilespmem:s16+$0xA60] =	vst v1  }
0x30: {  	[tilespmem:s16+$0xA70] =	vst v1  }
0x31: {  	[tilespmem:s16+$0xE00] =	vst v1  }
0x32: {  	[tilespmem:s16+$0xE10] =	vst v1  }
0x33: {  	[tilespmem:s16+$0xE20] =	vst v1  }
0x34: {  	[tilespmem:s16+$0xE30] =	vst v1  }
0x35: {  	[tilespmem:s16+$0xE40] =	vst v1  }
0x36: {  	[tilespmem:s16+$0xE50] =	vst v1  }
0x37: {  	[tilespmem:s16+$0xE60] =	vst v1  }
0x38: {  	[tilespmem:s16+$0xE70] =	vst v1  }
0x39: {  	[tilespmem:s16+$0x5200] =	vst v1  }
0x3a: {  	[tilespmem:s16+$0x5210] =	vst v1  }
0x3b: {  	[tilespmem:s16+$0x5220] =	vst v1  }
0x3c: {  	[tilespmem:s16+$0x5230] =	vst v1  }
0x3d: {  	[tilespmem:s16+$0x5240] =	vst v1  }
0x3e: {  	[tilespmem:s16+$0x5250] =	vst v1  }
0x3f: {  	[tilespmem:s16+$0x5260] =	vst v1  }
0x40: {  	[tilespmem:s16+$0x5270] =	vst v1  }
0x41: {  	[tilespmem:s16+$0x5600] =	vst v1  }
0x42: {  	[tilespmem:s16+$0x5610] =	vst v1  }
0x43: {  	[tilespmem:s16+$0x5620] =	vst v1  }
0x44: {  	[tilespmem:s16+$0x5630] =	vst v1  }
0x45: {  	[tilespmem:s16+$0x5640] =	vst v1  }
0x46: {  	[tilespmem:s16+$0x5650] =	vst v1  }
0x47: {  	[tilespmem:s16+$0x5660] =	vst v1  }
0x48: {  	[tilespmem:s16+$0x5670] =	vst v1  }
0x49: {  	[tilespmem:s16+$0x5A00] =	vst v1  }
0x4a: {  	[tilespmem:s16+$0x5A10] =	vst v1  }
0x4b: {  	[tilespmem:s16+$0x5A20] =	vst v1  }
0x4c: {  	[tilespmem:s16+$0x5A30] =	vst v1  }
0x4d: {  	[tilespmem:s16+$0x5A40] =	vst v1  }
0x4e: {  	[tilespmem:s16+$0x5A50] =	vst v1  }
0x4f: {  	[tilespmem:s16+$0x5A60] =	vst v1  }
0x50: {  	[tilespmem:s16+$0x5A70] =	vst v1  }
0x51: {  	[tilespmem:s16+$0x5E00] =	vst v1  }
0x52: {  	[tilespmem:s16+$0x5E10] =	vst v1  }
0x53: {  	[tilespmem:s16+$0x5E20] =	vst v1  }
0x54: {  	[tilespmem:s16+$0x5E30] =	vst v1  }
0x55: {  	s18 =	simm.s32 $0x200;
	s17 =	simm.s32 $0x80;
	[tilespmem:s16+$0x5E40] =	vst v1  }
0x56: {  	s19 =	sand.u32 $0x7000, s18;
	s18 =	simm.s32 $0x400;
	s20 =	sand.u32 $0x380, s17;
	[tilespmem:s16+$0x5E50] =	vst v1  }
.LBB2_2:
0x57: {  	p0 =	sne.s32 s18, $0x4E00;
	[tilespmem:s16+$0x5E60] =	vst v1;
	s16 =	sor.u32 s20, s19  }
0x58: {  	[tilespmem:s16+$0x5E70] =	vst v1  }
0x59: {  	[tilespmem:s16+$0x200] =	vst v1  }
0x5a: {  	[tilespmem:s16+$0x210] =	vst v1  }
0x5b: {  	[tilespmem:s16+$0x220] =	vst v1  }
0x5c: {  	[tilespmem:s16+$0x230] =	vst v1  }
0x5d: {  	[tilespmem:s16+$0x240] =	vst v1  }
0x5e: {  	[tilespmem:s16+$0x250] =	vst v1  }
0x5f: {  	[tilespmem:s16+$0x260] =	vst v1  }
0x60: {  	[tilespmem:s16+$0x270] =	vst v1  }
0x61: {  	[tilespmem:s16+$0x600] =	vst v1  }
0x62: {  	[tilespmem:s16+$0x610] =	vst v1  }
0x63: {  	[tilespmem:s16+$0x620] =	vst v1  }
0x64: {  	[tilespmem:s16+$0x630] =	vst v1  }
0x65: {  	[tilespmem:s16+$0x640] =	vst v1  }
0x66: {  	[tilespmem:s16+$0x650] =	vst v1  }
0x67: {  	[tilespmem:s16+$0x660] =	vst v1  }
0x68: {  	[tilespmem:s16+$0x670] =	vst v1  }
0x69: {  	[tilespmem:s16+$0xA00] =	vst v1  }
0x6a: {  	[tilespmem:s16+$0xA10] =	vst v1  }
0x6b: {  	[tilespmem:s16+$0xA20] =	vst v1  }
0x6c: {  	[tilespmem:s16+$0xA30] =	vst v1  }
0x6d: {  	[tilespmem:s16+$0xA40] =	vst v1  }
0x6e: {  	[tilespmem:s16+$0xA50] =	vst v1  }
0x6f: {  	[tilespmem:s16+$0xA60] =	vst v1  }
0x70: {  	[tilespmem:s16+$0xA70] =	vst v1  }
0x71: {  	[tilespmem:s16+$0xE00] =	vst v1  }
0x72: {  	[tilespmem:s16+$0xE10] =	vst v1  }
0x73: {  	[tilespmem:s16+$0xE20] =	vst v1  }
0x74: {  	[tilespmem:s16+$0xE30] =	vst v1  }
0x75: {  	[tilespmem:s16+$0xE40] =	vst v1  }
0x76: {  	[tilespmem:s16+$0xE50] =	vst v1  }
0x77: {  	[tilespmem:s16+$0xE60] =	vst v1  }
0x78: {  	[tilespmem:s16+$0xE70] =	vst v1  }
0x79: {  	[tilespmem:s16+$0x5200] =	vst v1  }
0x7a: {  	[tilespmem:s16+$0x5210] =	vst v1  }
0x7b: {  	[tilespmem:s16+$0x5220] =	vst v1  }
0x7c: {  	[tilespmem:s16+$0x5230] =	vst v1  }
0x7d: {  	[tilespmem:s16+$0x5240] =	vst v1  }
0x7e: {  	[tilespmem:s16+$0x5250] =	vst v1  }
0x7f: {  	[tilespmem:s16+$0x5260] =	vst v1  }
0x80: {  	[tilespmem:s16+$0x5270] =	vst v1  }
0x81: {  	[tilespmem:s16+$0x5600] =	vst v1  }
0x82: {  	[tilespmem:s16+$0x5610] =	vst v1  }
0x83: {  	[tilespmem:s16+$0x5620] =	vst v1  }
0x84: {  	[tilespmem:s16+$0x5630] =	vst v1  }
0x85: {  	[tilespmem:s16+$0x5640] =	vst v1  }
0x86: {  	[tilespmem:s16+$0x5650] =	vst v1  }
0x87: {  	[tilespmem:s16+$0x5660] =	vst v1  }
0x88: {  	[tilespmem:s16+$0x5670] =	vst v1  }
0x89: {  	[tilespmem:s16+$0x5A00] =	vst v1  }
0x8a: {  	[tilespmem:s16+$0x5A10] =	vst v1  }
0x8b: {  	[tilespmem:s16+$0x5A20] =	vst v1  }
0x8c: {  	[tilespmem:s16+$0x5A30] =	vst v1  }
0x8d: {  	[tilespmem:s16+$0x5A40] =	vst v1  }
0x8e: {  	[tilespmem:s16+$0x5A50] =	vst v1  }
0x8f: {  	[tilespmem:s16+$0x5A60] =	vst v1  }
0x90: {  	[tilespmem:s16+$0x5A70] =	vst v1  }
0x91: {  	[tilespmem:s16+$0x5E00] =	vst v1  }
.Ltmp2:
0x92: {  	[tilespmem:s16+$0x5E10] =	vst v1;
	(pc) =	sbr.rel @p0 .LBB2_2-.Ltmp2, $4  }
0x93: {  	[tilespmem:s16+$0x5E20] =	vst v1  }
0x94: {  	[tilespmem:s16+$0x5E30] =	vst v1  }
0x95: {  	s17 =	sadd.s32 $0x80, s17;
	[tilespmem:s16+$0x5E40] =	vst v1  }
0x96: {  	s19 =	sand.u32 $0x7000, s18;
	s18 =	sadd.s32 $0x200, s18;
	s20 =	sand.u32 $0x380, s17;
	[tilespmem:s16+$0x5E50] =	vst v1  }
0x97: {  	s17 =	sor.u32 s20, s19;
	[tilespmem:s16+$0x5E60] =	vst v1  }
0x98: {  	[tilespmem:s17+$0x5E70] =	vst v1  }
0x99: {  	[tilespmem:s17+$0x200] =	vst v1  }
0x9a: {  	[tilespmem:s17+$0x210] =	vst v1  }
0x9b: {  	[tilespmem:s17+$0x220] =	vst v1  }
0x9c: {  	[tilespmem:s17+$0x230] =	vst v1  }
0x9d: {  	[tilespmem:s17+$0x240] =	vst v1  }
0x9e: {  	[tilespmem:s17+$0x250] =	vst v1  }
0x9f: {  	[tilespmem:s17+$0x260] =	vst v1  }
0xa0: {  	[tilespmem:s17+$0x270] =	vst v1  }
0xa1: {  	[tilespmem:s17+$0x600] =	vst v1  }
0xa2: {  	[tilespmem:s17+$0x610] =	vst v1  }
0xa3: {  	[tilespmem:s17+$0x620] =	vst v1  }
0xa4: {  	[tilespmem:s17+$0x630] =	vst v1  }
0xa5: {  	[tilespmem:s17+$0x640] =	vst v1  }
0xa6: {  	[tilespmem:s17+$0x650] =	vst v1  }
0xa7: {  	[tilespmem:s17+$0x660] =	vst v1  }
0xa8: {  	[tilespmem:s17+$0x670] =	vst v1  }
0xa9: {  	[tilespmem:s17+$0xA00] =	vst v1  }
0xaa: {  	[tilespmem:s17+$0xA10] =	vst v1  }
0xab: {  	[tilespmem:s17+$0xA20] =	vst v1  }
0xac: {  	[tilespmem:s17+$0xA30] =	vst v1  }
0xad: {  	[tilespmem:s17+$0xA40] =	vst v1  }
0xae: {  	[tilespmem:s17+$0xA50] =	vst v1  }
0xaf: {  	[tilespmem:s17+$0xA60] =	vst v1  }
0xb0: {  	[tilespmem:s17+$0xA70] =	vst v1  }
0xb1: {  	[tilespmem:s17+$0xE00] =	vst v1  }
0xb2: {  	[tilespmem:s17+$0xE10] =	vst v1  }
0xb3: {  	[tilespmem:s17+$0xE20] =	vst v1  }
0xb4: {  	[tilespmem:s17+$0xE30] =	vst v1  }
0xb5: {  	[tilespmem:s17+$0xE40] =	vst v1  }
0xb6: {  	[tilespmem:s17+$0xE50] =	vst v1  }
0xb7: {  	[tilespmem:s17+$0xE60] =	vst v1  }
0xb8: {  	[tilespmem:s17+$0xE70] =	vst v1  }
0xb9: {  	[tilespmem:s17+$0x5200] =	vst v1  }
0xba: {  	[tilespmem:s17+$0x5210] =	vst v1  }
0xbb: {  	[tilespmem:s17+$0x5220] =	vst v1  }
0xbc: {  	[tilespmem:s17+$0x5230] =	vst v1  }
0xbd: {  	[tilespmem:s17+$0x5240] =	vst v1  }
0xbe: {  	[tilespmem:s17+$0x5250] =	vst v1  }
0xbf: {  	[tilespmem:s17+$0x5260] =	vst v1  }
0xc0: {  	[tilespmem:s17+$0x5270] =	vst v1  }
0xc1: {  	[tilespmem:s17+$0x5600] =	vst v1  }
0xc2: {  	[tilespmem:s17+$0x5610] =	vst v1  }
0xc3: {  	[tilespmem:s17+$0x5620] =	vst v1  }
0xc4: {  	[tilespmem:s17+$0x5630] =	vst v1  }
0xc5: {  	[tilespmem:s17+$0x5640] =	vst v1  }
0xc6: {  	[tilespmem:s17+$0x5650] =	vst v1  }
0xc7: {  	[tilespmem:s17+$0x5660] =	vst v1  }
0xc8: {  	[tilespmem:s17+$0x5670] =	vst v1  }
0xc9: {  	[tilespmem:s17+$0x5A00] =	vst v1  }
0xca: {  	[tilespmem:s17+$0x5A10] =	vst v1  }
0xcb: {  	[tilespmem:s17+$0x5A20] =	vst v1  }
0xcc: {  	[tilespmem:s17+$0x5A30] =	vst v1  }
0xcd: {  	[tilespmem:s17+$0x5A40] =	vst v1  }
0xce: {  	[tilespmem:s17+$0x5A50] =	vst v1  }
0xcf: {  	[tilespmem:s17+$0x5A60] =	vst v1  }
0xd0: {  	[tilespmem:s17+$0x5A70] =	vst v1  }
0xd1: {  	[tilespmem:s17+$0x5E00] =	vst v1  }
0xd2: {  	[tilespmem:s17+$0x5E10] =	vst v1  }
0xd3: {  	[tilespmem:s17+$0x5E20] =	vst v1  }
0xd4: {  	[tilespmem:s17+$0x5E30] =	vst v1  }
0xd5: {  	[tilespmem:s17+$0x5E40] =	vst v1  }
0xd6: {  	[tilespmem:s17+$0x5E50] =	vst v1  }
0xd7: {  	[tilespmem:s17+$0x5E60] =	vst v1  }
0xd8: {  	v34 =	vld [tilespmem:$0x0];
	_ =	sdelay $0x4  }
0xd9: {  	vm0 =	vgt.s32 v34, $0x0  }
0xda: {  	v35 =	vnsel vm0, $0x0, v34  }
0xdb: {  	v35 =	vmin.u32 v35, $0x27  }
0xdc: {  	v36 =	vshll.u32 v35, $0x9;
	v35 =	vshll.u32 v35, $0x7  }
0xdd: {  	v36 =	vand.u32 $0x7000, v36;
	v35 =	vand.u32 $0x380, v35  }
0xde: {  	vm9 =	vlt.u32 v34, $0x28;
	v43 =	vor.u32 v36, v35  }
0xdf: {  	v34 =	vor.u32 v0, v43;
	_ =	sdelay $0x4  }
0xe0: {  	[tilespmem:v34+s9+$0x0] =	vst.idx.msk vm9, v2  }
0xe1: {  	v34 =	vld [tilespmem:$0x10];
	_ =	sdelay $0x4  }
0xe2: {  	vm10 =	vgt.s32 v34, $0x0  }
0xe3: {  	v44 =	vnsel vm10, $0x0, v34  }
0xe4: {  	v35 =	vmin.u32 v44, $0x27  }
0xe5: {  	v45 =	vshll.u32 v35, $0x9;
	v35 =	vshll.u32 v35, $0x7  }
0xe6: {  	v36 =	vand.u32 $0x7000, v45;
	v35 =	vand.u32 $0x380, v35  }
0xe7: {  	vm11 =	vlt.u32 v34, $0x28;
	v46 =	vor.u32 v36, v35  }
0xe8: {  	v34 =	vor.u32 v3, v46;
	_ =	sdelay $0x4  }
0xe9: {  	[tilespmem:v34+s9+$0x0] =	vst.idx.msk vm11, v2  }
0xea: {  	v34 =	vld [tilespmem:$0x20];
	_ =	sdelay $0x4  }
0xeb: {  	vm12 =	vgt.s32 v34, $0x0  }
0xec: {  	v47 =	vnsel vm12, $0x0, v34  }
0xed: {  	v35 =	vmin.u32 v47, $0x27  }
0xee: {  	v48 =	vshll.u32 v35, $0x9;
	v35 =	vshll.u32 v35, $0x7  }
0xef: {  	v36 =	vand.u32 $0x7000, v48;
	v35 =	vand.u32 $0x380, v35  }
0xf0: {  	vm13 =	vlt.u32 v34, $0x28;
	v49 =	vor.u32 v36, v35  }
0xf1: {  	v34 =	vor.u32 v4, v49;
	_ =	sdelay $0x4  }
0xf2: {  	[tilespmem:v34+s9+$0x0] =	vst.idx.msk vm13, v2  }
0xf3: {  	v34 =	vld [tilespmem:$0x30];
	_ =	sdelay $0x4  }
0xf4: {  	vm14 =	vgt.s32 v34, $0x0  }
0xf5: {  	v50 =	vnsel vm14, $0x0, v34  }
0xf6: {  	v35 =	vmin.u32 v50, $0x27  }
0xf7: {  	v51 =	vshll.u32 v35, $0x9;
	v35 =	vshll.u32 v35, $0x7  }
0xf8: {  	v36 =	vand.u32 $0x7000, v51;
	v35 =	vand.u32 $0x380, v35  }
0xf9: {  	vm15 =	vlt.u32 v34, $0x28;
	v52 =	vor.u32 v36, v35  }
0xfa: {  	v34 =	vor.u32 v5, v52;
	_ =	sdelay $0x4  }
0xfb: {  	[tilespmem:v34+s9+$0x0] =	vst.idx.msk vm15, v2  }
0xfc: {  	v34 =	vld [tilespmem:$0x40];
	_ =	sdelay $0x4  }
0xfd: {  	vm4 =	vgt.s32 v34, $0x0  }
0xfe: {  	v53 =	vnsel vm4, $0x0, v34  }
0xff: {  	v35 =	vmin.u32 v53, $0x27  }
0x100: {  	v54 =	vshll.u32 v35, $0x9;
	v35 =	vshll.u32 v35, $0x7  }
0x101: {  	v36 =	vand.u32 $0x7000, v54;
	v35 =	vand.u32 $0x380, v35  }
0x102: {  	vm5 =	vlt.u32 v34, $0x28;
	v55 =	vor.u32 v36, v35  }
0x103: {  	v34 =	vor.u32 v6, v55;
	_ =	sdelay $0x4  }
0x104: {  	[tilespmem:v34+s9+$0x0] =	vst.idx.msk vm5, v2  }
0x105: {  	v34 =	vld [tilespmem:$0x50];
	_ =	sdelay $0x4  }
0x106: {  	vm6 =	vgt.s32 v34, $0x0  }
0x107: {  	v56 =	vnsel vm6, $0x0, v34  }
0x108: {  	v35 =	vmin.u32 v56, $0x27  }
0x109: {  	v57 =	vshll.u32 v35, $0x9;
	v35 =	vshll.u32 v35, $0x7  }
0x10a: {  	v36 =	vand.u32 $0x7000, v57;
	v35 =	vand.u32 $0x380, v35  }
0x10b: {  	vm7 =	vlt.u32 v34, $0x28;
	v58 =	vor.u32 v36, v35  }
0x10c: {  	v34 =	vor.u32 v7, v58;
	_ =	sdelay $0x4  }
0x10d: {  	[tilespmem:v34+s9+$0x0] =	vst.idx.msk vm7, v2  }
0x10e: {  	v34 =	vld [tilespmem:$0x60];
	_ =	sdelay $0x4  }
0x10f: {  	vm8 =	vgt.s32 v34, $0x0  }
0x110: {  	v59 =	vnsel vm8, $0x0, v34  }
0x111: {  	v35 =	vmin.u32 v59, $0x27  }
0x112: {  	v60 =	vshll.u32 v35, $0x9;
	v35 =	vshll.u32 v35, $0x7  }
0x113: {  	v36 =	vand.u32 $0x7000, v60;
	v35 =	vand.u32 $0x380, v35  }
0x114: {  	vm9 =	vlt.u32 v34, $0x28;
	v61 =	vor.u32 v36, v35  }
0x115: {  	v34 =	vor.u32 v8, v61;
	_ =	sdelay $0x4  }
0x116: {  	[tilespmem:v34+s9+$0x0] =	vst.idx.msk vm9, v2  }
0x117: {  	v34 =	vld [tilespmem:$0x70];
	_ =	sdelay $0x4  }
0x118: {  	vm10 =	vgt.s32 v34, $0x0  }
0x119: {  	v62 =	vnsel vm10, $0x0, v34  }
0x11a: {  	v35 =	vmin.u32 v62, $0x27  }
0x11b: {  	v63 =	vshll.u32 v35, $0x9;
	v35 =	vshll.u32 v35, $0x7  }
0x11c: {  	v36 =	vand.u32 $0x7000, v63;
	v35 =	vand.u32 $0x380, v35  }
0x11d: {  	vm11 =	vlt.u32 v34, $0x28;
	v40 =	vor.u32 v36, v35  }
0x11e: {  	v34 =	vor.u32 v9, v40;
	_ =	sdelay $0x4  }
0x11f: {  	[tilespmem:v34+s9+$0x0] =	vst.idx.msk vm11, v2  }
0x120: {  	v34 =	vld [tilespmem:$0x80];
	_ =	sdelay $0x4  }
0x121: {  	vm12 =	vgt.s32 v34, $0x0  }
0x122: {  	v41 =	vnsel vm12, $0x0, v34  }
0x123: {  	v35 =	vmin.u32 v41, $0x27  }
0x124: {  	v42 =	vshll.u32 v35, $0x9;
	v35 =	vshll.u32 v35, $0x7  }
0x125: {  	v36 =	vand.u32 $0x7000, v42;
	v35 =	vand.u32 $0x380, v35  }
0x126: {  	vm13 =	vlt.u32 v34, $0x28;
	v43 =	vor.u32 v35, v36  }
0x127: {  	v34 =	vor.u32 v10, v43;
	_ =	sdelay $0x4  }
0x128: {  	[tilespmem:v34+s9+$0x0] =	vst.idx.msk vm13, v2  }
0x129: {  	v34 =	vld [tilespmem:$0x90];
	_ =	sdelay $0x4  }
0x12a: {  	vm14 =	vgt.s32 v34, $0x0  }
0x12b: {  	v44 =	vnsel vm14, $0x0, v34  }
0x12c: {  	v35 =	vmin.u32 v44, $0x27  }
0x12d: {  	v45 =	vshll.u32 v35, $0x9;
	v35 =	vshll.u32 v35, $0x7  }
0x12e: {  	v36 =	vand.u32 $0x7000, v45;
	v35 =	vand.u32 $0x380, v35  }
0x12f: {  	vm15 =	vlt.u32 v34, $0x28;
	v46 =	vor.u32 v35, v36  }
0x130: {  	v34 =	vor.u32 v11, v46;
	_ =	sdelay $0x4  }
0x131: {  	[tilespmem:v34+s9+$0x0] =	vst.idx.msk vm15, v2  }
0x132: {  	v34 =	vld [tilespmem:$0xA0];
	_ =	sdelay $0x4  }
0x133: {  	vm4 =	vgt.s32 v34, $0x0  }
0x134: {  	v47 =	vnsel vm4, $0x0, v34  }
0x135: {  	v35 =	vmin.u32 v47, $0x27  }
0x136: {  	v48 =	vshll.u32 v35, $0x9;
	v35 =	vshll.u32 v35, $0x7  }
0x137: {  	v36 =	vand.u32 $0x7000, v48;
	v35 =	vand.u32 $0x380, v35  }
0x138: {  	vm5 =	vlt.u32 v34, $0x28;
	v49 =	vor.u32 v35, v36  }
0x139: {  	v34 =	vor.u32 v12, v49;
	_ =	sdelay $0x4  }
0x13a: {  	[tilespmem:v34+s9+$0x0] =	vst.idx.msk vm5, v2  }
0x13b: {  	v34 =	vld [tilespmem:$0xB0];
	_ =	sdelay $0x4  }
0x13c: {  	vm6 =	vgt.s32 v34, $0x0  }
0x13d: {  	v50 =	vnsel vm6, $0x0, v34  }
0x13e: {  	v35 =	vmin.u32 v50, $0x27  }
0x13f: {  	v51 =	vshll.u32 v35, $0x9;
	v35 =	vshll.u32 v35, $0x7  }
0x140: {  	v36 =	vand.u32 $0x7000, v51;
	v35 =	vand.u32 $0x380, v35  }
0x141: {  	vm7 =	vlt.u32 v34, $0x28;
	v52 =	vor.u32 v35, v36  }
0x142: {  	v34 =	vor.u32 v13, v52;
	_ =	sdelay $0x4  }
0x143: {  	[tilespmem:v34+s9+$0x0] =	vst.idx.msk vm7, v2  }
0x144: {  	v34 =	vld [tilespmem:$0xC0];
	_ =	sdelay $0x4  }
0x145: {  	vm8 =	vgt.s32 v34, $0x0  }
0x146: {  	v53 =	vnsel vm8, $0x0, v34  }
0x147: {  	v35 =	vmin.u32 v53, $0x27  }
0x148: {  	v54 =	vshll.u32 v35, $0x9;
	v35 =	vshll.u32 v35, $0x7  }
0x149: {  	v36 =	vand.u32 $0x7000, v54;
	v35 =	vand.u32 $0x380, v35  }
0x14a: {  	vm9 =	vlt.u32 v34, $0x28;
	v55 =	vor.u32 v35, v36  }
0x14b: {  	v34 =	vor.u32 v14, v55;
	_ =	sdelay $0x4  }
0x14c: {  	[tilespmem:v34+s9+$0x0] =	vst.idx.msk vm9, v2  }
0x14d: {  	v34 =	vld [tilespmem:$0xD0];
	_ =	sdelay $0x4  }
0x14e: {  	vm10 =	vgt.s32 v34, $0x0  }
0x14f: {  	v56 =	vnsel vm10, $0x0, v34  }
0x150: {  	v35 =	vmin.u32 v56, $0x27  }
0x151: {  	v57 =	vshll.u32 v35, $0x9;
	v35 =	vshll.u32 v35, $0x7  }
0x152: {  	v36 =	vand.u32 $0x7000, v57;
	v35 =	vand.u32 $0x380, v35  }
0x153: {  	vm11 =	vlt.u32 v34, $0x28;
	v58 =	vor.u32 v35, v36  }
0x154: {  	v34 =	vor.u32 v15, v58;
	_ =	sdelay $0x4  }
0x155: {  	[tilespmem:v34+s9+$0x0] =	vst.idx.msk vm11, v2  }
0x156: {  	v34 =	vld [tilespmem:$0xE0];
	_ =	sdelay $0x4  }
0x157: {  	vm12 =	vgt.s32 v34, $0x0  }
0x158: {  	v59 =	vnsel vm12, $0x0, v34  }
0x159: {  	v35 =	vmin.u32 v59, $0x27  }
0x15a: {  	v60 =	vshll.u32 v35, $0x9;
	v35 =	vshll.u32 v35, $0x7  }
0x15b: {  	v36 =	vand.u32 $0x7000, v60;
	v35 =	vand.u32 $0x380, v35  }
0x15c: {  	vm13 =	vlt.u32 v34, $0x28;
	v61 =	vor.u32 v35, v36  }
0x15d: {  	v34 =	vor.u32 v16, v61;
	_ =	sdelay $0x4  }
0x15e: {  	[tilespmem:v34+s9+$0x0] =	vst.idx.msk vm13, v2  }
0x15f: {  	v34 =	vld [tilespmem:$0xF0];
	_ =	sdelay $0x4  }
0x160: {  	vm14 =	vgt.s32 v34, $0x0  }
0x161: {  	v62 =	vnsel vm14, $0x0, v34  }
0x162: {  	v35 =	vmin.u32 v62, $0x27  }
0x163: {  	v63 =	vshll.u32 v35, $0x9;
	v35 =	vshll.u32 v35, $0x7  }
0x164: {  	v36 =	vand.u32 $0x7000, v63;
	v35 =	vand.u32 $0x380, v35  }
0x165: {  	vm15 =	vlt.u32 v34, $0x28;
	v40 =	vor.u32 v35, v36  }
0x166: {  	v34 =	vor.u32 v17, v40;
	_ =	sdelay $0x4  }
0x167: {  	[tilespmem:v34+s9+$0x0] =	vst.idx.msk vm15, v2  }
0x168: {  	v34 =	vld [tilespmem:$0x100];
	_ =	sdelay $0x4  }
0x169: {  	vm4 =	vgt.s32 v34, $0x0  }
0x16a: {  	v41 =	vnsel vm4, $0x0, v34  }
0x16b: {  	v35 =	vmin.u32 v41, $0x27  }
0x16c: {  	v42 =	vshll.u32 v35, $0x9;
	v35 =	vshll.u32 v35, $0x7  }
0x16d: {  	v36 =	vand.u32 $0x7000, v42;
	v35 =	vand.u32 $0x380, v35  }
0x16e: {  	vm5 =	vlt.u32 v34, $0x28;
	v43 =	vor.u32 v35, v36  }
0x16f: {  	v34 =	vor.u32 v18, v43;
	_ =	sdelay $0x4  }
0x170: {  	[tilespmem:v34+s9+$0x0] =	vst.idx.msk vm5, v2  }
0x171: {  	v34 =	vld [tilespmem:$0x110];
	_ =	sdelay $0x4  }
0x172: {  	vm6 =	vgt.s32 v34, $0x0  }
0x173: {  	v44 =	vnsel vm6, $0x0, v34  }
0x174: {  	v35 =	vmin.u32 v44, $0x27  }
0x175: {  	v45 =	vshll.u32 v35, $0x9;
	v35 =	vshll.u32 v35, $0x7  }
0x176: {  	v36 =	vand.u32 $0x7000, v45;
	v35 =	vand.u32 $0x380, v35  }
0x177: {  	vm7 =	vlt.u32 v34, $0x28;
	v46 =	vor.u32 v35, v36  }
0x178: {  	v34 =	vor.u32 v19, v46;
	_ =	sdelay $0x4  }
0x179: {  	[tilespmem:v34+s9+$0x0] =	vst.idx.msk vm7, v2  }
0x17a: {  	v34 =	vld [tilespmem:$0x120];
	_ =	sdelay $0x4  }
0x17b: {  	vm8 =	vgt.s32 v34, $0x0  }
0x17c: {  	v47 =	vnsel vm8, $0x0, v34  }
0x17d: {  	v35 =	vmin.u32 v47, $0x27  }
0x17e: {  	v48 =	vshll.u32 v35, $0x9;
	v35 =	vshll.u32 v35, $0x7  }
0x17f: {  	v36 =	vand.u32 $0x7000, v48;
	v35 =	vand.u32 $0x380, v35  }
0x180: {  	vm9 =	vlt.u32 v34, $0x28;
	v49 =	vor.u32 v35, v36  }
0x181: {  	v34 =	vor.u32 v20, v49;
	_ =	sdelay $0x4  }
0x182: {  	[tilespmem:v34+s9+$0x0] =	vst.idx.msk vm9, v2  }
0x183: {  	v34 =	vld [tilespmem:$0x130];
	_ =	sdelay $0x4  }
0x184: {  	vm10 =	vgt.s32 v34, $0x0  }
0x185: {  	v50 =	vnsel vm10, $0x0, v34  }
0x186: {  	v35 =	vmin.u32 v50, $0x27  }
0x187: {  	v51 =	vshll.u32 v35, $0x9;
	v35 =	vshll.u32 v35, $0x7  }
0x188: {  	v36 =	vand.u32 $0x7000, v51;
	v35 =	vand.u32 $0x380, v35  }
0x189: {  	vm11 =	vlt.u32 v34, $0x28;
	v52 =	vor.u32 v35, v36  }
0x18a: {  	v34 =	vor.u32 v21, v52;
	_ =	sdelay $0x4  }
0x18b: {  	[tilespmem:v34+s9+$0x0] =	vst.idx.msk vm11, v2  }
0x18c: {  	v34 =	vld [tilespmem:$0x140];
	_ =	sdelay $0x4  }
0x18d: {  	vm12 =	vgt.s32 v34, $0x0  }
0x18e: {  	v53 =	vnsel vm12, $0x0, v34  }
0x18f: {  	v35 =	vmin.u32 v53, $0x27  }
0x190: {  	v54 =	vshll.u32 v35, $0x9;
	v35 =	vshll.u32 v35, $0x7  }
0x191: {  	v36 =	vand.u32 $0x7000, v54;
	v35 =	vand.u32 $0x380, v35  }
0x192: {  	vm13 =	vlt.u32 v34, $0x28;
	v55 =	vor.u32 v35, v36  }
0x193: {  	v34 =	vor.u32 v22, v55;
	_ =	sdelay $0x4  }
0x194: {  	[tilespmem:v34+s9+$0x0] =	vst.idx.msk vm13, v2  }
0x195: {  	v34 =	vld [tilespmem:$0x150];
	_ =	sdelay $0x4  }
0x196: {  	vm14 =	vgt.s32 v34, $0x0  }
0x197: {  	v56 =	vnsel vm14, $0x0, v34  }
0x198: {  	v35 =	vmin.u32 v56, $0x27  }
0x199: {  	v57 =	vshll.u32 v35, $0x9;
	v35 =	vshll.u32 v35, $0x7  }
0x19a: {  	v36 =	vand.u32 $0x7000, v57;
	v35 =	vand.u32 $0x380, v35  }
0x19b: {  	vm15 =	vlt.u32 v34, $0x28;
	v58 =	vor.u32 v35, v36  }
0x19c: {  	v34 =	vor.u32 v23, v58;
	_ =	sdelay $0x4  }
0x19d: {  	[tilespmem:v34+s9+$0x0] =	vst.idx.msk vm15, v2  }
0x19e: {  	v34 =	vld [tilespmem:$0x160];
	_ =	sdelay $0x4  }
0x19f: {  	vm4 =	vgt.s32 v34, $0x0  }
0x1a0: {  	v59 =	vnsel vm4, $0x0, v34  }
0x1a1: {  	v35 =	vmin.u32 v59, $0x27  }
0x1a2: {  	v60 =	vshll.u32 v35, $0x9;
	v35 =	vshll.u32 v35, $0x7  }
0x1a3: {  	v36 =	vand.u32 $0x7000, v60;
	v35 =	vand.u32 $0x380, v35  }
0x1a4: {  	vm5 =	vlt.u32 v34, $0x28;
	v61 =	vor.u32 v35, v36  }
0x1a5: {  	v34 =	vor.u32 v24, v61;
	_ =	sdelay $0x4  }
0x1a6: {  	[tilespmem:v34+s9+$0x0] =	vst.idx.msk vm5, v2  }
0x1a7: {  	v34 =	vld [tilespmem:$0x170];
	_ =	sdelay $0x4  }
0x1a8: {  	vm6 =	vgt.s32 v34, $0x0  }
0x1a9: {  	v62 =	vnsel vm6, $0x0, v34  }
0x1aa: {  	v35 =	vmin.u32 v62, $0x27  }
0x1ab: {  	v63 =	vshll.u32 v35, $0x9;
	v35 =	vshll.u32 v35, $0x7  }
0x1ac: {  	v36 =	vand.u32 $0x7000, v63;
	v35 =	vand.u32 $0x380, v35  }
0x1ad: {  	vm7 =	vlt.u32 v34, $0x28;
	v40 =	vor.u32 v35, v36  }
0x1ae: {  	v34 =	vor.u32 v25, v40;
	_ =	sdelay $0x4  }
0x1af: {  	[tilespmem:v34+s9+$0x0] =	vst.idx.msk vm7, v2  }
0x1b0: {  	v34 =	vld [tilespmem:$0x180];
	_ =	sdelay $0x4  }
0x1b1: {  	vm8 =	vgt.s32 v34, $0x0  }
0x1b2: {  	v41 =	vnsel vm8, $0x0, v34  }
0x1b3: {  	v35 =	vmin.u32 v41, $0x27  }
0x1b4: {  	v42 =	vshll.u32 v35, $0x9;
	v35 =	vshll.u32 v35, $0x7  }
0x1b5: {  	v36 =	vand.u32 $0x7000, v42;
	v35 =	vand.u32 $0x380, v35  }
0x1b6: {  	vm9 =	vlt.u32 v34, $0x28;
	v43 =	vor.u32 v35, v36  }
0x1b7: {  	v34 =	vor.u32 v26, v43;
	_ =	sdelay $0x4  }
0x1b8: {  	[tilespmem:v34+s9+$0x0] =	vst.idx.msk vm9, v2  }
0x1b9: {  	v34 =	vld [tilespmem:$0x190];
	_ =	sdelay $0x4  }
0x1ba: {  	vm10 =	vgt.s32 v34, $0x0  }
0x1bb: {  	v44 =	vnsel vm10, $0x0, v34  }
0x1bc: {  	v35 =	vmin.u32 v44, $0x27  }
0x1bd: {  	v45 =	vshll.u32 v35, $0x9;
	v35 =	vshll.u32 v35, $0x7  }
0x1be: {  	v36 =	vand.u32 $0x7000, v45;
	v35 =	vand.u32 $0x380, v35  }
0x1bf: {  	vm11 =	vlt.u32 v34, $0x28;
	v46 =	vor.u32 v35, v36  }
0x1c0: {  	v34 =	vor.u32 v27, v46;
	_ =	sdelay $0x4  }
0x1c1: {  	[tilespmem:v34+s9+$0x0] =	vst.idx.msk vm11, v2  }
0x1c2: {  	v34 =	vld [tilespmem:$0x1A0];
	_ =	sdelay $0x4  }
0x1c3: {  	vm12 =	vgt.s32 v34, $0x0  }
0x1c4: {  	v47 =	vnsel vm12, $0x0, v34  }
0x1c5: {  	v35 =	vmin.u32 v47, $0x27  }
0x1c6: {  	v48 =	vshll.u32 v35, $0x9;
	v35 =	vshll.u32 v35, $0x7  }
0x1c7: {  	v36 =	vand.u32 $0x7000, v48;
	v35 =	vand.u32 $0x380, v35  }
0x1c8: {  	vm13 =	vlt.u32 v34, $0x28;
	v49 =	vor.u32 v35, v36  }
0x1c9: {  	v34 =	vor.u32 v28, v49;
	_ =	sdelay $0x4  }
0x1ca: {  	[tilespmem:v34+s9+$0x0] =	vst.idx.msk vm13, v2  }
0x1cb: {  	v34 =	vld [tilespmem:$0x1B0];
	_ =	sdelay $0x4  }
0x1cc: {  	vm14 =	vgt.s32 v34, $0x0  }
0x1cd: {  	v50 =	vnsel vm14, $0x0, v34  }
0x1ce: {  	v35 =	vmin.u32 v50, $0x27  }
0x1cf: {  	v51 =	vshll.u32 v35, $0x9;
	v35 =	vshll.u32 v35, $0x7  }
0x1d0: {  	v36 =	vand.u32 $0x7000, v51;
	v35 =	vand.u32 $0x380, v35  }
0x1d1: {  	vm15 =	vlt.u32 v34, $0x28;
	v52 =	vor.u32 v35, v36  }
0x1d2: {  	v34 =	vor.u32 v29, v52;
	_ =	sdelay $0x4  }
0x1d3: {  	[tilespmem:v34+s9+$0x0] =	vst.idx.msk vm15, v2  }
0x1d4: {  	v34 =	vld [tilespmem:$0x1C0];
	_ =	sdelay $0x4  }
0x1d5: {  	vm4 =	vgt.s32 v34, $0x0  }
0x1d6: {  	v53 =	vnsel vm4, $0x0, v34  }
0x1d7: {  	v35 =	vmin.u32 v53, $0x27  }
0x1d8: {  	v54 =	vshll.u32 v35, $0x9;
	v35 =	vshll.u32 v35, $0x7  }
0x1d9: {  	v36 =	vand.u32 $0x7000, v54;
	v35 =	vand.u32 $0x380, v35  }
0x1da: {  	vm5 =	vlt.u32 v34, $0x28;
	v55 =	vor.u32 v35, v36  }
0x1db: {  	v34 =	vor.u32 v30, v55;
	_ =	sdelay $0x4  }
0x1dc: {  	[tilespmem:v34+s9+$0x0] =	vst.idx.msk vm5, v2  }
0x1dd: {  	v34 =	vld [tilespmem:$0x1D0];
	_ =	sdelay $0x4  }
0x1de: {  	vm6 =	vgt.s32 v34, $0x0  }
0x1df: {  	v56 =	vnsel vm6, $0x0, v34  }
0x1e0: {  	v35 =	vmin.u32 v56, $0x27  }
0x1e1: {  	v57 =	vshll.u32 v35, $0x9;
	v35 =	vshll.u32 v35, $0x7  }
0x1e2: {  	v36 =	vand.u32 $0x7000, v57;
	v35 =	vand.u32 $0x380, v35  }
0x1e3: {  	vm7 =	vlt.u32 v34, $0x28;
	v58 =	vor.u32 v35, v36  }
0x1e4: {  	v34 =	vor.u32 v31, v58;
	_ =	sdelay $0x4  }
0x1e5: {  	[tilespmem:v34+s9+$0x0] =	vst.idx.msk vm7, v2  }
0x1e6: {  	v34 =	vld [tilespmem:$0x1E0];
	_ =	sdelay $0x4  }
0x1e7: {  	vm8 =	vgt.s32 v34, $0x0  }
0x1e8: {  	v59 =	vnsel vm8, $0x0, v34  }
0x1e9: {  	v35 =	vmin.u32 v59, $0x27  }
0x1ea: {  	v60 =	vshll.u32 v35, $0x9;
	v35 =	vshll.u32 v35, $0x7  }
0x1eb: {  	v36 =	vand.u32 $0x7000, v60;
	v35 =	vand.u32 $0x380, v35  }
0x1ec: {  	vm9 =	vlt.u32 v34, $0x28;
	v61 =	vor.u32 v35, v36  }
0x1ed: {  	v34 =	vor.u32 v32, v61;
	_ =	sdelay $0x4  }
0x1ee: {  	[tilespmem:v34+s9+$0x0] =	vst.idx.msk vm9, v2  }
0x1ef: {  	v34 =	vld [tilespmem:$0x1F0];
	_ =	sdelay $0x4  }
0x1f0: {  	vm10 =	vgt.s32 v34, $0x0  }
0x1f1: {  	v62 =	vnsel vm10, $0x0, v34  }
0x1f2: {  	v35 =	vmin.u32 v62, $0x27  }
0x1f3: {  	v63 =	vshll.u32 v35, $0x9;
	v35 =	vshll.u32 v35, $0x7  }
0x1f4: {  	v36 =	vand.u32 $0x7000, v63;
	v35 =	vand.u32 $0x380, v35  }
0x1f5: {  	vm11 =	vlt.u32 v34, $0x28;
	v40 =	vor.u32 v35, v36  }
0x1f6: {  	v34 =	vor.u32 v33, v40;
	_ =	sdelay $0x4  }
0x1f7: {  	[tilespmem:v34+s9+$0x0] =	vst.idx.msk vm11, v2  }
0x1f8: {  	[hbm4b:s4+s10] =	stream.strided.scatter [tilespmem:s9], [sflag:$0x1], $0x5000, s11, s10, $0x38;
	[tilespmem:$0xA200] =	vst v63  }
0x1f9: {  	v34 =	vld [tilespmem:$0x0];
	_ =	sdelay $0x4  }
0x1fa: {  	v34 =	vadd.s32 $0xFFFFFFD8, v34  }
0x1fb: {  	vm12 =	vgt.s32 v34, $0x0  }
0x1fc: {  	v41 =	vnsel vm12, $0x0, v34  }
0x1fd: {  	v35 =	vmin.u32 v41, $0x27  }
0x1fe: {  	v42 =	vshll.u32 v35, $0x9;
	v35 =	vshll.u32 v35, $0x7  }
0x1ff: {  	v36 =	vand.u32 $0x7000, v42;
	v35 =	vand.u32 $0x380, v35  }
0x200: {  	vm13 =	vlt.u32 v34, $0x28;
	v43 =	vor.u32 v36, v35  }
0x201: {  	v34 =	vor.u32 v0, v43;
	_ =	sdelay $0x4  }
0x202: {  	[tilespmem:v34+s12+$0x0] =	vst.idx.msk vm13, v2  }
0x203: {  	v34 =	vld [tilespmem:$0x10];
	_ =	sdelay $0x4  }
0x204: {  	v34 =	vadd.s32 $0xFFFFFFD8, v34  }
0x205: {  	vm14 =	vgt.s32 v34, $0x0  }
0x206: {  	v44 =	vnsel vm14, $0x0, v34  }
0x207: {  	v35 =	vmin.u32 v44, $0x27  }
0x208: {  	v45 =	vshll.u32 v35, $0x9;
	v35 =	vshll.u32 v35, $0x7  }
0x209: {  	v36 =	vand.u32 $0x7000, v45;
	v35 =	vand.u32 $0x380, v35  }
0x20a: {  	vm15 =	vlt.u32 v34, $0x28;
	v46 =	vor.u32 v36, v35  }
0x20b: {  	v34 =	vor.u32 v3, v46;
	_ =	sdelay $0x4  }
0x20c: {  	[tilespmem:v34+s12+$0x0] =	vst.idx.msk vm15, v2  }
0x20d: {  	v34 =	vld [tilespmem:$0x20];
	_ =	sdelay $0x4  }
0x20e: {  	v34 =	vadd.s32 $0xFFFFFFD8, v34  }
0x20f: {  	vm4 =	vgt.s32 v34, $0x0  }
0x210: {  	v47 =	vnsel vm4, $0x0, v34  }
0x211: {  	v35 =	vmin.u32 v47, $0x27  }
0x212: {  	v48 =	vshll.u32 v35, $0x9;
	v35 =	vshll.u32 v35, $0x7  }
0x213: {  	v36 =	vand.u32 $0x7000, v48;
	v35 =	vand.u32 $0x380, v35  }
0x214: {  	vm5 =	vlt.u32 v34, $0x28;
	v49 =	vor.u32 v36, v35  }
0x215: {  	v34 =	vor.u32 v4, v49;
	_ =	sdelay $0x4  }
0x216: {  	[tilespmem:v34+s12+$0x0] =	vst.idx.msk vm5, v2  }
0x217: {  	v34 =	vld [tilespmem:$0x30];
	_ =	sdelay $0x4  }
0x218: {  	v34 =	vadd.s32 $0xFFFFFFD8, v34  }
0x219: {  	vm6 =	vgt.s32 v34, $0x0  }
0x21a: {  	v50 =	vnsel vm6, $0x0, v34  }
0x21b: {  	v35 =	vmin.u32 v50, $0x27  }
0x21c: {  	v51 =	vshll.u32 v35, $0x9;
	v35 =	vshll.u32 v35, $0x7  }
0x21d: {  	v36 =	vand.u32 $0x7000, v51;
	v35 =	vand.u32 $0x380, v35  }
0x21e: {  	vm7 =	vlt.u32 v34, $0x28;
	v52 =	vor.u32 v36, v35  }
0x21f: {  	v34 =	vor.u32 v5, v52;
	_ =	sdelay $0x4  }
0x220: {  	[tilespmem:v34+s12+$0x0] =	vst.idx.msk vm7, v2  }
0x221: {  	v34 =	vld [tilespmem:$0x40];
	_ =	sdelay $0x4  }
0x222: {  	v34 =	vadd.s32 $0xFFFFFFD8, v34  }
0x223: {  	vm8 =	vgt.s32 v34, $0x0  }
0x224: {  	v53 =	vnsel vm8, $0x0, v34  }
0x225: {  	v35 =	vmin.u32 v53, $0x27  }
0x226: {  	v54 =	vshll.u32 v35, $0x9;
	v35 =	vshll.u32 v35, $0x7  }
0x227: {  	v36 =	vand.u32 $0x7000, v54;
	v35 =	vand.u32 $0x380, v35  }
0x228: {  	vm9 =	vlt.u32 v34, $0x28;
	v55 =	vor.u32 v36, v35  }
0x229: {  	v34 =	vor.u32 v6, v55;
	_ =	sdelay $0x4  }
0x22a: {  	[tilespmem:v34+s12+$0x0] =	vst.idx.msk vm9, v2  }
0x22b: {  	v34 =	vld [tilespmem:$0x50];
	_ =	sdelay $0x4  }
0x22c: {  	v34 =	vadd.s32 $0xFFFFFFD8, v34  }
0x22d: {  	vm10 =	vgt.s32 v34, $0x0  }
0x22e: {  	v56 =	vnsel vm10, $0x0, v34  }
0x22f: {  	v35 =	vmin.u32 v56, $0x27  }
0x230: {  	v57 =	vshll.u32 v35, $0x9;
	v35 =	vshll.u32 v35, $0x7  }
0x231: {  	v36 =	vand.u32 $0x7000, v57;
	v35 =	vand.u32 $0x380, v35  }
0x232: {  	vm11 =	vlt.u32 v34, $0x28;
	v58 =	vor.u32 v36, v35  }
0x233: {  	v34 =	vor.u32 v7, v58;
	_ =	sdelay $0x4  }
0x234: {  	[tilespmem:v34+s12+$0x0] =	vst.idx.msk vm11, v2  }
0x235: {  	v34 =	vld [tilespmem:$0x60];
	_ =	sdelay $0x4  }
0x236: {  	v34 =	vadd.s32 $0xFFFFFFD8, v34  }
0x237: {  	vm12 =	vgt.s32 v34, $0x0  }
0x238: {  	v59 =	vnsel vm12, $0x0, v34  }
0x239: {  	v35 =	vmin.u32 v59, $0x27  }
0x23a: {  	v60 =	vshll.u32 v35, $0x9;
	v35 =	vshll.u32 v35, $0x7  }
0x23b: {  	v36 =	vand.u32 $0x7000, v60;
	v35 =	vand.u32 $0x380, v35  }
0x23c: {  	vm13 =	vlt.u32 v34, $0x28;
	v61 =	vor.u32 v36, v35  }
0x23d: {  	v34 =	vor.u32 v8, v61;
	_ =	sdelay $0x4  }
0x23e: {  	[tilespmem:v34+s12+$0x0] =	vst.idx.msk vm13, v2  }
0x23f: {  	v34 =	vld [tilespmem:$0x70];
	_ =	sdelay $0x4  }
0x240: {  	v34 =	vadd.s32 $0xFFFFFFD8, v34  }
0x241: {  	vm14 =	vgt.s32 v34, $0x0  }
0x242: {  	v62 =	vnsel vm14, $0x0, v34  }
0x243: {  	v35 =	vmin.u32 v62, $0x27  }
0x244: {  	v63 =	vshll.u32 v35, $0x9;
	v35 =	vshll.u32 v35, $0x7  }
0x245: {  	v36 =	vand.u32 $0x7000, v63;
	v35 =	vand.u32 $0x380, v35  }
0x246: {  	vm15 =	vlt.u32 v34, $0x28;
	v40 =	vor.u32 v36, v35  }
0x247: {  	v34 =	vor.u32 v9, v40;
	_ =	sdelay $0x4  }
0x248: {  	[tilespmem:v34+s12+$0x0] =	vst.idx.msk vm15, v2  }
0x249: {  	v34 =	vld [tilespmem:$0x80];
	_ =	sdelay $0x4  }
0x24a: {  	v34 =	vadd.s32 $0xFFFFFFD8, v34  }
0x24b: {  	vm4 =	vgt.s32 v34, $0x0  }
0x24c: {  	v41 =	vnsel vm4, $0x0, v34  }
0x24d: {  	v35 =	vmin.u32 v41, $0x27  }
0x24e: {  	v42 =	vshll.u32 v35, $0x9;
	v35 =	vshll.u32 v35, $0x7  }
0x24f: {  	v36 =	vand.u32 $0x7000, v42;
	v35 =	vand.u32 $0x380, v35  }
0x250: {  	vm5 =	vlt.u32 v34, $0x28;
	v43 =	vor.u32 v35, v36  }
0x251: {  	v34 =	vor.u32 v10, v43;
	_ =	sdelay $0x4  }
0x252: {  	[tilespmem:v34+s12+$0x0] =	vst.idx.msk vm5, v2  }
0x253: {  	v34 =	vld [tilespmem:$0x90];
	_ =	sdelay $0x4  }
0x254: {  	v34 =	vadd.s32 $0xFFFFFFD8, v34  }
0x255: {  	vm6 =	vgt.s32 v34, $0x0  }
0x256: {  	v44 =	vnsel vm6, $0x0, v34  }
0x257: {  	v35 =	vmin.u32 v44, $0x27  }
0x258: {  	v45 =	vshll.u32 v35, $0x9;
	v35 =	vshll.u32 v35, $0x7  }
0x259: {  	v36 =	vand.u32 $0x7000, v45;
	v35 =	vand.u32 $0x380, v35  }
0x25a: {  	vm7 =	vlt.u32 v34, $0x28;
	v46 =	vor.u32 v35, v36  }
0x25b: {  	v34 =	vor.u32 v11, v46;
	_ =	sdelay $0x4  }
0x25c: {  	[tilespmem:v34+s12+$0x0] =	vst.idx.msk vm7, v2  }
0x25d: {  	v34 =	vld [tilespmem:$0xA0];
	_ =	sdelay $0x4  }
0x25e: {  	v34 =	vadd.s32 $0xFFFFFFD8, v34  }
0x25f: {  	vm8 =	vgt.s32 v34, $0x0  }
0x260: {  	v47 =	vnsel vm8, $0x0, v34  }
0x261: {  	v35 =	vmin.u32 v47, $0x27  }
0x262: {  	v48 =	vshll.u32 v35, $0x9;
	v35 =	vshll.u32 v35, $0x7  }
0x263: {  	v36 =	vand.u32 $0x7000, v48;
	v35 =	vand.u32 $0x380, v35  }
0x264: {  	vm9 =	vlt.u32 v34, $0x28;
	v49 =	vor.u32 v35, v36  }
0x265: {  	v34 =	vor.u32 v12, v49;
	_ =	sdelay $0x4  }
0x266: {  	[tilespmem:v34+s12+$0x0] =	vst.idx.msk vm9, v2  }
0x267: {  	v34 =	vld [tilespmem:$0xB0];
	_ =	sdelay $0x4  }
0x268: {  	v34 =	vadd.s32 $0xFFFFFFD8, v34  }
0x269: {  	vm10 =	vgt.s32 v34, $0x0  }
0x26a: {  	v50 =	vnsel vm10, $0x0, v34  }
0x26b: {  	v35 =	vmin.u32 v50, $0x27  }
0x26c: {  	v51 =	vshll.u32 v35, $0x9;
	v35 =	vshll.u32 v35, $0x7  }
0x26d: {  	v36 =	vand.u32 $0x7000, v51;
	v35 =	vand.u32 $0x380, v35  }
0x26e: {  	vm11 =	vlt.u32 v34, $0x28;
	v52 =	vor.u32 v35, v36  }
0x26f: {  	v34 =	vor.u32 v13, v52;
	_ =	sdelay $0x4  }
0x270: {  	[tilespmem:v34+s12+$0x0] =	vst.idx.msk vm11, v2  }
0x271: {  	v34 =	vld [tilespmem:$0xC0];
	_ =	sdelay $0x4  }
0x272: {  	v34 =	vadd.s32 $0xFFFFFFD8, v34  }
0x273: {  	vm12 =	vgt.s32 v34, $0x0  }
0x274: {  	v53 =	vnsel vm12, $0x0, v34  }
0x275: {  	v35 =	vmin.u32 v53, $0x27  }
0x276: {  	v54 =	vshll.u32 v35, $0x9;
	v35 =	vshll.u32 v35, $0x7  }
0x277: {  	v36 =	vand.u32 $0x7000, v54;
	v35 =	vand.u32 $0x380, v35  }
0x278: {  	vm13 =	vlt.u32 v34, $0x28;
	v55 =	vor.u32 v35, v36  }
0x279: {  	v34 =	vor.u32 v14, v55;
	_ =	sdelay $0x4  }
0x27a: {  	[tilespmem:v34+s12+$0x0] =	vst.idx.msk vm13, v2  }
0x27b: {  	v34 =	vld [tilespmem:$0xD0];
	_ =	sdelay $0x4  }
0x27c: {  	v34 =	vadd.s32 $0xFFFFFFD8, v34  }
0x27d: {  	vm14 =	vgt.s32 v34, $0x0  }
0x27e: {  	v56 =	vnsel vm14, $0x0, v34  }
0x27f: {  	v35 =	vmin.u32 v56, $0x27  }
0x280: {  	v57 =	vshll.u32 v35, $0x9;
	v35 =	vshll.u32 v35, $0x7  }
0x281: {  	v36 =	vand.u32 $0x7000, v57;
	v35 =	vand.u32 $0x380, v35  }
0x282: {  	vm15 =	vlt.u32 v34, $0x28;
	v58 =	vor.u32 v35, v36  }
0x283: {  	v34 =	vor.u32 v15, v58;
	_ =	sdelay $0x4  }
0x284: {  	[tilespmem:v34+s12+$0x0] =	vst.idx.msk vm15, v2  }
0x285: {  	v34 =	vld [tilespmem:$0xE0];
	_ =	sdelay $0x4  }
0x286: {  	v34 =	vadd.s32 $0xFFFFFFD8, v34  }
0x287: {  	vm4 =	vgt.s32 v34, $0x0  }
0x288: {  	v59 =	vnsel vm4, $0x0, v34  }
0x289: {  	v35 =	vmin.u32 v59, $0x27  }
0x28a: {  	v60 =	vshll.u32 v35, $0x9;
	v35 =	vshll.u32 v35, $0x7  }
0x28b: {  	v36 =	vand.u32 $0x7000, v60;
	v35 =	vand.u32 $0x380, v35  }
0x28c: {  	vm5 =	vlt.u32 v34, $0x28;
	v61 =	vor.u32 v35, v36  }
0x28d: {  	v34 =	vor.u32 v16, v61;
	_ =	sdelay $0x4  }
0x28e: {  	[tilespmem:v34+s12+$0x0] =	vst.idx.msk vm5, v2  }
0x28f: {  	v34 =	vld [tilespmem:$0xF0];
	_ =	sdelay $0x4  }
0x290: {  	v34 =	vadd.s32 $0xFFFFFFD8, v34  }
0x291: {  	vm6 =	vgt.s32 v34, $0x0  }
0x292: {  	v62 =	vnsel vm6, $0x0, v34  }
0x293: {  	v35 =	vmin.u32 v62, $0x27  }
0x294: {  	v63 =	vshll.u32 v35, $0x9;
	v35 =	vshll.u32 v35, $0x7  }
0x295: {  	v36 =	vand.u32 $0x7000, v63;
	v35 =	vand.u32 $0x380, v35  }
0x296: {  	vm7 =	vlt.u32 v34, $0x28;
	v40 =	vor.u32 v35, v36  }
0x297: {  	v34 =	vor.u32 v17, v40;
	_ =	sdelay $0x4  }
0x298: {  	[tilespmem:v34+s12+$0x0] =	vst.idx.msk vm7, v2  }
0x299: {  	v34 =	vld [tilespmem:$0x100];
	_ =	sdelay $0x4  }
0x29a: {  	v34 =	vadd.s32 $0xFFFFFFD8, v34  }
0x29b: {  	vm8 =	vgt.s32 v34, $0x0  }
0x29c: {  	v41 =	vnsel vm8, $0x0, v34  }
0x29d: {  	v35 =	vmin.u32 v41, $0x27  }
0x29e: {  	v42 =	vshll.u32 v35, $0x9;
	v35 =	vshll.u32 v35, $0x7  }
0x29f: {  	v36 =	vand.u32 $0x7000, v42;
	v35 =	vand.u32 $0x380, v35  }
0x2a0: {  	vm9 =	vlt.u32 v34, $0x28;
	v43 =	vor.u32 v35, v36  }
0x2a1: {  	v34 =	vor.u32 v18, v43;
	_ =	sdelay $0x4  }
0x2a2: {  	[tilespmem:v34+s12+$0x0] =	vst.idx.msk vm9, v2  }
0x2a3: {  	v34 =	vld [tilespmem:$0x110];
	_ =	sdelay $0x4  }
0x2a4: {  	v34 =	vadd.s32 $0xFFFFFFD8, v34  }
0x2a5: {  	vm10 =	vgt.s32 v34, $0x0  }
0x2a6: {  	v44 =	vnsel vm10, $0x0, v34  }
0x2a7: {  	v35 =	vmin.u32 v44, $0x27  }
0x2a8: {  	v45 =	vshll.u32 v35, $0x9;
	v35 =	vshll.u32 v35, $0x7  }
0x2a9: {  	v36 =	vand.u32 $0x7000, v45;
	v35 =	vand.u32 $0x380, v35  }
0x2aa: {  	vm11 =	vlt.u32 v34, $0x28;
	v46 =	vor.u32 v35, v36  }
0x2ab: {  	v34 =	vor.u32 v19, v46;
	_ =	sdelay $0x4  }
0x2ac: {  	[tilespmem:v34+s12+$0x0] =	vst.idx.msk vm11, v2  }
0x2ad: {  	v34 =	vld [tilespmem:$0x120];
	_ =	sdelay $0x4  }
0x2ae: {  	v34 =	vadd.s32 $0xFFFFFFD8, v34  }
0x2af: {  	vm12 =	vgt.s32 v34, $0x0  }
0x2b0: {  	v47 =	vnsel vm12, $0x0, v34  }
0x2b1: {  	v35 =	vmin.u32 v47, $0x27  }
0x2b2: {  	v48 =	vshll.u32 v35, $0x9;
	v35 =	vshll.u32 v35, $0x7  }
0x2b3: {  	v36 =	vand.u32 $0x7000, v48;
	v35 =	vand.u32 $0x380, v35  }
0x2b4: {  	vm13 =	vlt.u32 v34, $0x28;
	v49 =	vor.u32 v35, v36  }
0x2b5: {  	v34 =	vor.u32 v20, v49;
	_ =	sdelay $0x4  }
0x2b6: {  	[tilespmem:v34+s12+$0x0] =	vst.idx.msk vm13, v2  }
0x2b7: {  	v34 =	vld [tilespmem:$0x130];
	_ =	sdelay $0x4  }
0x2b8: {  	v34 =	vadd.s32 $0xFFFFFFD8, v34  }
0x2b9: {  	vm14 =	vgt.s32 v34, $0x0  }
0x2ba: {  	v50 =	vnsel vm14, $0x0, v34  }
0x2bb: {  	v35 =	vmin.u32 v50, $0x27  }
0x2bc: {  	v51 =	vshll.u32 v35, $0x9;
	v35 =	vshll.u32 v35, $0x7  }
0x2bd: {  	v36 =	vand.u32 $0x7000, v51;
	v35 =	vand.u32 $0x380, v35  }
0x2be: {  	vm15 =	vlt.u32 v34, $0x28;
	v52 =	vor.u32 v35, v36  }
0x2bf: {  	v34 =	vor.u32 v21, v52;
	_ =	sdelay $0x4  }
0x2c0: {  	[tilespmem:v34+s12+$0x0] =	vst.idx.msk vm15, v2  }
0x2c1: {  	v34 =	vld [tilespmem:$0x140];
	_ =	sdelay $0x4  }
0x2c2: {  	v34 =	vadd.s32 $0xFFFFFFD8, v34  }
0x2c3: {  	vm4 =	vgt.s32 v34, $0x0  }
0x2c4: {  	v53 =	vnsel vm4, $0x0, v34  }
0x2c5: {  	v35 =	vmin.u32 v53, $0x27  }
0x2c6: {  	v54 =	vshll.u32 v35, $0x9;
	v35 =	vshll.u32 v35, $0x7  }
0x2c7: {  	v36 =	vand.u32 $0x7000, v54;
	v35 =	vand.u32 $0x380, v35  }
0x2c8: {  	vm5 =	vlt.u32 v34, $0x28;
	v55 =	vor.u32 v35, v36  }
0x2c9: {  	v34 =	vor.u32 v22, v55;
	_ =	sdelay $0x4  }
0x2ca: {  	[tilespmem:v34+s12+$0x0] =	vst.idx.msk vm5, v2  }
0x2cb: {  	v34 =	vld [tilespmem:$0x150];
	_ =	sdelay $0x4  }
0x2cc: {  	v34 =	vadd.s32 $0xFFFFFFD8, v34  }
0x2cd: {  	vm6 =	vgt.s32 v34, $0x0  }
0x2ce: {  	v56 =	vnsel vm6, $0x0, v34  }
0x2cf: {  	v35 =	vmin.u32 v56, $0x27  }
0x2d0: {  	v57 =	vshll.u32 v35, $0x9;
	v35 =	vshll.u32 v35, $0x7  }
0x2d1: {  	v36 =	vand.u32 $0x7000, v57;
	v35 =	vand.u32 $0x380, v35  }
0x2d2: {  	vm7 =	vlt.u32 v34, $0x28;
	v58 =	vor.u32 v35, v36  }
0x2d3: {  	v34 =	vor.u32 v23, v58;
	_ =	sdelay $0x4  }
0x2d4: {  	[tilespmem:v34+s12+$0x0] =	vst.idx.msk vm7, v2  }
0x2d5: {  	v34 =	vld [tilespmem:$0x160];
	_ =	sdelay $0x4  }
0x2d6: {  	v34 =	vadd.s32 $0xFFFFFFD8, v34  }
0x2d7: {  	vm8 =	vgt.s32 v34, $0x0  }
0x2d8: {  	v59 =	vnsel vm8, $0x0, v34  }
0x2d9: {  	v35 =	vmin.u32 v59, $0x27  }
0x2da: {  	v60 =	vshll.u32 v35, $0x9;
	v35 =	vshll.u32 v35, $0x7  }
0x2db: {  	v36 =	vand.u32 $0x7000, v60;
	v35 =	vand.u32 $0x380, v35  }
0x2dc: {  	vm9 =	vlt.u32 v34, $0x28;
	v61 =	vor.u32 v35, v36  }
0x2dd: {  	v34 =	vor.u32 v24, v61;
	_ =	sdelay $0x4  }
0x2de: {  	[tilespmem:v34+s12+$0x0] =	vst.idx.msk vm9, v2  }
0x2df: {  	v34 =	vld [tilespmem:$0x170];
	_ =	sdelay $0x4  }
0x2e0: {  	v34 =	vadd.s32 $0xFFFFFFD8, v34  }
0x2e1: {  	vm10 =	vgt.s32 v34, $0x0  }
0x2e2: {  	v62 =	vnsel vm10, $0x0, v34  }
0x2e3: {  	v35 =	vmin.u32 v62, $0x27  }
0x2e4: {  	v63 =	vshll.u32 v35, $0x9;
	v35 =	vshll.u32 v35, $0x7  }
0x2e5: {  	v36 =	vand.u32 $0x7000, v63;
	v35 =	vand.u32 $0x380, v35  }
0x2e6: {  	vm11 =	vlt.u32 v34, $0x28;
	v39 =	vor.u32 v35, v36  }
0x2e7: {  	v34 =	vor.u32 v25, v39;
	_ =	sdelay $0x4  }
0x2e8: {  	[tilespmem:v34+s12+$0x0] =	vst.idx.msk vm11, v2  }
0x2e9: {  	v34 =	vld [tilespmem:$0x180];
	_ =	sdelay $0x4  }
0x2ea: {  	v34 =	vadd.s32 $0xFFFFFFD8, v34  }
0x2eb: {  	vm12 =	vgt.s32 v34, $0x0  }
0x2ec: {  	v40 =	vnsel vm12, $0x0, v34  }
0x2ed: {  	v35 =	vmin.u32 v40, $0x27  }
0x2ee: {  	v41 =	vshll.u32 v35, $0x9;
	v35 =	vshll.u32 v35, $0x7  }
0x2ef: {  	v36 =	vand.u32 $0x7000, v41;
	v35 =	vand.u32 $0x380, v35  }
0x2f0: {  	vm13 =	vlt.u32 v34, $0x28;
	v42 =	vor.u32 v35, v36  }
0x2f1: {  	v34 =	vor.u32 v26, v42;
	_ =	sdelay $0x4  }
0x2f2: {  	[tilespmem:v34+s12+$0x0] =	vst.idx.msk vm13, v2  }
0x2f3: {  	v34 =	vld [tilespmem:$0x190];
	_ =	sdelay $0x4  }
0x2f4: {  	v34 =	vadd.s32 $0xFFFFFFD8, v34  }
0x2f5: {  	vm14 =	vgt.s32 v34, $0x0  }
0x2f6: {  	v43 =	vnsel vm14, $0x0, v34  }
0x2f7: {  	v35 =	vmin.u32 v43, $0x27  }
0x2f8: {  	v44 =	vshll.u32 v35, $0x9;
	v35 =	vshll.u32 v35, $0x7  }
0x2f9: {  	v36 =	vand.u32 $0x7000, v44;
	v35 =	vand.u32 $0x380, v35  }
0x2fa: {  	vm15 =	vlt.u32 v34, $0x28;
	v45 =	vor.u32 v35, v36  }
0x2fb: {  	v34 =	vor.u32 v27, v45;
	_ =	sdelay $0x4  }
0x2fc: {  	[tilespmem:v34+s12+$0x0] =	vst.idx.msk vm15, v2  }
0x2fd: {  	v34 =	vld [tilespmem:$0x1A0];
	_ =	sdelay $0x4  }
0x2fe: {  	v34 =	vadd.s32 $0xFFFFFFD8, v34  }
0x2ff: {  	vm4 =	vgt.s32 v34, $0x0  }
0x300: {  	v46 =	vnsel vm4, $0x0, v34  }
0x301: {  	v35 =	vmin.u32 v46, $0x27  }
0x302: {  	v47 =	vshll.u32 v35, $0x9;
	v35 =	vshll.u32 v35, $0x7  }
0x303: {  	v36 =	vand.u32 $0x7000, v47;
	v35 =	vand.u32 $0x380, v35  }
0x304: {  	vm5 =	vlt.u32 v34, $0x28;
	v48 =	vor.u32 v35, v36  }
0x305: {  	v34 =	vor.u32 v28, v48;
	_ =	sdelay $0x4  }
0x306: {  	[tilespmem:v34+s12+$0x0] =	vst.idx.msk vm5, v2  }
0x307: {  	v34 =	vld [tilespmem:$0x1B0];
	_ =	sdelay $0x4  }
0x308: {  	v34 =	vadd.s32 $0xFFFFFFD8, v34  }
0x309: {  	vm6 =	vgt.s32 v34, $0x0  }
0x30a: {  	v49 =	vnsel vm6, $0x0, v34  }
0x30b: {  	v35 =	vmin.u32 v49, $0x27  }
0x30c: {  	v50 =	vshll.u32 v35, $0x9;
	v35 =	vshll.u32 v35, $0x7  }
0x30d: {  	v36 =	vand.u32 $0x7000, v50;
	v35 =	vand.u32 $0x380, v35  }
0x30e: {  	vm7 =	vlt.u32 v34, $0x28;
	v51 =	vor.u32 v35, v36  }
0x30f: {  	v34 =	vor.u32 v29, v51;
	_ =	sdelay $0x4  }
0x310: {  	[tilespmem:v34+s12+$0x0] =	vst.idx.msk vm7, v2  }
0x311: {  	v34 =	vld [tilespmem:$0x1C0];
	_ =	sdelay $0x4  }
0x312: {  	v34 =	vadd.s32 $0xFFFFFFD8, v34  }
0x313: {  	vm8 =	vgt.s32 v34, $0x0  }
0x314: {  	v52 =	vnsel vm8, $0x0, v34  }
0x315: {  	v35 =	vmin.u32 v52, $0x27  }
0x316: {  	v53 =	vshll.u32 v35, $0x9;
	v35 =	vshll.u32 v35, $0x7  }
0x317: {  	v36 =	vand.u32 $0x7000, v53;
	v35 =	vand.u32 $0x380, v35  }
0x318: {  	vm9 =	vlt.u32 v34, $0x28;
	v54 =	vor.u32 v35, v36  }
0x319: {  	v34 =	vor.u32 v30, v54;
	_ =	sdelay $0x4  }
0x31a: {  	[tilespmem:v34+s12+$0x0] =	vst.idx.msk vm9, v2  }
0x31b: {  	v34 =	vld [tilespmem:$0x1D0];
	_ =	sdelay $0x4  }
0x31c: {  	v34 =	vadd.s32 $0xFFFFFFD8, v34  }
0x31d: {  	vm10 =	vgt.s32 v34, $0x0  }
0x31e: {  	v55 =	vnsel vm10, $0x0, v34  }
0x31f: {  	v35 =	vmin.u32 v55, $0x27  }
0x320: {  	v56 =	vshll.u32 v35, $0x9;
	v35 =	vshll.u32 v35, $0x7  }
0x321: {  	v36 =	vand.u32 $0x7000, v56;
	v35 =	vand.u32 $0x380, v35  }
0x322: {  	vm11 =	vlt.u32 v34, $0x28;
	v57 =	vor.u32 v35, v36  }
0x323: {  	v34 =	vor.u32 v31, v57;
	_ =	sdelay $0x4  }
0x324: {  	[tilespmem:v34+s12+$0x0] =	vst.idx.msk vm11, v2  }
0x325: {  	v34 =	vld [tilespmem:$0x1E0];
	_ =	sdelay $0x4  }
0x326: {  	v34 =	vadd.s32 $0xFFFFFFD8, v34  }
0x327: {  	vm12 =	vgt.s32 v34, $0x0  }
0x328: {  	v58 =	vnsel vm12, $0x0, v34  }
0x329: {  	v35 =	vmin.u32 v58, $0x27  }
0x32a: {  	v59 =	vshll.u32 v35, $0x9;
	v35 =	vshll.u32 v35, $0x7  }
0x32b: {  	v36 =	vand.u32 $0x7000, v59;
	v35 =	vand.u32 $0x380, v35  }
0x32c: {  	vm13 =	vlt.u32 v34, $0x28;
	v60 =	vor.u32 v35, v36  }
0x32d: {  	v34 =	vor.u32 v32, v60;
	_ =	sdelay $0x4  }
0x32e: {  	[tilespmem:v34+s12+$0x0] =	vst.idx.msk vm13, v2  }
0x32f: {  	v34 =	vld [tilespmem:$0x1F0];
	_ =	sdelay $0x4  }
0x330: {  	v34 =	vadd.s32 $0xFFFFFFD8, v34  }
0x331: {  	vm14 =	vgt.s32 v34, $0x0  }
0x332: {  	v61 =	vnsel vm14, $0x0, v34  }
0x333: {  	v35 =	vmin.u32 v61, $0x27  }
0x334: {  	v62 =	vshll.u32 v35, $0x9;
	v35 =	vshll.u32 v35, $0x7  }
0x335: {  	v36 =	vand.u32 $0x7000, v62;
	v35 =	vand.u32 $0x380, v35  }
0x336: {  	vm15 =	vlt.u32 v34, $0x28;
	v63 =	vor.u32 v35, v36  }
0x337: {  	v34 =	vor.u32 v33, v63;
	_ =	sdelay $0x4  }
0x338: {  	s16 =	smov.u32 s7;
	s17 =	simm.s32 $0x0;
	[tilespmem:v34+s12+$0x0] =	vst.idx.msk vm15, v2  }
0x339: {  	[hbm4b:s5+s10] =	stream.strided.scatter [tilespmem:s12], [sflag:$0x2], $0x5000, s11, s10, $0x38;
	[tilespmem:$0xA200] =	vst v63  }
.LBB2_4:
0x33a: {  	_ =	swait.ge [sflag:s13], $0x5000  }
0x33b: {  	[sflag:s13] =	ssyncset.done $0x0  }
0x33c: {  	[sflag:s13] =	ssyncadd.s32 $0xFFFFB000  }
0x33d: {  	v35 =	vld [tilespmem:$0x0];
	_ =	sdelay $0x3  }
0x33e: {  	v34 =	vmov s17  }
0x33f: {  	v35 =	vsub.s32 v35, v34  }
0x340: {  	vm0 =	vgt.s32 v35, $0x0  }
0x341: {  	v36 =	vnsel vm0, $0x0, v35  }
0x342: {  	v36 =	vmin.u32 v36, $0x27  }
0x343: {  	v37 =	vshll.u32 v36, $0x9;
	v36 =	vshll.u32 v36, $0x7  }
0x344: {  	v37 =	vand.u32 $0x7000, v37;
	v36 =	vand.u32 $0x380, v36  }
0x345: {  	vm5 =	vlt.u32 v35, $0x28;
	v44 =	vor.u32 v37, v36  }
0x346: {  	v35 =	vor.u32 v0, v44;
	_ =	sdelay $0x4  }
0x347: {  	[tilespmem:v35+s9+$0x0] =	vst.idx.msk vm5, v1  }
0x348: {  	v35 =	vld [tilespmem:$0x10];
	_ =	sdelay $0x4  }
0x349: {  	v35 =	vsub.s32 v35, v34  }
0x34a: {  	vm6 =	vgt.s32 v35, $0x0  }
0x34b: {  	v45 =	vnsel vm6, $0x0, v35  }
0x34c: {  	v36 =	vmin.u32 v45, $0x27  }
0x34d: {  	v46 =	vshll.u32 v36, $0x9;
	v36 =	vshll.u32 v36, $0x7  }
0x34e: {  	v37 =	vand.u32 $0x7000, v46;
	v36 =	vand.u32 $0x380, v36  }
0x34f: {  	vm7 =	vlt.u32 v35, $0x28;
	v47 =	vor.u32 v37, v36  }
0x350: {  	v35 =	vor.u32 v3, v47;
	_ =	sdelay $0x4  }
0x351: {  	[tilespmem:v35+s9+$0x0] =	vst.idx.msk vm7, v1  }
0x352: {  	v35 =	vld [tilespmem:$0x20];
	_ =	sdelay $0x4  }
0x353: {  	v35 =	vsub.s32 v35, v34  }
0x354: {  	vm8 =	vgt.s32 v35, $0x0  }
0x355: {  	v48 =	vnsel vm8, $0x0, v35  }
0x356: {  	v36 =	vmin.u32 v48, $0x27  }
0x357: {  	v49 =	vshll.u32 v36, $0x9;
	v36 =	vshll.u32 v36, $0x7  }
0x358: {  	v37 =	vand.u32 $0x7000, v49;
	v36 =	vand.u32 $0x380, v36  }
0x359: {  	vm9 =	vlt.u32 v35, $0x28;
	v50 =	vor.u32 v37, v36  }
0x35a: {  	v35 =	vor.u32 v4, v50;
	_ =	sdelay $0x4  }
0x35b: {  	[tilespmem:v35+s9+$0x0] =	vst.idx.msk vm9, v1  }
0x35c: {  	v35 =	vld [tilespmem:$0x30];
	_ =	sdelay $0x4  }
0x35d: {  	v35 =	vsub.s32 v35, v34  }
0x35e: {  	vm10 =	vgt.s32 v35, $0x0  }
0x35f: {  	v51 =	vnsel vm10, $0x0, v35  }
0x360: {  	v36 =	vmin.u32 v51, $0x27  }
0x361: {  	v52 =	vshll.u32 v36, $0x9;
	v36 =	vshll.u32 v36, $0x7  }
0x362: {  	v37 =	vand.u32 $0x7000, v52;
	v36 =	vand.u32 $0x380, v36  }
0x363: {  	vm11 =	vlt.u32 v35, $0x28;
	v53 =	vor.u32 v37, v36  }
0x364: {  	v35 =	vor.u32 v5, v53;
	_ =	sdelay $0x4  }
0x365: {  	[tilespmem:v35+s9+$0x0] =	vst.idx.msk vm11, v1  }
0x366: {  	v35 =	vld [tilespmem:$0x40];
	_ =	sdelay $0x4  }
0x367: {  	v35 =	vsub.s32 v35, v34  }
0x368: {  	vm12 =	vgt.s32 v35, $0x0  }
0x369: {  	v54 =	vnsel vm12, $0x0, v35  }
0x36a: {  	v36 =	vmin.u32 v54, $0x27  }
0x36b: {  	v55 =	vshll.u32 v36, $0x9;
	v36 =	vshll.u32 v36, $0x7  }
0x36c: {  	v37 =	vand.u32 $0x7000, v55;
	v36 =	vand.u32 $0x380, v36  }
0x36d: {  	vm13 =	vlt.u32 v35, $0x28;
	v56 =	vor.u32 v37, v36  }
0x36e: {  	v35 =	vor.u32 v6, v56;
	_ =	sdelay $0x4  }
0x36f: {  	[tilespmem:v35+s9+$0x0] =	vst.idx.msk vm13, v1  }
0x370: {  	v35 =	vld [tilespmem:$0x50];
	_ =	sdelay $0x4  }
0x371: {  	v35 =	vsub.s32 v35, v34  }
0x372: {  	vm14 =	vgt.s32 v35, $0x0  }
0x373: {  	v57 =	vnsel vm14, $0x0, v35  }
0x374: {  	v36 =	vmin.u32 v57, $0x27  }
0x375: {  	v58 =	vshll.u32 v36, $0x9;
	v36 =	vshll.u32 v36, $0x7  }
0x376: {  	v37 =	vand.u32 $0x7000, v58;
	v36 =	vand.u32 $0x380, v36  }
0x377: {  	vm15 =	vlt.u32 v35, $0x28;
	v59 =	vor.u32 v37, v36  }
0x378: {  	v35 =	vor.u32 v7, v59;
	_ =	sdelay $0x4  }
0x379: {  	[tilespmem:v35+s9+$0x0] =	vst.idx.msk vm15, v1  }
0x37a: {  	v35 =	vld [tilespmem:$0x60];
	_ =	sdelay $0x4  }
0x37b: {  	v35 =	vsub.s32 v35, v34  }
0x37c: {  	vm4 =	vgt.s32 v35, $0x0  }
0x37d: {  	v60 =	vnsel vm4, $0x0, v35  }
0x37e: {  	v36 =	vmin.u32 v60, $0x27  }
0x37f: {  	v61 =	vshll.u32 v36, $0x9;
	v36 =	vshll.u32 v36, $0x7  }
0x380: {  	v37 =	vand.u32 $0x7000, v61;
	v36 =	vand.u32 $0x380, v36  }
0x381: {  	vm5 =	vlt.u32 v35, $0x28;
	v62 =	vor.u32 v37, v36  }
0x382: {  	v35 =	vor.u32 v8, v62;
	_ =	sdelay $0x4  }
0x383: {  	[tilespmem:v35+s9+$0x0] =	vst.idx.msk vm5, v1  }
0x384: {  	v35 =	vld [tilespmem:$0x70];
	_ =	sdelay $0x4  }
0x385: {  	v35 =	vsub.s32 v35, v34  }
0x386: {  	vm6 =	vgt.s32 v35, $0x0  }
0x387: {  	v63 =	vnsel vm6, $0x0, v35  }
0x388: {  	v36 =	vmin.u32 v63, $0x27  }
0x389: {  	v40 =	vshll.u32 v36, $0x9;
	v36 =	vshll.u32 v36, $0x7  }
0x38a: {  	v37 =	vand.u32 $0x7000, v40;
	v36 =	vand.u32 $0x380, v36  }
0x38b: {  	vm7 =	vlt.u32 v35, $0x28;
	v41 =	vor.u32 v37, v36  }
0x38c: {  	v35 =	vor.u32 v9, v41;
	_ =	sdelay $0x4  }
0x38d: {  	[tilespmem:v35+s9+$0x0] =	vst.idx.msk vm7, v1  }
0x38e: {  	v35 =	vld [tilespmem:$0x80];
	_ =	sdelay $0x4  }
0x38f: {  	v35 =	vsub.s32 v35, v34  }
0x390: {  	vm8 =	vgt.s32 v35, $0x0  }
0x391: {  	v42 =	vnsel vm8, $0x0, v35  }
0x392: {  	v36 =	vmin.u32 v42, $0x27  }
0x393: {  	v43 =	vshll.u32 v36, $0x9;
	v36 =	vshll.u32 v36, $0x7  }
0x394: {  	v37 =	vand.u32 $0x7000, v43;
	v36 =	vand.u32 $0x380, v36  }
0x395: {  	vm9 =	vlt.u32 v35, $0x28;
	v44 =	vor.u32 v36, v37  }
0x396: {  	v35 =	vor.u32 v10, v44;
	_ =	sdelay $0x4  }
0x397: {  	[tilespmem:v35+s9+$0x0] =	vst.idx.msk vm9, v1  }
0x398: {  	v35 =	vld [tilespmem:$0x90];
	_ =	sdelay $0x4  }
0x399: {  	v35 =	vsub.s32 v35, v34  }
0x39a: {  	vm10 =	vgt.s32 v35, $0x0  }
0x39b: {  	v45 =	vnsel vm10, $0x0, v35  }
0x39c: {  	v36 =	vmin.u32 v45, $0x27  }
0x39d: {  	v46 =	vshll.u32 v36, $0x9;
	v36 =	vshll.u32 v36, $0x7  }
0x39e: {  	v37 =	vand.u32 $0x7000, v46;
	v36 =	vand.u32 $0x380, v36  }
0x39f: {  	vm11 =	vlt.u32 v35, $0x28;
	v47 =	vor.u32 v36, v37  }
0x3a0: {  	v35 =	vor.u32 v11, v47;
	_ =	sdelay $0x4  }
0x3a1: {  	[tilespmem:v35+s9+$0x0] =	vst.idx.msk vm11, v1  }
0x3a2: {  	v35 =	vld [tilespmem:$0xA0];
	_ =	sdelay $0x4  }
0x3a3: {  	v35 =	vsub.s32 v35, v34  }
0x3a4: {  	vm12 =	vgt.s32 v35, $0x0  }
0x3a5: {  	v48 =	vnsel vm12, $0x0, v35  }
0x3a6: {  	v36 =	vmin.u32 v48, $0x27  }
0x3a7: {  	v49 =	vshll.u32 v36, $0x9;
	v36 =	vshll.u32 v36, $0x7  }
0x3a8: {  	v37 =	vand.u32 $0x7000, v49;
	v36 =	vand.u32 $0x380, v36  }
0x3a9: {  	vm13 =	vlt.u32 v35, $0x28;
	v50 =	vor.u32 v36, v37  }
0x3aa: {  	v35 =	vor.u32 v12, v50;
	_ =	sdelay $0x4  }
0x3ab: {  	[tilespmem:v35+s9+$0x0] =	vst.idx.msk vm13, v1  }
0x3ac: {  	v35 =	vld [tilespmem:$0xB0];
	_ =	sdelay $0x4  }
0x3ad: {  	v35 =	vsub.s32 v35, v34  }
0x3ae: {  	vm14 =	vgt.s32 v35, $0x0  }
0x3af: {  	v51 =	vnsel vm14, $0x0, v35  }
0x3b0: {  	v36 =	vmin.u32 v51, $0x27  }
0x3b1: {  	v52 =	vshll.u32 v36, $0x9;
	v36 =	vshll.u32 v36, $0x7  }
0x3b2: {  	v37 =	vand.u32 $0x7000, v52;
	v36 =	vand.u32 $0x380, v36  }
0x3b3: {  	vm15 =	vlt.u32 v35, $0x28;
	v53 =	vor.u32 v36, v37  }
0x3b4: {  	v35 =	vor.u32 v13, v53;
	_ =	sdelay $0x4  }
0x3b5: {  	[tilespmem:v35+s9+$0x0] =	vst.idx.msk vm15, v1  }
0x3b6: {  	v35 =	vld [tilespmem:$0xC0];
	_ =	sdelay $0x4  }
0x3b7: {  	v35 =	vsub.s32 v35, v34  }
0x3b8: {  	vm4 =	vgt.s32 v35, $0x0  }
0x3b9: {  	v54 =	vnsel vm4, $0x0, v35  }
0x3ba: {  	v36 =	vmin.u32 v54, $0x27  }
0x3bb: {  	v55 =	vshll.u32 v36, $0x9;
	v36 =	vshll.u32 v36, $0x7  }
0x3bc: {  	v37 =	vand.u32 $0x7000, v55;
	v36 =	vand.u32 $0x380, v36  }
0x3bd: {  	vm5 =	vlt.u32 v35, $0x28;
	v56 =	vor.u32 v36, v37  }
0x3be: {  	v35 =	vor.u32 v14, v56;
	_ =	sdelay $0x4  }
0x3bf: {  	[tilespmem:v35+s9+$0x0] =	vst.idx.msk vm5, v1  }
0x3c0: {  	v35 =	vld [tilespmem:$0xD0];
	_ =	sdelay $0x4  }
0x3c1: {  	v35 =	vsub.s32 v35, v34  }
0x3c2: {  	vm6 =	vgt.s32 v35, $0x0  }
0x3c3: {  	v57 =	vnsel vm6, $0x0, v35  }
0x3c4: {  	v36 =	vmin.u32 v57, $0x27  }
0x3c5: {  	v58 =	vshll.u32 v36, $0x9;
	v36 =	vshll.u32 v36, $0x7  }
0x3c6: {  	v37 =	vand.u32 $0x7000, v58;
	v36 =	vand.u32 $0x380, v36  }
0x3c7: {  	vm7 =	vlt.u32 v35, $0x28;
	v59 =	vor.u32 v36, v37  }
0x3c8: {  	v35 =	vor.u32 v15, v59;
	_ =	sdelay $0x4  }
0x3c9: {  	[tilespmem:v35+s9+$0x0] =	vst.idx.msk vm7, v1  }
0x3ca: {  	v35 =	vld [tilespmem:$0xE0];
	_ =	sdelay $0x4  }
0x3cb: {  	v35 =	vsub.s32 v35, v34  }
0x3cc: {  	vm8 =	vgt.s32 v35, $0x0  }
0x3cd: {  	v60 =	vnsel vm8, $0x0, v35  }
0x3ce: {  	v36 =	vmin.u32 v60, $0x27  }
0x3cf: {  	v61 =	vshll.u32 v36, $0x9;
	v36 =	vshll.u32 v36, $0x7  }
0x3d0: {  	v37 =	vand.u32 $0x7000, v61;
	v36 =	vand.u32 $0x380, v36  }
0x3d1: {  	vm9 =	vlt.u32 v35, $0x28;
	v62 =	vor.u32 v36, v37  }
0x3d2: {  	v35 =	vor.u32 v16, v62;
	_ =	sdelay $0x4  }
0x3d3: {  	[tilespmem:v35+s9+$0x0] =	vst.idx.msk vm9, v1  }
0x3d4: {  	v35 =	vld [tilespmem:$0xF0];
	_ =	sdelay $0x4  }
0x3d5: {  	v35 =	vsub.s32 v35, v34  }
0x3d6: {  	vm10 =	vgt.s32 v35, $0x0  }
0x3d7: {  	v63 =	vnsel vm10, $0x0, v35  }
0x3d8: {  	v36 =	vmin.u32 v63, $0x27  }
0x3d9: {  	v40 =	vshll.u32 v36, $0x9;
	v36 =	vshll.u32 v36, $0x7  }
0x3da: {  	v37 =	vand.u32 $0x7000, v40;
	v36 =	vand.u32 $0x380, v36  }
0x3db: {  	vm11 =	vlt.u32 v35, $0x28;
	v41 =	vor.u32 v36, v37  }
0x3dc: {  	v35 =	vor.u32 v17, v41;
	_ =	sdelay $0x4  }
0x3dd: {  	[tilespmem:v35+s9+$0x0] =	vst.idx.msk vm11, v1  }
0x3de: {  	v35 =	vld [tilespmem:$0x100];
	_ =	sdelay $0x4  }
0x3df: {  	v35 =	vsub.s32 v35, v34  }
0x3e0: {  	vm12 =	vgt.s32 v35, $0x0  }
0x3e1: {  	v42 =	vnsel vm12, $0x0, v35  }
0x3e2: {  	v36 =	vmin.u32 v42, $0x27  }
0x3e3: {  	v43 =	vshll.u32 v36, $0x9;
	v36 =	vshll.u32 v36, $0x7  }
0x3e4: {  	v37 =	vand.u32 $0x7000, v43;
	v36 =	vand.u32 $0x380, v36  }
0x3e5: {  	vm13 =	vlt.u32 v35, $0x28;
	v44 =	vor.u32 v36, v37  }
0x3e6: {  	v35 =	vor.u32 v18, v44;
	_ =	sdelay $0x4  }
0x3e7: {  	[tilespmem:v35+s9+$0x0] =	vst.idx.msk vm13, v1  }
0x3e8: {  	v35 =	vld [tilespmem:$0x110];
	_ =	sdelay $0x4  }
0x3e9: {  	v35 =	vsub.s32 v35, v34  }
0x3ea: {  	vm14 =	vgt.s32 v35, $0x0  }
0x3eb: {  	v45 =	vnsel vm14, $0x0, v35  }
0x3ec: {  	v36 =	vmin.u32 v45, $0x27  }
0x3ed: {  	v46 =	vshll.u32 v36, $0x9;
	v36 =	vshll.u32 v36, $0x7  }
0x3ee: {  	v37 =	vand.u32 $0x7000, v46;
	v36 =	vand.u32 $0x380, v36  }
0x3ef: {  	vm15 =	vlt.u32 v35, $0x28;
	v47 =	vor.u32 v36, v37  }
0x3f0: {  	v35 =	vor.u32 v19, v47;
	_ =	sdelay $0x4  }
0x3f1: {  	[tilespmem:v35+s9+$0x0] =	vst.idx.msk vm15, v1  }
0x3f2: {  	v35 =	vld [tilespmem:$0x120];
	_ =	sdelay $0x4  }
0x3f3: {  	v35 =	vsub.s32 v35, v34  }
0x3f4: {  	vm4 =	vgt.s32 v35, $0x0  }
0x3f5: {  	v48 =	vnsel vm4, $0x0, v35  }
0x3f6: {  	v36 =	vmin.u32 v48, $0x27  }
0x3f7: {  	v49 =	vshll.u32 v36, $0x9;
	v36 =	vshll.u32 v36, $0x7  }
0x3f8: {  	v37 =	vand.u32 $0x7000, v49;
	v36 =	vand.u32 $0x380, v36  }
0x3f9: {  	vm5 =	vlt.u32 v35, $0x28;
	v50 =	vor.u32 v36, v37  }
0x3fa: {  	v35 =	vor.u32 v20, v50;
	_ =	sdelay $0x4  }
0x3fb: {  	[tilespmem:v35+s9+$0x0] =	vst.idx.msk vm5, v1  }
0x3fc: {  	v35 =	vld [tilespmem:$0x130];
	_ =	sdelay $0x4  }
0x3fd: {  	v35 =	vsub.s32 v35, v34  }
0x3fe: {  	vm6 =	vgt.s32 v35, $0x0  }
0x3ff: {  	v51 =	vnsel vm6, $0x0, v35  }
0x400: {  	v36 =	vmin.u32 v51, $0x27  }
0x401: {  	v52 =	vshll.u32 v36, $0x9;
	v36 =	vshll.u32 v36, $0x7  }
0x402: {  	v37 =	vand.u32 $0x7000, v52;
	v36 =	vand.u32 $0x380, v36  }
0x403: {  	vm7 =	vlt.u32 v35, $0x28;
	v53 =	vor.u32 v36, v37  }
0x404: {  	v35 =	vor.u32 v21, v53;
	_ =	sdelay $0x4  }
0x405: {  	[tilespmem:v35+s9+$0x0] =	vst.idx.msk vm7, v1  }
0x406: {  	v35 =	vld [tilespmem:$0x140];
	_ =	sdelay $0x4  }
0x407: {  	v35 =	vsub.s32 v35, v34  }
0x408: {  	vm8 =	vgt.s32 v35, $0x0  }
0x409: {  	v54 =	vnsel vm8, $0x0, v35  }
0x40a: {  	v36 =	vmin.u32 v54, $0x27  }
0x40b: {  	v55 =	vshll.u32 v36, $0x9;
	v36 =	vshll.u32 v36, $0x7  }
0x40c: {  	v37 =	vand.u32 $0x7000, v55;
	v36 =	vand.u32 $0x380, v36  }
0x40d: {  	vm9 =	vlt.u32 v35, $0x28;
	v56 =	vor.u32 v36, v37  }
0x40e: {  	v35 =	vor.u32 v22, v56;
	_ =	sdelay $0x4  }
0x40f: {  	[tilespmem:v35+s9+$0x0] =	vst.idx.msk vm9, v1  }
0x410: {  	v35 =	vld [tilespmem:$0x150];
	_ =	sdelay $0x4  }
0x411: {  	v35 =	vsub.s32 v35, v34  }
0x412: {  	vm10 =	vgt.s32 v35, $0x0  }
0x413: {  	v57 =	vnsel vm10, $0x0, v35  }
0x414: {  	v36 =	vmin.u32 v57, $0x27  }
0x415: {  	v58 =	vshll.u32 v36, $0x9;
	v36 =	vshll.u32 v36, $0x7  }
0x416: {  	v37 =	vand.u32 $0x7000, v58;
	v36 =	vand.u32 $0x380, v36  }
0x417: {  	vm11 =	vlt.u32 v35, $0x28;
	v59 =	vor.u32 v36, v37  }
0x418: {  	v35 =	vor.u32 v23, v59;
	_ =	sdelay $0x4  }
0x419: {  	[tilespmem:v35+s9+$0x0] =	vst.idx.msk vm11, v1  }
0x41a: {  	v35 =	vld [tilespmem:$0x160];
	_ =	sdelay $0x4  }
0x41b: {  	v35 =	vsub.s32 v35, v34  }
0x41c: {  	vm12 =	vgt.s32 v35, $0x0  }
0x41d: {  	v60 =	vnsel vm12, $0x0, v35  }
0x41e: {  	v36 =	vmin.u32 v60, $0x27  }
0x41f: {  	v61 =	vshll.u32 v36, $0x9;
	v36 =	vshll.u32 v36, $0x7  }
0x420: {  	v37 =	vand.u32 $0x7000, v61;
	v36 =	vand.u32 $0x380, v36  }
0x421: {  	vm13 =	vlt.u32 v35, $0x28;
	v62 =	vor.u32 v36, v37  }
0x422: {  	v35 =	vor.u32 v24, v62;
	_ =	sdelay $0x4  }
0x423: {  	[tilespmem:v35+s9+$0x0] =	vst.idx.msk vm13, v1  }
0x424: {  	v35 =	vld [tilespmem:$0x170];
	_ =	sdelay $0x4  }
0x425: {  	v35 =	vsub.s32 v35, v34  }
0x426: {  	vm14 =	vgt.s32 v35, $0x0  }
0x427: {  	v63 =	vnsel vm14, $0x0, v35  }
0x428: {  	v36 =	vmin.u32 v63, $0x27  }
0x429: {  	v40 =	vshll.u32 v36, $0x9;
	v36 =	vshll.u32 v36, $0x7  }
0x42a: {  	v37 =	vand.u32 $0x7000, v40;
	v36 =	vand.u32 $0x380, v36  }
0x42b: {  	vm15 =	vlt.u32 v35, $0x28;
	v41 =	vor.u32 v36, v37  }
0x42c: {  	v35 =	vor.u32 v25, v41;
	_ =	sdelay $0x4  }
0x42d: {  	[tilespmem:v35+s9+$0x0] =	vst.idx.msk vm15, v1  }
0x42e: {  	v35 =	vld [tilespmem:$0x180];
	_ =	sdelay $0x4  }
0x42f: {  	v35 =	vsub.s32 v35, v34  }
0x430: {  	vm4 =	vgt.s32 v35, $0x0  }
0x431: {  	v42 =	vnsel vm4, $0x0, v35  }
0x432: {  	v36 =	vmin.u32 v42, $0x27  }
0x433: {  	v43 =	vshll.u32 v36, $0x9;
	v36 =	vshll.u32 v36, $0x7  }
0x434: {  	v37 =	vand.u32 $0x7000, v43;
	v36 =	vand.u32 $0x380, v36  }
0x435: {  	vm5 =	vlt.u32 v35, $0x28;
	v44 =	vor.u32 v36, v37  }
0x436: {  	v35 =	vor.u32 v26, v44;
	_ =	sdelay $0x4  }
0x437: {  	[tilespmem:v35+s9+$0x0] =	vst.idx.msk vm5, v1  }
0x438: {  	v35 =	vld [tilespmem:$0x190];
	_ =	sdelay $0x4  }
0x439: {  	v35 =	vsub.s32 v35, v34  }
0x43a: {  	vm6 =	vgt.s32 v35, $0x0  }
0x43b: {  	v45 =	vnsel vm6, $0x0, v35  }
0x43c: {  	v36 =	vmin.u32 v45, $0x27  }
0x43d: {  	v46 =	vshll.u32 v36, $0x9;
	v36 =	vshll.u32 v36, $0x7  }
0x43e: {  	v37 =	vand.u32 $0x7000, v46;
	v36 =	vand.u32 $0x380, v36  }
0x43f: {  	vm7 =	vlt.u32 v35, $0x28;
	v47 =	vor.u32 v36, v37  }
0x440: {  	v35 =	vor.u32 v27, v47;
	_ =	sdelay $0x4  }
0x441: {  	[tilespmem:v35+s9+$0x0] =	vst.idx.msk vm7, v1  }
0x442: {  	v35 =	vld [tilespmem:$0x1A0];
	_ =	sdelay $0x4  }
0x443: {  	v35 =	vsub.s32 v35, v34  }
0x444: {  	vm8 =	vgt.s32 v35, $0x0  }
0x445: {  	v48 =	vnsel vm8, $0x0, v35  }
0x446: {  	v36 =	vmin.u32 v48, $0x27  }
0x447: {  	v49 =	vshll.u32 v36, $0x9;
	v36 =	vshll.u32 v36, $0x7  }
0x448: {  	v37 =	vand.u32 $0x7000, v49;
	v36 =	vand.u32 $0x380, v36  }
0x449: {  	vm9 =	vlt.u32 v35, $0x28;
	v50 =	vor.u32 v36, v37  }
0x44a: {  	v35 =	vor.u32 v28, v50;
	_ =	sdelay $0x4  }
0x44b: {  	[tilespmem:v35+s9+$0x0] =	vst.idx.msk vm9, v1  }
0x44c: {  	v35 =	vld [tilespmem:$0x1B0];
	_ =	sdelay $0x4  }
0x44d: {  	v35 =	vsub.s32 v35, v34  }
0x44e: {  	vm10 =	vgt.s32 v35, $0x0  }
0x44f: {  	v51 =	vnsel vm10, $0x0, v35  }
0x450: {  	v36 =	vmin.u32 v51, $0x27  }
0x451: {  	v52 =	vshll.u32 v36, $0x9;
	v36 =	vshll.u32 v36, $0x7  }
0x452: {  	v37 =	vand.u32 $0x7000, v52;
	v36 =	vand.u32 $0x380, v36  }
0x453: {  	vm11 =	vlt.u32 v35, $0x28;
	v53 =	vor.u32 v36, v37  }
0x454: {  	v35 =	vor.u32 v29, v53;
	_ =	sdelay $0x4  }
0x455: {  	[tilespmem:v35+s9+$0x0] =	vst.idx.msk vm11, v1  }
0x456: {  	v35 =	vld [tilespmem:$0x1C0];
	_ =	sdelay $0x4  }
0x457: {  	v35 =	vsub.s32 v35, v34  }
0x458: {  	vm12 =	vgt.s32 v35, $0x0  }
0x459: {  	v54 =	vnsel vm12, $0x0, v35  }
0x45a: {  	v36 =	vmin.u32 v54, $0x27  }
0x45b: {  	v55 =	vshll.u32 v36, $0x9;
	v36 =	vshll.u32 v36, $0x7  }
0x45c: {  	v37 =	vand.u32 $0x7000, v55;
	v36 =	vand.u32 $0x380, v36  }
0x45d: {  	vm13 =	vlt.u32 v35, $0x28;
	v56 =	vor.u32 v36, v37  }
0x45e: {  	v35 =	vor.u32 v30, v56;
	_ =	sdelay $0x4  }
0x45f: {  	[tilespmem:v35+s9+$0x0] =	vst.idx.msk vm13, v1  }
0x460: {  	v35 =	vld [tilespmem:$0x1D0];
	_ =	sdelay $0x4  }
0x461: {  	v35 =	vsub.s32 v35, v34  }
0x462: {  	vm14 =	vgt.s32 v35, $0x0  }
0x463: {  	v57 =	vnsel vm14, $0x0, v35  }
0x464: {  	v36 =	vmin.u32 v57, $0x27  }
0x465: {  	v58 =	vshll.u32 v36, $0x9;
	v36 =	vshll.u32 v36, $0x7  }
0x466: {  	v37 =	vand.u32 $0x7000, v58;
	v36 =	vand.u32 $0x380, v36  }
0x467: {  	vm15 =	vlt.u32 v35, $0x28;
	v59 =	vor.u32 v36, v37  }
0x468: {  	v35 =	vor.u32 v31, v59;
	_ =	sdelay $0x4  }
0x469: {  	[tilespmem:v35+s9+$0x0] =	vst.idx.msk vm15, v1  }
0x46a: {  	v35 =	vld [tilespmem:$0x1E0];
	_ =	sdelay $0x4  }
0x46b: {  	v35 =	vsub.s32 v35, v34  }
0x46c: {  	vm4 =	vgt.s32 v35, $0x0  }
0x46d: {  	v60 =	vnsel vm4, $0x0, v35  }
0x46e: {  	v36 =	vmin.u32 v60, $0x27  }
0x46f: {  	v61 =	vshll.u32 v36, $0x9;
	v36 =	vshll.u32 v36, $0x7  }
0x470: {  	v37 =	vand.u32 $0x7000, v61;
	v36 =	vand.u32 $0x380, v36  }
0x471: {  	vm5 =	vlt.u32 v35, $0x28;
	v62 =	vor.u32 v36, v37  }
0x472: {  	v35 =	vor.u32 v32, v62;
	_ =	sdelay $0x4  }
0x473: {  	[tilespmem:v35+s9+$0x0] =	vst.idx.msk vm5, v1  }
0x474: {  	v35 =	vld [tilespmem:$0x1F0];
	_ =	sdelay $0x4  }
0x475: {  	v34 =	vsub.s32 v35, v34  }
0x476: {  	vm6 =	vgt.s32 v34, $0x0  }
0x477: {  	v35 =	vnsel vm6, $0x0, v34  }
0x478: {  	v35 =	vmin.u32 v35, $0x27  }
0x479: {  	v63 =	vshll.u32 v35, $0x9;
	v35 =	vshll.u32 v35, $0x7  }
0x47a: {  	v36 =	vand.u32 $0x7000, v63;
	v35 =	vand.u32 $0x380, v35  }
0x47b: {  	vm7 =	vlt.u32 v34, $0x28;
	v40 =	vor.u32 v35, v36  }
0x47c: {  	v34 =	vor.u32 v33, v40;
	_ =	sdelay $0x4  }
0x47d: {  	[tilespmem:v34+s9+$0x0] =	vst.idx.msk vm7, v1  }
0x47e: {  	v41 =	vld [tilespmem:$0x0];
	_ =	sdelay $0x2  }
0x47f: {  	s18 =	sadd.s32 $0x50, s17  }
0x480: {  	v34 =	vmov s18  }
0x481: {  	v35 =	vsub.s32 v41, v34  }
0x482: {  	vm8 =	vgt.s32 v35, $0x0  }
0x483: {  	v42 =	vnsel vm8, $0x0, v35  }
0x484: {  	v36 =	vmin.u32 v42, $0x27  }
0x485: {  	v43 =	vshll.u32 v36, $0x9;
	v36 =	vshll.u32 v36, $0x7  }
0x486: {  	v37 =	vand.u32 $0x7000, v43;
	v36 =	vand.u32 $0x380, v36  }
0x487: {  	vm9 =	vlt.u32 v35, $0x28;
	v44 =	vor.u32 v37, v36  }
0x488: {  	v35 =	vor.u32 v0, v44;
	_ =	sdelay $0x4  }
0x489: {  	[tilespmem:v35+s9+$0x0] =	vst.idx.msk vm9, v2  }
0x48a: {  	v35 =	vld [tilespmem:$0x10];
	_ =	sdelay $0x4  }
0x48b: {  	v35 =	vsub.s32 v35, v34  }
0x48c: {  	vm10 =	vgt.s32 v35, $0x0  }
0x48d: {  	v45 =	vnsel vm10, $0x0, v35  }
0x48e: {  	v36 =	vmin.u32 v45, $0x27  }
0x48f: {  	v46 =	vshll.u32 v36, $0x9;
	v36 =	vshll.u32 v36, $0x7  }
0x490: {  	v37 =	vand.u32 $0x7000, v46;
	v36 =	vand.u32 $0x380, v36  }
0x491: {  	vm11 =	vlt.u32 v35, $0x28;
	v47 =	vor.u32 v37, v36  }
0x492: {  	v35 =	vor.u32 v3, v47;
	_ =	sdelay $0x4  }
0x493: {  	[tilespmem:v35+s9+$0x0] =	vst.idx.msk vm11, v2  }
0x494: {  	v35 =	vld [tilespmem:$0x20];
	_ =	sdelay $0x4  }
0x495: {  	v35 =	vsub.s32 v35, v34  }
0x496: {  	vm12 =	vgt.s32 v35, $0x0  }
0x497: {  	v48 =	vnsel vm12, $0x0, v35  }
0x498: {  	v36 =	vmin.u32 v48, $0x27  }
0x499: {  	v49 =	vshll.u32 v36, $0x9;
	v36 =	vshll.u32 v36, $0x7  }
0x49a: {  	v37 =	vand.u32 $0x7000, v49;
	v36 =	vand.u32 $0x380, v36  }
0x49b: {  	vm13 =	vlt.u32 v35, $0x28;
	v50 =	vor.u32 v37, v36  }
0x49c: {  	v35 =	vor.u32 v4, v50;
	_ =	sdelay $0x4  }
0x49d: {  	[tilespmem:v35+s9+$0x0] =	vst.idx.msk vm13, v2  }
0x49e: {  	v35 =	vld [tilespmem:$0x30];
	_ =	sdelay $0x4  }
0x49f: {  	v35 =	vsub.s32 v35, v34  }
0x4a0: {  	vm14 =	vgt.s32 v35, $0x0  }
0x4a1: {  	v51 =	vnsel vm14, $0x0, v35  }
0x4a2: {  	v36 =	vmin.u32 v51, $0x27  }
0x4a3: {  	v52 =	vshll.u32 v36, $0x9;
	v36 =	vshll.u32 v36, $0x7  }
0x4a4: {  	v37 =	vand.u32 $0x7000, v52;
	v36 =	vand.u32 $0x380, v36  }
0x4a5: {  	vm15 =	vlt.u32 v35, $0x28;
	v53 =	vor.u32 v37, v36  }
0x4a6: {  	v35 =	vor.u32 v5, v53;
	_ =	sdelay $0x4  }
0x4a7: {  	[tilespmem:v35+s9+$0x0] =	vst.idx.msk vm15, v2  }
0x4a8: {  	v35 =	vld [tilespmem:$0x40];
	_ =	sdelay $0x4  }
0x4a9: {  	v35 =	vsub.s32 v35, v34  }
0x4aa: {  	vm4 =	vgt.s32 v35, $0x0  }
0x4ab: {  	v54 =	vnsel vm4, $0x0, v35  }
0x4ac: {  	v36 =	vmin.u32 v54, $0x27  }
0x4ad: {  	v55 =	vshll.u32 v36, $0x9;
	v36 =	vshll.u32 v36, $0x7  }
0x4ae: {  	v37 =	vand.u32 $0x7000, v55;
	v36 =	vand.u32 $0x380, v36  }
0x4af: {  	vm5 =	vlt.u32 v35, $0x28;
	v56 =	vor.u32 v37, v36  }
0x4b0: {  	v35 =	vor.u32 v6, v56;
	_ =	sdelay $0x4  }
0x4b1: {  	[tilespmem:v35+s9+$0x0] =	vst.idx.msk vm5, v2  }
0x4b2: {  	v35 =	vld [tilespmem:$0x50];
	_ =	sdelay $0x4  }
0x4b3: {  	v35 =	vsub.s32 v35, v34  }
0x4b4: {  	vm6 =	vgt.s32 v35, $0x0  }
0x4b5: {  	v57 =	vnsel vm6, $0x0, v35  }
0x4b6: {  	v36 =	vmin.u32 v57, $0x27  }
0x4b7: {  	v58 =	vshll.u32 v36, $0x9;
	v36 =	vshll.u32 v36, $0x7  }
0x4b8: {  	v37 =	vand.u32 $0x7000, v58;
	v36 =	vand.u32 $0x380, v36  }
0x4b9: {  	vm7 =	vlt.u32 v35, $0x28;
	v59 =	vor.u32 v37, v36  }
0x4ba: {  	v35 =	vor.u32 v7, v59;
	_ =	sdelay $0x4  }
0x4bb: {  	[tilespmem:v35+s9+$0x0] =	vst.idx.msk vm7, v2  }
0x4bc: {  	v35 =	vld [tilespmem:$0x60];
	_ =	sdelay $0x4  }
0x4bd: {  	v35 =	vsub.s32 v35, v34  }
0x4be: {  	vm8 =	vgt.s32 v35, $0x0  }
0x4bf: {  	v60 =	vnsel vm8, $0x0, v35  }
0x4c0: {  	v36 =	vmin.u32 v60, $0x27  }
0x4c1: {  	v61 =	vshll.u32 v36, $0x9;
	v36 =	vshll.u32 v36, $0x7  }
0x4c2: {  	v37 =	vand.u32 $0x7000, v61;
	v36 =	vand.u32 $0x380, v36  }
0x4c3: {  	vm9 =	vlt.u32 v35, $0x28;
	v62 =	vor.u32 v37, v36  }
0x4c4: {  	v35 =	vor.u32 v8, v62;
	_ =	sdelay $0x4  }
0x4c5: {  	[tilespmem:v35+s9+$0x0] =	vst.idx.msk vm9, v2  }
0x4c6: {  	v35 =	vld [tilespmem:$0x70];
	_ =	sdelay $0x4  }
0x4c7: {  	v35 =	vsub.s32 v35, v34  }
0x4c8: {  	vm10 =	vgt.s32 v35, $0x0  }
0x4c9: {  	v63 =	vnsel vm10, $0x0, v35  }
0x4ca: {  	v36 =	vmin.u32 v63, $0x27  }
0x4cb: {  	v40 =	vshll.u32 v36, $0x9;
	v36 =	vshll.u32 v36, $0x7  }
0x4cc: {  	v37 =	vand.u32 $0x7000, v40;
	v36 =	vand.u32 $0x380, v36  }
0x4cd: {  	vm11 =	vlt.u32 v35, $0x28;
	v41 =	vor.u32 v37, v36  }
0x4ce: {  	v35 =	vor.u32 v9, v41;
	_ =	sdelay $0x4  }
0x4cf: {  	[tilespmem:v35+s9+$0x0] =	vst.idx.msk vm11, v2  }
0x4d0: {  	v35 =	vld [tilespmem:$0x80];
	_ =	sdelay $0x4  }
0x4d1: {  	v35 =	vsub.s32 v35, v34  }
0x4d2: {  	vm12 =	vgt.s32 v35, $0x0  }
0x4d3: {  	v42 =	vnsel vm12, $0x0, v35  }
0x4d4: {  	v36 =	vmin.u32 v42, $0x27  }
0x4d5: {  	v43 =	vshll.u32 v36, $0x9;
	v36 =	vshll.u32 v36, $0x7  }
0x4d6: {  	v37 =	vand.u32 $0x7000, v43;
	v36 =	vand.u32 $0x380, v36  }
0x4d7: {  	vm13 =	vlt.u32 v35, $0x28;
	v44 =	vor.u32 v36, v37  }
0x4d8: {  	v35 =	vor.u32 v10, v44;
	_ =	sdelay $0x4  }
0x4d9: {  	[tilespmem:v35+s9+$0x0] =	vst.idx.msk vm13, v2  }
0x4da: {  	v35 =	vld [tilespmem:$0x90];
	_ =	sdelay $0x4  }
0x4db: {  	v35 =	vsub.s32 v35, v34  }
0x4dc: {  	vm14 =	vgt.s32 v35, $0x0  }
0x4dd: {  	v45 =	vnsel vm14, $0x0, v35  }
0x4de: {  	v36 =	vmin.u32 v45, $0x27  }
0x4df: {  	v46 =	vshll.u32 v36, $0x9;
	v36 =	vshll.u32 v36, $0x7  }
0x4e0: {  	v37 =	vand.u32 $0x7000, v46;
	v36 =	vand.u32 $0x380, v36  }
0x4e1: {  	vm15 =	vlt.u32 v35, $0x28;
	v47 =	vor.u32 v36, v37  }
0x4e2: {  	v35 =	vor.u32 v11, v47;
	_ =	sdelay $0x4  }
0x4e3: {  	[tilespmem:v35+s9+$0x0] =	vst.idx.msk vm15, v2  }
0x4e4: {  	v35 =	vld [tilespmem:$0xA0];
	_ =	sdelay $0x4  }
0x4e5: {  	v35 =	vsub.s32 v35, v34  }
0x4e6: {  	vm4 =	vgt.s32 v35, $0x0  }
0x4e7: {  	v48 =	vnsel vm4, $0x0, v35  }
0x4e8: {  	v36 =	vmin.u32 v48, $0x27  }
0x4e9: {  	v49 =	vshll.u32 v36, $0x9;
	v36 =	vshll.u32 v36, $0x7  }
0x4ea: {  	v37 =	vand.u32 $0x7000, v49;
	v36 =	vand.u32 $0x380, v36  }
0x4eb: {  	vm5 =	vlt.u32 v35, $0x28;
	v50 =	vor.u32 v36, v37  }
0x4ec: {  	v35 =	vor.u32 v12, v50;
	_ =	sdelay $0x4  }
0x4ed: {  	[tilespmem:v35+s9+$0x0] =	vst.idx.msk vm5, v2  }
0x4ee: {  	v35 =	vld [tilespmem:$0xB0];
	_ =	sdelay $0x4  }
0x4ef: {  	v35 =	vsub.s32 v35, v34  }
0x4f0: {  	vm6 =	vgt.s32 v35, $0x0  }
0x4f1: {  	v51 =	vnsel vm6, $0x0, v35  }
0x4f2: {  	v36 =	vmin.u32 v51, $0x27  }
0x4f3: {  	v52 =	vshll.u32 v36, $0x9;
	v36 =	vshll.u32 v36, $0x7  }
0x4f4: {  	v37 =	vand.u32 $0x7000, v52;
	v36 =	vand.u32 $0x380, v36  }
0x4f5: {  	vm7 =	vlt.u32 v35, $0x28;
	v53 =	vor.u32 v36, v37  }
0x4f6: {  	v35 =	vor.u32 v13, v53;
	_ =	sdelay $0x4  }
0x4f7: {  	[tilespmem:v35+s9+$0x0] =	vst.idx.msk vm7, v2  }
0x4f8: {  	v35 =	vld [tilespmem:$0xC0];
	_ =	sdelay $0x4  }
0x4f9: {  	v35 =	vsub.s32 v35, v34  }
0x4fa: {  	vm8 =	vgt.s32 v35, $0x0  }
0x4fb: {  	v54 =	vnsel vm8, $0x0, v35  }
0x4fc: {  	v36 =	vmin.u32 v54, $0x27  }
0x4fd: {  	v55 =	vshll.u32 v36, $0x9;
	v36 =	vshll.u32 v36, $0x7  }
0x4fe: {  	v37 =	vand.u32 $0x7000, v55;
	v36 =	vand.u32 $0x380, v36  }
0x4ff: {  	vm9 =	vlt.u32 v35, $0x28;
	v56 =	vor.u32 v36, v37  }
0x500: {  	v35 =	vor.u32 v14, v56;
	_ =	sdelay $0x4  }
0x501: {  	[tilespmem:v35+s9+$0x0] =	vst.idx.msk vm9, v2  }
0x502: {  	v35 =	vld [tilespmem:$0xD0];
	_ =	sdelay $0x4  }
0x503: {  	v35 =	vsub.s32 v35, v34  }
0x504: {  	vm10 =	vgt.s32 v35, $0x0  }
0x505: {  	v57 =	vnsel vm10, $0x0, v35  }
0x506: {  	v36 =	vmin.u32 v57, $0x27  }
0x507: {  	v58 =	vshll.u32 v36, $0x9;
	v36 =	vshll.u32 v36, $0x7  }
0x508: {  	v37 =	vand.u32 $0x7000, v58;
	v36 =	vand.u32 $0x380, v36  }
0x509: {  	vm11 =	vlt.u32 v35, $0x28;
	v59 =	vor.u32 v36, v37  }
0x50a: {  	v35 =	vor.u32 v15, v59;
	_ =	sdelay $0x4  }
0x50b: {  	[tilespmem:v35+s9+$0x0] =	vst.idx.msk vm11, v2  }
0x50c: {  	v35 =	vld [tilespmem:$0xE0];
	_ =	sdelay $0x4  }
0x50d: {  	v35 =	vsub.s32 v35, v34  }
0x50e: {  	vm12 =	vgt.s32 v35, $0x0  }
0x50f: {  	v60 =	vnsel vm12, $0x0, v35  }
0x510: {  	v36 =	vmin.u32 v60, $0x27  }
0x511: {  	v61 =	vshll.u32 v36, $0x9;
	v36 =	vshll.u32 v36, $0x7  }
0x512: {  	v37 =	vand.u32 $0x7000, v61;
	v36 =	vand.u32 $0x380, v36  }
0x513: {  	vm13 =	vlt.u32 v35, $0x28;
	v62 =	vor.u32 v36, v37  }
0x514: {  	v35 =	vor.u32 v16, v62;
	_ =	sdelay $0x4  }
0x515: {  	[tilespmem:v35+s9+$0x0] =	vst.idx.msk vm13, v2  }
0x516: {  	v35 =	vld [tilespmem:$0xF0];
	_ =	sdelay $0x4  }
0x517: {  	v35 =	vsub.s32 v35, v34  }
0x518: {  	vm14 =	vgt.s32 v35, $0x0  }
0x519: {  	v63 =	vnsel vm14, $0x0, v35  }
0x51a: {  	v36 =	vmin.u32 v63, $0x27  }
0x51b: {  	v40 =	vshll.u32 v36, $0x9;
	v36 =	vshll.u32 v36, $0x7  }
0x51c: {  	v37 =	vand.u32 $0x7000, v40;
	v36 =	vand.u32 $0x380, v36  }
0x51d: {  	vm15 =	vlt.u32 v35, $0x28;
	v41 =	vor.u32 v36, v37  }
0x51e: {  	v35 =	vor.u32 v17, v41;
	_ =	sdelay $0x4  }
0x51f: {  	[tilespmem:v35+s9+$0x0] =	vst.idx.msk vm15, v2  }
0x520: {  	v35 =	vld [tilespmem:$0x100];
	_ =	sdelay $0x4  }
0x521: {  	v35 =	vsub.s32 v35, v34  }
0x522: {  	vm4 =	vgt.s32 v35, $0x0  }
0x523: {  	v42 =	vnsel vm4, $0x0, v35  }
0x524: {  	v36 =	vmin.u32 v42, $0x27  }
0x525: {  	v43 =	vshll.u32 v36, $0x9;
	v36 =	vshll.u32 v36, $0x7  }
0x526: {  	v37 =	vand.u32 $0x7000, v43;
	v36 =	vand.u32 $0x380, v36  }
0x527: {  	vm5 =	vlt.u32 v35, $0x28;
	v44 =	vor.u32 v36, v37  }
0x528: {  	v35 =	vor.u32 v18, v44;
	_ =	sdelay $0x4  }
0x529: {  	[tilespmem:v35+s9+$0x0] =	vst.idx.msk vm5, v2  }
0x52a: {  	v35 =	vld [tilespmem:$0x110];
	_ =	sdelay $0x4  }
0x52b: {  	v35 =	vsub.s32 v35, v34  }
0x52c: {  	vm6 =	vgt.s32 v35, $0x0  }
0x52d: {  	v45 =	vnsel vm6, $0x0, v35  }
0x52e: {  	v36 =	vmin.u32 v45, $0x27  }
0x52f: {  	v46 =	vshll.u32 v36, $0x9;
	v36 =	vshll.u32 v36, $0x7  }
0x530: {  	v37 =	vand.u32 $0x7000, v46;
	v36 =	vand.u32 $0x380, v36  }
0x531: {  	vm7 =	vlt.u32 v35, $0x28;
	v47 =	vor.u32 v36, v37  }
0x532: {  	v35 =	vor.u32 v19, v47;
	_ =	sdelay $0x4  }
0x533: {  	[tilespmem:v35+s9+$0x0] =	vst.idx.msk vm7, v2  }
0x534: {  	v35 =	vld [tilespmem:$0x120];
	_ =	sdelay $0x4  }
0x535: {  	v35 =	vsub.s32 v35, v34  }
0x536: {  	vm8 =	vgt.s32 v35, $0x0  }
0x537: {  	v48 =	vnsel vm8, $0x0, v35  }
0x538: {  	v36 =	vmin.u32 v48, $0x27  }
0x539: {  	v49 =	vshll.u32 v36, $0x9;
	v36 =	vshll.u32 v36, $0x7  }
0x53a: {  	v37 =	vand.u32 $0x7000, v49;
	v36 =	vand.u32 $0x380, v36  }
0x53b: {  	vm9 =	vlt.u32 v35, $0x28;
	v50 =	vor.u32 v36, v37  }
0x53c: {  	v35 =	vor.u32 v20, v50;
	_ =	sdelay $0x4  }
0x53d: {  	[tilespmem:v35+s9+$0x0] =	vst.idx.msk vm9, v2  }
0x53e: {  	v35 =	vld [tilespmem:$0x130];
	_ =	sdelay $0x4  }
0x53f: {  	v35 =	vsub.s32 v35, v34  }
0x540: {  	vm10 =	vgt.s32 v35, $0x0  }
0x541: {  	v51 =	vnsel vm10, $0x0, v35  }
0x542: {  	v36 =	vmin.u32 v51, $0x27  }
0x543: {  	v52 =	vshll.u32 v36, $0x9;
	v36 =	vshll.u32 v36, $0x7  }
0x544: {  	v37 =	vand.u32 $0x7000, v52;
	v36 =	vand.u32 $0x380, v36  }
0x545: {  	vm11 =	vlt.u32 v35, $0x28;
	v53 =	vor.u32 v36, v37  }
0x546: {  	v35 =	vor.u32 v21, v53;
	_ =	sdelay $0x4  }
0x547: {  	[tilespmem:v35+s9+$0x0] =	vst.idx.msk vm11, v2  }
0x548: {  	v35 =	vld [tilespmem:$0x140];
	_ =	sdelay $0x4  }
0x549: {  	v35 =	vsub.s32 v35, v34  }
0x54a: {  	vm12 =	vgt.s32 v35, $0x0  }
0x54b: {  	v54 =	vnsel vm12, $0x0, v35  }
0x54c: {  	v36 =	vmin.u32 v54, $0x27  }
0x54d: {  	v55 =	vshll.u32 v36, $0x9;
	v36 =	vshll.u32 v36, $0x7  }
0x54e: {  	v37 =	vand.u32 $0x7000, v55;
	v36 =	vand.u32 $0x380, v36  }
0x54f: {  	vm13 =	vlt.u32 v35, $0x28;
	v56 =	vor.u32 v36, v37  }
0x550: {  	v35 =	vor.u32 v22, v56;
	_ =	sdelay $0x4  }
0x551: {  	[tilespmem:v35+s9+$0x0] =	vst.idx.msk vm13, v2  }
0x552: {  	v35 =	vld [tilespmem:$0x150];
	_ =	sdelay $0x4  }
0x553: {  	v35 =	vsub.s32 v35, v34  }
0x554: {  	vm14 =	vgt.s32 v35, $0x0  }
0x555: {  	v57 =	vnsel vm14, $0x0, v35  }
0x556: {  	v36 =	vmin.u32 v57, $0x27  }
0x557: {  	v58 =	vshll.u32 v36, $0x9;
	v36 =	vshll.u32 v36, $0x7  }
0x558: {  	v37 =	vand.u32 $0x7000, v58;
	v36 =	vand.u32 $0x380, v36  }
0x559: {  	vm15 =	vlt.u32 v35, $0x28;
	v59 =	vor.u32 v36, v37  }
0x55a: {  	v35 =	vor.u32 v23, v59;
	_ =	sdelay $0x4  }
0x55b: {  	[tilespmem:v35+s9+$0x0] =	vst.idx.msk vm15, v2  }
0x55c: {  	v35 =	vld [tilespmem:$0x160];
	_ =	sdelay $0x4  }
0x55d: {  	v35 =	vsub.s32 v35, v34  }
0x55e: {  	vm4 =	vgt.s32 v35, $0x0  }
0x55f: {  	v60 =	vnsel vm4, $0x0, v35  }
0x560: {  	v36 =	vmin.u32 v60, $0x27  }
0x561: {  	v61 =	vshll.u32 v36, $0x9;
	v36 =	vshll.u32 v36, $0x7  }
0x562: {  	v37 =	vand.u32 $0x7000, v61;
	v36 =	vand.u32 $0x380, v36  }
0x563: {  	vm5 =	vlt.u32 v35, $0x28;
	v62 =	vor.u32 v36, v37  }
0x564: {  	v35 =	vor.u32 v24, v62;
	_ =	sdelay $0x4  }
0x565: {  	[tilespmem:v35+s9+$0x0] =	vst.idx.msk vm5, v2  }
0x566: {  	v35 =	vld [tilespmem:$0x170];
	_ =	sdelay $0x4  }
0x567: {  	v35 =	vsub.s32 v35, v34  }
0x568: {  	vm6 =	vgt.s32 v35, $0x0  }
0x569: {  	v63 =	vnsel vm6, $0x0, v35  }
0x56a: {  	v36 =	vmin.u32 v63, $0x27  }
0x56b: {  	v40 =	vshll.u32 v36, $0x9;
	v36 =	vshll.u32 v36, $0x7  }
0x56c: {  	v37 =	vand.u32 $0x7000, v40;
	v36 =	vand.u32 $0x380, v36  }
0x56d: {  	vm7 =	vlt.u32 v35, $0x28;
	v41 =	vor.u32 v36, v37  }
0x56e: {  	v35 =	vor.u32 v25, v41;
	_ =	sdelay $0x4  }
0x56f: {  	[tilespmem:v35+s9+$0x0] =	vst.idx.msk vm7, v2  }
0x570: {  	v35 =	vld [tilespmem:$0x180];
	_ =	sdelay $0x4  }
0x571: {  	v35 =	vsub.s32 v35, v34  }
0x572: {  	vm8 =	vgt.s32 v35, $0x0  }
0x573: {  	v42 =	vnsel vm8, $0x0, v35  }
0x574: {  	v36 =	vmin.u32 v42, $0x27  }
0x575: {  	v43 =	vshll.u32 v36, $0x9;
	v36 =	vshll.u32 v36, $0x7  }
0x576: {  	v37 =	vand.u32 $0x7000, v43;
	v36 =	vand.u32 $0x380, v36  }
0x577: {  	vm9 =	vlt.u32 v35, $0x28;
	v44 =	vor.u32 v36, v37  }
0x578: {  	v35 =	vor.u32 v26, v44;
	_ =	sdelay $0x4  }
0x579: {  	[tilespmem:v35+s9+$0x0] =	vst.idx.msk vm9, v2  }
0x57a: {  	v35 =	vld [tilespmem:$0x190];
	_ =	sdelay $0x4  }
0x57b: {  	v35 =	vsub.s32 v35, v34  }
0x57c: {  	vm10 =	vgt.s32 v35, $0x0  }
0x57d: {  	v45 =	vnsel vm10, $0x0, v35  }
0x57e: {  	v36 =	vmin.u32 v45, $0x27  }
0x57f: {  	v46 =	vshll.u32 v36, $0x9;
	v36 =	vshll.u32 v36, $0x7  }
0x580: {  	v37 =	vand.u32 $0x7000, v46;
	v36 =	vand.u32 $0x380, v36  }
0x581: {  	vm11 =	vlt.u32 v35, $0x28;
	v47 =	vor.u32 v36, v37  }
0x582: {  	v35 =	vor.u32 v27, v47;
	_ =	sdelay $0x4  }
0x583: {  	[tilespmem:v35+s9+$0x0] =	vst.idx.msk vm11, v2  }
0x584: {  	v35 =	vld [tilespmem:$0x1A0];
	_ =	sdelay $0x4  }
0x585: {  	v35 =	vsub.s32 v35, v34  }
0x586: {  	vm12 =	vgt.s32 v35, $0x0  }
0x587: {  	v48 =	vnsel vm12, $0x0, v35  }
0x588: {  	v36 =	vmin.u32 v48, $0x27  }
0x589: {  	v49 =	vshll.u32 v36, $0x9;
	v36 =	vshll.u32 v36, $0x7  }
0x58a: {  	v37 =	vand.u32 $0x7000, v49;
	v36 =	vand.u32 $0x380, v36  }
0x58b: {  	vm13 =	vlt.u32 v35, $0x28;
	v50 =	vor.u32 v36, v37  }
0x58c: {  	v35 =	vor.u32 v28, v50;
	_ =	sdelay $0x4  }
0x58d: {  	[tilespmem:v35+s9+$0x0] =	vst.idx.msk vm13, v2  }
0x58e: {  	v35 =	vld [tilespmem:$0x1B0];
	_ =	sdelay $0x4  }
0x58f: {  	v35 =	vsub.s32 v35, v34  }
0x590: {  	vm14 =	vgt.s32 v35, $0x0  }
0x591: {  	v51 =	vnsel vm14, $0x0, v35  }
0x592: {  	v36 =	vmin.u32 v51, $0x27  }
0x593: {  	v52 =	vshll.u32 v36, $0x9;
	v36 =	vshll.u32 v36, $0x7  }
0x594: {  	v37 =	vand.u32 $0x7000, v52;
	v36 =	vand.u32 $0x380, v36  }
0x595: {  	vm15 =	vlt.u32 v35, $0x28;
	v53 =	vor.u32 v36, v37  }
0x596: {  	v35 =	vor.u32 v29, v53;
	_ =	sdelay $0x4  }
0x597: {  	[tilespmem:v35+s9+$0x0] =	vst.idx.msk vm15, v2  }
0x598: {  	v35 =	vld [tilespmem:$0x1C0];
	_ =	sdelay $0x4  }
0x599: {  	v35 =	vsub.s32 v35, v34  }
0x59a: {  	vm4 =	vgt.s32 v35, $0x0  }
0x59b: {  	v54 =	vnsel vm4, $0x0, v35  }
0x59c: {  	v36 =	vmin.u32 v54, $0x27  }
0x59d: {  	v55 =	vshll.u32 v36, $0x9;
	v36 =	vshll.u32 v36, $0x7  }
0x59e: {  	v37 =	vand.u32 $0x7000, v55;
	v36 =	vand.u32 $0x380, v36  }
0x59f: {  	vm5 =	vlt.u32 v35, $0x28;
	v56 =	vor.u32 v36, v37  }
0x5a0: {  	v35 =	vor.u32 v30, v56;
	_ =	sdelay $0x4  }
0x5a1: {  	[tilespmem:v35+s9+$0x0] =	vst.idx.msk vm5, v2  }
0x5a2: {  	v35 =	vld [tilespmem:$0x1D0];
	_ =	sdelay $0x4  }
0x5a3: {  	v35 =	vsub.s32 v35, v34  }
0x5a4: {  	vm6 =	vgt.s32 v35, $0x0  }
0x5a5: {  	v57 =	vnsel vm6, $0x0, v35  }
0x5a6: {  	v36 =	vmin.u32 v57, $0x27  }
0x5a7: {  	v58 =	vshll.u32 v36, $0x9;
	v36 =	vshll.u32 v36, $0x7  }
0x5a8: {  	v37 =	vand.u32 $0x7000, v58;
	v36 =	vand.u32 $0x380, v36  }
0x5a9: {  	vm7 =	vlt.u32 v35, $0x28;
	v59 =	vor.u32 v36, v37  }
0x5aa: {  	v35 =	vor.u32 v31, v59;
	_ =	sdelay $0x4  }
0x5ab: {  	[tilespmem:v35+s9+$0x0] =	vst.idx.msk vm7, v2  }
0x5ac: {  	v35 =	vld [tilespmem:$0x1E0];
	_ =	sdelay $0x4  }
0x5ad: {  	v35 =	vsub.s32 v35, v34  }
0x5ae: {  	vm8 =	vgt.s32 v35, $0x0  }
0x5af: {  	v60 =	vnsel vm8, $0x0, v35  }
0x5b0: {  	v36 =	vmin.u32 v60, $0x27  }
0x5b1: {  	v61 =	vshll.u32 v36, $0x9;
	v36 =	vshll.u32 v36, $0x7  }
0x5b2: {  	v37 =	vand.u32 $0x7000, v61;
	v36 =	vand.u32 $0x380, v36  }
0x5b3: {  	vm9 =	vlt.u32 v35, $0x28;
	v62 =	vor.u32 v36, v37  }
0x5b4: {  	v35 =	vor.u32 v32, v62;
	_ =	sdelay $0x4  }
0x5b5: {  	[tilespmem:v35+s9+$0x0] =	vst.idx.msk vm9, v2  }
0x5b6: {  	v35 =	vld [tilespmem:$0x1F0];
	_ =	sdelay $0x4  }
0x5b7: {  	v34 =	vsub.s32 v35, v34  }
0x5b8: {  	vm10 =	vgt.s32 v34, $0x0  }
0x5b9: {  	v35 =	vnsel vm10, $0x0, v34  }
0x5ba: {  	v35 =	vmin.u32 v35, $0x27  }
0x5bb: {  	v63 =	vshll.u32 v35, $0x9;
	v35 =	vshll.u32 v35, $0x7  }
0x5bc: {  	v36 =	vand.u32 $0x7000, v63;
	v35 =	vand.u32 $0x380, v35  }
0x5bd: {  	vm11 =	vlt.u32 v34, $0x28;
	v39 =	vor.u32 v35, v36  }
0x5be: {  	v34 =	vor.u32 v33, v39;
	_ =	sdelay $0x4  }
0x5bf: {  	[tilespmem:v34+s9+$0x0] =	vst.idx.msk vm11, v2  }
0x5c0: {  	[hbm4b:s16+s10] =	stream.strided.scatter [tilespmem:s9], [sflag:$0x1], $0x5000, s11, s10, $0x38;
	[tilespmem:$0xA200] =	vst v63  }
0x5c1: {  	_ =	swait.ge [sflag:s14], $0x5000  }
0x5c2: {  	[sflag:s14] =	ssyncset.done $0x0  }
0x5c3: {  	[sflag:s14] =	ssyncadd.s32 $0xFFFFB000  }
0x5c4: {  	v40 =	vld [tilespmem:$0x0];
	_ =	sdelay $0x2  }
0x5c5: {  	s19 =	sadd.s32 $0x28, s17  }
0x5c6: {  	v34 =	vmov s19  }
0x5c7: {  	v35 =	vsub.s32 v40, v34  }
0x5c8: {  	vm12 =	vgt.s32 v35, $0x0  }
0x5c9: {  	v41 =	vnsel vm12, $0x0, v35  }
0x5ca: {  	v36 =	vmin.u32 v41, $0x27  }
0x5cb: {  	v42 =	vshll.u32 v36, $0x9;
	v36 =	vshll.u32 v36, $0x7  }
0x5cc: {  	v37 =	vand.u32 $0x7000, v42;
	v36 =	vand.u32 $0x380, v36  }
0x5cd: {  	vm13 =	vlt.u32 v35, $0x28;
	v43 =	vor.u32 v37, v36  }
0x5ce: {  	v35 =	vor.u32 v0, v43;
	_ =	sdelay $0x4  }
0x5cf: {  	[tilespmem:v35+s12+$0x0] =	vst.idx.msk vm13, v1  }
0x5d0: {  	v35 =	vld [tilespmem:$0x10];
	_ =	sdelay $0x4  }
0x5d1: {  	v35 =	vsub.s32 v35, v34  }
0x5d2: {  	vm14 =	vgt.s32 v35, $0x0  }
0x5d3: {  	v44 =	vnsel vm14, $0x0, v35  }
0x5d4: {  	v36 =	vmin.u32 v44, $0x27  }
0x5d5: {  	v45 =	vshll.u32 v36, $0x9;
	v36 =	vshll.u32 v36, $0x7  }
0x5d6: {  	v37 =	vand.u32 $0x7000, v45;
	v36 =	vand.u32 $0x380, v36  }
0x5d7: {  	vm15 =	vlt.u32 v35, $0x28;
	v46 =	vor.u32 v37, v36  }
0x5d8: {  	v35 =	vor.u32 v3, v46;
	_ =	sdelay $0x4  }
0x5d9: {  	[tilespmem:v35+s12+$0x0] =	vst.idx.msk vm15, v1  }
0x5da: {  	v35 =	vld [tilespmem:$0x20];
	_ =	sdelay $0x4  }
0x5db: {  	v35 =	vsub.s32 v35, v34  }
0x5dc: {  	vm4 =	vgt.s32 v35, $0x0  }
0x5dd: {  	v47 =	vnsel vm4, $0x0, v35  }
0x5de: {  	v36 =	vmin.u32 v47, $0x27  }
0x5df: {  	v48 =	vshll.u32 v36, $0x9;
	v36 =	vshll.u32 v36, $0x7  }
0x5e0: {  	v37 =	vand.u32 $0x7000, v48;
	v36 =	vand.u32 $0x380, v36  }
0x5e1: {  	vm5 =	vlt.u32 v35, $0x28;
	v49 =	vor.u32 v37, v36  }
0x5e2: {  	v35 =	vor.u32 v4, v49;
	_ =	sdelay $0x4  }
0x5e3: {  	[tilespmem:v35+s12+$0x0] =	vst.idx.msk vm5, v1  }
0x5e4: {  	v35 =	vld [tilespmem:$0x30];
	_ =	sdelay $0x4  }
0x5e5: {  	v35 =	vsub.s32 v35, v34  }
0x5e6: {  	vm6 =	vgt.s32 v35, $0x0  }
0x5e7: {  	v50 =	vnsel vm6, $0x0, v35  }
0x5e8: {  	v36 =	vmin.u32 v50, $0x27  }
0x5e9: {  	v51 =	vshll.u32 v36, $0x9;
	v36 =	vshll.u32 v36, $0x7  }
0x5ea: {  	v37 =	vand.u32 $0x7000, v51;
	v36 =	vand.u32 $0x380, v36  }
0x5eb: {  	vm7 =	vlt.u32 v35, $0x28;
	v52 =	vor.u32 v37, v36  }
0x5ec: {  	v35 =	vor.u32 v5, v52;
	_ =	sdelay $0x4  }
0x5ed: {  	[tilespmem:v35+s12+$0x0] =	vst.idx.msk vm7, v1  }
0x5ee: {  	v35 =	vld [tilespmem:$0x40];
	_ =	sdelay $0x4  }
0x5ef: {  	v35 =	vsub.s32 v35, v34  }
0x5f0: {  	vm8 =	vgt.s32 v35, $0x0  }
0x5f1: {  	v53 =	vnsel vm8, $0x0, v35  }
0x5f2: {  	v36 =	vmin.u32 v53, $0x27  }
0x5f3: {  	v54 =	vshll.u32 v36, $0x9;
	v36 =	vshll.u32 v36, $0x7  }
0x5f4: {  	v37 =	vand.u32 $0x7000, v54;
	v36 =	vand.u32 $0x380, v36  }
0x5f5: {  	vm9 =	vlt.u32 v35, $0x28;
	v55 =	vor.u32 v37, v36  }
0x5f6: {  	v35 =	vor.u32 v6, v55;
	_ =	sdelay $0x4  }
0x5f7: {  	[tilespmem:v35+s12+$0x0] =	vst.idx.msk vm9, v1  }
0x5f8: {  	v35 =	vld [tilespmem:$0x50];
	_ =	sdelay $0x4  }
0x5f9: {  	v35 =	vsub.s32 v35, v34  }
0x5fa: {  	vm10 =	vgt.s32 v35, $0x0  }
0x5fb: {  	v56 =	vnsel vm10, $0x0, v35  }
0x5fc: {  	v36 =	vmin.u32 v56, $0x27  }
0x5fd: {  	v57 =	vshll.u32 v36, $0x9;
	v36 =	vshll.u32 v36, $0x7  }
0x5fe: {  	v37 =	vand.u32 $0x7000, v57;
	v36 =	vand.u32 $0x380, v36  }
0x5ff: {  	vm11 =	vlt.u32 v35, $0x28;
	v58 =	vor.u32 v37, v36  }
0x600: {  	v35 =	vor.u32 v7, v58;
	_ =	sdelay $0x4  }
0x601: {  	[tilespmem:v35+s12+$0x0] =	vst.idx.msk vm11, v1  }
0x602: {  	v35 =	vld [tilespmem:$0x60];
	_ =	sdelay $0x4  }
0x603: {  	v35 =	vsub.s32 v35, v34  }
0x604: {  	vm12 =	vgt.s32 v35, $0x0  }
0x605: {  	v59 =	vnsel vm12, $0x0, v35  }
0x606: {  	v36 =	vmin.u32 v59, $0x27  }
0x607: {  	v60 =	vshll.u32 v36, $0x9;
	v36 =	vshll.u32 v36, $0x7  }
0x608: {  	v37 =	vand.u32 $0x7000, v60;
	v36 =	vand.u32 $0x380, v36  }
0x609: {  	vm13 =	vlt.u32 v35, $0x28;
	v61 =	vor.u32 v37, v36  }
0x60a: {  	v35 =	vor.u32 v8, v61;
	_ =	sdelay $0x4  }
0x60b: {  	[tilespmem:v35+s12+$0x0] =	vst.idx.msk vm13, v1  }
0x60c: {  	v35 =	vld [tilespmem:$0x70];
	_ =	sdelay $0x4  }
0x60d: {  	v35 =	vsub.s32 v35, v34  }
0x60e: {  	vm14 =	vgt.s32 v35, $0x0  }
0x60f: {  	v62 =	vnsel vm14, $0x0, v35  }
0x610: {  	v36 =	vmin.u32 v62, $0x27  }
0x611: {  	v63 =	vshll.u32 v36, $0x9;
	v36 =	vshll.u32 v36, $0x7  }
0x612: {  	v37 =	vand.u32 $0x7000, v63;
	v36 =	vand.u32 $0x380, v36  }
0x613: {  	vm15 =	vlt.u32 v35, $0x28;
	v40 =	vor.u32 v37, v36  }
0x614: {  	v35 =	vor.u32 v9, v40;
	_ =	sdelay $0x4  }
0x615: {  	[tilespmem:v35+s12+$0x0] =	vst.idx.msk vm15, v1  }
0x616: {  	v35 =	vld [tilespmem:$0x80];
	_ =	sdelay $0x4  }
0x617: {  	v35 =	vsub.s32 v35, v34  }
0x618: {  	vm4 =	vgt.s32 v35, $0x0  }
0x619: {  	v41 =	vnsel vm4, $0x0, v35  }
0x61a: {  	v36 =	vmin.u32 v41, $0x27  }
0x61b: {  	v42 =	vshll.u32 v36, $0x9;
	v36 =	vshll.u32 v36, $0x7  }
0x61c: {  	v37 =	vand.u32 $0x7000, v42;
	v36 =	vand.u32 $0x380, v36  }
0x61d: {  	vm5 =	vlt.u32 v35, $0x28;
	v43 =	vor.u32 v36, v37  }
0x61e: {  	v35 =	vor.u32 v10, v43;
	_ =	sdelay $0x4  }
0x61f: {  	[tilespmem:v35+s12+$0x0] =	vst.idx.msk vm5, v1  }
0x620: {  	v35 =	vld [tilespmem:$0x90];
	_ =	sdelay $0x4  }
0x621: {  	v35 =	vsub.s32 v35, v34  }
0x622: {  	vm6 =	vgt.s32 v35, $0x0  }
0x623: {  	v44 =	vnsel vm6, $0x0, v35  }
0x624: {  	v36 =	vmin.u32 v44, $0x27  }
0x625: {  	v45 =	vshll.u32 v36, $0x9;
	v36 =	vshll.u32 v36, $0x7  }
0x626: {  	v37 =	vand.u32 $0x7000, v45;
	v36 =	vand.u32 $0x380, v36  }
0x627: {  	vm7 =	vlt.u32 v35, $0x28;
	v46 =	vor.u32 v36, v37  }
0x628: {  	v35 =	vor.u32 v11, v46;
	_ =	sdelay $0x4  }
0x629: {  	[tilespmem:v35+s12+$0x0] =	vst.idx.msk vm7, v1  }
0x62a: {  	v35 =	vld [tilespmem:$0xA0];
	_ =	sdelay $0x4  }
0x62b: {  	v35 =	vsub.s32 v35, v34  }
0x62c: {  	vm8 =	vgt.s32 v35, $0x0  }
0x62d: {  	v47 =	vnsel vm8, $0x0, v35  }
0x62e: {  	v36 =	vmin.u32 v47, $0x27  }
0x62f: {  	v48 =	vshll.u32 v36, $0x9;
	v36 =	vshll.u32 v36, $0x7  }
0x630: {  	v37 =	vand.u32 $0x7000, v48;
	v36 =	vand.u32 $0x380, v36  }
0x631: {  	vm9 =	vlt.u32 v35, $0x28;
	v49 =	vor.u32 v36, v37  }
0x632: {  	v35 =	vor.u32 v12, v49;
	_ =	sdelay $0x4  }
0x633: {  	[tilespmem:v35+s12+$0x0] =	vst.idx.msk vm9, v1  }
0x634: {  	v35 =	vld [tilespmem:$0xB0];
	_ =	sdelay $0x4  }
0x635: {  	v35 =	vsub.s32 v35, v34  }
0x636: {  	vm10 =	vgt.s32 v35, $0x0  }
0x637: {  	v50 =	vnsel vm10, $0x0, v35  }
0x638: {  	v36 =	vmin.u32 v50, $0x27  }
0x639: {  	v51 =	vshll.u32 v36, $0x9;
	v36 =	vshll.u32 v36, $0x7  }
0x63a: {  	v37 =	vand.u32 $0x7000, v51;
	v36 =	vand.u32 $0x380, v36  }
0x63b: {  	vm11 =	vlt.u32 v35, $0x28;
	v52 =	vor.u32 v36, v37  }
0x63c: {  	v35 =	vor.u32 v13, v52;
	_ =	sdelay $0x4  }
0x63d: {  	[tilespmem:v35+s12+$0x0] =	vst.idx.msk vm11, v1  }
0x63e: {  	v35 =	vld [tilespmem:$0xC0];
	_ =	sdelay $0x4  }
0x63f: {  	v35 =	vsub.s32 v35, v34  }
0x640: {  	vm12 =	vgt.s32 v35, $0x0  }
0x641: {  	v53 =	vnsel vm12, $0x0, v35  }
0x642: {  	v36 =	vmin.u32 v53, $0x27  }
0x643: {  	v54 =	vshll.u32 v36, $0x9;
	v36 =	vshll.u32 v36, $0x7  }
0x644: {  	v37 =	vand.u32 $0x7000, v54;
	v36 =	vand.u32 $0x380, v36  }
0x645: {  	vm13 =	vlt.u32 v35, $0x28;
	v55 =	vor.u32 v36, v37  }
0x646: {  	v35 =	vor.u32 v14, v55;
	_ =	sdelay $0x4  }
0x647: {  	[tilespmem:v35+s12+$0x0] =	vst.idx.msk vm13, v1  }
0x648: {  	v35 =	vld [tilespmem:$0xD0];
	_ =	sdelay $0x4  }
0x649: {  	v35 =	vsub.s32 v35, v34  }
0x64a: {  	vm14 =	vgt.s32 v35, $0x0  }
0x64b: {  	v56 =	vnsel vm14, $0x0, v35  }
0x64c: {  	v36 =	vmin.u32 v56, $0x27  }
0x64d: {  	v57 =	vshll.u32 v36, $0x9;
	v36 =	vshll.u32 v36, $0x7  }
0x64e: {  	v37 =	vand.u32 $0x7000, v57;
	v36 =	vand.u32 $0x380, v36  }
0x64f: {  	vm15 =	vlt.u32 v35, $0x28;
	v58 =	vor.u32 v36, v37  }
0x650: {  	v35 =	vor.u32 v15, v58;
	_ =	sdelay $0x4  }
0x651: {  	[tilespmem:v35+s12+$0x0] =	vst.idx.msk vm15, v1  }
0x652: {  	v35 =	vld [tilespmem:$0xE0];
	_ =	sdelay $0x4  }
0x653: {  	v35 =	vsub.s32 v35, v34  }
0x654: {  	vm4 =	vgt.s32 v35, $0x0  }
0x655: {  	v59 =	vnsel vm4, $0x0, v35  }
0x656: {  	v36 =	vmin.u32 v59, $0x27  }
0x657: {  	v60 =	vshll.u32 v36, $0x9;
	v36 =	vshll.u32 v36, $0x7  }
0x658: {  	v37 =	vand.u32 $0x7000, v60;
	v36 =	vand.u32 $0x380, v36  }
0x659: {  	vm5 =	vlt.u32 v35, $0x28;
	v61 =	vor.u32 v36, v37  }
0x65a: {  	v35 =	vor.u32 v16, v61;
	_ =	sdelay $0x4  }
0x65b: {  	[tilespmem:v35+s12+$0x0] =	vst.idx.msk vm5, v1  }
0x65c: {  	v35 =	vld [tilespmem:$0xF0];
	_ =	sdelay $0x4  }
0x65d: {  	v35 =	vsub.s32 v35, v34  }
0x65e: {  	vm6 =	vgt.s32 v35, $0x0  }
0x65f: {  	v62 =	vnsel vm6, $0x0, v35  }
0x660: {  	v36 =	vmin.u32 v62, $0x27  }
0x661: {  	v63 =	vshll.u32 v36, $0x9;
	v36 =	vshll.u32 v36, $0x7  }
0x662: {  	v37 =	vand.u32 $0x7000, v63;
	v36 =	vand.u32 $0x380, v36  }
0x663: {  	vm7 =	vlt.u32 v35, $0x28;
	v40 =	vor.u32 v36, v37  }
0x664: {  	v35 =	vor.u32 v17, v40;
	_ =	sdelay $0x4  }
0x665: {  	[tilespmem:v35+s12+$0x0] =	vst.idx.msk vm7, v1  }
0x666: {  	v35 =	vld [tilespmem:$0x100];
	_ =	sdelay $0x4  }
0x667: {  	v35 =	vsub.s32 v35, v34  }
0x668: {  	vm8 =	vgt.s32 v35, $0x0  }
0x669: {  	v41 =	vnsel vm8, $0x0, v35  }
0x66a: {  	v36 =	vmin.u32 v41, $0x27  }
0x66b: {  	v42 =	vshll.u32 v36, $0x9;
	v36 =	vshll.u32 v36, $0x7  }
0x66c: {  	v37 =	vand.u32 $0x7000, v42;
	v36 =	vand.u32 $0x380, v36  }
0x66d: {  	vm9 =	vlt.u32 v35, $0x28;
	v43 =	vor.u32 v36, v37  }
0x66e: {  	v35 =	vor.u32 v18, v43;
	_ =	sdelay $0x4  }
0x66f: {  	[tilespmem:v35+s12+$0x0] =	vst.idx.msk vm9, v1  }
0x670: {  	v35 =	vld [tilespmem:$0x110];
	_ =	sdelay $0x4  }
0x671: {  	v35 =	vsub.s32 v35, v34  }
0x672: {  	vm10 =	vgt.s32 v35, $0x0  }
0x673: {  	v44 =	vnsel vm10, $0x0, v35  }
0x674: {  	v36 =	vmin.u32 v44, $0x27  }
0x675: {  	v45 =	vshll.u32 v36, $0x9;
	v36 =	vshll.u32 v36, $0x7  }
0x676: {  	v37 =	vand.u32 $0x7000, v45;
	v36 =	vand.u32 $0x380, v36  }
0x677: {  	vm11 =	vlt.u32 v35, $0x28;
	v46 =	vor.u32 v36, v37  }
0x678: {  	v35 =	vor.u32 v19, v46;
	_ =	sdelay $0x4  }
0x679: {  	[tilespmem:v35+s12+$0x0] =	vst.idx.msk vm11, v1  }
0x67a: {  	v35 =	vld [tilespmem:$0x120];
	_ =	sdelay $0x4  }
0x67b: {  	v35 =	vsub.s32 v35, v34  }
0x67c: {  	vm12 =	vgt.s32 v35, $0x0  }
0x67d: {  	v47 =	vnsel vm12, $0x0, v35  }
0x67e: {  	v36 =	vmin.u32 v47, $0x27  }
0x67f: {  	v48 =	vshll.u32 v36, $0x9;
	v36 =	vshll.u32 v36, $0x7  }
0x680: {  	v37 =	vand.u32 $0x7000, v48;
	v36 =	vand.u32 $0x380, v36  }
0x681: {  	vm13 =	vlt.u32 v35, $0x28;
	v49 =	vor.u32 v36, v37  }
0x682: {  	v35 =	vor.u32 v20, v49;
	_ =	sdelay $0x4  }
0x683: {  	[tilespmem:v35+s12+$0x0] =	vst.idx.msk vm13, v1  }
0x684: {  	v35 =	vld [tilespmem:$0x130];
	_ =	sdelay $0x4  }
0x685: {  	v35 =	vsub.s32 v35, v34  }
0x686: {  	vm14 =	vgt.s32 v35, $0x0  }
0x687: {  	v50 =	vnsel vm14, $0x0, v35  }
0x688: {  	v36 =	vmin.u32 v50, $0x27  }
0x689: {  	v51 =	vshll.u32 v36, $0x9;
	v36 =	vshll.u32 v36, $0x7  }
0x68a: {  	v37 =	vand.u32 $0x7000, v51;
	v36 =	vand.u32 $0x380, v36  }
0x68b: {  	vm15 =	vlt.u32 v35, $0x28;
	v52 =	vor.u32 v36, v37  }
0x68c: {  	v35 =	vor.u32 v21, v52;
	_ =	sdelay $0x4  }
0x68d: {  	[tilespmem:v35+s12+$0x0] =	vst.idx.msk vm15, v1  }
0x68e: {  	v35 =	vld [tilespmem:$0x140];
	_ =	sdelay $0x4  }
0x68f: {  	v35 =	vsub.s32 v35, v34  }
0x690: {  	vm4 =	vgt.s32 v35, $0x0  }
0x691: {  	v53 =	vnsel vm4, $0x0, v35  }
0x692: {  	v36 =	vmin.u32 v53, $0x27  }
0x693: {  	v54 =	vshll.u32 v36, $0x9;
	v36 =	vshll.u32 v36, $0x7  }
0x694: {  	v37 =	vand.u32 $0x7000, v54;
	v36 =	vand.u32 $0x380, v36  }
0x695: {  	vm5 =	vlt.u32 v35, $0x28;
	v55 =	vor.u32 v36, v37  }
0x696: {  	v35 =	vor.u32 v22, v55;
	_ =	sdelay $0x4  }
0x697: {  	[tilespmem:v35+s12+$0x0] =	vst.idx.msk vm5, v1  }
0x698: {  	v35 =	vld [tilespmem:$0x150];
	_ =	sdelay $0x4  }
0x699: {  	v35 =	vsub.s32 v35, v34  }
0x69a: {  	vm6 =	vgt.s32 v35, $0x0  }
0x69b: {  	v56 =	vnsel vm6, $0x0, v35  }
0x69c: {  	v36 =	vmin.u32 v56, $0x27  }
0x69d: {  	v57 =	vshll.u32 v36, $0x9;
	v36 =	vshll.u32 v36, $0x7  }
0x69e: {  	v37 =	vand.u32 $0x7000, v57;
	v36 =	vand.u32 $0x380, v36  }
0x69f: {  	vm7 =	vlt.u32 v35, $0x28;
	v58 =	vor.u32 v36, v37  }
0x6a0: {  	v35 =	vor.u32 v23, v58;
	_ =	sdelay $0x4  }
0x6a1: {  	[tilespmem:v35+s12+$0x0] =	vst.idx.msk vm7, v1  }
0x6a2: {  	v35 =	vld [tilespmem:$0x160];
	_ =	sdelay $0x4  }
0x6a3: {  	v35 =	vsub.s32 v35, v34  }
0x6a4: {  	vm8 =	vgt.s32 v35, $0x0  }
0x6a5: {  	v59 =	vnsel vm8, $0x0, v35  }
0x6a6: {  	v36 =	vmin.u32 v59, $0x27  }
0x6a7: {  	v60 =	vshll.u32 v36, $0x9;
	v36 =	vshll.u32 v36, $0x7  }
0x6a8: {  	v37 =	vand.u32 $0x7000, v60;
	v36 =	vand.u32 $0x380, v36  }
0x6a9: {  	vm9 =	vlt.u32 v35, $0x28;
	v61 =	vor.u32 v36, v37  }
0x6aa: {  	v35 =	vor.u32 v24, v61;
	_ =	sdelay $0x4  }
0x6ab: {  	[tilespmem:v35+s12+$0x0] =	vst.idx.msk vm9, v1  }
0x6ac: {  	v35 =	vld [tilespmem:$0x170];
	_ =	sdelay $0x4  }
0x6ad: {  	v35 =	vsub.s32 v35, v34  }
0x6ae: {  	vm10 =	vgt.s32 v35, $0x0  }
0x6af: {  	v62 =	vnsel vm10, $0x0, v35  }
0x6b0: {  	v36 =	vmin.u32 v62, $0x27  }
0x6b1: {  	v63 =	vshll.u32 v36, $0x9;
	v36 =	vshll.u32 v36, $0x7  }
0x6b2: {  	v37 =	vand.u32 $0x7000, v63;
	v36 =	vand.u32 $0x380, v36  }
0x6b3: {  	vm11 =	vlt.u32 v35, $0x28;
	v40 =	vor.u32 v36, v37  }
0x6b4: {  	v35 =	vor.u32 v25, v40;
	_ =	sdelay $0x4  }
0x6b5: {  	[tilespmem:v35+s12+$0x0] =	vst.idx.msk vm11, v1  }
0x6b6: {  	v35 =	vld [tilespmem:$0x180];
	_ =	sdelay $0x4  }
0x6b7: {  	v35 =	vsub.s32 v35, v34  }
0x6b8: {  	vm12 =	vgt.s32 v35, $0x0  }
0x6b9: {  	v41 =	vnsel vm12, $0x0, v35  }
0x6ba: {  	v36 =	vmin.u32 v41, $0x27  }
0x6bb: {  	v42 =	vshll.u32 v36, $0x9;
	v36 =	vshll.u32 v36, $0x7  }
0x6bc: {  	v37 =	vand.u32 $0x7000, v42;
	v36 =	vand.u32 $0x380, v36  }
0x6bd: {  	vm13 =	vlt.u32 v35, $0x28;
	v43 =	vor.u32 v36, v37  }
0x6be: {  	v35 =	vor.u32 v26, v43;
	_ =	sdelay $0x4  }
0x6bf: {  	[tilespmem:v35+s12+$0x0] =	vst.idx.msk vm13, v1  }
0x6c0: {  	v35 =	vld [tilespmem:$0x190];
	_ =	sdelay $0x4  }
0x6c1: {  	v35 =	vsub.s32 v35, v34  }
0x6c2: {  	vm14 =	vgt.s32 v35, $0x0  }
0x6c3: {  	v44 =	vnsel vm14, $0x0, v35  }
0x6c4: {  	v36 =	vmin.u32 v44, $0x27  }
0x6c5: {  	v45 =	vshll.u32 v36, $0x9;
	v36 =	vshll.u32 v36, $0x7  }
0x6c6: {  	v37 =	vand.u32 $0x7000, v45;
	v36 =	vand.u32 $0x380, v36  }
0x6c7: {  	vm15 =	vlt.u32 v35, $0x28;
	v46 =	vor.u32 v36, v37  }
0x6c8: {  	v35 =	vor.u32 v27, v46;
	_ =	sdelay $0x4  }
0x6c9: {  	[tilespmem:v35+s12+$0x0] =	vst.idx.msk vm15, v1  }
0x6ca: {  	v35 =	vld [tilespmem:$0x1A0];
	_ =	sdelay $0x4  }
0x6cb: {  	v35 =	vsub.s32 v35, v34  }
0x6cc: {  	vm4 =	vgt.s32 v35, $0x0  }
0x6cd: {  	v47 =	vnsel vm4, $0x0, v35  }
0x6ce: {  	v36 =	vmin.u32 v47, $0x27  }
0x6cf: {  	v48 =	vshll.u32 v36, $0x9;
	v36 =	vshll.u32 v36, $0x7  }
0x6d0: {  	v37 =	vand.u32 $0x7000, v48;
	v36 =	vand.u32 $0x380, v36  }
0x6d1: {  	vm5 =	vlt.u32 v35, $0x28;
	v49 =	vor.u32 v36, v37  }
0x6d2: {  	v35 =	vor.u32 v28, v49;
	_ =	sdelay $0x4  }
0x6d3: {  	[tilespmem:v35+s12+$0x0] =	vst.idx.msk vm5, v1  }
0x6d4: {  	v35 =	vld [tilespmem:$0x1B0];
	_ =	sdelay $0x4  }
0x6d5: {  	v35 =	vsub.s32 v35, v34  }
0x6d6: {  	vm6 =	vgt.s32 v35, $0x0  }
0x6d7: {  	v50 =	vnsel vm6, $0x0, v35  }
0x6d8: {  	v36 =	vmin.u32 v50, $0x27  }
0x6d9: {  	v51 =	vshll.u32 v36, $0x9;
	v36 =	vshll.u32 v36, $0x7  }
0x6da: {  	v37 =	vand.u32 $0x7000, v51;
	v36 =	vand.u32 $0x380, v36  }
0x6db: {  	vm7 =	vlt.u32 v35, $0x28;
	v52 =	vor.u32 v36, v37  }
0x6dc: {  	v35 =	vor.u32 v29, v52;
	_ =	sdelay $0x4  }
0x6dd: {  	[tilespmem:v35+s12+$0x0] =	vst.idx.msk vm7, v1  }
0x6de: {  	v35 =	vld [tilespmem:$0x1C0];
	_ =	sdelay $0x4  }
0x6df: {  	v35 =	vsub.s32 v35, v34  }
0x6e0: {  	vm8 =	vgt.s32 v35, $0x0  }
0x6e1: {  	v53 =	vnsel vm8, $0x0, v35  }
0x6e2: {  	v36 =	vmin.u32 v53, $0x27  }
0x6e3: {  	v54 =	vshll.u32 v36, $0x9;
	v36 =	vshll.u32 v36, $0x7  }
0x6e4: {  	v37 =	vand.u32 $0x7000, v54;
	v36 =	vand.u32 $0x380, v36  }
0x6e5: {  	vm9 =	vlt.u32 v35, $0x28;
	v55 =	vor.u32 v36, v37  }
0x6e6: {  	v35 =	vor.u32 v30, v55;
	_ =	sdelay $0x4  }
0x6e7: {  	[tilespmem:v35+s12+$0x0] =	vst.idx.msk vm9, v1  }
0x6e8: {  	v35 =	vld [tilespmem:$0x1D0];
	_ =	sdelay $0x4  }
0x6e9: {  	v35 =	vsub.s32 v35, v34  }
0x6ea: {  	vm10 =	vgt.s32 v35, $0x0  }
0x6eb: {  	v56 =	vnsel vm10, $0x0, v35  }
0x6ec: {  	v36 =	vmin.u32 v56, $0x27  }
0x6ed: {  	v57 =	vshll.u32 v36, $0x9;
	v36 =	vshll.u32 v36, $0x7  }
0x6ee: {  	v37 =	vand.u32 $0x7000, v57;
	v36 =	vand.u32 $0x380, v36  }
0x6ef: {  	vm11 =	vlt.u32 v35, $0x28;
	v58 =	vor.u32 v36, v37  }
0x6f0: {  	v35 =	vor.u32 v31, v58;
	_ =	sdelay $0x4  }
0x6f1: {  	[tilespmem:v35+s12+$0x0] =	vst.idx.msk vm11, v1  }
0x6f2: {  	v35 =	vld [tilespmem:$0x1E0];
	_ =	sdelay $0x4  }
0x6f3: {  	v35 =	vsub.s32 v35, v34  }
0x6f4: {  	vm12 =	vgt.s32 v35, $0x0  }
0x6f5: {  	v59 =	vnsel vm12, $0x0, v35  }
0x6f6: {  	v36 =	vmin.u32 v59, $0x27  }
0x6f7: {  	v60 =	vshll.u32 v36, $0x9;
	v36 =	vshll.u32 v36, $0x7  }
0x6f8: {  	v37 =	vand.u32 $0x7000, v60;
	v36 =	vand.u32 $0x380, v36  }
0x6f9: {  	vm13 =	vlt.u32 v35, $0x28;
	v61 =	vor.u32 v36, v37  }
0x6fa: {  	v35 =	vor.u32 v32, v61;
	_ =	sdelay $0x4  }
0x6fb: {  	[tilespmem:v35+s12+$0x0] =	vst.idx.msk vm13, v1  }
0x6fc: {  	v35 =	vld [tilespmem:$0x1F0];
	_ =	sdelay $0x4  }
0x6fd: {  	v34 =	vsub.s32 v35, v34  }
0x6fe: {  	vm14 =	vgt.s32 v34, $0x0  }
0x6ff: {  	v35 =	vnsel vm14, $0x0, v34  }
0x700: {  	v35 =	vmin.u32 v35, $0x27  }
0x701: {  	v62 =	vshll.u32 v35, $0x9;
	v35 =	vshll.u32 v35, $0x7  }
0x702: {  	v36 =	vand.u32 $0x7000, v62;
	v35 =	vand.u32 $0x380, v35  }
0x703: {  	vm15 =	vlt.u32 v34, $0x28;
	v63 =	vor.u32 v35, v36  }
0x704: {  	p0 =	seq.s32 s17, $0x370;
	v34 =	vor.u32 v33, v63  }
.Ltmp3:
0x705: {  	_ = 	snop;
	(pc) =	sbr.rel @p0 .LBB2_6-.Ltmp3, $2  }
0x706: {  	_ =	sdelay $0x2  }
0x707: {  	[tilespmem:v34+s12+$0x0] =	vst.idx.msk vm15, v1  }
0x708: {  	v35 =	vld [tilespmem:$0x0];
	_ =	sdelay $0x2  }
0x709: {  	s17 =	sadd.s32 $0x78, s17  }
0x70a: {  	v34 =	vmov s17  }
0x70b: {  	v35 =	vsub.s32 v35, v34  }
0x70c: {  	vm0 =	vgt.s32 v35, $0x0  }
0x70d: {  	v36 =	vnsel vm0, $0x0, v35  }
0x70e: {  	v36 =	vmin.u32 v36, $0x27  }
0x70f: {  	v37 =	vshll.u32 v36, $0x9;
	v36 =	vshll.u32 v36, $0x7  }
0x710: {  	v37 =	vand.u32 $0x7000, v37;
	v36 =	vand.u32 $0x380, v36  }
0x711: {  	vm13 =	vlt.u32 v35, $0x28;
	v43 =	vor.u32 v37, v36  }
0x712: {  	v35 =	vor.u32 v0, v43;
	_ =	sdelay $0x4  }
0x713: {  	[tilespmem:v35+s12+$0x0] =	vst.idx.msk vm13, v2  }
0x714: {  	v35 =	vld [tilespmem:$0x10];
	_ =	sdelay $0x4  }
0x715: {  	v35 =	vsub.s32 v35, v34  }
0x716: {  	vm14 =	vgt.s32 v35, $0x0  }
0x717: {  	v44 =	vnsel vm14, $0x0, v35  }
0x718: {  	v36 =	vmin.u32 v44, $0x27  }
0x719: {  	v45 =	vshll.u32 v36, $0x9;
	v36 =	vshll.u32 v36, $0x7  }
0x71a: {  	v37 =	vand.u32 $0x7000, v45;
	v36 =	vand.u32 $0x380, v36  }
0x71b: {  	vm15 =	vlt.u32 v35, $0x28;
	v46 =	vor.u32 v37, v36  }
0x71c: {  	v35 =	vor.u32 v3, v46;
	_ =	sdelay $0x4  }
0x71d: {  	[tilespmem:v35+s12+$0x0] =	vst.idx.msk vm15, v2  }
0x71e: {  	v35 =	vld [tilespmem:$0x20];
	_ =	sdelay $0x4  }
0x71f: {  	v35 =	vsub.s32 v35, v34  }
0x720: {  	vm4 =	vgt.s32 v35, $0x0  }
0x721: {  	v47 =	vnsel vm4, $0x0, v35  }
0x722: {  	v36 =	vmin.u32 v47, $0x27  }
0x723: {  	v48 =	vshll.u32 v36, $0x9;
	v36 =	vshll.u32 v36, $0x7  }
0x724: {  	v37 =	vand.u32 $0x7000, v48;
	v36 =	vand.u32 $0x380, v36  }
0x725: {  	vm5 =	vlt.u32 v35, $0x28;
	v49 =	vor.u32 v37, v36  }
0x726: {  	v35 =	vor.u32 v4, v49;
	_ =	sdelay $0x4  }
0x727: {  	[tilespmem:v35+s12+$0x0] =	vst.idx.msk vm5, v2  }
0x728: {  	v35 =	vld [tilespmem:$0x30];
	_ =	sdelay $0x4  }
0x729: {  	v35 =	vsub.s32 v35, v34  }
0x72a: {  	vm6 =	vgt.s32 v35, $0x0  }
0x72b: {  	v50 =	vnsel vm6, $0x0, v35  }
0x72c: {  	v36 =	vmin.u32 v50, $0x27  }
0x72d: {  	v51 =	vshll.u32 v36, $0x9;
	v36 =	vshll.u32 v36, $0x7  }
0x72e: {  	v37 =	vand.u32 $0x7000, v51;
	v36 =	vand.u32 $0x380, v36  }
0x72f: {  	vm7 =	vlt.u32 v35, $0x28;
	v52 =	vor.u32 v37, v36  }
0x730: {  	v35 =	vor.u32 v5, v52;
	_ =	sdelay $0x4  }
0x731: {  	[tilespmem:v35+s12+$0x0] =	vst.idx.msk vm7, v2  }
0x732: {  	v35 =	vld [tilespmem:$0x40];
	_ =	sdelay $0x4  }
0x733: {  	v35 =	vsub.s32 v35, v34  }
0x734: {  	vm8 =	vgt.s32 v35, $0x0  }
0x735: {  	v53 =	vnsel vm8, $0x0, v35  }
0x736: {  	v36 =	vmin.u32 v53, $0x27  }
0x737: {  	v54 =	vshll.u32 v36, $0x9;
	v36 =	vshll.u32 v36, $0x7  }
0x738: {  	v37 =	vand.u32 $0x7000, v54;
	v36 =	vand.u32 $0x380, v36  }
0x739: {  	vm9 =	vlt.u32 v35, $0x28;
	v55 =	vor.u32 v37, v36  }
0x73a: {  	v35 =	vor.u32 v6, v55;
	_ =	sdelay $0x4  }
0x73b: {  	[tilespmem:v35+s12+$0x0] =	vst.idx.msk vm9, v2  }
0x73c: {  	v35 =	vld [tilespmem:$0x50];
	_ =	sdelay $0x4  }
0x73d: {  	v35 =	vsub.s32 v35, v34  }
0x73e: {  	vm10 =	vgt.s32 v35, $0x0  }
0x73f: {  	v56 =	vnsel vm10, $0x0, v35  }
0x740: {  	v36 =	vmin.u32 v56, $0x27  }
0x741: {  	v57 =	vshll.u32 v36, $0x9;
	v36 =	vshll.u32 v36, $0x7  }
0x742: {  	v37 =	vand.u32 $0x7000, v57;
	v36 =	vand.u32 $0x380, v36  }
0x743: {  	vm11 =	vlt.u32 v35, $0x28;
	v58 =	vor.u32 v37, v36  }
0x744: {  	v35 =	vor.u32 v7, v58;
	_ =	sdelay $0x4  }
0x745: {  	[tilespmem:v35+s12+$0x0] =	vst.idx.msk vm11, v2  }
0x746: {  	v35 =	vld [tilespmem:$0x60];
	_ =	sdelay $0x4  }
0x747: {  	v35 =	vsub.s32 v35, v34  }
0x748: {  	vm12 =	vgt.s32 v35, $0x0  }
0x749: {  	v59 =	vnsel vm12, $0x0, v35  }
0x74a: {  	v36 =	vmin.u32 v59, $0x27  }
0x74b: {  	v60 =	vshll.u32 v36, $0x9;
	v36 =	vshll.u32 v36, $0x7  }
0x74c: {  	v37 =	vand.u32 $0x7000, v60;
	v36 =	vand.u32 $0x380, v36  }
0x74d: {  	vm13 =	vlt.u32 v35, $0x28;
	v61 =	vor.u32 v37, v36  }
0x74e: {  	v35 =	vor.u32 v8, v61;
	_ =	sdelay $0x4  }
0x74f: {  	[tilespmem:v35+s12+$0x0] =	vst.idx.msk vm13, v2  }
0x750: {  	v35 =	vld [tilespmem:$0x70];
	_ =	sdelay $0x4  }
0x751: {  	v35 =	vsub.s32 v35, v34  }
0x752: {  	vm14 =	vgt.s32 v35, $0x0  }
0x753: {  	v62 =	vnsel vm14, $0x0, v35  }
0x754: {  	v36 =	vmin.u32 v62, $0x27  }
0x755: {  	v63 =	vshll.u32 v36, $0x9;
	v36 =	vshll.u32 v36, $0x7  }
0x756: {  	v37 =	vand.u32 $0x7000, v63;
	v36 =	vand.u32 $0x380, v36  }
0x757: {  	vm15 =	vlt.u32 v35, $0x28;
	v40 =	vor.u32 v37, v36  }
0x758: {  	v35 =	vor.u32 v9, v40;
	_ =	sdelay $0x4  }
0x759: {  	[tilespmem:v35+s12+$0x0] =	vst.idx.msk vm15, v2  }
0x75a: {  	v35 =	vld [tilespmem:$0x80];
	_ =	sdelay $0x4  }
0x75b: {  	v35 =	vsub.s32 v35, v34  }
0x75c: {  	vm4 =	vgt.s32 v35, $0x0  }
0x75d: {  	v41 =	vnsel vm4, $0x0, v35  }
0x75e: {  	v36 =	vmin.u32 v41, $0x27  }
0x75f: {  	v42 =	vshll.u32 v36, $0x9;
	v36 =	vshll.u32 v36, $0x7  }
0x760: {  	v37 =	vand.u32 $0x7000, v42;
	v36 =	vand.u32 $0x380, v36  }
0x761: {  	vm5 =	vlt.u32 v35, $0x28;
	v43 =	vor.u32 v36, v37  }
0x762: {  	v35 =	vor.u32 v10, v43;
	_ =	sdelay $0x4  }
0x763: {  	[tilespmem:v35+s12+$0x0] =	vst.idx.msk vm5, v2  }
0x764: {  	v35 =	vld [tilespmem:$0x90];
	_ =	sdelay $0x4  }
0x765: {  	v35 =	vsub.s32 v35, v34  }
0x766: {  	vm6 =	vgt.s32 v35, $0x0  }
0x767: {  	v44 =	vnsel vm6, $0x0, v35  }
0x768: {  	v36 =	vmin.u32 v44, $0x27  }
0x769: {  	v45 =	vshll.u32 v36, $0x9;
	v36 =	vshll.u32 v36, $0x7  }
0x76a: {  	v37 =	vand.u32 $0x7000, v45;
	v36 =	vand.u32 $0x380, v36  }
0x76b: {  	vm7 =	vlt.u32 v35, $0x28;
	v46 =	vor.u32 v36, v37  }
0x76c: {  	v35 =	vor.u32 v11, v46;
	_ =	sdelay $0x4  }
0x76d: {  	[tilespmem:v35+s12+$0x0] =	vst.idx.msk vm7, v2  }
0x76e: {  	v35 =	vld [tilespmem:$0xA0];
	_ =	sdelay $0x4  }
0x76f: {  	v35 =	vsub.s32 v35, v34  }
0x770: {  	vm8 =	vgt.s32 v35, $0x0  }
0x771: {  	v47 =	vnsel vm8, $0x0, v35  }
0x772: {  	v36 =	vmin.u32 v47, $0x27  }
0x773: {  	v48 =	vshll.u32 v36, $0x9;
	v36 =	vshll.u32 v36, $0x7  }
0x774: {  	v37 =	vand.u32 $0x7000, v48;
	v36 =	vand.u32 $0x380, v36  }
0x775: {  	vm9 =	vlt.u32 v35, $0x28;
	v49 =	vor.u32 v36, v37  }
0x776: {  	v35 =	vor.u32 v12, v49;
	_ =	sdelay $0x4  }
0x777: {  	[tilespmem:v35+s12+$0x0] =	vst.idx.msk vm9, v2  }
0x778: {  	v35 =	vld [tilespmem:$0xB0];
	_ =	sdelay $0x4  }
0x779: {  	v35 =	vsub.s32 v35, v34  }
0x77a: {  	vm10 =	vgt.s32 v35, $0x0  }
0x77b: {  	v50 =	vnsel vm10, $0x0, v35  }
0x77c: {  	v36 =	vmin.u32 v50, $0x27  }
0x77d: {  	v51 =	vshll.u32 v36, $0x9;
	v36 =	vshll.u32 v36, $0x7  }
0x77e: {  	v37 =	vand.u32 $0x7000, v51;
	v36 =	vand.u32 $0x380, v36  }
0x77f: {  	vm11 =	vlt.u32 v35, $0x28;
	v52 =	vor.u32 v36, v37  }
0x780: {  	v35 =	vor.u32 v13, v52;
	_ =	sdelay $0x4  }
0x781: {  	[tilespmem:v35+s12+$0x0] =	vst.idx.msk vm11, v2  }
0x782: {  	v35 =	vld [tilespmem:$0xC0];
	_ =	sdelay $0x4  }
0x783: {  	v35 =	vsub.s32 v35, v34  }
0x784: {  	vm12 =	vgt.s32 v35, $0x0  }
0x785: {  	v53 =	vnsel vm12, $0x0, v35  }
0x786: {  	v36 =	vmin.u32 v53, $0x27  }
0x787: {  	v54 =	vshll.u32 v36, $0x9;
	v36 =	vshll.u32 v36, $0x7  }
0x788: {  	v37 =	vand.u32 $0x7000, v54;
	v36 =	vand.u32 $0x380, v36  }
0x789: {  	vm13 =	vlt.u32 v35, $0x28;
	v55 =	vor.u32 v36, v37  }
0x78a: {  	v35 =	vor.u32 v14, v55;
	_ =	sdelay $0x4  }
0x78b: {  	[tilespmem:v35+s12+$0x0] =	vst.idx.msk vm13, v2  }
0x78c: {  	v35 =	vld [tilespmem:$0xD0];
	_ =	sdelay $0x4  }
0x78d: {  	v35 =	vsub.s32 v35, v34  }
0x78e: {  	vm14 =	vgt.s32 v35, $0x0  }
0x78f: {  	v56 =	vnsel vm14, $0x0, v35  }
0x790: {  	v36 =	vmin.u32 v56, $0x27  }
0x791: {  	v57 =	vshll.u32 v36, $0x9;
	v36 =	vshll.u32 v36, $0x7  }
0x792: {  	v37 =	vand.u32 $0x7000, v57;
	v36 =	vand.u32 $0x380, v36  }
0x793: {  	vm15 =	vlt.u32 v35, $0x28;
	v58 =	vor.u32 v36, v37  }
0x794: {  	v35 =	vor.u32 v15, v58;
	_ =	sdelay $0x4  }
0x795: {  	[tilespmem:v35+s12+$0x0] =	vst.idx.msk vm15, v2  }
0x796: {  	v35 =	vld [tilespmem:$0xE0];
	_ =	sdelay $0x4  }
0x797: {  	v35 =	vsub.s32 v35, v34  }
0x798: {  	vm4 =	vgt.s32 v35, $0x0  }
0x799: {  	v59 =	vnsel vm4, $0x0, v35  }
0x79a: {  	v36 =	vmin.u32 v59, $0x27  }
0x79b: {  	v60 =	vshll.u32 v36, $0x9;
	v36 =	vshll.u32 v36, $0x7  }
0x79c: {  	v37 =	vand.u32 $0x7000, v60;
	v36 =	vand.u32 $0x380, v36  }
0x79d: {  	vm5 =	vlt.u32 v35, $0x28;
	v61 =	vor.u32 v36, v37  }
0x79e: {  	v35 =	vor.u32 v16, v61;
	_ =	sdelay $0x4  }
0x79f: {  	[tilespmem:v35+s12+$0x0] =	vst.idx.msk vm5, v2  }
0x7a0: {  	v35 =	vld [tilespmem:$0xF0];
	_ =	sdelay $0x4  }
0x7a1: {  	v35 =	vsub.s32 v35, v34  }
0x7a2: {  	vm6 =	vgt.s32 v35, $0x0  }
0x7a3: {  	v62 =	vnsel vm6, $0x0, v35  }
0x7a4: {  	v36 =	vmin.u32 v62, $0x27  }
0x7a5: {  	v63 =	vshll.u32 v36, $0x9;
	v36 =	vshll.u32 v36, $0x7  }
0x7a6: {  	v37 =	vand.u32 $0x7000, v63;
	v36 =	vand.u32 $0x380, v36  }
0x7a7: {  	vm7 =	vlt.u32 v35, $0x28;
	v40 =	vor.u32 v36, v37  }
0x7a8: {  	v35 =	vor.u32 v17, v40;
	_ =	sdelay $0x4  }
0x7a9: {  	[tilespmem:v35+s12+$0x0] =	vst.idx.msk vm7, v2  }
0x7aa: {  	v35 =	vld [tilespmem:$0x100];
	_ =	sdelay $0x4  }
0x7ab: {  	v35 =	vsub.s32 v35, v34  }
0x7ac: {  	vm8 =	vgt.s32 v35, $0x0  }
0x7ad: {  	v41 =	vnsel vm8, $0x0, v35  }
0x7ae: {  	v36 =	vmin.u32 v41, $0x27  }
0x7af: {  	v42 =	vshll.u32 v36, $0x9;
	v36 =	vshll.u32 v36, $0x7  }
0x7b0: {  	v37 =	vand.u32 $0x7000, v42;
	v36 =	vand.u32 $0x380, v36  }
0x7b1: {  	vm9 =	vlt.u32 v35, $0x28;
	v43 =	vor.u32 v36, v37  }
0x7b2: {  	v35 =	vor.u32 v18, v43;
	_ =	sdelay $0x4  }
0x7b3: {  	[tilespmem:v35+s12+$0x0] =	vst.idx.msk vm9, v2  }
0x7b4: {  	v35 =	vld [tilespmem:$0x110];
	_ =	sdelay $0x4  }
0x7b5: {  	v35 =	vsub.s32 v35, v34  }
0x7b6: {  	vm10 =	vgt.s32 v35, $0x0  }
0x7b7: {  	v44 =	vnsel vm10, $0x0, v35  }
0x7b8: {  	v36 =	vmin.u32 v44, $0x27  }
0x7b9: {  	v45 =	vshll.u32 v36, $0x9;
	v36 =	vshll.u32 v36, $0x7  }
0x7ba: {  	v37 =	vand.u32 $0x7000, v45;
	v36 =	vand.u32 $0x380, v36  }
0x7bb: {  	vm11 =	vlt.u32 v35, $0x28;
	v46 =	vor.u32 v36, v37  }
0x7bc: {  	v35 =	vor.u32 v19, v46;
	_ =	sdelay $0x4  }
0x7bd: {  	[tilespmem:v35+s12+$0x0] =	vst.idx.msk vm11, v2  }
0x7be: {  	v35 =	vld [tilespmem:$0x120];
	_ =	sdelay $0x4  }
0x7bf: {  	v35 =	vsub.s32 v35, v34  }
0x7c0: {  	vm12 =	vgt.s32 v35, $0x0  }
0x7c1: {  	v47 =	vnsel vm12, $0x0, v35  }
0x7c2: {  	v36 =	vmin.u32 v47, $0x27  }
0x7c3: {  	v48 =	vshll.u32 v36, $0x9;
	v36 =	vshll.u32 v36, $0x7  }
0x7c4: {  	v37 =	vand.u32 $0x7000, v48;
	v36 =	vand.u32 $0x380, v36  }
0x7c5: {  	vm13 =	vlt.u32 v35, $0x28;
	v49 =	vor.u32 v36, v37  }
0x7c6: {  	v35 =	vor.u32 v20, v49;
	_ =	sdelay $0x4  }
0x7c7: {  	[tilespmem:v35+s12+$0x0] =	vst.idx.msk vm13, v2  }
0x7c8: {  	v35 =	vld [tilespmem:$0x130];
	_ =	sdelay $0x4  }
0x7c9: {  	v35 =	vsub.s32 v35, v34  }
0x7ca: {  	vm14 =	vgt.s32 v35, $0x0  }
0x7cb: {  	v50 =	vnsel vm14, $0x0, v35  }
0x7cc: {  	v36 =	vmin.u32 v50, $0x27  }
0x7cd: {  	v51 =	vshll.u32 v36, $0x9;
	v36 =	vshll.u32 v36, $0x7  }
0x7ce: {  	v37 =	vand.u32 $0x7000, v51;
	v36 =	vand.u32 $0x380, v36  }
0x7cf: {  	vm15 =	vlt.u32 v35, $0x28;
	v52 =	vor.u32 v36, v37  }
0x7d0: {  	v35 =	vor.u32 v21, v52;
	_ =	sdelay $0x4  }
0x7d1: {  	[tilespmem:v35+s12+$0x0] =	vst.idx.msk vm15, v2  }
0x7d2: {  	v35 =	vld [tilespmem:$0x140];
	_ =	sdelay $0x4  }
0x7d3: {  	v35 =	vsub.s32 v35, v34  }
0x7d4: {  	vm4 =	vgt.s32 v35, $0x0  }
0x7d5: {  	v53 =	vnsel vm4, $0x0, v35  }
0x7d6: {  	v36 =	vmin.u32 v53, $0x27  }
0x7d7: {  	v54 =	vshll.u32 v36, $0x9;
	v36 =	vshll.u32 v36, $0x7  }
0x7d8: {  	v37 =	vand.u32 $0x7000, v54;
	v36 =	vand.u32 $0x380, v36  }
0x7d9: {  	vm5 =	vlt.u32 v35, $0x28;
	v55 =	vor.u32 v36, v37  }
0x7da: {  	v35 =	vor.u32 v22, v55;
	_ =	sdelay $0x4  }
0x7db: {  	[tilespmem:v35+s12+$0x0] =	vst.idx.msk vm5, v2  }
0x7dc: {  	v35 =	vld [tilespmem:$0x150];
	_ =	sdelay $0x4  }
0x7dd: {  	v35 =	vsub.s32 v35, v34  }
0x7de: {  	vm6 =	vgt.s32 v35, $0x0  }
0x7df: {  	v56 =	vnsel vm6, $0x0, v35  }
0x7e0: {  	v36 =	vmin.u32 v56, $0x27  }
0x7e1: {  	v57 =	vshll.u32 v36, $0x9;
	v36 =	vshll.u32 v36, $0x7  }
0x7e2: {  	v37 =	vand.u32 $0x7000, v57;
	v36 =	vand.u32 $0x380, v36  }
0x7e3: {  	vm7 =	vlt.u32 v35, $0x28;
	v58 =	vor.u32 v36, v37  }
0x7e4: {  	v35 =	vor.u32 v23, v58;
	_ =	sdelay $0x4  }
0x7e5: {  	[tilespmem:v35+s12+$0x0] =	vst.idx.msk vm7, v2  }
0x7e6: {  	v35 =	vld [tilespmem:$0x160];
	_ =	sdelay $0x4  }
0x7e7: {  	v35 =	vsub.s32 v35, v34  }
0x7e8: {  	vm8 =	vgt.s32 v35, $0x0  }
0x7e9: {  	v59 =	vnsel vm8, $0x0, v35  }
0x7ea: {  	v36 =	vmin.u32 v59, $0x27  }
0x7eb: {  	v60 =	vshll.u32 v36, $0x9;
	v36 =	vshll.u32 v36, $0x7  }
0x7ec: {  	v37 =	vand.u32 $0x7000, v60;
	v36 =	vand.u32 $0x380, v36  }
0x7ed: {  	vm9 =	vlt.u32 v35, $0x28;
	v61 =	vor.u32 v36, v37  }
0x7ee: {  	v35 =	vor.u32 v24, v61;
	_ =	sdelay $0x4  }
0x7ef: {  	[tilespmem:v35+s12+$0x0] =	vst.idx.msk vm9, v2  }
0x7f0: {  	v35 =	vld [tilespmem:$0x170];
	_ =	sdelay $0x4  }
0x7f1: {  	v35 =	vsub.s32 v35, v34  }
0x7f2: {  	vm10 =	vgt.s32 v35, $0x0  }
0x7f3: {  	v62 =	vnsel vm10, $0x0, v35  }
0x7f4: {  	v36 =	vmin.u32 v62, $0x27  }
0x7f5: {  	v63 =	vshll.u32 v36, $0x9;
	v36 =	vshll.u32 v36, $0x7  }
0x7f6: {  	v37 =	vand.u32 $0x7000, v63;
	v36 =	vand.u32 $0x380, v36  }
0x7f7: {  	vm11 =	vlt.u32 v35, $0x28;
	v40 =	vor.u32 v36, v37  }
0x7f8: {  	v35 =	vor.u32 v25, v40;
	_ =	sdelay $0x4  }
0x7f9: {  	[tilespmem:v35+s12+$0x0] =	vst.idx.msk vm11, v2  }
0x7fa: {  	v35 =	vld [tilespmem:$0x180];
	_ =	sdelay $0x4  }
0x7fb: {  	v35 =	vsub.s32 v35, v34  }
0x7fc: {  	vm12 =	vgt.s32 v35, $0x0  }
0x7fd: {  	v41 =	vnsel vm12, $0x0, v35  }
0x7fe: {  	v36 =	vmin.u32 v41, $0x27  }
0x7ff: {  	v42 =	vshll.u32 v36, $0x9;
	v36 =	vshll.u32 v36, $0x7  }
0x800: {  	v37 =	vand.u32 $0x7000, v42;
	v36 =	vand.u32 $0x380, v36  }
0x801: {  	vm13 =	vlt.u32 v35, $0x28;
	v43 =	vor.u32 v36, v37  }
0x802: {  	v35 =	vor.u32 v26, v43;
	_ =	sdelay $0x4  }
0x803: {  	[tilespmem:v35+s12+$0x0] =	vst.idx.msk vm13, v2  }
0x804: {  	v35 =	vld [tilespmem:$0x190];
	_ =	sdelay $0x4  }
0x805: {  	v35 =	vsub.s32 v35, v34  }
0x806: {  	vm14 =	vgt.s32 v35, $0x0  }
0x807: {  	v44 =	vnsel vm14, $0x0, v35  }
0x808: {  	v36 =	vmin.u32 v44, $0x27  }
0x809: {  	v45 =	vshll.u32 v36, $0x9;
	v36 =	vshll.u32 v36, $0x7  }
0x80a: {  	v37 =	vand.u32 $0x7000, v45;
	v36 =	vand.u32 $0x380, v36  }
0x80b: {  	vm15 =	vlt.u32 v35, $0x28;
	v46 =	vor.u32 v36, v37  }
0x80c: {  	v35 =	vor.u32 v27, v46;
	_ =	sdelay $0x4  }
0x80d: {  	[tilespmem:v35+s12+$0x0] =	vst.idx.msk vm15, v2  }
0x80e: {  	v35 =	vld [tilespmem:$0x1A0];
	_ =	sdelay $0x4  }
0x80f: {  	v35 =	vsub.s32 v35, v34  }
0x810: {  	vm4 =	vgt.s32 v35, $0x0  }
0x811: {  	v47 =	vnsel vm4, $0x0, v35  }
0x812: {  	v36 =	vmin.u32 v47, $0x27  }
0x813: {  	v48 =	vshll.u32 v36, $0x9;
	v36 =	vshll.u32 v36, $0x7  }
0x814: {  	v37 =	vand.u32 $0x7000, v48;
	v36 =	vand.u32 $0x380, v36  }
0x815: {  	vm5 =	vlt.u32 v35, $0x28;
	v49 =	vor.u32 v36, v37  }
0x816: {  	v35 =	vor.u32 v28, v49;
	_ =	sdelay $0x4  }
0x817: {  	[tilespmem:v35+s12+$0x0] =	vst.idx.msk vm5, v2  }
0x818: {  	v35 =	vld [tilespmem:$0x1B0];
	_ =	sdelay $0x4  }
0x819: {  	v35 =	vsub.s32 v35, v34  }
0x81a: {  	vm6 =	vgt.s32 v35, $0x0  }
0x81b: {  	v50 =	vnsel vm6, $0x0, v35  }
0x81c: {  	v36 =	vmin.u32 v50, $0x27  }
0x81d: {  	v51 =	vshll.u32 v36, $0x9;
	v36 =	vshll.u32 v36, $0x7  }
0x81e: {  	v37 =	vand.u32 $0x7000, v51;
	v36 =	vand.u32 $0x380, v36  }
0x81f: {  	vm7 =	vlt.u32 v35, $0x28;
	v52 =	vor.u32 v36, v37  }
0x820: {  	v35 =	vor.u32 v29, v52;
	_ =	sdelay $0x4  }
0x821: {  	[tilespmem:v35+s12+$0x0] =	vst.idx.msk vm7, v2  }
0x822: {  	v35 =	vld [tilespmem:$0x1C0];
	_ =	sdelay $0x4  }
0x823: {  	v35 =	vsub.s32 v35, v34  }
0x824: {  	vm8 =	vgt.s32 v35, $0x0  }
0x825: {  	v53 =	vnsel vm8, $0x0, v35  }
0x826: {  	v36 =	vmin.u32 v53, $0x27  }
0x827: {  	v54 =	vshll.u32 v36, $0x9;
	v36 =	vshll.u32 v36, $0x7  }
0x828: {  	v37 =	vand.u32 $0x7000, v54;
	v36 =	vand.u32 $0x380, v36  }
0x829: {  	vm9 =	vlt.u32 v35, $0x28;
	v55 =	vor.u32 v36, v37  }
0x82a: {  	v35 =	vor.u32 v30, v55;
	_ =	sdelay $0x4  }
0x82b: {  	[tilespmem:v35+s12+$0x0] =	vst.idx.msk vm9, v2  }
0x82c: {  	v35 =	vld [tilespmem:$0x1D0];
	_ =	sdelay $0x4  }
0x82d: {  	v35 =	vsub.s32 v35, v34  }
0x82e: {  	vm10 =	vgt.s32 v35, $0x0  }
0x82f: {  	v56 =	vnsel vm10, $0x0, v35  }
0x830: {  	v36 =	vmin.u32 v56, $0x27  }
0x831: {  	v57 =	vshll.u32 v36, $0x9;
	v36 =	vshll.u32 v36, $0x7  }
0x832: {  	v37 =	vand.u32 $0x7000, v57;
	v36 =	vand.u32 $0x380, v36  }
0x833: {  	vm11 =	vlt.u32 v35, $0x28;
	v58 =	vor.u32 v36, v37  }
0x834: {  	v35 =	vor.u32 v31, v58;
	_ =	sdelay $0x4  }
0x835: {  	[tilespmem:v35+s12+$0x0] =	vst.idx.msk vm11, v2  }
0x836: {  	v35 =	vld [tilespmem:$0x1E0];
	_ =	sdelay $0x4  }
0x837: {  	v35 =	vsub.s32 v35, v34  }
0x838: {  	vm12 =	vgt.s32 v35, $0x0  }
0x839: {  	v59 =	vnsel vm12, $0x0, v35  }
0x83a: {  	v36 =	vmin.u32 v59, $0x27  }
0x83b: {  	v60 =	vshll.u32 v36, $0x9;
	v36 =	vshll.u32 v36, $0x7  }
0x83c: {  	v37 =	vand.u32 $0x7000, v60;
	v36 =	vand.u32 $0x380, v36  }
0x83d: {  	vm13 =	vlt.u32 v35, $0x28;
	v61 =	vor.u32 v36, v37  }
0x83e: {  	v35 =	vor.u32 v32, v61;
	_ =	sdelay $0x4  }
0x83f: {  	[tilespmem:v35+s12+$0x0] =	vst.idx.msk vm13, v2  }
0x840: {  	v35 =	vld [tilespmem:$0x1F0];
	_ =	sdelay $0x4  }
0x841: {  	v34 =	vsub.s32 v35, v34  }
0x842: {  	vm14 =	vgt.s32 v34, $0x0  }
0x843: {  	v35 =	vnsel vm14, $0x0, v34  }
0x844: {  	v35 =	vmin.u32 v35, $0x27  }
0x845: {  	v62 =	vshll.u32 v35, $0x9;
	v35 =	vshll.u32 v35, $0x7  }
0x846: {  	v36 =	vand.u32 $0x7000, v62;
	v35 =	vand.u32 $0x380, v35  }
0x847: {  	vm15 =	vlt.u32 v34, $0x28;
	v63 =	vor.u32 v35, v36  }
0x848: {  	v34 =	vor.u32 v33, v63;
	_ =	sdelay $0x1  }
.Ltmp4:
0x849: {  	_ = 	snop;
	(pc) =	sbr.rel .LBB2_4-.Ltmp4, $3  }
0x84a: {  	_ =	sdelay $0x1  }
0x84b: {  	s31 =	sadd.s32 $0x14000, s16;
	s16 =	sadd.s32 $0x28000, s16;
	s17 =	smov.u32 s18;
	[tilespmem:v34+s12+$0x0] =	vst.idx.msk vm15, v2  }
0x84c: {  	[hbm4b:s31+s10] =	stream.strided.scatter [tilespmem:s12], [sflag:$0x2], $0x5000, s11, s10, $0x38;
	[tilespmem:$0xA200] =	vst v63  }
.LBB2_7:
0x84d: {  	_ =	sfence.sel $0x180000  }
0x84e: {  	[bflag:$0x0] =	sbarrier.arrive $0xFFFF  }
0x84f: {  	p0 =	sne.s32 s1, $0x0;
	_ =	strace $0x90000047  }
0x850: {  	s0 =	sadd.s32 @!p0 $0x100000, s0;
	[bflag:$0x2] =	sbarrier.arrive $0xFFFF  }
0x851: {  	[sflag:s0] =	ssyncadd.tile.s32 @!p0 $0x1;
	_ =	shalt  }
.Lfunc_end2:
_tile_overlayer_lowered:
.L_overlay_start_2:
0x852: {  	(tag) =	ssettag $0x2  }
0x853: {  	s0 =	rddreg [dreg:$0x0];
	s2 =	stileid.u32  }
0x854: {  	s1 =	rddreg [dreg:$0x1];
	p0 =	sne.s32 s2, $0x0  }
0x855: {  	s3 =	rddreg [dreg:$0x2];
	[bflag:$0x3] =	sbarrier.arrive $0xFFFF;
	s2 =	simm.s32 @!p0 $0x1C03  }
0x856: {  	[timem:s3], [sflag:s2] =	dma.local @!p0 [hbm:s0], s1  }
0x857: {  	s0 =	simm.s32 @!p0 $0x3  }
0x858: {  	_ =	swait.ge @!p0 [sflag:s0], s1  }
0x859: {  	s1 =	ssub.s32 @!p0 $0x0, s1;
	[sflag:s0] =	ssyncset.done @!p0 $0x0  }
0x85a: {  	[sflag:s0] =	ssyncadd.s32 @!p0 s1  }
0x85b: {  	[bflag:$0x3] =	sbarrier.arrive $0xFFFF  }
0x85c: {  	_ =	shalt  }

</sc_bundles>
